<compile_context>
chip_gen: v7x
topology: tpu7x:2x2x1
jax: 0.10.2.dev20260603
libtpu: 0.0.44.dev20260713+nightly
codegen_flags: <defaults>
</compile_context>

<pallas_src>
import functools

import jax
import jax.numpy as jnp
from jax import lax
from jax.experimental import pallas as pl
from jax.experimental.pallas import tpu as pltpu
from jax.experimental.pallas import tpu_sc as plsc

N = 10000
E = 320000
D = 128

NC = 2
NS = 16
NW = NC * NS
K = 128
BPW = 80
NBLK = BPW * NW
EP = NBLK * K
BPW0 = 128
BPW1 = 2 * BPW - BPW0
NPAD = 10240
SLAB = NPAD // NS


def _sc_mesh():
    return plsc.VectorSubcoreMesh(core_axis_name="c", subcore_axis_name="s")


def _deg_body(coli_hbm, ones_hbm, zeros_hbm, out, cidx_v, cidx_cur, ones_v,
              acc):
    cid = lax.axis_index("c")
    sid = lax.axis_index("s")
    wid = cid * NS + sid
    pltpu.sync_copy(coli_hbm.at[pl.ds(wid * BPW, BPW)], cidx_v)
    pltpu.sync_copy(ones_hbm, ones_v)
    pltpu.sync_copy(zeros_hbm.at[pl.ds(sid * SLAB, SLAB)],
                    acc.at[pl.ds(sid * SLAB, SLAB)])
    plsc.subcore_barrier()

    def step(i, carry):
        for j in range(K // 16):
            cidx_cur[pl.ds(j * 16, 16)] = cidx_v[i, pl.ds(j * 16, 16)]
        pltpu.sync_copy(ones_v, acc.at[cidx_cur], add=True)
        return carry

    lax.fori_loop(0, BPW, step, 0)
    plsc.subcore_barrier()
    pltpu.sync_copy(acc.at[pl.ds(sid * SLAB, SLAB)],
                    out.at[cid, pl.ds(sid * SLAB, SLAB)])


def _deg_call(coli, ones128, zeros128):
    f = functools.partial(
        pl.kernel,
        out_type=jax.ShapeDtypeStruct((NC, NPAD, D), jnp.float32),
        mesh=_sc_mesh(),
        scratch_types=[
            pltpu.VMEM((BPW, K), jnp.int32),
            pltpu.VMEM((K,), jnp.int32),
            pltpu.VMEM((K, D), jnp.float32),
            pltpu.VMEM_SHARED((NPAD, D), jnp.float32),
        ],
    )(_deg_body)
    return f(coli, ones128, zeros128)


NBUF = 4
H = K // 2
CH = 16


def _agg_body(z_hbm, rowi_hbm, coli_hbm, zeros_hbm, out,
              ridx_c, cidx_c, curs, rows, acc, gsems):
    cid = lax.axis_index("c")
    sid = lax.axis_index("s")
    base = jnp.where(cid == 0, sid * BPW0, NS * BPW0 + sid * BPW1)
    nchunks = jnp.where(cid == 0, BPW0 // CH, BPW1 // CH)
    pltpu.sync_copy(zeros_hbm.at[pl.ds(sid * SLAB, SLAB)],
                    acc.at[pl.ds(sid * SLAB, SLAB)])
    plsc.subcore_barrier()

    SB = 2 * CH

    def fire(s, b):
        pltpu.async_copy(
            z_hbm.at[ridx_c.at[s // 2, pl.ds((s % 2) * H, H)]],
            rows[b], gsems[b])

    def drain(b):
        pltpu.make_async_copy(z_hbm.at[ridx_c.at[0, pl.ds(0, H)]],
                              rows[b], gsems[b]).wait()

    def stage(s, cur):
        for j in range(H // 16):
            cur[pl.ds(j * 16, 16)] = cidx_c[s // 2,
                                            pl.ds((s % 2) * H + j * 16, 16)]

    def chunk(q, carry):
        pltpu.sync_copy(rowi_hbm.at[pl.ds(base + q * CH, CH)], ridx_c)
        pltpu.sync_copy(coli_hbm.at[pl.ds(base + q * CH, CH)], cidx_c)
        for s in range(NBUF - 1):
            fire(s, s)
        for s in range(SB):
            b = s % NBUF
            if s + NBUF - 1 < SB:
                fire(s + NBUF - 1, (s + NBUF - 1) % NBUF)
            stage(s, curs[b])
            drain(b)
            pltpu.sync_copy(rows[b], acc.at[curs[b]], add=True)
        return carry

    lax.fori_loop(0, nchunks, chunk, 0)
    plsc.subcore_barrier()
    pltpu.sync_copy(acc.at[pl.ds(sid * SLAB, SLAB)],
                    out.at[cid, pl.ds(sid * SLAB, SLAB)])


def _agg_call(z, rowi, coli, zeros128):
    f = functools.partial(
        pl.kernel,
        out_type=jax.ShapeDtypeStruct((NC, NPAD, D), jnp.float32),
        mesh=_sc_mesh(),
        scratch_types=[
            pltpu.VMEM((CH, K), jnp.int32),
            pltpu.VMEM((CH, K), jnp.int32),
            [pltpu.VMEM((H,), jnp.int32) for _ in range(NBUF)],
            [pltpu.VMEM((H, D), jnp.float32) for _ in range(NBUF)],
            pltpu.VMEM_SHARED((NPAD, D), jnp.float32),
            [pltpu.SemaphoreType.DMA for _ in range(NBUF)],
        ],
    )(_agg_body)
    return f(z, rowi, coli, zeros128)


def _prep_body(xs_ref, w_ref, d0_ref, d1_ref, z_ref, s_ref):
    deg = d0_ref[0, :, 0:1] + d1_ref[0, :, 0:1] + 1.0
    dinv = lax.rsqrt(deg)
    xw = lax.dot_general(xs_ref[...], w_ref[...], (((1,), (1,)), ((), ())),
                         preferred_element_type=jnp.float32)
    z = dinv * xw
    z_ref[...] = z
    s_ref[...] = dinv * z


def _prep_call(xs, W, dp):
    RB = 1000
    return pl.pallas_call(
        _prep_body,
        grid=(N // RB,),
        in_specs=[
            pl.BlockSpec((RB, D), lambda i: (i, 0)),
            pl.BlockSpec((D, D), lambda i: (0, 0)),
            pl.BlockSpec((1, RB, D), lambda i: (0, i, 0)),
            pl.BlockSpec((1, RB, D), lambda i: (1, i, 0)),
        ],
        out_specs=[
            pl.BlockSpec((RB, D), lambda i: (i, 0)),
            pl.BlockSpec((RB, D), lambda i: (i, 0)),
        ],
        out_shape=[
            jax.ShapeDtypeStruct((N, D), jnp.float32),
            jax.ShapeDtypeStruct((N, D), jnp.float32),
        ],
    )(xs, W, dp, dp)


def _fin_body(a0_ref, a1_ref, s_ref, d0_ref, d1_ref, b_ref, g_ref, be_ref,
              y_ref):
    deg = d0_ref[0, :, 0:1] + d1_ref[0, :, 0:1] + 1.0
    dinv = lax.rsqrt(deg)
    out = (dinv * (a0_ref[0] + a1_ref[0]) + s_ref[...] + b_ref[...])
    mu = jnp.mean(out, axis=1, keepdims=True)
    dev = out - mu
    var = jnp.mean(dev * dev, axis=1, keepdims=True)
    y_ref[...] = dev * lax.rsqrt(var + 1e-5) * g_ref[...] + be_ref[...]


def _fin_call(ap, s, dp, b, g, be):
    RB = 1000
    return pl.pallas_call(
        _fin_body,
        grid=(N // RB,),
        in_specs=[
            pl.BlockSpec((1, RB, D), lambda i: (0, i, 0)),
            pl.BlockSpec((1, RB, D), lambda i: (1, i, 0)),
            pl.BlockSpec((RB, D), lambda i: (i, 0)),
            pl.BlockSpec((1, RB, D), lambda i: (0, i, 0)),
            pl.BlockSpec((1, RB, D), lambda i: (1, i, 0)),
            pl.BlockSpec((1, D), lambda i: (0, 0)),
            pl.BlockSpec((1, D), lambda i: (0, 0)),
            pl.BlockSpec((1, D), lambda i: (0, 0)),
        ],
        out_specs=pl.BlockSpec((RB, D), lambda i: (i, 0)),
        out_shape=jax.ShapeDtypeStruct((N, D), jnp.float32),
    )(ap, ap, s, dp, dp, b, g, be)


def kernel(xs, edge_index, W, b, ln_gamma, ln_beta):
    row = edge_index[0]
    col = edge_index[1]
    pad = EP - E
    row_p = jnp.concatenate([row, jnp.zeros((pad,), jnp.int32)])
    col_p = jnp.concatenate([col, jnp.full((pad,), N, jnp.int32)])
    rowi = row_p.reshape(NBLK, K)
    coli = col_p.reshape(NBLK, K)

    zeros128 = jnp.zeros((NPAD, D), jnp.float32)

    ones128 = jnp.ones((K, D), jnp.float32)
    dp = _deg_call(coli, ones128, zeros128)
    z, s = _prep_call(xs, W, dp)
    ap = _agg_call(z, rowi, coli, zeros128)
    b2 = b.reshape(1, D)
    g2 = ln_gamma.reshape(1, D)
    be2 = ln_beta.reshape(1, D)
    return _fin_call(ap, s, dp, b2, g2, be2)

# --- scband reference (transcript-rebuilt; emitter-appended) ---
"""Pipeline reference for scband-gnnconv-34153579938136 (READ-ONLY COPY).

The authoritative reference and input builder live on the scoring server;
editing this copy changes nothing except your own understanding.
"""

import jax, jax.numpy as jnp
import numpy as np

N = 10000
E = 320000
D = 128


def setup_inputs(seed: int = 0) -> dict:
    key = jax.random.key(seed)
    k1, k2, k3, k4, k5, k6 = jax.random.split(key, 6)
    xs = jax.random.normal(k1, (N, D), dtype=jnp.float32)
    edge_index = jax.random.randint(k2, (2, E), 0, N, dtype=jnp.int32)
    # GCNConv lin weight (PyG Linear: y = x @ W.T), glorot init
    limit = float(np.sqrt(6.0 / (D + D)))
    W = jax.random.uniform(k3, (D, D), dtype=jnp.float32, minval=-limit, maxval=limit)
    b = jnp.zeros((D,), dtype=jnp.float32)
    ln_gamma = jnp.ones((D,), dtype=jnp.float32)
    ln_beta = jnp.zeros((D,), dtype=jnp.float32)
    return {"xs": xs, "edge_index": edge_index, "W": W, "b": b, "ln_gamma": ln_gamma, "ln_beta": ln_beta}


def reference(xs, edge_index, W, b, ln_gamma, ln_beta):
    # GCNConv (PyG semantics): linear transform, add self loops, symmetric norm, scatter-add aggregate, bias, then LayerNorm
    row = edge_index[0]
    col = edge_index[1]
    loop = jnp.arange(N, dtype=row.dtype)
    row = jnp.concatenate([row, loop])
    col = jnp.concatenate([col, loop])
    xw = xs @ W.T
    deg = jnp.zeros((N,), dtype=jnp.float32).at[col].add(1.0)
    deg_inv_sqrt = jnp.where(deg > 0, jax.lax.rsqrt(jnp.maximum(deg, 1e-12)), 0.0)
    norm = deg_inv_sqrt[row] * deg_inv_sqrt[col]
    msgs = norm[:, None] * xw[row]
    out = jnp.zeros((N, D), dtype=jnp.float32).at[col].add(msgs)
    out = out + b
    # LayerNorm (eps=1e-5)
    mean = jnp.mean(out, axis=-1, keepdims=True)
    var = jnp.var(out, axis=-1, keepdims=True)
    y = (out - mean) / jnp.sqrt(var + 1e-5) * ln_gamma + ln_beta
    return y

if __name__ == "__main__":
    import jax
    _d = setup_inputs()
    print(jax.jit(kernel)(*tuple(_d.values())))

</pallas_src>

<mosaic_0001>
#map = affine_map<(d0, d1) -> (0, 0)>
#map1 = affine_map<(d0, d1) -> (0, 0, 0)>
module attributes {stable_mosaic.version = 14 : i64} {
  func.func @_deg_body(%arg0: i32, %arg1: i32, %arg2: memref<2560x128xi32, #tpu.memory_space<hbm>>, %arg3: memref<128x128xf32, #tpu.memory_space<hbm>>, %arg4: memref<10240x128xf32, #tpu.memory_space<hbm>>, %arg5: memref<2x10240x128xf32, #tpu.memory_space<hbm>>, %arg6: memref<80x128xi32, #tpu.memory_space<vmem>>, %arg7: memref<128xi32, #tpu.memory_space<vmem>>, %arg8: memref<128x128xf32, #tpu.memory_space<vmem>>, %arg9: memref<10240x128xf32, #tpu.memory_space<vmem_shared>>) attributes {dimension_semantics = [#tpu.dimension_semantics<core_parallel>, #tpu.dimension_semantics<subcore_parallel>], iteration_bounds = array<i64: 2, 16>, scalar_prefetch = 0 : i64, scratch_operands = 4 : i64, tpu.core_type = #tpu.core_type<sc_vector_subcore>, window_params = [{transform_indices = #map}, {transform_indices = #map}, {transform_indices = #map}, {transform_indices = #map1}]} {
    %mul3A = arith.constant 16 : i32
    %mul3A_0 = arith.muli %arg0, %mul3A : i32
    %add3A = arith.addi %mul3A_0, %arg1 : i32
    %mul3A_1 = arith.constant 80 : i32
    %mul3A_2 = arith.muli %add3A, %mul3A_1 : i32
    "tpu.region"() ({
      %run_scoped3A = tpu.sem_alloc : memref<!tpu.dma_semaphore, #tpu.memory_space<semaphore_mem>>
      %dma_start3A = arith.constant 0 : i32
      %dma_start3A_17 = tpu.memref_slice %arg2[%mul3A_2, %dma_start3A] : memref<2560x128xi32, #tpu.memory_space<hbm>> -> memref<80x128xi32, #tpu.memory_space<hbm>>
      %dma_start3A_18 = arith.constant 0 : i32
      %dma_start3A_19 = tpu.memref_slice %arg2[%mul3A_2, %dma_start3A_18] : memref<2560x128xi32, #tpu.memory_space<hbm>> -> memref<80x128xi32, #tpu.memory_space<hbm>>
      tpu.enqueue_dma source(%dma_start3A_19 : memref<80x128xi32, #tpu.memory_space<hbm>>) target(%arg6 : memref<80x128xi32, #tpu.memory_space<vmem>>) target_semaphore(%run_scoped3A : memref<!tpu.dma_semaphore, #tpu.memory_space<semaphore_mem>>)
      %dma_wait3A = arith.constant 0 : i32
      %dma_wait3A_20 = tpu.memref_slice %arg2[%mul3A_2, %dma_wait3A] : memref<2560x128xi32, #tpu.memory_space<hbm>> -> memref<80x128xi32, #tpu.memory_space<hbm>>
      %dma_wait3A_21 = arith.constant 0 : i32
      %dma_wait3A_22 = tpu.memref_slice %arg2[%mul3A_2, %dma_wait3A_21] : memref<2560x128xi32, #tpu.memory_space<hbm>> -> memref<80x128xi32, #tpu.memory_space<hbm>>
      tpu.wait_dma2 semaphore(%run_scoped3A : memref<!tpu.dma_semaphore, #tpu.memory_space<semaphore_mem>>) src(%dma_wait3A_22 : memref<80x128xi32, #tpu.memory_space<hbm>>) dst(%arg6 : memref<80x128xi32, #tpu.memory_space<vmem>>)
      tpu.yield
    }) : () -> ()
    "tpu.region"() ({
      %run_scoped3A = tpu.sem_alloc : memref<!tpu.dma_semaphore, #tpu.memory_space<semaphore_mem>>
      tpu.enqueue_dma source(%arg3 : memref<128x128xf32, #tpu.memory_space<hbm>>) target(%arg8 : memref<128x128xf32, #tpu.memory_space<vmem>>) target_semaphore(%run_scoped3A : memref<!tpu.dma_semaphore, #tpu.memory_space<semaphore_mem>>)
      tpu.wait_dma2 semaphore(%run_scoped3A : memref<!tpu.dma_semaphore, #tpu.memory_space<semaphore_mem>>) src(%arg3 : memref<128x128xf32, #tpu.memory_space<hbm>>) dst(%arg8 : memref<128x128xf32, #tpu.memory_space<vmem>>)
      tpu.yield
    }) : () -> ()
    %mul3A_3 = arith.constant 640 : i32
    %mul3A_4 = arith.muli %arg1, %mul3A_3 : i32
    %mul3A_5 = arith.constant 640 : i32
    %mul3A_6 = arith.muli %arg1, %mul3A_5 : i32
    "tpu.region"() ({
      %run_scoped3A = tpu.sem_alloc : memref<!tpu.dma_semaphore, #tpu.memory_space<semaphore_mem>>
      %dma_start3A = arith.constant 0 : i32
      %dma_start3A_17 = tpu.memref_slice %arg9[%mul3A_6, %dma_start3A] : memref<10240x128xf32, #tpu.memory_space<vmem_shared>> -> memref<640x128xf32, #tpu.memory_space<vmem_shared>>
      %dma_start3A_18 = arith.constant 0 : i32
      %dma_start3A_19 = tpu.memref_slice %arg4[%mul3A_4, %dma_start3A_18] : memref<10240x128xf32, #tpu.memory_space<hbm>> -> memref<640x128xf32, #tpu.memory_space<hbm>>
      tpu.enqueue_dma source(%dma_start3A_19 : memref<640x128xf32, #tpu.memory_space<hbm>>) target(%dma_start3A_17 : memref<640x128xf32, #tpu.memory_space<vmem_shared>>) target_semaphore(%run_scoped3A : memref<!tpu.dma_semaphore, #tpu.memory_space<semaphore_mem>>)
      %dma_wait3A = arith.constant 0 : i32
      %dma_wait3A_20 = tpu.memref_slice %arg9[%mul3A_6, %dma_wait3A] : memref<10240x128xf32, #tpu.memory_space<vmem_shared>> -> memref<640x128xf32, #tpu.memory_space<vmem_shared>>
      %dma_wait3A_21 = arith.constant 0 : i32
      %dma_wait3A_22 = tpu.memref_slice %arg4[%mul3A_4, %dma_wait3A_21] : memref<10240x128xf32, #tpu.memory_space<hbm>> -> memref<640x128xf32, #tpu.memory_space<hbm>>
      tpu.wait_dma2 semaphore(%run_scoped3A : memref<!tpu.dma_semaphore, #tpu.memory_space<semaphore_mem>>) src(%dma_wait3A_22 : memref<640x128xf32, #tpu.memory_space<hbm>>) dst(%dma_wait3A_20 : memref<640x128xf32, #tpu.memory_space<vmem_shared>>)
      tpu.yield
    }) : () -> ()
    %barrier3A = arith.constant 0 : index
    tpu.barrier barrier_id(%barrier3A)
    %scan3A = arith.constant 0 : i32
    %scan3A_7 = arith.constant 0 : i32
    %scan3A_8 = arith.constant 80 : i32
    %scan3A_9 = arith.addi %scan3A_7, %scan3A_8 : i32
    %scan3A_10 = arith.constant 1 : i32
    scf.for %scan3A_17 = %scan3A_7 to %scan3A_9 step %scan3A_10  : i32 {
      %get3A = arith.index_cast %scan3A_17 : i32 to index
      %get3A_18 = arith.constant 0 : index
      %get3A_19 = tpu.vector_load %arg6[%get3A, %get3A_18] {strides = array<i32>} : memref<80x128xi32, #tpu.memory_space<vmem>>, vector<1x16xi32>,
      %get3A_20 = vector.shape_cast %get3A_19 : vector<1x16xi32> to vector<16xi32>
      %swap3A = arith.constant 0 : index
      %swap3A_21 = tpu.vector_load %arg7[%swap3A] {strides = array<i32>} : memref<128xi32, #tpu.memory_space<vmem>>, vector<16xi32>,
      %swap3A_22 = vector.shape_cast %swap3A_21 : vector<16xi32> to vector<16xi32>
      %swap3A_23 = vector.shape_cast %get3A_20 : vector<16xi32> to vector<16xi32>
      tpu.vector_store %arg7[%swap3A], %swap3A_23 {strides = array<i32>} : memref<128xi32, #tpu.memory_space<vmem>>, vector<16xi32>,
      %get3A_24 = arith.index_cast %scan3A_17 : i32 to index
      %get3A_25 = arith.constant 16 : index
      %get3A_26 = tpu.vector_load %arg6[%get3A_24, %get3A_25] {strides = array<i32>} : memref<80x128xi32, #tpu.memory_space<vmem>>, vector<1x16xi32>,
      %get3A_27 = vector.shape_cast %get3A_26 : vector<1x16xi32> to vector<16xi32>
      %swap3A_28 = arith.constant 16 : index
      %swap3A_29 = tpu.vector_load %arg7[%swap3A_28] {strides = array<i32>} : memref<128xi32, #tpu.memory_space<vmem>>, vector<16xi32>,
      %swap3A_30 = vector.shape_cast %swap3A_29 : vector<16xi32> to vector<16xi32>
      %swap3A_31 = vector.shape_cast %get3A_27 : vector<16xi32> to vector<16xi32>
      tpu.vector_store %arg7[%swap3A_28], %swap3A_31 {strides = array<i32>} : memref<128xi32, #tpu.memory_space<vmem>>, vector<16xi32>,
      %get3A_32 = arith.index_cast %scan3A_17 : i32 to index
      %get3A_33 = arith.constant 32 : index
      %get3A_34 = tpu.vector_load %arg6[%get3A_32, %get3A_33] {strides = array<i32>} : memref<80x128xi32, #tpu.memory_space<vmem>>, vector<1x16xi32>,
      %get3A_35 = vector.shape_cast %get3A_34 : vector<1x16xi32> to vector<16xi32>
      %swap3A_36 = arith.constant 32 : index
      %swap3A_37 = tpu.vector_load %arg7[%swap3A_36] {strides = array<i32>} : memref<128xi32, #tpu.memory_space<vmem>>, vector<16xi32>,
      %swap3A_38 = vector.shape_cast %swap3A_37 : vector<16xi32> to vector<16xi32>
      %swap3A_39 = vector.shape_cast %get3A_35 : vector<16xi32> to vector<16xi32>
      tpu.vector_store %arg7[%swap3A_36], %swap3A_39 {strides = array<i32>} : memref<128xi32, #tpu.memory_space<vmem>>, vector<16xi32>,
      %get3A_40 = arith.index_cast %scan3A_17 : i32 to index
      %get3A_41 = arith.constant 48 : index
      %get3A_42 = tpu.vector_load %arg6[%get3A_40, %get3A_41] {strides = array<i32>} : memref<80x128xi32, #tpu.memory_space<vmem>>, vector<1x16xi32>,
      %get3A_43 = vector.shape_cast %get3A_42 : vector<1x16xi32> to vector<16xi32>
      %swap3A_44 = arith.constant 48 : index
      %swap3A_45 = tpu.vector_load %arg7[%swap3A_44] {strides = array<i32>} : memref<128xi32, #tpu.memory_space<vmem>>, vector<16xi32>,
      %swap3A_46 = vector.shape_cast %swap3A_45 : vector<16xi32> to vector<16xi32>
      %swap3A_47 = vector.shape_cast %get3A_43 : vector<16xi32> to vector<16xi32>
      tpu.vector_store %arg7[%swap3A_44], %swap3A_47 {strides = array<i32>} : memref<128xi32, #tpu.memory_space<vmem>>, vector<16xi32>,
      %get3A_48 = arith.index_cast %scan3A_17 : i32 to index
      %get3A_49 = arith.constant 64 : index
      %get3A_50 = tpu.vector_load %arg6[%get3A_48, %get3A_49] {strides = array<i32>} : memref<80x128xi32, #tpu.memory_space<vmem>>, vector<1x16xi32>,
      %get3A_51 = vector.shape_cast %get3A_50 : vector<1x16xi32> to vector<16xi32>
      %swap3A_52 = arith.constant 64 : index
      %swap3A_53 = tpu.vector_load %arg7[%swap3A_52] {strides = array<i32>} : memref<128xi32, #tpu.memory_space<vmem>>, vector<16xi32>,
      %swap3A_54 = vector.shape_cast %swap3A_53 : vector<16xi32> to vector<16xi32>
      %swap3A_55 = vector.shape_cast %get3A_51 : vector<16xi32> to vector<16xi32>
      tpu.vector_store %arg7[%swap3A_52], %swap3A_55 {strides = array<i32>} : memref<128xi32, #tpu.memory_space<vmem>>, vector<16xi32>,
      %get3A_56 = arith.index_cast %scan3A_17 : i32 to index
      %get3A_57 = arith.constant 80 : index
      %get3A_58 = tpu.vector_load %arg6[%get3A_56, %get3A_57] {strides = array<i32>} : memref<80x128xi32, #tpu.memory_space<vmem>>, vector<1x16xi32>,
      %get3A_59 = vector.shape_cast %get3A_58 : vector<1x16xi32> to vector<16xi32>
      %swap3A_60 = arith.constant 80 : index
      %swap3A_61 = tpu.vector_load %arg7[%swap3A_60] {strides = array<i32>} : memref<128xi32, #tpu.memory_space<vmem>>, vector<16xi32>,
      %swap3A_62 = vector.shape_cast %swap3A_61 : vector<16xi32> to vector<16xi32>
      %swap3A_63 = vector.shape_cast %get3A_59 : vector<16xi32> to vector<16xi32>
      tpu.vector_store %arg7[%swap3A_60], %swap3A_63 {strides = array<i32>} : memref<128xi32, #tpu.memory_space<vmem>>, vector<16xi32>,
      %get3A_64 = arith.index_cast %scan3A_17 : i32 to index
      %get3A_65 = arith.constant 96 : index
      %get3A_66 = tpu.vector_load %arg6[%get3A_64, %get3A_65] {strides = array<i32>} : memref<80x128xi32, #tpu.memory_space<vmem>>, vector<1x16xi32>,
      %get3A_67 = vector.shape_cast %get3A_66 : vector<1x16xi32> to vector<16xi32>
      %swap3A_68 = arith.constant 96 : index
      %swap3A_69 = tpu.vector_load %arg7[%swap3A_68] {strides = array<i32>} : memref<128xi32, #tpu.memory_space<vmem>>, vector<16xi32>,
      %swap3A_70 = vector.shape_cast %swap3A_69 : vector<16xi32> to vector<16xi32>
      %swap3A_71 = vector.shape_cast %get3A_67 : vector<16xi32> to vector<16xi32>
      tpu.vector_store %arg7[%swap3A_68], %swap3A_71 {strides = array<i32>} : memref<128xi32, #tpu.memory_space<vmem>>, vector<16xi32>,
      %get3A_72 = arith.index_cast %scan3A_17 : i32 to index
      %get3A_73 = arith.constant 112 : index
      %get3A_74 = tpu.vector_load %arg6[%get3A_72, %get3A_73] {strides = array<i32>} : memref<80x128xi32, #tpu.memory_space<vmem>>, vector<1x16xi32>,
      %get3A_75 = vector.shape_cast %get3A_74 : vector<1x16xi32> to vector<16xi32>
      %swap3A_76 = arith.constant 112 : index
      %swap3A_77 = tpu.vector_load %arg7[%swap3A_76] {strides = array<i32>} : memref<128xi32, #tpu.memory_space<vmem>>, vector<16xi32>,
      %swap3A_78 = vector.shape_cast %swap3A_77 : vector<16xi32> to vector<16xi32>
      %swap3A_79 = vector.shape_cast %get3A_75 : vector<16xi32> to vector<16xi32>
      tpu.vector_store %arg7[%swap3A_76], %swap3A_79 {strides = array<i32>} : memref<128xi32, #tpu.memory_space<vmem>>, vector<16xi32>,
      "tpu.region"() ({
        %run_scoped3A = tpu.sem_alloc : memref<!tpu.dma_semaphore, #tpu.memory_space<semaphore_mem>>
        %dma_start3A = arith.constant 0 : i32
        %dma_start3A_80 = arith.constant 0 : i32
        %dma_start3A_81 = tpu.memref_slice %arg9[%dma_start3A, %dma_start3A_80] : memref<10240x128xf32, #tpu.memory_space<vmem_shared>> -> memref<10240x128xf32, #tpu.memory_space<vmem_shared>>
        tpu.enqueue_indirect_dma source(%arg8 : memref<128x128xf32, #tpu.memory_space<vmem>>) target(%dma_start3A_81 : memref<10240x128xf32, #tpu.memory_space<vmem_shared>>) offsets(%arg7 : memref<128xi32, #tpu.memory_space<vmem>>) semaphore(%run_scoped3A : memref<!tpu.dma_semaphore, #tpu.memory_space<semaphore_mem>>) {add = true}
        %dma_wait3A = arith.constant 0 : i32
        %dma_wait3A_82 = arith.constant 0 : i32
        %dma_wait3A_83 = tpu.memref_slice %arg9[%dma_wait3A, %dma_wait3A_82] : memref<10240x128xf32, #tpu.memory_space<vmem_shared>> -> memref<10240x128xf32, #tpu.memory_space<vmem_shared>>
        tpu.wait_indirect_dma semaphore(%run_scoped3A : memref<!tpu.dma_semaphore, #tpu.memory_space<semaphore_mem>>) src(%arg8 : memref<128x128xf32, #tpu.memory_space<vmem>>) dst(%dma_wait3A_83 : memref<10240x128xf32, #tpu.memory_space<vmem_shared>>)
        tpu.yield
      }) : () -> ()
    }
    %scan3A_11 = arith.constant 80 : i32
    %barrier3A_12 = arith.constant 0 : index
    tpu.barrier barrier_id(%barrier3A_12)
    %mul3A_13 = arith.constant 640 : i32
    %mul3A_14 = arith.muli %arg1, %mul3A_13 : i32
    %mul3A_15 = arith.constant 640 : i32
    %mul3A_16 = arith.muli %arg1, %mul3A_15 : i32
    "tpu.region"() ({
      %run_scoped3A = tpu.sem_alloc : memref<!tpu.dma_semaphore, #tpu.memory_space<semaphore_mem>>
      %dma_start3A = arith.constant 0 : i32
      %dma_start3A_17 = tpu.memref_slice %arg5[%arg0, %mul3A_16, %dma_start3A] : memref<2x10240x128xf32, #tpu.memory_space<hbm>> -> memref<1x640x128xf32, #tpu.memory_space<hbm>>
      %dma_start3A_18 = tpu.memref_squeeze %dma_start3A_17 : memref<1x640x128xf32, #tpu.memory_space<hbm>> -> memref<640x128xf32, #tpu.memory_space<hbm>>
      %dma_start3A_19 = arith.constant 0 : i32
      %dma_start3A_20 = tpu.memref_slice %arg9[%mul3A_14, %dma_start3A_19] : memref<10240x128xf32, #tpu.memory_space<vmem_shared>> -> memref<640x128xf32, #tpu.memory_space<vmem_shared>>
      tpu.enqueue_dma source(%dma_start3A_20 : memref<640x128xf32, #tpu.memory_space<vmem_shared>>) target(%dma_start3A_18 : memref<640x128xf32, #tpu.memory_space<hbm>>) target_semaphore(%run_scoped3A : memref<!tpu.dma_semaphore, #tpu.memory_space<semaphore_mem>>)
      %dma_wait3A = arith.constant 0 : i32
      %dma_wait3A_21 = tpu.memref_slice %arg5[%arg0, %mul3A_16, %dma_wait3A] : memref<2x10240x128xf32, #tpu.memory_space<hbm>> -> memref<1x640x128xf32, #tpu.memory_space<hbm>>
      %dma_wait3A_22 = tpu.memref_squeeze %dma_wait3A_21 : memref<1x640x128xf32, #tpu.memory_space<hbm>> -> memref<640x128xf32, #tpu.memory_space<hbm>>
      %dma_wait3A_23 = arith.constant 0 : i32
      %dma_wait3A_24 = tpu.memref_slice %arg9[%mul3A_14, %dma_wait3A_23] : memref<10240x128xf32, #tpu.memory_space<vmem_shared>> -> memref<640x128xf32, #tpu.memory_space<vmem_shared>>
      tpu.wait_dma2 semaphore(%run_scoped3A : memref<!tpu.dma_semaphore, #tpu.memory_space<semaphore_mem>>) src(%dma_wait3A_24 : memref<640x128xf32, #tpu.memory_space<vmem_shared>>) dst(%dma_wait3A_22 : memref<640x128xf32, #tpu.memory_space<hbm>>)
      tpu.yield
    }) : () -> ()
    return
  }
}

#map = affine_map<(d0, d1) -> (0, 0)>
#map1 = affine_map<(d0, d1) -> (0, 0, 0)>
module attributes {stable_mosaic.version = 14 : i64} {
  func.func @_agg_body(%arg0: i32, %arg1: i32, %arg2: memref<10000x128xf32, #tpu.memory_space<hbm>>, %arg3: memref<2560x128xi32, #tpu.memory_space<hbm>>, %arg4: memref<2560x128xi32, #tpu.memory_space<hbm>>, %arg5: memref<10240x128xf32, #tpu.memory_space<hbm>>, %arg6: memref<2x10240x128xf32, #tpu.memory_space<hbm>>, %arg7: memref<16x128xi32, #tpu.memory_space<vmem>>, %arg8: memref<16x128xi32, #tpu.memory_space<vmem>>, %arg9: memref<64xi32, #tpu.memory_space<vmem>>, %arg10: memref<64xi32, #tpu.memory_space<vmem>>, %arg11: memref<64xi32, #tpu.memory_space<vmem>>, %arg12: memref<64xi32, #tpu.memory_space<vmem>>, %arg13: memref<64x128xf32, #tpu.memory_space<vmem>>, %arg14: memref<64x128xf32, #tpu.memory_space<vmem>>, %arg15: memref<64x128xf32, #tpu.memory_space<vmem>>, %arg16: memref<64x128xf32, #tpu.memory_space<vmem>>, %arg17: memref<10240x128xf32, #tpu.memory_space<vmem_shared>>, %arg18: memref<!tpu.dma_semaphore, #tpu.memory_space<semaphore_mem>>, %arg19: memref<!tpu.dma_semaphore, #tpu.memory_space<semaphore_mem>>, %arg20: memref<!tpu.dma_semaphore, #tpu.memory_space<semaphore_mem>>, %arg21: memref<!tpu.dma_semaphore, #tpu.memory_space<semaphore_mem>>) attributes {dimension_semantics = [#tpu.dimension_semantics<core_parallel>, #tpu.dimension_semantics<subcore_parallel>], iteration_bounds = array<i64: 2, 16>, scalar_prefetch = 0 : i64, scratch_operands = 15 : i64, tpu.core_type = #tpu.core_type<sc_vector_subcore>, window_params = [{transform_indices = #map}, {transform_indices = #map}, {transform_indices = #map}, {transform_indices = #map}, {transform_indices = #map1}]} {
    %eq3A = arith.constant 0 : i32
    %eq3A_0 = arith.cmpi eq, %arg0, %eq3A : i32
    %mul3A = arith.constant 128 : i32
    %mul3A_1 = arith.muli %arg1, %mul3A : i32
    %mul3A_2 = arith.constant 32 : i32
    %mul3A_3 = arith.muli %arg1, %mul3A_2 : i32
    %add3A = arith.constant 2048 : i32
    %add3A_4 = arith.addi %add3A, %mul3A_3 : i32
    %select_n3A = arith.select %eq3A_0, %mul3A_1, %add3A_4 : i32
    %eq3A_5 = arith.constant 0 : i32
    %eq3A_6 = arith.cmpi eq, %arg0, %eq3A_5 : i32
    %jit3A = arith.constant 8 : i32
    %jit3A_7 = arith.constant 2 : i32
    %select_n3A_8 = arith.select %eq3A_6, %jit3A, %jit3A_7 : i32
    %mul3A_9 = arith.constant 640 : i32
    %mul3A_10 = arith.muli %arg1, %mul3A_9 : i32
    %mul3A_11 = arith.constant 640 : i32
    %mul3A_12 = arith.muli %arg1, %mul3A_11 : i32
    "tpu.region"() ({
      %run_scoped3A = tpu.sem_alloc : memref<!tpu.dma_semaphore, #tpu.memory_space<semaphore_mem>>
      %dma_start3A = arith.constant 0 : i32
      %dma_start3A_27 = tpu.memref_slice %arg17[%mul3A_12, %dma_start3A] : memref<10240x128xf32, #tpu.memory_space<vmem_shared>> -> memref<640x128xf32, #tpu.memory_space<vmem_shared>>
      %dma_start3A_28 = arith.constant 0 : i32
      %dma_start3A_29 = tpu.memref_slice %arg5[%mul3A_10, %dma_start3A_28] : memref<10240x128xf32, #tpu.memory_space<hbm>> -> memref<640x128xf32, #tpu.memory_space<hbm>>
      tpu.enqueue_dma source(%dma_start3A_29 : memref<640x128xf32, #tpu.memory_space<hbm>>) target(%dma_start3A_27 : memref<640x128xf32, #tpu.memory_space<vmem_shared>>) target_semaphore(%run_scoped3A : memref<!tpu.dma_semaphore, #tpu.memory_space<semaphore_mem>>)
      %dma_wait3A = arith.constant 0 : i32
      %dma_wait3A_30 = tpu.memref_slice %arg17[%mul3A_12, %dma_wait3A] : memref<10240x128xf32, #tpu.memory_space<vmem_shared>> -> memref<640x128xf32, #tpu.memory_space<vmem_shared>>
      %dma_wait3A_31 = arith.constant 0 : i32
      %dma_wait3A_32 = tpu.memref_slice %arg5[%mul3A_10, %dma_wait3A_31] : memref<10240x128xf32, #tpu.memory_space<hbm>> -> memref<640x128xf32, #tpu.memory_space<hbm>>
      tpu.wait_dma2 semaphore(%run_scoped3A : memref<!tpu.dma_semaphore, #tpu.memory_space<semaphore_mem>>) src(%dma_wait3A_32 : memref<640x128xf32, #tpu.memory_space<hbm>>) dst(%dma_wait3A_30 : memref<640x128xf32, #tpu.memory_space<vmem_shared>>)
      tpu.yield
    }) : () -> ()
    %barrier3A = arith.constant 0 : index
    tpu.barrier barrier_id(%barrier3A)
    %while3A = arith.constant 0 : i32
    %while3A_13 = arith.constant 0 : i32
    %while3A_14 = arith.subi %select_n3A_8, %while3A_13 : i32
    %while3A_15 = arith.addi %while3A_13, %while3A_14 : i32
    %while3A_16 = arith.constant 1 : i32
    %while3A_17 = arith.divsi %while3A_14, %while3A_16 : i32
    %while3A_18 = arith.muli %while3A_17, %while3A_16 : i32
    %while3A_19 = arith.addi %while3A_13, %while3A_18 : i32
    %while3A_20 = arith.constant 1 : i32
    scf.for %while3A_27 = %while3A_13 to %while3A_19 step %while3A_20  : i32 {
      %mul3A_28 = arith.constant 16 : i32
      %mul3A_29 = arith.muli %while3A_27, %mul3A_28 : i32
      %add3A_30 = arith.addi %select_n3A, %mul3A_29 : i32
      "tpu.region"() ({
        %run_scoped3A = tpu.sem_alloc : memref<!tpu.dma_semaphore, #tpu.memory_space<semaphore_mem>>
        %dma_start3A_1630 = arith.constant 0 : i32
        %dma_start3A_1631 = tpu.memref_slice %arg3[%add3A_30, %dma_start3A_1630] : memref<2560x128xi32, #tpu.memory_space<hbm>> -> memref<16x128xi32, #tpu.memory_space<hbm>>
        %dma_start3A_1632 = arith.constant 0 : i32
        %dma_start3A_1633 = tpu.memref_slice %arg3[%add3A_30, %dma_start3A_1632] : memref<2560x128xi32, #tpu.memory_space<hbm>> -> memref<16x128xi32, #tpu.memory_space<hbm>>
        tpu.enqueue_dma source(%dma_start3A_1633 : memref<16x128xi32, #tpu.memory_space<hbm>>) target(%arg7 : memref<16x128xi32, #tpu.memory_space<vmem>>) target_semaphore(%run_scoped3A : memref<!tpu.dma_semaphore, #tpu.memory_space<semaphore_mem>>)
        %dma_wait3A_1634 = arith.constant 0 : i32
        %dma_wait3A_1635 = tpu.memref_slice %arg3[%add3A_30, %dma_wait3A_1634] : memref<2560x128xi32, #tpu.memory_space<hbm>> -> memref<16x128xi32, #tpu.memory_space<hbm>>
        %dma_wait3A_1636 = arith.constant 0 : i32
        %dma_wait3A_1637 = tpu.memref_slice %arg3[%add3A_30, %dma_wait3A_1636] : memref<2560x128xi32, #tpu.memory_space<hbm>> -> memref<16x128xi32, #tpu.memory_space<hbm>>
        tpu.wait_dma2 semaphore(%run_scoped3A : memref<!tpu.dma_semaphore, #tpu.memory_space<semaphore_mem>>) src(%dma_wait3A_1637 : memref<16x128xi32, #tpu.memory_space<hbm>>) dst(%arg7 : memref<16x128xi32, #tpu.memory_space<vmem>>)
        tpu.yield
      }) : () -> ()
      %mul3A_31 = arith.constant 16 : i32
      %mul3A_32 = arith.muli %while3A_27, %mul3A_31 : i32
      %add3A_33 = arith.addi %select_n3A, %mul3A_32 : i32
      "tpu.region"() ({
        %run_scoped3A = tpu.sem_alloc : memref<!tpu.dma_semaphore, #tpu.memory_space<semaphore_mem>>
        %dma_start3A_1630 = arith.constant 0 : i32
        %dma_start3A_1631 = tpu.memref_slice %arg4[%add3A_33, %dma_start3A_1630] : memref<2560x128xi32, #tpu.memory_space<hbm>> -> memref<16x128xi32, #tpu.memory_space<hbm>>
        %dma_start3A_1632 = arith.constant 0 : i32
        %dma_start3A_1633 = tpu.memref_slice %arg4[%add3A_33, %dma_start3A_1632] : memref<2560x128xi32, #tpu.memory_space<hbm>> -> memref<16x128xi32, #tpu.memory_space<hbm>>
        tpu.enqueue_dma source(%dma_start3A_1633 : memref<16x128xi32, #tpu.memory_space<hbm>>) target(%arg8 : memref<16x128xi32, #tpu.memory_space<vmem>>) target_semaphore(%run_scoped3A : memref<!tpu.dma_semaphore, #tpu.memory_space<semaphore_mem>>)
        %dma_wait3A_1634 = arith.constant 0 : i32
        %dma_wait3A_1635 = tpu.memref_slice %arg4[%add3A_33, %dma_wait3A_1634] : memref<2560x128xi32, #tpu.memory_space<hbm>> -> memref<16x128xi32, #tpu.memory_space<hbm>>
        %dma_wait3A_1636 = arith.constant 0 : i32
        %dma_wait3A_1637 = tpu.memref_slice %arg4[%add3A_33, %dma_wait3A_1636] : memref<2560x128xi32, #tpu.memory_space<hbm>> -> memref<16x128xi32, #tpu.memory_space<hbm>>
        tpu.wait_dma2 semaphore(%run_scoped3A : memref<!tpu.dma_semaphore, #tpu.memory_space<semaphore_mem>>) src(%dma_wait3A_1637 : memref<16x128xi32, #tpu.memory_space<hbm>>) dst(%arg8 : memref<16x128xi32, #tpu.memory_space<vmem>>)
        tpu.yield
      }) : () -> ()
      %dma_start3A = arith.constant 0 : i32
      %dma_start3A_34 = arith.constant 0 : i32
      %dma_start3A_35 = tpu.memref_slice %arg7[%dma_start3A, %dma_start3A_34] : memref<16x128xi32, #tpu.memory_space<vmem>> -> memref<1x64xi32, #tpu.memory_space<vmem>>
      %dma_start3A_36 = tpu.memref_squeeze %dma_start3A_35 : memref<1x64xi32, #tpu.memory_space<vmem>> -> memref<64xi32, #tpu.memory_space<vmem>>
      %dma_start3A_37 = arith.constant 0 : i32
      %dma_start3A_38 = arith.constant 0 : i32
      %dma_start3A_39 = tpu.memref_slice %arg2[%dma_start3A_37, %dma_start3A_38] : memref<10000x128xf32, #tpu.memory_space<hbm>> -> memref<10000x128xf32, #tpu.memory_space<hbm>>
      tpu.enqueue_indirect_dma source(%dma_start3A_39 : memref<10000x128xf32, #tpu.memory_space<hbm>>) target(%arg13 : memref<64x128xf32, #tpu.memory_space<vmem>>) offsets(%dma_start3A_36 : memref<64xi32, #tpu.memory_space<vmem>>) semaphore(%arg18 : memref<!tpu.dma_semaphore, #tpu.memory_space<semaphore_mem>>)
      %dma_start3A_40 = arith.constant 0 : i32
      %dma_start3A_41 = arith.constant 64 : i32
      %dma_start3A_42 = tpu.memref_slice %arg7[%dma_start3A_40, %dma_start3A_41] : memref<16x128xi32, #tpu.memory_space<vmem>> -> memref<1x64xi32, #tpu.memory_space<vmem>>
      %dma_start3A_43 = tpu.memref_squeeze %dma_start3A_42 : memref<1x64xi32, #tpu.memory_space<vmem>> -> memref<64xi32, #tpu.memory_space<vmem>>
      %dma_start3A_44 = arith.constant 0 : i32
      %dma_start3A_45 = arith.constant 0 : i32
      %dma_start3A_46 = tpu.memref_slice %arg2[%dma_start3A_44, %dma_start3A_45] : memref<10000x128xf32, #tpu.memory_space<hbm>> -> memref<10000x128xf32, #tpu.memory_space<hbm>>
      tpu.enqueue_indirect_dma source(%dma_start3A_46 : memref<10000x128xf32, #tpu.memory_space<hbm>>) target(%arg14 : memref<64x128xf32, #tpu.memory_space<vmem>>) offsets(%dma_start3A_43 : memref<64xi32, #tpu.memory_space<vmem>>) semaphore(%arg19 : memref<!tpu.dma_semaphore, #tpu.memory_space<semaphore_mem>>)
      %dma_start3A_47 = arith.constant 1 : i32
      %dma_start3A_48 = arith.constant 0 : i32
      %dma_start3A_49 = tpu.memref_slice %arg7[%dma_start3A_47, %dma_start3A_48] : memref<16x128xi32, #tpu.memory_space<vmem>> -> memref<1x64xi32, #tpu.memory_space<vmem>>
      %dma_start3A_50 = tpu.memref_squeeze %dma_start3A_49 : memref<1x64xi32, #tpu.memory_space<vmem>> -> memref<64xi32, #tpu.memory_space<vmem>>
      %dma_start3A_51 = arith.constant 0 : i32
      %dma_start3A_52 = arith.constant 0 : i32
      %dma_start3A_53 = tpu.memref_slice %arg2[%dma_start3A_51, %dma_start3A_52] : memref<10000x128xf32, #tpu.memory_space<hbm>> -> memref<10000x128xf32, #tpu.memory_space<hbm>>
      tpu.enqueue_indirect_dma source(%dma_start3A_53 : memref<10000x128xf32, #tpu.memory_space<hbm>>) target(%arg15 : memref<64x128xf32, #tpu.memory_space<vmem>>) offsets(%dma_start3A_50 : memref<64xi32, #tpu.memory_space<vmem>>) semaphore(%arg20 : memref<!tpu.dma_semaphore, #tpu.memory_space<semaphore_mem>>)
      %dma_start3A_54 = arith.constant 1 : i32
      %dma_start3A_55 = arith.constant 64 : i32
      %dma_start3A_56 = tpu.memref_slice %arg7[%dma_start3A_54, %dma_start3A_55] : memref<16x128xi32, #tpu.memory_space<vmem>> -> memref<1x64xi32, #tpu.memory_space<vmem>>
      %dma_start3A_57 = tpu.memref_squeeze %dma_start3A_56 : memref<1x64xi32, #tpu.memory_space<vmem>> -> memref<64xi32, #tpu.memory_space<vmem>>
      %dma_start3A_58 = arith.constant 0 : i32
      %dma_start3A_59 = arith.constant 0 : i32
      %dma_start3A_60 = tpu.memref_slice %arg2[%dma_start3A_58, %dma_start3A_59] : memref<10000x128xf32, #tpu.memory_space<hbm>> -> memref<10000x128xf32, #tpu.memory_space<hbm>>
      tpu.enqueue_indirect_dma source(%dma_start3A_60 : memref<10000x128xf32, #tpu.memory_space<hbm>>) target(%arg16 : memref<64x128xf32, #tpu.memory_space<vmem>>) offsets(%dma_start3A_57 : memref<64xi32, #tpu.memory_space<vmem>>) semaphore(%arg21 : memref<!tpu.dma_semaphore, #tpu.memory_space<semaphore_mem>>)
      %get3A = arith.constant 0 : i32
      %get3A_61 = arith.index_cast %get3A : i32 to index
      %get3A_62 = arith.constant 0 : index
      %get3A_63 = tpu.vector_load %arg8[%get3A_61, %get3A_62] {strides = array<i32>} : memref<16x128xi32, #tpu.memory_space<vmem>>, vector<1x16xi32>,
      %get3A_64 = vector.shape_cast %get3A_63 : vector<1x16xi32> to vector<16xi32>
      %swap3A = arith.constant 0 : index
      %swap3A_65 = tpu.vector_load %arg9[%swap3A] {strides = array<i32>} : memref<64xi32, #tpu.memory_space<vmem>>, vector<16xi32>,
      %swap3A_66 = vector.shape_cast %swap3A_65 : vector<16xi32> to vector<16xi32>
      %swap3A_67 = vector.shape_cast %get3A_64 : vector<16xi32> to vector<16xi32>
      tpu.vector_store %arg9[%swap3A], %swap3A_67 {strides = array<i32>} : memref<64xi32, #tpu.memory_space<vmem>>, vector<16xi32>,
      %get3A_68 = arith.constant 0 : i32
      %get3A_69 = arith.index_cast %get3A_68 : i32 to index
      %get3A_70 = arith.constant 16 : index
      %get3A_71 = tpu.vector_load %arg8[%get3A_69, %get3A_70] {strides = array<i32>} : memref<16x128xi32, #tpu.memory_space<vmem>>, vector<1x16xi32>,
      %get3A_72 = vector.shape_cast %get3A_71 : vector<1x16xi32> to vector<16xi32>
      %swap3A_73 = arith.constant 16 : index
      %swap3A_74 = tpu.vector_load %arg9[%swap3A_73] {strides = array<i32>} : memref<64xi32, #tpu.memory_space<vmem>>, vector<16xi32>,
      %swap3A_75 = vector.shape_cast %swap3A_74 : vector<16xi32> to vector<16xi32>
      %swap3A_76 = vector.shape_cast %get3A_72 : vector<16xi32> to vector<16xi32>
      tpu.vector_store %arg9[%swap3A_73], %swap3A_76 {strides = array<i32>} : memref<64xi32, #tpu.memory_space<vmem>>, vector<16xi32>,
      %get3A_77 = arith.constant 0 : i32
      %get3A_78 = arith.index_cast %get3A_77 : i32 to index
      %get3A_79 = arith.constant 32 : index
      %get3A_80 = tpu.vector_load %arg8[%get3A_78, %get3A_79] {strides = array<i32>} : memref<16x128xi32, #tpu.memory_space<vmem>>, vector<1x16xi32>,
      %get3A_81 = vector.shape_cast %get3A_80 : vector<1x16xi32> to vector<16xi32>
      %swap3A_82 = arith.constant 32 : index
      %swap3A_83 = tpu.vector_load %arg9[%swap3A_82] {strides = array<i32>} : memref<64xi32, #tpu.memory_space<vmem>>, vector<16xi32>,
      %swap3A_84 = vector.shape_cast %swap3A_83 : vector<16xi32> to vector<16xi32>
      %swap3A_85 = vector.shape_cast %get3A_81 : vector<16xi32> to vector<16xi32>
      tpu.vector_store %arg9[%swap3A_82], %swap3A_85 {strides = array<i32>} : memref<64xi32, #tpu.memory_space<vmem>>, vector<16xi32>,
      %get3A_86 = arith.constant 0 : i32
      %get3A_87 = arith.index_cast %get3A_86 : i32 to index
      %get3A_88 = arith.constant 48 : index
      %get3A_89 = tpu.vector_load %arg8[%get3A_87, %get3A_88] {strides = array<i32>} : memref<16x128xi32, #tpu.memory_space<vmem>>, vector<1x16xi32>,
      %get3A_90 = vector.shape_cast %get3A_89 : vector<1x16xi32> to vector<16xi32>
      %swap3A_91 = arith.constant 48 : index
      %swap3A_92 = tpu.vector_load %arg9[%swap3A_91] {strides = array<i32>} : memref<64xi32, #tpu.memory_space<vmem>>, vector<16xi32>,
      %swap3A_93 = vector.shape_cast %swap3A_92 : vector<16xi32> to vector<16xi32>
      %swap3A_94 = vector.shape_cast %get3A_90 : vector<16xi32> to vector<16xi32>
      tpu.vector_store %arg9[%swap3A_91], %swap3A_94 {strides = array<i32>} : memref<64xi32, #tpu.memory_space<vmem>>, vector<16xi32>,
      %dma_wait3A = arith.constant 0 : i32
      %dma_wait3A_95 = arith.constant 0 : i32
      %dma_wait3A_96 = tpu.memref_slice %arg7[%dma_wait3A, %dma_wait3A_95] : memref<16x128xi32, #tpu.memory_space<vmem>> -> memref<1x64xi32, #tpu.memory_space<vmem>>
      %dma_wait3A_97 = tpu.memref_squeeze %dma_wait3A_96 : memref<1x64xi32, #tpu.memory_space<vmem>> -> memref<64xi32, #tpu.memory_space<vmem>>
      %dma_wait3A_98 = arith.constant 0 : i32
      %dma_wait3A_99 = arith.constant 0 : i32
      %dma_wait3A_100 = tpu.memref_slice %arg2[%dma_wait3A_98, %dma_wait3A_99] : memref<10000x128xf32, #tpu.memory_space<hbm>> -> memref<10000x128xf32, #tpu.memory_space<hbm>>
      tpu.wait_indirect_dma semaphore(%arg18 : memref<!tpu.dma_semaphore, #tpu.memory_space<semaphore_mem>>) src(%dma_wait3A_100 : memref<10000x128xf32, #tpu.memory_space<hbm>>) dst(%arg13 : memref<64x128xf32, #tpu.memory_space<vmem>>)
      "tpu.region"() ({
        %run_scoped3A = tpu.sem_alloc : memref<!tpu.dma_semaphore, #tpu.memory_space<semaphore_mem>>
        %dma_start3A_1630 = arith.constant 0 : i32
        %dma_start3A_1631 = arith.constant 0 : i32
        %dma_start3A_1632 = tpu.memref_slice %arg17[%dma_start3A_1630, %dma_start3A_1631] : memref<10240x128xf32, #tpu.memory_space<vmem_shared>> -> memref<10240x128xf32, #tpu.memory_space<vmem_shared>>
        tpu.enqueue_indirect_dma source(%arg13 : memref<64x128xf32, #tpu.memory_space<vmem>>) target(%dma_start3A_1632 : memref<10240x128xf32, #tpu.memory_space<vmem_shared>>) offsets(%arg9 : memref<64xi32, #tpu.memory_space<vmem>>) semaphore(%run_scoped3A : memref<!tpu.dma_semaphore, #tpu.memory_space<semaphore_mem>>) {add = true}
        %dma_wait3A_1633 = arith.constant 0 : i32
        %dma_wait3A_1634 = arith.constant 0 : i32
        %dma_wait3A_1635 = tpu.memref_slice %arg17[%dma_wait3A_1633, %dma_wait3A_1634] : memref<10240x128xf32, #tpu.memory_space<vmem_shared>> -> memref<10240x128xf32, #tpu.memory_space<vmem_shared>>
        tpu.wait_indirect_dma semaphore(%run_scoped3A : memref<!tpu.dma_semaphore, #tpu.memory_space<semaphore_mem>>) src(%arg13 : memref<64x128xf32, #tpu.memory_space<vmem>>) dst(%dma_wait3A_1635 : memref<10240x128xf32, #tpu.memory_space<vmem_shared>>)
        tpu.yield
      }) : () -> ()
      %dma_start3A_101 = arith.constant 2 : i32
      %dma_start3A_102 = arith.constant 0 : i32
      %dma_start3A_103 = tpu.memref_slice %arg7[%dma_start3A_101, %dma_start3A_102] : memref<16x128xi32, #tpu.memory_space<vmem>> -> memref<1x64xi32, #tpu.memory_space<vmem>>
      %dma_start3A_104 = tpu.memref_squeeze %dma_start3A_103 : memref<1x64xi32, #tpu.memory_space<vmem>> -> memref<64xi32, #tpu.memory_space<vmem>>
      %dma_start3A_105 = arith.constant 0 : i32
      %dma_start3A_106 = arith.constant 0 : i32
      %dma_start3A_107 = tpu.memref_slice %arg2[%dma_start3A_105, %dma_start3A_106] : memref<10000x128xf32, #tpu.memory_space<hbm>> -> memref<10000x128xf32, #tpu.memory_space<hbm>>
      tpu.enqueue_indirect_dma source(%dma_start3A_107 : memref<10000x128xf32, #tpu.memory_space<hbm>>) target(%arg13 : memref<64x128xf32, #tpu.memory_space<vmem>>) offsets(%dma_start3A_104 : memref<64xi32, #tpu.memory_space<vmem>>) semaphore(%arg18 : memref<!tpu.dma_semaphore, #tpu.memory_space<semaphore_mem>>)
      %get3A_108 = arith.constant 0 : i32
      %get3A_109 = arith.index_cast %get3A_108 : i32 to index
      %get3A_110 = arith.constant 64 : index
      %get3A_111 = tpu.vector_load %arg8[%get3A_109, %get3A_110] {strides = array<i32>} : memref<16x128xi32, #tpu.memory_space<vmem>>, vector<1x16xi32>,
      %get3A_112 = vector.shape_cast %get3A_111 : vector<1x16xi32> to vector<16xi32>
      %swap3A_113 = arith.constant 0 : index
      %swap3A_114 = tpu.vector_load %arg10[%swap3A_113] {strides = array<i32>} : memref<64xi32, #tpu.memory_space<vmem>>, vector<16xi32>,
      %swap3A_115 = vector.shape_cast %swap3A_114 : vector<16xi32> to vector<16xi32>
      %swap3A_116 = vector.shape_cast %get3A_112 : vector<16xi32> to vector<16xi32>
      tpu.vector_store %arg10[%swap3A_113], %swap3A_116 {strides = array<i32>} : memref<64xi32, #tpu.memory_space<vmem>>, vector<16xi32>,
      %get3A_117 = arith.constant 0 : i32
      %get3A_118 = arith.index_cast %get3A_117 : i32 to index
      %get3A_119 = arith.constant 80 : index
      %get3A_120 = tpu.vector_load %arg8[%get3A_118, %get3A_119] {strides = array<i32>} : memref<16x128xi32, #tpu.memory_space<vmem>>, vector<1x16xi32>,
      %get3A_121 = vector.shape_cast %get3A_120 : vector<1x16xi32> to vector<16xi32>
      %swap3A_122 = arith.constant 16 : index
      %swap3A_123 = tpu.vector_load %arg10[%swap3A_122] {strides = array<i32>} : memref<64xi32, #tpu.memory_space<vmem>>, vector<16xi32>,
      %swap3A_124 = vector.shape_cast %swap3A_123 : vector<16xi32> to vector<16xi32>
      %swap3A_125 = vector.shape_cast %get3A_121 : vector<16xi32> to vector<16xi32>
      tpu.vector_store %arg10[%swap3A_122], %swap3A_125 {strides = array<i32>} : memref<64xi32, #tpu.memory_space<vmem>>, vector<16xi32>,
      %get3A_126 = arith.constant 0 : i32
      %get3A_127 = arith.index_cast %get3A_126 : i32 to index
      %get3A_128 = arith.constant 96 : index
      %get3A_129 = tpu.vector_load %arg8[%get3A_127, %get3A_128] {strides = array<i32>} : memref<16x128xi32, #tpu.memory_space<vmem>>, vector<1x16xi32>,
      %get3A_130 = vector.shape_cast %get3A_129 : vector<1x16xi32> to vector<16xi32>
      %swap3A_131 = arith.constant 32 : index
      %swap3A_132 = tpu.vector_load %arg10[%swap3A_131] {strides = array<i32>} : memref<64xi32, #tpu.memory_space<vmem>>, vector<16xi32>,
      %swap3A_133 = vector.shape_cast %swap3A_132 : vector<16xi32> to vector<16xi32>
      %swap3A_134 = vector.shape_cast %get3A_130 : vector<16xi32> to vector<16xi32>
      tpu.vector_store %arg10[%swap3A_131], %swap3A_134 {strides = array<i32>} : memref<64xi32, #tpu.memory_space<vmem>>, vector<16xi32>,
      %get3A_135 = arith.constant 0 : i32
      %get3A_136 = arith.index_cast %get3A_135 : i32 to index
      %get3A_137 = arith.constant 112 : index
      %get3A_138 = tpu.vector_load %arg8[%get3A_136, %get3A_137] {strides = array<i32>} : memref<16x128xi32, #tpu.memory_space<vmem>>, vector<1x16xi32>,
      %get3A_139 = vector.shape_cast %get3A_138 : vector<1x16xi32> to vector<16xi32>
      %swap3A_140 = arith.constant 48 : index
      %swap3A_141 = tpu.vector_load %arg10[%swap3A_140] {strides = array<i32>} : memref<64xi32, #tpu.memory_space<vmem>>, vector<16xi32>,
      %swap3A_142 = vector.shape_cast %swap3A_141 : vector<16xi32> to vector<16xi32>
      %swap3A_143 = vector.shape_cast %get3A_139 : vector<16xi32> to vector<16xi32>
      tpu.vector_store %arg10[%swap3A_140], %swap3A_143 {strides = array<i32>} : memref<64xi32, #tpu.memory_space<vmem>>, vector<16xi32>,
      %dma_wait3A_144 = arith.constant 0 : i32
      %dma_wait3A_145 = arith.constant 0 : i32
      %dma_wait3A_146 = tpu.memref_slice %arg7[%dma_wait3A_144, %dma_wait3A_145] : memref<16x128xi32, #tpu.memory_space<vmem>> -> memref<1x64xi32, #tpu.memory_space<vmem>>
      %dma_wait3A_147 = tpu.memref_squeeze %dma_wait3A_146 : memref<1x64xi32, #tpu.memory_space<vmem>> -> memref<64xi32, #tpu.memory_space<vmem>>
      %dma_wait3A_148 = arith.constant 0 : i32
      %dma_wait3A_149 = arith.constant 0 : i32
      %dma_wait3A_150 = tpu.memref_slice %arg2[%dma_wait3A_148, %dma_wait3A_149] : memref<10000x128xf32, #tpu.memory_space<hbm>> -> memref<10000x128xf32, #tpu.memory_space<hbm>>
      tpu.wait_indirect_dma semaphore(%arg19 : memref<!tpu.dma_semaphore, #tpu.memory_space<semaphore_mem>>) src(%dma_wait3A_150 : memref<10000x128xf32, #tpu.memory_space<hbm>>) dst(%arg14 : memref<64x128xf32, #tpu.memory_space<vmem>>)
      "tpu.region"() ({
        %run_scoped3A = tpu.sem_alloc : memref<!tpu.dma_semaphore, #tpu.memory_space<semaphore_mem>>
        %dma_start3A_1630 = arith.constant 0 : i32
        %dma_start3A_1631 = arith.constant 0 : i32
        %dma_start3A_1632 = tpu.memref_slice %arg17[%dma_start3A_1630, %dma_start3A_1631] : memref<10240x128xf32, #tpu.memory_space<vmem_shared>> -> memref<10240x128xf32, #tpu.memory_space<vmem_shared>>
        tpu.enqueue_indirect_dma source(%arg14 : memref<64x128xf32, #tpu.memory_space<vmem>>) target(%dma_start3A_1632 : memref<10240x128xf32, #tpu.memory_space<vmem_shared>>) offsets(%arg10 : memref<64xi32, #tpu.memory_space<vmem>>) semaphore(%run_scoped3A : memref<!tpu.dma_semaphore, #tpu.memory_space<semaphore_mem>>) {add = true}
        %dma_wait3A_1633 = arith.constant 0 : i32
        %dma_wait3A_1634 = arith.constant 0 : i32
        %dma_wait3A_1635 = tpu.memref_slice %arg17[%dma_wait3A_1633, %dma_wait3A_1634] : memref<10240x128xf32, #tpu.memory_space<vmem_shared>> -> memref<10240x128xf32, #tpu.memory_space<vmem_shared>>
        tpu.wait_indirect_dma semaphore(%run_scoped3A : memref<!tpu.dma_semaphore, #tpu.memory_space<semaphore_mem>>) src(%arg14 : memref<64x128xf32, #tpu.memory_space<vmem>>) dst(%dma_wait3A_1635 : memref<10240x128xf32, #tpu.memory_space<vmem_shared>>)
        tpu.yield
      }) : () -> ()
      %dma_start3A_151 = arith.constant 2 : i32
      %dma_start3A_152 = arith.constant 64 : i32
      %dma_start3A_153 = tpu.memref_slice %arg7[%dma_start3A_151, %dma_start3A_152] : memref<16x128xi32, #tpu.memory_space<vmem>> -> memref<1x64xi32, #tpu.memory_space<vmem>>
      %dma_start3A_154 = tpu.memref_squeeze %dma_start3A_153 : memref<1x64xi32, #tpu.memory_space<vmem>> -> memref<64xi32, #tpu.memory_space<vmem>>
      %dma_start3A_155 = arith.constant 0 : i32
      %dma_start3A_156 = arith.constant 0 : i32
      %dma_start3A_157 = tpu.memref_slice %arg2[%dma_start3A_155, %dma_start3A_156] : memref<10000x128xf32, #tpu.memory_space<hbm>> -> memref<10000x128xf32, #tpu.memory_space<hbm>>
      tpu.enqueue_indirect_dma source(%dma_start3A_157 : memref<10000x128xf32, #tpu.memory_space<hbm>>) target(%arg14 : memref<64x128xf32, #tpu.memory_space<vmem>>) offsets(%dma_start3A_154 : memref<64xi32, #tpu.memory_space<vmem>>) semaphore(%arg19 : memref<!tpu.dma_semaphore, #tpu.memory_space<semaphore_mem>>)
      %get3A_158 = arith.constant 1 : i32
      %get3A_159 = arith.index_cast %get3A_158 : i32 to index
      %get3A_160 = arith.constant 0 : index
      %get3A_161 = tpu.vector_load %arg8[%get3A_159, %get3A_160] {strides = array<i32>} : memref<16x128xi32, #tpu.memory_space<vmem>>, vector<1x16xi32>,
      %get3A_162 = vector.shape_cast %get3A_161 : vector<1x16xi32> to vector<16xi32>
      %swap3A_163 = arith.constant 0 : index
      %swap3A_164 = tpu.vector_load %arg11[%swap3A_163] {strides = array<i32>} : memref<64xi32, #tpu.memory_space<vmem>>, vector<16xi32>,
      %swap3A_165 = vector.shape_cast %swap3A_164 : vector<16xi32> to vector<16xi32>
      %swap3A_166 = vector.shape_cast %get3A_162 : vector<16xi32> to vector<16xi32>
      tpu.vector_store %arg11[%swap3A_163], %swap3A_166 {strides = array<i32>} : memref<64xi32, #tpu.memory_space<vmem>>, vector<16xi32>,
      %get3A_167 = arith.constant 1 : i32
      %get3A_168 = arith.index_cast %get3A_167 : i32 to index
      %get3A_169 = arith.constant 16 : index
      %get3A_170 = tpu.vector_load %arg8[%get3A_168, %get3A_169] {strides = array<i32>} : memref<16x128xi32, #tpu.memory_space<vmem>>, vector<1x16xi32>,
      %get3A_171 = vector.shape_cast %get3A_170 : vector<1x16xi32> to vector<16xi32>
      %swap3A_172 = arith.constant 16 : index
      %swap3A_173 = tpu.vector_load %arg11[%swap3A_172] {strides = array<i32>} : memref<64xi32, #tpu.memory_space<vmem>>, vector<16xi32>,
      %swap3A_174 = vector.shape_cast %swap3A_173 : vector<16xi32> to vector<16xi32>
      %swap3A_175 = vector.shape_cast %get3A_171 : vector<16xi32> to vector<16xi32>
      tpu.vector_store %arg11[%swap3A_172], %swap3A_175 {strides = array<i32>} : memref<64xi32, #tpu.memory_space<vmem>>, vector<16xi32>,
      %get3A_176 = arith.constant 1 : i32
      %get3A_177 = arith.index_cast %get3A_176 : i32 to index
      %get3A_178 = arith.constant 32 : index
      %get3A_179 = tpu.vector_load %arg8[%get3A_177, %get3A_178] {strides = array<i32>} : memref<16x128xi32, #tpu.memory_space<vmem>>, vector<1x16xi32>,
      %get3A_180 = vector.shape_cast %get3A_179 : vector<1x16xi32> to vector<16xi32>
      %swap3A_181 = arith.constant 32 : index
      %swap3A_182 = tpu.vector_load %arg11[%swap3A_181] {strides = array<i32>} : memref<64xi32, #tpu.memory_space<vmem>>, vector<16xi32>,
      %swap3A_183 = vector.shape_cast %swap3A_182 : vector<16xi32> to vector<16xi32>
      %swap3A_184 = vector.shape_cast %get3A_180 : vector<16xi32> to vector<16xi32>
      tpu.vector_store %arg11[%swap3A_181], %swap3A_184 {strides = array<i32>} : memref<64xi32, #tpu.memory_space<vmem>>, vector<16xi32>,
      %get3A_185 = arith.constant 1 : i32
      %get3A_186 = arith.index_cast %get3A_185 : i32 to index
      %get3A_187 = arith.constant 48 : index
      %get3A_188 = tpu.vector_load %arg8[%get3A_186, %get3A_187] {strides = array<i32>} : memref<16x128xi32, #tpu.memory_space<vmem>>, vector<1x16xi32>,
      %get3A_189 = vector.shape_cast %get3A_188 : vector<1x16xi32> to vector<16xi32>
      %swap3A_190 = arith.constant 48 : index
      %swap3A_191 = tpu.vector_load %arg11[%swap3A_190] {strides = array<i32>} : memref<64xi32, #tpu.memory_space<vmem>>, vector<16xi32>,
      %swap3A_192 = vector.shape_cast %swap3A_191 : vector<16xi32> to vector<16xi32>
      %swap3A_193 = vector.shape_cast %get3A_189 : vector<16xi32> to vector<16xi32>
      tpu.vector_store %arg11[%swap3A_190], %swap3A_193 {strides = array<i32>} : memref<64xi32, #tpu.memory_space<vmem>>, vector<16xi32>,
      %dma_wait3A_194 = arith.constant 0 : i32
      %dma_wait3A_195 = arith.constant 0 : i32
      %dma_wait3A_196 = tpu.memref_slice %arg7[%dma_wait3A_194, %dma_wait3A_195] : memref<16x128xi32, #tpu.memory_space<vmem>> -> memref<1x64xi32, #tpu.memory_space<vmem>>
      %dma_wait3A_197 = tpu.memref_squeeze %dma_wait3A_196 : memref<1x64xi32, #tpu.memory_space<vmem>> -> memref<64xi32, #tpu.memory_space<vmem>>
      %dma_wait3A_198 = arith.constant 0 : i32
      %dma_wait3A_199 = arith.constant 0 : i32
      %dma_wait3A_200 = tpu.memref_slice %arg2[%dma_wait3A_198, %dma_wait3A_199] : memref<10000x128xf32, #tpu.memory_space<hbm>> -> memref<10000x128xf32, #tpu.memory_space<hbm>>
      tpu.wait_indirect_dma semaphore(%arg20 : memref<!tpu.dma_semaphore, #tpu.memory_space<semaphore_mem>>) src(%dma_wait3A_200 : memref<10000x128xf32, #tpu.memory_space<hbm>>) dst(%arg15 : memref<64x128xf32, #tpu.memory_space<vmem>>)
      "tpu.region"() ({
        %run_scoped3A = tpu.sem_alloc : memref<!tpu.dma_semaphore, #tpu.memory_space<semaphore_mem>>
        %dma_start3A_1630 = arith.constant 0 : i32
        %dma_start3A_1631 = arith.constant 0 : i32
        %dma_start3A_1632 = tpu.memref_slice %arg17[%dma_start3A_1630, %dma_start3A_1631] : memref<10240x128xf32, #tpu.memory_space<vmem_shared>> -> memref<10240x128xf32, #tpu.memory_space<vmem_shared>>
        tpu.enqueue_indirect_dma source(%arg15 : memref<64x128xf32, #tpu.memory_space<vmem>>) target(%dma_start3A_1632 : memref<10240x128xf32, #tpu.memory_space<vmem_shared>>) offsets(%arg11 : memref<64xi32, #tpu.memory_space<vmem>>) semaphore(%run_scoped3A : memref<!tpu.dma_semaphore, #tpu.memory_space<semaphore_mem>>) {add = true}
        %dma_wait3A_1633 = arith.constant 0 : i32
        %dma_wait3A_1634 = arith.constant 0 : i32
        %dma_wait3A_1635 = tpu.memref_slice %arg17[%dma_wait3A_1633, %dma_wait3A_1634] : memref<10240x128xf32, #tpu.memory_space<vmem_shared>> -> memref<10240x128xf32, #tpu.memory_space<vmem_shared>>
        tpu.wait_indirect_dma semaphore(%run_scoped3A : memref<!tpu.dma_semaphore, #tpu.memory_space<semaphore_mem>>) src(%arg15 : memref<64x128xf32, #tpu.memory_space<vmem>>) dst(%dma_wait3A_1635 : memref<10240x128xf32, #tpu.memory_space<vmem_shared>>)
        tpu.yield
      }) : () -> ()
      %dma_start3A_201 = arith.constant 3 : i32
      %dma_start3A_202 = arith.constant 0 : i32
      %dma_start3A_203 = tpu.memref_slice %arg7[%dma_start3A_201, %dma_start3A_202] : memref<16x128xi32, #tpu.memory_space<vmem>> -> memref<1x64xi32, #tpu.memory_space<vmem>>
      %dma_start3A_204 = tpu.memref_squeeze %dma_start3A_203 : memref<1x64xi32, #tpu.memory_space<vmem>> -> memref<64xi32, #tpu.memory_space<vmem>>
      %dma_start3A_205 = arith.constant 0 : i32
      %dma_start3A_206 = arith.constant 0 : i32
      %dma_start3A_207 = tpu.memref_slice %arg2[%dma_start3A_205, %dma_start3A_206] : memref<10000x128xf32, #tpu.memory_space<hbm>> -> memref<10000x128xf32, #tpu.memory_space<hbm>>
      tpu.enqueue_indirect_dma source(%dma_start3A_207 : memref<10000x128xf32, #tpu.memory_space<hbm>>) target(%arg15 : memref<64x128xf32, #tpu.memory_space<vmem>>) offsets(%dma_start3A_204 : memref<64xi32, #tpu.memory_space<vmem>>) semaphore(%arg20 : memref<!tpu.dma_semaphore, #tpu.memory_space<semaphore_mem>>)
      %get3A_208 = arith.constant 1 : i32
      %get3A_209 = arith.index_cast %get3A_208 : i32 to index
      %get3A_210 = arith.constant 64 : index
      %get3A_211 = tpu.vector_load %arg8[%get3A_209, %get3A_210] {strides = array<i32>} : memref<16x128xi32, #tpu.memory_space<vmem>>, vector<1x16xi32>,
      %get3A_212 = vector.shape_cast %get3A_211 : vector<1x16xi32> to vector<16xi32>
      %swap3A_213 = arith.constant 0 : index
      %swap3A_214 = tpu.vector_load %arg12[%swap3A_213] {strides = array<i32>} : memref<64xi32, #tpu.memory_space<vmem>>, vector<16xi32>,
      %swap3A_215 = vector.shape_cast %swap3A_214 : vector<16xi32> to vector<16xi32>
      %swap3A_216 = vector.shape_cast %get3A_212 : vector<16xi32> to vector<16xi32>
      tpu.vector_store %arg12[%swap3A_213], %swap3A_216 {strides = array<i32>} : memref<64xi32, #tpu.memory_space<vmem>>, vector<16xi32>,
      %get3A_217 = arith.constant 1 : i32
      %get3A_218 = arith.index_cast %get3A_217 : i32 to index
      %get3A_219 = arith.constant 80 : index
      %get3A_220 = tpu.vector_load %arg8[%get3A_218, %get3A_219] {strides = array<i32>} : memref<16x128xi32, #tpu.memory_space<vmem>>, vector<1x16xi32>,
      %get3A_221 = vector.shape_cast %get3A_220 : vector<1x16xi32> to vector<16xi32>
      %swap3A_222 = arith.constant 16 : index
      %swap3A_223 = tpu.vector_load %arg12[%swap3A_222] {strides = array<i32>} : memref<64xi32, #tpu.memory_space<vmem>>, vector<16xi32>,
      %swap3A_224 = vector.shape_cast %swap3A_223 : vector<16xi32> to vector<16xi32>
      %swap3A_225 = vector.shape_cast %get3A_221 : vector<16xi32> to vector<16xi32>
      tpu.vector_store %arg12[%swap3A_222], %swap3A_225 {strides = array<i32>} : memref<64xi32, #tpu.memory_space<vmem>>, vector<16xi32>,
      %get3A_226 = arith.constant 1 : i32
      %get3A_227 = arith.index_cast %get3A_226 : i32 to index
      %get3A_228 = arith.constant 96 : index
      %get3A_229 = tpu.vector_load %arg8[%get3A_227, %get3A_228] {strides = array<i32>} : memref<16x128xi32, #tpu.memory_space<vmem>>, vector<1x16xi32>,
      %get3A_230 = vector.shape_cast %get3A_229 : vector<1x16xi32> to vector<16xi32>
      %swap3A_231 = arith.constant 32 : index
      %swap3A_232 = tpu.vector_load %arg12[%swap3A_231] {strides = array<i32>} : memref<64xi32, #tpu.memory_space<vmem>>, vector<16xi32>,
      %swap3A_233 = vector.shape_cast %swap3A_232 : vector<16xi32> to vector<16xi32>
      %swap3A_234 = vector.shape_cast %get3A_230 : vector<16xi32> to vector<16xi32>
      tpu.vector_store %arg12[%swap3A_231], %swap3A_234 {strides = array<i32>} : memref<64xi32, #tpu.memory_space<vmem>>, vector<16xi32>,
      %get3A_235 = arith.constant 1 : i32
      %get3A_236 = arith.index_cast %get3A_235 : i32 to index
      %get3A_237 = arith.constant 112 : index
      %get3A_238 = tpu.vector_load %arg8[%get3A_236, %get3A_237] {strides = array<i32>} : memref<16x128xi32, #tpu.memory_space<vmem>>, vector<1x16xi32>,
      %get3A_239 = vector.shape_cast %get3A_238 : vector<1x16xi32> to vector<16xi32>
      %swap3A_240 = arith.constant 48 : index
      %swap3A_241 = tpu.vector_load %arg12[%swap3A_240] {strides = array<i32>} : memref<64xi32, #tpu.memory_space<vmem>>, vector<16xi32>,
      %swap3A_242 = vector.shape_cast %swap3A_241 : vector<16xi32> to vector<16xi32>
      %swap3A_243 = vector.shape_cast %get3A_239 : vector<16xi32> to vector<16xi32>
      tpu.vector_store %arg12[%swap3A_240], %swap3A_243 {strides = array<i32>} : memref<64xi32, #tpu.memory_space<vmem>>, vector<16xi32>,
      %dma_wait3A_244 = arith.constant 0 : i32
      %dma_wait3A_245 = arith.constant 0 : i32
      %dma_wait3A_246 = tpu.memref_slice %arg7[%dma_wait3A_244, %dma_wait3A_245] : memref<16x128xi32, #tpu.memory_space<vmem>> -> memref<1x64xi32, #tpu.memory_space<vmem>>
      %dma_wait3A_247 = tpu.memref_squeeze %dma_wait3A_246 : memref<1x64xi32, #tpu.memory_space<vmem>> -> memref<64xi32, #tpu.memory_space<vmem>>
      %dma_wait3A_248 = arith.constant 0 : i32
      %dma_wait3A_249 = arith.constant 0 : i32
      %dma_wait3A_250 = tpu.memref_slice %arg2[%dma_wait3A_248, %dma_wait3A_249] : memref<10000x128xf32, #tpu.memory_space<hbm>> -> memref<10000x128xf32, #tpu.memory_space<hbm>>
      tpu.wait_indirect_dma semaphore(%arg21 : memref<!tpu.dma_semaphore, #tpu.memory_space<semaphore_mem>>) src(%dma_wait3A_250 : memref<10000x128xf32, #tpu.memory_space<hbm>>) dst(%arg16 : memref<64x128xf32, #tpu.memory_space<vmem>>)
      "tpu.region"() ({
        %run_scoped3A = tpu.sem_alloc : memref<!tpu.dma_semaphore, #tpu.memory_space<semaphore_mem>>
        %dma_start3A_1630 = arith.constant 0 : i32
        %dma_start3A_1631 = arith.constant 0 : i32
        %dma_start3A_1632 = tpu.memref_slice %arg17[%dma_start3A_1630, %dma_start3A_1631] : memref<10240x128xf32, #tpu.memory_space<vmem_shared>> -> memref<10240x128xf32, #tpu.memory_space<vmem_shared>>
        tpu.enqueue_indirect_dma source(%arg16 : memref<64x128xf32, #tpu.memory_space<vmem>>) target(%dma_start3A_1632 : memref<10240x128xf32, #tpu.memory_space<vmem_shared>>) offsets(%arg12 : memref<64xi32, #tpu.memory_space<vmem>>) semaphore(%run_scoped3A : memref<!tpu.dma_semaphore, #tpu.memory_space<semaphore_mem>>) {add = true}
        %dma_wait3A_1633 = arith.constant 0 : i32
        %dma_wait3A_1634 = arith.constant 0 : i32
        %dma_wait3A_1635 = tpu.memref_slice %arg17[%dma_wait3A_1633, %dma_wait3A_1634] : memref<10240x128xf32, #tpu.memory_space<vmem_shared>> -> memref<10240x128xf32, #tpu.memory_space<vmem_shared>>
        tpu.wait_indirect_dma semaphore(%run_scoped3A : memref<!tpu.dma_semaphore, #tpu.memory_space<semaphore_mem>>) src(%arg16 : memref<64x128xf32, #tpu.memory_space<vmem>>) dst(%dma_wait3A_1635 : memref<10240x128xf32, #tpu.memory_space<vmem_shared>>)
        tpu.yield
      }) : () -> ()
      %dma_start3A_251 = arith.constant 3 : i32
      %dma_start3A_252 = arith.constant 64 : i32
      %dma_start3A_253 = tpu.memref_slice %arg7[%dma_start3A_251, %dma_start3A_252] : memref<16x128xi32, #tpu.memory_space<vmem>> -> memref<1x64xi32, #tpu.memory_space<vmem>>
      %dma_start3A_254 = tpu.memref_squeeze %dma_start3A_253 : memref<1x64xi32, #tpu.memory_space<vmem>> -> memref<64xi32, #tpu.memory_space<vmem>>
      %dma_start3A_255 = arith.constant 0 : i32
      %dma_start3A_256 = arith.constant 0 : i32
      %dma_start3A_257 = tpu.memref_slice %arg2[%dma_start3A_255, %dma_start3A_256] : memref<10000x128xf32, #tpu.memory_space<hbm>> -> memref<10000x128xf32, #tpu.memory_space<hbm>>
      tpu.enqueue_indirect_dma source(%dma_start3A_257 : memref<10000x128xf32, #tpu.memory_space<hbm>>) target(%arg16 : memref<64x128xf32, #tpu.memory_space<vmem>>) offsets(%dma_start3A_254 : memref<64xi32, #tpu.memory_space<vmem>>) semaphore(%arg21 : memref<!tpu.dma_semaphore, #tpu.memory_space<semaphore_mem>>)
      %get3A_258 = arith.constant 2 : i32
      %get3A_259 = arith.index_cast %get3A_258 : i32 to index
      %get3A_260 = arith.constant 0 : index
      %get3A_261 = tpu.vector_load %arg8[%get3A_259, %get3A_260] {strides = array<i32>} : memref<16x128xi32, #tpu.memory_space<vmem>>, vector<1x16xi32>,
      %get3A_262 = vector.shape_cast %get3A_261 : vector<1x16xi32> to vector<16xi32>
      %swap3A_263 = arith.constant 0 : index
      %swap3A_264 = tpu.vector_load %arg9[%swap3A_263] {strides = array<i32>} : memref<64xi32, #tpu.memory_space<vmem>>, vector<16xi32>,
      %swap3A_265 = vector.shape_cast %swap3A_264 : vector<16xi32> to vector<16xi32>
      %swap3A_266 = vector.shape_cast %get3A_262 : vector<16xi32> to vector<16xi32>
      tpu.vector_store %arg9[%swap3A_263], %swap3A_266 {strides = array<i32>} : memref<64xi32, #tpu.memory_space<vmem>>, vector<16xi32>,
      %get3A_267 = arith.constant 2 : i32
      %get3A_268 = arith.index_cast %get3A_267 : i32 to index
      %get3A_269 = arith.constant 16 : index
      %get3A_270 = tpu.vector_load %arg8[%get3A_268, %get3A_269] {strides = array<i32>} : memref<16x128xi32, #tpu.memory_space<vmem>>, vector<1x16xi32>,
      %get3A_271 = vector.shape_cast %get3A_270 : vector<1x16xi32> to vector<16xi32>
      %swap3A_272 = arith.constant 16 : index
      %swap3A_273 = tpu.vector_load %arg9[%swap3A_272] {strides = array<i32>} : memref<64xi32, #tpu.memory_space<vmem>>, vector<16xi32>,
      %swap3A_274 = vector.shape_cast %swap3A_273 : vector<16xi32> to vector<16xi32>
      %swap3A_275 = vector.shape_cast %get3A_271 : vector<16xi32> to vector<16xi32>
      tpu.vector_store %arg9[%swap3A_272], %swap3A_275 {strides = array<i32>} : memref<64xi32, #tpu.memory_space<vmem>>, vector<16xi32>,
      %get3A_276 = arith.constant 2 : i32
      %get3A_277 = arith.index_cast %get3A_276 : i32 to index
      %get3A_278 = arith.constant 32 : index
      %get3A_279 = tpu.vector_load %arg8[%get3A_277, %get3A_278] {strides = array<i32>} : memref<16x128xi32, #tpu.memory_space<vmem>>, vector<1x16xi32>,
      %get3A_280 = vector.shape_cast %get3A_279 : vector<1x16xi32> to vector<16xi32>
      %swap3A_281 = arith.constant 32 : index
      %swap3A_282 = tpu.vector_load %arg9[%swap3A_281] {strides = array<i32>} : memref<64xi32, #tpu.memory_space<vmem>>, vector<16xi32>,
      %swap3A_283 = vector.shape_cast %swap3A_282 : vector<16xi32> to vector<16xi32>
      %swap3A_284 = vector.shape_cast %get3A_280 : vector<16xi32> to vector<16xi32>
      tpu.vector_store %arg9[%swap3A_281], %swap3A_284 {strides = array<i32>} : memref<64xi32, #tpu.memory_space<vmem>>, vector<16xi32>,
      %get3A_285 = arith.constant 2 : i32
      %get3A_286 = arith.index_cast %get3A_285 : i32 to index
      %get3A_287 = arith.constant 48 : index
      %get3A_288 = tpu.vector_load %arg8[%get3A_286, %get3A_287] {strides = array<i32>} : memref<16x128xi32, #tpu.memory_space<vmem>>, vector<1x16xi32>,
      %get3A_289 = vector.shape_cast %get3A_288 : vector<1x16xi32> to vector<16xi32>
      %swap3A_290 = arith.constant 48 : index
      %swap3A_291 = tpu.vector_load %arg9[%swap3A_290] {strides = array<i32>} : memref<64xi32, #tpu.memory_space<vmem>>, vector<16xi32>,
      %swap3A_292 = vector.shape_cast %swap3A_291 : vector<16xi32> to vector<16xi32>
      %swap3A_293 = vector.shape_cast %get3A_289 : vector<16xi32> to vector<16xi32>
      tpu.vector_store %arg9[%swap3A_290], %swap3A_293 {strides = array<i32>} : memref<64xi32, #tpu.memory_space<vmem>>, vector<16xi32>,
      %dma_wait3A_294 = arith.constant 0 : i32
      %dma_wait3A_295 = arith.constant 0 : i32
      %dma_wait3A_296 = tpu.memref_slice %arg7[%dma_wait3A_294, %dma_wait3A_295] : memref<16x128xi32, #tpu.memory_space<vmem>> -> memref<1x64xi32, #tpu.memory_space<vmem>>
      %dma_wait3A_297 = tpu.memref_squeeze %dma_wait3A_296 : memref<1x64xi32, #tpu.memory_space<vmem>> -> memref<64xi32, #tpu.memory_space<vmem>>
      %dma_wait3A_298 = arith.constant 0 : i32
      %dma_wait3A_299 = arith.constant 0 : i32
      %dma_wait3A_300 = tpu.memref_slice %arg2[%dma_wait3A_298, %dma_wait3A_299] : memref<10000x128xf32, #tpu.memory_space<hbm>> -> memref<10000x128xf32, #tpu.memory_space<hbm>>
      tpu.wait_indirect_dma semaphore(%arg18 : memref<!tpu.dma_semaphore, #tpu.memory_space<semaphore_mem>>) src(%dma_wait3A_300 : memref<10000x128xf32, #tpu.memory_space<hbm>>) dst(%arg13 : memref<64x128xf32, #tpu.memory_space<vmem>>)
      "tpu.region"() ({
        %run_scoped3A = tpu.sem_alloc : memref<!tpu.dma_semaphore, #tpu.memory_space<semaphore_mem>>
        %dma_start3A_1630 = arith.constant 0 : i32
        %dma_start3A_1631 = arith.constant 0 : i32
        %dma_start3A_1632 = tpu.memref_slice %arg17[%dma_start3A_1630, %dma_start3A_1631] : memref<10240x128xf32, #tpu.memory_space<vmem_shared>> -> memref<10240x128xf32, #tpu.memory_space<vmem_shared>>
        tpu.enqueue_indirect_dma source(%arg13 : memref<64x128xf32, #tpu.memory_space<vmem>>) target(%dma_start3A_1632 : memref<10240x128xf32, #tpu.memory_space<vmem_shared>>) offsets(%arg9 : memref<64xi32, #tpu.memory_space<vmem>>) semaphore(%run_scoped3A : memref<!tpu.dma_semaphore, #tpu.memory_space<semaphore_mem>>) {add = true}
        %dma_wait3A_1633 = arith.constant 0 : i32
        %dma_wait3A_1634 = arith.constant 0 : i32
        %dma_wait3A_1635 = tpu.memref_slice %arg17[%dma_wait3A_1633, %dma_wait3A_1634] : memref<10240x128xf32, #tpu.memory_space<vmem_shared>> -> memref<10240x128xf32, #tpu.memory_space<vmem_shared>>
        tpu.wait_indirect_dma semaphore(%run_scoped3A : memref<!tpu.dma_semaphore, #tpu.memory_space<semaphore_mem>>) src(%arg13 : memref<64x128xf32, #tpu.memory_space<vmem>>) dst(%dma_wait3A_1635 : memref<10240x128xf32, #tpu.memory_space<vmem_shared>>)
        tpu.yield
      }) : () -> ()
      %dma_start3A_301 = arith.constant 4 : i32
      %dma_start3A_302 = arith.constant 0 : i32
      %dma_start3A_303 = tpu.memref_slice %arg7[%dma_start3A_301, %dma_start3A_302] : memref<16x128xi32, #tpu.memory_space<vmem>> -> memref<1x64xi32, #tpu.memory_space<vmem>>
      %dma_start3A_304 = tpu.memref_squeeze %dma_start3A_303 : memref<1x64xi32, #tpu.memory_space<vmem>> -> memref<64xi32, #tpu.memory_space<vmem>>
      %dma_start3A_305 = arith.constant 0 : i32
      %dma_start3A_306 = arith.constant 0 : i32
      %dma_start3A_307 = tpu.memref_slice %arg2[%dma_start3A_305, %dma_start3A_306] : memref<10000x128xf32, #tpu.memory_space<hbm>> -> memref<10000x128xf32, #tpu.memory_space<hbm>>
      tpu.enqueue_indirect_dma source(%dma_start3A_307 : memref<10000x128xf32, #tpu.memory_space<hbm>>) target(%arg13 : memref<64x128xf32, #tpu.memory_space<vmem>>) offsets(%dma_start3A_304 : memref<64xi32, #tpu.memory_space<vmem>>) semaphore(%arg18 : memref<!tpu.dma_semaphore, #tpu.memory_space<semaphore_mem>>)
      %get3A_308 = arith.constant 2 : i32
      %get3A_309 = arith.index_cast %get3A_308 : i32 to index
      %get3A_310 = arith.constant 64 : index
      %get3A_311 = tpu.vector_load %arg8[%get3A_309, %get3A_310] {strides = array<i32>} : memref<16x128xi32, #tpu.memory_space<vmem>>, vector<1x16xi32>,
      %get3A_312 = vector.shape_cast %get3A_311 : vector<1x16xi32> to vector<16xi32>
      %swap3A_313 = arith.constant 0 : index
      %swap3A_314 = tpu.vector_load %arg10[%swap3A_313] {strides = array<i32>} : memref<64xi32, #tpu.memory_space<vmem>>, vector<16xi32>,
      %swap3A_315 = vector.shape_cast %swap3A_314 : vector<16xi32> to vector<16xi32>
      %swap3A_316 = vector.shape_cast %get3A_312 : vector<16xi32> to vector<16xi32>
      tpu.vector_store %arg10[%swap3A_313], %swap3A_316 {strides = array<i32>} : memref<64xi32, #tpu.memory_space<vmem>>, vector<16xi32>,
      %get3A_317 = arith.constant 2 : i32
      %get3A_318 = arith.index_cast %get3A_317 : i32 to index
      %get3A_319 = arith.constant 80 : index
      %get3A_320 = tpu.vector_load %arg8[%get3A_318, %get3A_319] {strides = array<i32>} : memref<16x128xi32, #tpu.memory_space<vmem>>, vector<1x16xi32>,
      %get3A_321 = vector.shape_cast %get3A_320 : vector<1x16xi32> to vector<16xi32>
      %swap3A_322 = arith.constant 16 : index
      %swap3A_323 = tpu.vector_load %arg10[%swap3A_322] {strides = array<i32>} : memref<64xi32, #tpu.memory_space<vmem>>, vector<16xi32>,
      %swap3A_324 = vector.shape_cast %swap3A_323 : vector<16xi32> to vector<16xi32>
      %swap3A_325 = vector.shape_cast %get3A_321 : vector<16xi32> to vector<16xi32>
      tpu.vector_store %arg10[%swap3A_322], %swap3A_325 {strides = array<i32>} : memref<64xi32, #tpu.memory_space<vmem>>, vector<16xi32>,
      %get3A_326 = arith.constant 2 : i32
      %get3A_327 = arith.index_cast %get3A_326 : i32 to index
      %get3A_328 = arith.constant 96 : index
      %get3A_329 = tpu.vector_load %arg8[%get3A_327, %get3A_328] {strides = array<i32>} : memref<16x128xi32, #tpu.memory_space<vmem>>, vector<1x16xi32>,
      %get3A_330 = vector.shape_cast %get3A_329 : vector<1x16xi32> to vector<16xi32>
      %swap3A_331 = arith.constant 32 : index
      %swap3A_332 = tpu.vector_load %arg10[%swap3A_331] {strides = array<i32>} : memref<64xi32, #tpu.memory_space<vmem>>, vector<16xi32>,
      %swap3A_333 = vector.shape_cast %swap3A_332 : vector<16xi32> to vector<16xi32>
      %swap3A_334 = vector.shape_cast %get3A_330 : vector<16xi32> to vector<16xi32>
      tpu.vector_store %arg10[%swap3A_331], %swap3A_334 {strides = array<i32>} : memref<64xi32, #tpu.memory_space<vmem>>, vector<16xi32>,
      %get3A_335 = arith.constant 2 : i32
      %get3A_336 = arith.index_cast %get3A_335 : i32 to index
      %get3A_337 = arith.constant 112 : index
      %get3A_338 = tpu.vector_load %arg8[%get3A_336, %get3A_337] {strides = array<i32>} : memref<16x128xi32, #tpu.memory_space<vmem>>, vector<1x16xi32>,
      %get3A_339 = vector.shape_cast %get3A_338 : vector<1x16xi32> to vector<16xi32>
      %swap3A_340 = arith.constant 48 : index
      %swap3A_341 = tpu.vector_load %arg10[%swap3A_340] {strides = array<i32>} : memref<64xi32, #tpu.memory_space<vmem>>, vector<16xi32>,
      %swap3A_342 = vector.shape_cast %swap3A_341 : vector<16xi32> to vector<16xi32>
      %swap3A_343 = vector.shape_cast %get3A_339 : vector<16xi32> to vector<16xi32>
      tpu.vector_store %arg10[%swap3A_340], %swap3A_343 {strides = array<i32>} : memref<64xi32, #tpu.memory_space<vmem>>, vector<16xi32>,
      %dma_wait3A_344 = arith.constant 0 : i32
      %dma_wait3A_345 = arith.constant 0 : i32
      %dma_wait3A_346 = tpu.memref_slice %arg7[%dma_wait3A_344, %dma_wait3A_345] : memref<16x128xi32, #tpu.memory_space<vmem>> -> memref<1x64xi32, #tpu.memory_space<vmem>>
      %dma_wait3A_347 = tpu.memref_squeeze %dma_wait3A_346 : memref<1x64xi32, #tpu.memory_space<vmem>> -> memref<64xi32, #tpu.memory_space<vmem>>
      %dma_wait3A_348 = arith.constant 0 : i32
      %dma_wait3A_349 = arith.constant 0 : i32
      %dma_wait3A_350 = tpu.memref_slice %arg2[%dma_wait3A_348, %dma_wait3A_349] : memref<10000x128xf32, #tpu.memory_space<hbm>> -> memref<10000x128xf32, #tpu.memory_space<hbm>>
      tpu.wait_indirect_dma semaphore(%arg19 : memref<!tpu.dma_semaphore, #tpu.memory_space<semaphore_mem>>) src(%dma_wait3A_350 : memref<10000x128xf32, #tpu.memory_space<hbm>>) dst(%arg14 : memref<64x128xf32, #tpu.memory_space<vmem>>)
      "tpu.region"() ({
        %run_scoped3A = tpu.sem_alloc : memref<!tpu.dma_semaphore, #tpu.memory_space<semaphore_mem>>
        %dma_start3A_1630 = arith.constant 0 : i32
        %dma_start3A_1631 = arith.constant 0 : i32
        %dma_start3A_1632 = tpu.memref_slice %arg17[%dma_start3A_1630, %dma_start3A_1631] : memref<10240x128xf32, #tpu.memory_space<vmem_shared>> -> memref<10240x128xf32, #tpu.memory_space<vmem_shared>>
        tpu.enqueue_indirect_dma source(%arg14 : memref<64x128xf32, #tpu.memory_space<vmem>>) target(%dma_start3A_1632 : memref<10240x128xf32, #tpu.memory_space<vmem_shared>>) offsets(%arg10 : memref<64xi32, #tpu.memory_space<vmem>>) semaphore(%run_scoped3A : memref<!tpu.dma_semaphore, #tpu.memory_space<semaphore_mem>>) {add = true}
        %dma_wait3A_1633 = arith.constant 0 : i32
        %dma_wait3A_1634 = arith.constant 0 : i32
        %dma_wait3A_1635 = tpu.memref_slice %arg17[%dma_wait3A_1633, %dma_wait3A_1634] : memref<10240x128xf32, #tpu.memory_space<vmem_shared>> -> memref<10240x128xf32, #tpu.memory_space<vmem_shared>>
        tpu.wait_indirect_dma semaphore(%run_scoped3A : memref<!tpu.dma_semaphore, #tpu.memory_space<semaphore_mem>>) src(%arg14 : memref<64x128xf32, #tpu.memory_space<vmem>>) dst(%dma_wait3A_1635 : memref<10240x128xf32, #tpu.memory_space<vmem_shared>>)
        tpu.yield
      }) : () -> ()
      %dma_start3A_351 = arith.constant 4 : i32
      %dma_start3A_352 = arith.constant 64 : i32
      %dma_start3A_353 = tpu.memref_slice %arg7[%dma_start3A_351, %dma_start3A_352] : memref<16x128xi32, #tpu.memory_space<vmem>> -> memref<1x64xi32, #tpu.memory_space<vmem>>
      %dma_start3A_354 = tpu.memref_squeeze %dma_start3A_353 : memref<1x64xi32, #tpu.memory_space<vmem>> -> memref<64xi32, #tpu.memory_space<vmem>>
      %dma_start3A_355 = arith.constant 0 : i32
      %dma_start3A_356 = arith.constant 0 : i32
      %dma_start3A_357 = tpu.memref_slice %arg2[%dma_start3A_355, %dma_start3A_356] : memref<10000x128xf32, #tpu.memory_space<hbm>> -> memref<10000x128xf32, #tpu.memory_space<hbm>>
      tpu.enqueue_indirect_dma source(%dma_start3A_357 : memref<10000x128xf32, #tpu.memory_space<hbm>>) target(%arg14 : memref<64x128xf32, #tpu.memory_space<vmem>>) offsets(%dma_start3A_354 : memref<64xi32, #tpu.memory_space<vmem>>) semaphore(%arg19 : memref<!tpu.dma_semaphore, #tpu.memory_space<semaphore_mem>>)
      %get3A_358 = arith.constant 3 : i32
      %get3A_359 = arith.index_cast %get3A_358 : i32 to index
      %get3A_360 = arith.constant 0 : index
      %get3A_361 = tpu.vector_load %arg8[%get3A_359, %get3A_360] {strides = array<i32>} : memref<16x128xi32, #tpu.memory_space<vmem>>, vector<1x16xi32>,
      %get3A_362 = vector.shape_cast %get3A_361 : vector<1x16xi32> to vector<16xi32>
      %swap3A_363 = arith.constant 0 : index
      %swap3A_364 = tpu.vector_load %arg11[%swap3A_363] {strides = array<i32>} : memref<64xi32, #tpu.memory_space<vmem>>, vector<16xi32>,
      %swap3A_365 = vector.shape_cast %swap3A_364 : vector<16xi32> to vector<16xi32>
      %swap3A_366 = vector.shape_cast %get3A_362 : vector<16xi32> to vector<16xi32>
      tpu.vector_store %arg11[%swap3A_363], %swap3A_366 {strides = array<i32>} : memref<64xi32, #tpu.memory_space<vmem>>, vector<16xi32>,
      %get3A_367 = arith.constant 3 : i32
      %get3A_368 = arith.index_cast %get3A_367 : i32 to index
      %get3A_369 = arith.constant 16 : index
      %get3A_370 = tpu.vector_load %arg8[%get3A_368, %get3A_369] {strides = array<i32>} : memref<16x128xi32, #tpu.memory_space<vmem>>, vector<1x16xi32>,
      %get3A_371 = vector.shape_cast %get3A_370 : vector<1x16xi32> to vector<16xi32>
      %swap3A_372 = arith.constant 16 : index
      %swap3A_373 = tpu.vector_load %arg11[%swap3A_372] {strides = array<i32>} : memref<64xi32, #tpu.memory_space<vmem>>, vector<16xi32>,
      %swap3A_374 = vector.shape_cast %swap3A_373 : vector<16xi32> to vector<16xi32>
      %swap3A_375 = vector.shape_cast %get3A_371 : vector<16xi32> to vector<16xi32>
      tpu.vector_store %arg11[%swap3A_372], %swap3A_375 {strides = array<i32>} : memref<64xi32, #tpu.memory_space<vmem>>, vector<16xi32>,
      %get3A_376 = arith.constant 3 : i32
      %get3A_377 = arith.index_cast %get3A_376 : i32 to index
      %get3A_378 = arith.constant 32 : index
      %get3A_379 = tpu.vector_load %arg8[%get3A_377, %get3A_378] {strides = array<i32>} : memref<16x128xi32, #tpu.memory_space<vmem>>, vector<1x16xi32>,
      %get3A_380 = vector.shape_cast %get3A_379 : vector<1x16xi32> to vector<16xi32>
      %swap3A_381 = arith.constant 32 : index
      %swap3A_382 = tpu.vector_load %arg11[%swap3A_381] {strides = array<i32>} : memref<64xi32, #tpu.memory_space<vmem>>, vector<16xi32>,
      %swap3A_383 = vector.shape_cast %swap3A_382 : vector<16xi32> to vector<16xi32>
      %swap3A_384 = vector.shape_cast %get3A_380 : vector<16xi32> to vector<16xi32>
      tpu.vector_store %arg11[%swap3A_381], %swap3A_384 {strides = array<i32>} : memref<64xi32, #tpu.memory_space<vmem>>, vector<16xi32>,
      %get3A_385 = arith.constant 3 : i32
      %get3A_386 = arith.index_cast %get3A_385 : i32 to index
      %get3A_387 = arith.constant 48 : index
      %get3A_388 = tpu.vector_load %arg8[%get3A_386, %get3A_387] {strides = array<i32>} : memref<16x128xi32, #tpu.memory_space<vmem>>, vector<1x16xi32>,
      %get3A_389 = vector.shape_cast %get3A_388 : vector<1x16xi32> to vector<16xi32>
      %swap3A_390 = arith.constant 48 : index
      %swap3A_391 = tpu.vector_load %arg11[%swap3A_390] {strides = array<i32>} : memref<64xi32, #tpu.memory_space<vmem>>, vector<16xi32>,
      %swap3A_392 = vector.shape_cast %swap3A_391 : vector<16xi32> to vector<16xi32>
      %swap3A_393 = vector.shape_cast %get3A_389 : vector<16xi32> to vector<16xi32>
      tpu.vector_store %arg11[%swap3A_390], %swap3A_393 {strides = array<i32>} : memref<64xi32, #tpu.memory_space<vmem>>, vector<16xi32>,
      %dma_wait3A_394 = arith.constant 0 : i32
      %dma_wait3A_395 = arith.constant 0 : i32
      %dma_wait3A_396 = tpu.memref_slice %arg7[%dma_wait3A_394, %dma_wait3A_395] : memref<16x128xi32, #tpu.memory_space<vmem>> -> memref<1x64xi32, #tpu.memory_space<vmem>>
      %dma_wait3A_397 = tpu.memref_squeeze %dma_wait3A_396 : memref<1x64xi32, #tpu.memory_space<vmem>> -> memref<64xi32, #tpu.memory_space<vmem>>
      %dma_wait3A_398 = arith.constant 0 : i32
      %dma_wait3A_399 = arith.constant 0 : i32
      %dma_wait3A_400 = tpu.memref_slice %arg2[%dma_wait3A_398, %dma_wait3A_399] : memref<10000x128xf32, #tpu.memory_space<hbm>> -> memref<10000x128xf32, #tpu.memory_space<hbm>>
      tpu.wait_indirect_dma semaphore(%arg20 : memref<!tpu.dma_semaphore, #tpu.memory_space<semaphore_mem>>) src(%dma_wait3A_400 : memref<10000x128xf32, #tpu.memory_space<hbm>>) dst(%arg15 : memref<64x128xf32, #tpu.memory_space<vmem>>)
      "tpu.region"() ({
        %run_scoped3A = tpu.sem_alloc : memref<!tpu.dma_semaphore, #tpu.memory_space<semaphore_mem>>
        %dma_start3A_1630 = arith.constant 0 : i32
        %dma_start3A_1631 = arith.constant 0 : i32
        %dma_start3A_1632 = tpu.memref_slice %arg17[%dma_start3A_1630, %dma_start3A_1631] : memref<10240x128xf32, #tpu.memory_space<vmem_shared>> -> memref<10240x128xf32, #tpu.memory_space<vmem_shared>>
        tpu.enqueue_indirect_dma source(%arg15 : memref<64x128xf32, #tpu.memory_space<vmem>>) target(%dma_start3A_1632 : memref<10240x128xf32, #tpu.memory_space<vmem_shared>>) offsets(%arg11 : memref<64xi32, #tpu.memory_space<vmem>>) semaphore(%run_scoped3A : memref<!tpu.dma_semaphore, #tpu.memory_space<semaphore_mem>>) {add = true}
        %dma_wait3A_1633 = arith.constant 0 : i32
        %dma_wait3A_1634 = arith.constant 0 : i32
        %dma_wait3A_1635 = tpu.memref_slice %arg17[%dma_wait3A_1633, %dma_wait3A_1634] : memref<10240x128xf32, #tpu.memory_space<vmem_shared>> -> memref<10240x128xf32, #tpu.memory_space<vmem_shared>>
        tpu.wait_indirect_dma semaphore(%run_scoped3A : memref<!tpu.dma_semaphore, #tpu.memory_space<semaphore_mem>>) src(%arg15 : memref<64x128xf32, #tpu.memory_space<vmem>>) dst(%dma_wait3A_1635 : memref<10240x128xf32, #tpu.memory_space<vmem_shared>>)
        tpu.yield
      }) : () -> ()
      %dma_start3A_401 = arith.constant 5 : i32
      %dma_start3A_402 = arith.constant 0 : i32
      %dma_start3A_403 = tpu.memref_slice %arg7[%dma_start3A_401, %dma_start3A_402] : memref<16x128xi32, #tpu.memory_space<vmem>> -> memref<1x64xi32, #tpu.memory_space<vmem>>
      %dma_start3A_404 = tpu.memref_squeeze %dma_start3A_403 : memref<1x64xi32, #tpu.memory_space<vmem>> -> memref<64xi32, #tpu.memory_space<vmem>>
      %dma_start3A_405 = arith.constant 0 : i32
      %dma_start3A_406 = arith.constant 0 : i32
      %dma_start3A_407 = tpu.memref_slice %arg2[%dma_start3A_405, %dma_start3A_406] : memref<10000x128xf32, #tpu.memory_space<hbm>> -> memref<10000x128xf32, #tpu.memory_space<hbm>>
      tpu.enqueue_indirect_dma source(%dma_start3A_407 : memref<10000x128xf32, #tpu.memory_space<hbm>>) target(%arg15 : memref<64x128xf32, #tpu.memory_space<vmem>>) offsets(%dma_start3A_404 : memref<64xi32, #tpu.memory_space<vmem>>) semaphore(%arg20 : memref<!tpu.dma_semaphore, #tpu.memory_space<semaphore_mem>>)
      %get3A_408 = arith.constant 3 : i32
      %get3A_409 = arith.index_cast %get3A_408 : i32 to index
      %get3A_410 = arith.constant 64 : index
      %get3A_411 = tpu.vector_load %arg8[%get3A_409, %get3A_410] {strides = array<i32>} : memref<16x128xi32, #tpu.memory_space<vmem>>, vector<1x16xi32>,
      %get3A_412 = vector.shape_cast %get3A_411 : vector<1x16xi32> to vector<16xi32>
      %swap3A_413 = arith.constant 0 : index
      %swap3A_414 = tpu.vector_load %arg12[%swap3A_413] {strides = array<i32>} : memref<64xi32, #tpu.memory_space<vmem>>, vector<16xi32>,
      %swap3A_415 = vector.shape_cast %swap3A_414 : vector<16xi32> to vector<16xi32>
      %swap3A_416 = vector.shape_cast %get3A_412 : vector<16xi32> to vector<16xi32>
      tpu.vector_store %arg12[%swap3A_413], %swap3A_416 {strides = array<i32>} : memref<64xi32, #tpu.memory_space<vmem>>, vector<16xi32>,
      %get3A_417 = arith.constant 3 : i32
      %get3A_418 = arith.index_cast %get3A_417 : i32 to index
      %get3A_419 = arith.constant 80 : index
      %get3A_420 = tpu.vector_load %arg8[%get3A_418, %get3A_419] {strides = array<i32>} : memref<16x128xi32, #tpu.memory_space<vmem>>, vector<1x16xi32>,
      %get3A_421 = vector.shape_cast %get3A_420 : vector<1x16xi32> to vector<16xi32>
      %swap3A_422 = arith.constant 16 : index
      %swap3A_423 = tpu.vector_load %arg12[%swap3A_422] {strides = array<i32>} : memref<64xi32, #tpu.memory_space<vmem>>, vector<16xi32>,
      %swap3A_424 = vector.shape_cast %swap3A_423 : vector<16xi32> to vector<16xi32>
      %swap3A_425 = vector.shape_cast %get3A_421 : vector<16xi32> to vector<16xi32>
      tpu.vector_store %arg12[%swap3A_422], %swap3A_425 {strides = array<i32>} : memref<64xi32, #tpu.memory_space<vmem>>, vector<16xi32>,
      %get3A_426 = arith.constant 3 : i32
      %get3A_427 = arith.index_cast %get3A_426 : i32 to index
      %get3A_428 = arith.constant 96 : index
      %get3A_429 = tpu.vector_load %arg8[%get3A_427, %get3A_428] {strides = array<i32>} : memref<16x128xi32, #tpu.memory_space<vmem>>, vector<1x16xi32>,
      %get3A_430 = vector.shape_cast %get3A_429 : vector<1x16xi32> to vector<16xi32>
      %swap3A_431 = arith.constant 32 : index
      %swap3A_432 = tpu.vector_load %arg12[%swap3A_431] {strides = array<i32>} : memref<64xi32, #tpu.memory_space<vmem>>, vector<16xi32>,
      %swap3A_433 = vector.shape_cast %swap3A_432 : vector<16xi32> to vector<16xi32>
      %swap3A_434 = vector.shape_cast %get3A_430 : vector<16xi32> to vector<16xi32>
      tpu.vector_store %arg12[%swap3A_431], %swap3A_434 {strides = array<i32>} : memref<64xi32, #tpu.memory_space<vmem>>, vector<16xi32>,
      %get3A_435 = arith.constant 3 : i32
      %get3A_436 = arith.index_cast %get3A_435 : i32 to index
      %get3A_437 = arith.constant 112 : index
      %get3A_438 = tpu.vector_load %arg8[%get3A_436, %get3A_437] {strides = array<i32>} : memref<16x128xi32, #tpu.memory_space<vmem>>, vector<1x16xi32>,
      %get3A_439 = vector.shape_cast %get3A_438 : vector<1x16xi32> to vector<16xi32>
      %swap3A_440 = arith.constant 48 : index
      %swap3A_441 = tpu.vector_load %arg12[%swap3A_440] {strides = array<i32>} : memref<64xi32, #tpu.memory_space<vmem>>, vector<16xi32>,
      %swap3A_442 = vector.shape_cast %swap3A_441 : vector<16xi32> to vector<16xi32>
      %swap3A_443 = vector.shape_cast %get3A_439 : vector<16xi32> to vector<16xi32>
      tpu.vector_store %arg12[%swap3A_440], %swap3A_443 {strides = array<i32>} : memref<64xi32, #tpu.memory_space<vmem>>, vector<16xi32>,
      %dma_wait3A_444 = arith.constant 0 : i32
      %dma_wait3A_445 = arith.constant 0 : i32
      %dma_wait3A_446 = tpu.memref_slice %arg7[%dma_wait3A_444, %dma_wait3A_445] : memref<16x128xi32, #tpu.memory_space<vmem>> -> memref<1x64xi32, #tpu.memory_space<vmem>>
      %dma_wait3A_447 = tpu.memref_squeeze %dma_wait3A_446 : memref<1x64xi32, #tpu.memory_space<vmem>> -> memref<64xi32, #tpu.memory_space<vmem>>
      %dma_wait3A_448 = arith.constant 0 : i32
      %dma_wait3A_449 = arith.constant 0 : i32
      %dma_wait3A_450 = tpu.memref_slice %arg2[%dma_wait3A_448, %dma_wait3A_449] : memref<10000x128xf32, #tpu.memory_space<hbm>> -> memref<10000x128xf32, #tpu.memory_space<hbm>>
      tpu.wait_indirect_dma semaphore(%arg21 : memref<!tpu.dma_semaphore, #tpu.memory_space<semaphore_mem>>) src(%dma_wait3A_450 : memref<10000x128xf32, #tpu.memory_space<hbm>>) dst(%arg16 : memref<64x128xf32, #tpu.memory_space<vmem>>)
      "tpu.region"() ({
        %run_scoped3A = tpu.sem_alloc : memref<!tpu.dma_semaphore, #tpu.memory_space<semaphore_mem>>
        %dma_start3A_1630 = arith.constant 0 : i32
        %dma_start3A_1631 = arith.constant 0 : i32
        %dma_start3A_1632 = tpu.memref_slice %arg17[%dma_start3A_1630, %dma_start3A_1631] : memref<10240x128xf32, #tpu.memory_space<vmem_shared>> -> memref<10240x128xf32, #tpu.memory_space<vmem_shared>>
        tpu.enqueue_indirect_dma source(%arg16 : memref<64x128xf32, #tpu.memory_space<vmem>>) target(%dma_start3A_1632 : memref<10240x128xf32, #tpu.memory_space<vmem_shared>>) offsets(%arg12 : memref<64xi32, #tpu.memory_space<vmem>>) semaphore(%run_scoped3A : memref<!tpu.dma_semaphore, #tpu.memory_space<semaphore_mem>>) {add = true}
        %dma_wait3A_1633 = arith.constant 0 : i32
        %dma_wait3A_1634 = arith.constant 0 : i32
        %dma_wait3A_1635 = tpu.memref_slice %arg17[%dma_wait3A_1633, %dma_wait3A_1634] : memref<10240x128xf32, #tpu.memory_space<vmem_shared>> -> memref<10240x128xf32, #tpu.memory_space<vmem_shared>>
        tpu.wait_indirect_dma semaphore(%run_scoped3A : memref<!tpu.dma_semaphore, #tpu.memory_space<semaphore_mem>>) src(%arg16 : memref<64x128xf32, #tpu.memory_space<vmem>>) dst(%dma_wait3A_1635 : memref<10240x128xf32, #tpu.memory_space<vmem_shared>>)
        tpu.yield
      }) : () -> ()
      %dma_start3A_451 = arith.constant 5 : i32
      %dma_start3A_452 = arith.constant 64 : i32
      %dma_start3A_453 = tpu.memref_slice %arg7[%dma_start3A_451, %dma_start3A_452] : memref<16x128xi32, #tpu.memory_space<vmem>> -> memref<1x64xi32, #tpu.memory_space<vmem>>
      %dma_start3A_454 = tpu.memref_squeeze %dma_start3A_453 : memref<1x64xi32, #tpu.memory_space<vmem>> -> memref<64xi32, #tpu.memory_space<vmem>>
      %dma_start3A_455 = arith.constant 0 : i32
      %dma_start3A_456 = arith.constant 0 : i32
      %dma_start3A_457 = tpu.memref_slice %arg2[%dma_start3A_455, %dma_start3A_456] : memref<10000x128xf32, #tpu.memory_space<hbm>> -> memref<10000x128xf32, #tpu.memory_space<hbm>>
      tpu.enqueue_indirect_dma source(%dma_start3A_457 : memref<10000x128xf32, #tpu.memory_space<hbm>>) target(%arg16 : memref<64x128xf32, #tpu.memory_space<vmem>>) offsets(%dma_start3A_454 : memref<64xi32, #tpu.memory_space<vmem>>) semaphore(%arg21 : memref<!tpu.dma_semaphore, #tpu.memory_space<semaphore_mem>>)
      %get3A_458 = arith.constant 4 : i32
      %get3A_459 = arith.index_cast %get3A_458 : i32 to index
      %get3A_460 = arith.constant 0 : index
      %get3A_461 = tpu.vector_load %arg8[%get3A_459, %get3A_460] {strides = array<i32>} : memref<16x128xi32, #tpu.memory_space<vmem>>, vector<1x16xi32>,
      %get3A_462 = vector.shape_cast %get3A_461 : vector<1x16xi32> to vector<16xi32>
      %swap3A_463 = arith.constant 0 : index
      %swap3A_464 = tpu.vector_load %arg9[%swap3A_463] {strides = array<i32>} : memref<64xi32, #tpu.memory_space<vmem>>, vector<16xi32>,
      %swap3A_465 = vector.shape_cast %swap3A_464 : vector<16xi32> to vector<16xi32>
      %swap3A_466 = vector.shape_cast %get3A_462 : vector<16xi32> to vector<16xi32>
      tpu.vector_store %arg9[%swap3A_463], %swap3A_466 {strides = array<i32>} : memref<64xi32, #tpu.memory_space<vmem>>, vector<16xi32>,
      %get3A_467 = arith.constant 4 : i32
      %get3A_468 = arith.index_cast %get3A_467 : i32 to index
      %get3A_469 = arith.constant 16 : index
      %get3A_470 = tpu.vector_load %arg8[%get3A_468, %get3A_469] {strides = array<i32>} : memref<16x128xi32, #tpu.memory_space<vmem>>, vector<1x16xi32>,
      %get3A_471 = vector.shape_cast %get3A_470 : vector<1x16xi32> to vector<16xi32>
      %swap3A_472 = arith.constant 16 : index
      %swap3A_473 = tpu.vector_load %arg9[%swap3A_472] {strides = array<i32>} : memref<64xi32, #tpu.memory_space<vmem>>, vector<16xi32>,
      %swap3A_474 = vector.shape_cast %swap3A_473 : vector<16xi32> to vector<16xi32>
      %swap3A_475 = vector.shape_cast %get3A_471 : vector<16xi32> to vector<16xi32>
      tpu.vector_store %arg9[%swap3A_472], %swap3A_475 {strides = array<i32>} : memref<64xi32, #tpu.memory_space<vmem>>, vector<16xi32>,
      %get3A_476 = arith.constant 4 : i32
      %get3A_477 = arith.index_cast %get3A_476 : i32 to index
      %get3A_478 = arith.constant 32 : index
      %get3A_479 = tpu.vector_load %arg8[%get3A_477, %get3A_478] {strides = array<i32>} : memref<16x128xi32, #tpu.memory_space<vmem>>, vector<1x16xi32>,
      %get3A_480 = vector.shape_cast %get3A_479 : vector<1x16xi32> to vector<16xi32>
      %swap3A_481 = arith.constant 32 : index
      %swap3A_482 = tpu.vector_load %arg9[%swap3A_481] {strides = array<i32>} : memref<64xi32, #tpu.memory_space<vmem>>, vector<16xi32>,
      %swap3A_483 = vector.shape_cast %swap3A_482 : vector<16xi32> to vector<16xi32>
      %swap3A_484 = vector.shape_cast %get3A_480 : vector<16xi32> to vector<16xi32>
      tpu.vector_store %arg9[%swap3A_481], %swap3A_484 {strides = array<i32>} : memref<64xi32, #tpu.memory_space<vmem>>, vector<16xi32>,
      %get3A_485 = arith.constant 4 : i32
      %get3A_486 = arith.index_cast %get3A_485 : i32 to index
      %get3A_487 = arith.constant 48 : index
      %get3A_488 = tpu.vector_load %arg8[%get3A_486, %get3A_487] {strides = array<i32>} : memref<16x128xi32, #tpu.memory_space<vmem>>, vector<1x16xi32>,
      %get3A_489 = vector.shape_cast %get3A_488 : vector<1x16xi32> to vector<16xi32>
      %swap3A_490 = arith.constant 48 : index
      %swap3A_491 = tpu.vector_load %arg9[%swap3A_490] {strides = array<i32>} : memref<64xi32, #tpu.memory_space<vmem>>, vector<16xi32>,
      %swap3A_492 = vector.shape_cast %swap3A_491 : vector<16xi32> to vector<16xi32>
      %swap3A_493 = vector.shape_cast %get3A_489 : vector<16xi32> to vector<16xi32>
      tpu.vector_store %arg9[%swap3A_490], %swap3A_493 {strides = array<i32>} : memref<64xi32, #tpu.memory_space<vmem>>, vector<16xi32>,
      %dma_wait3A_494 = arith.constant 0 : i32
      %dma_wait3A_495 = arith.constant 0 : i32
      %dma_wait3A_496 = tpu.memref_slice %arg7[%dma_wait3A_494, %dma_wait3A_495] : memref<16x128xi32, #tpu.memory_space<vmem>> -> memref<1x64xi32, #tpu.memory_space<vmem>>
      %dma_wait3A_497 = tpu.memref_squeeze %dma_wait3A_496 : memref<1x64xi32, #tpu.memory_space<vmem>> -> memref<64xi32, #tpu.memory_space<vmem>>
      %dma_wait3A_498 = arith.constant 0 : i32
      %dma_wait3A_499 = arith.constant 0 : i32
      %dma_wait3A_500 = tpu.memref_slice %arg2[%dma_wait3A_498, %dma_wait3A_499] : memref<10000x128xf32, #tpu.memory_space<hbm>> -> memref<10000x128xf32, #tpu.memory_space<hbm>>
      tpu.wait_indirect_dma semaphore(%arg18 : memref<!tpu.dma_semaphore, #tpu.memory_space<semaphore_mem>>) src(%dma_wait3A_500 : memref<10000x128xf32, #tpu.memory_space<hbm>>) dst(%arg13 : memref<64x128xf32, #tpu.memory_space<vmem>>)
      "tpu.region"() ({
        %run_scoped3A = tpu.sem_alloc : memref<!tpu.dma_semaphore, #tpu.memory_space<semaphore_mem>>
        %dma_start3A_1630 = arith.constant 0 : i32
        %dma_start3A_1631 = arith.constant 0 : i32
        %dma_start3A_1632 = tpu.memref_slice %arg17[%dma_start3A_1630, %dma_start3A_1631] : memref<10240x128xf32, #tpu.memory_space<vmem_shared>> -> memref<10240x128xf32, #tpu.memory_space<vmem_shared>>
        tpu.enqueue_indirect_dma source(%arg13 : memref<64x128xf32, #tpu.memory_space<vmem>>) target(%dma_start3A_1632 : memref<10240x128xf32, #tpu.memory_space<vmem_shared>>) offsets(%arg9 : memref<64xi32, #tpu.memory_space<vmem>>) semaphore(%run_scoped3A : memref<!tpu.dma_semaphore, #tpu.memory_space<semaphore_mem>>) {add = true}
        %dma_wait3A_1633 = arith.constant 0 : i32
        %dma_wait3A_1634 = arith.constant 0 : i32
        %dma_wait3A_1635 = tpu.memref_slice %arg17[%dma_wait3A_1633, %dma_wait3A_1634] : memref<10240x128xf32, #tpu.memory_space<vmem_shared>> -> memref<10240x128xf32, #tpu.memory_space<vmem_shared>>
        tpu.wait_indirect_dma semaphore(%run_scoped3A : memref<!tpu.dma_semaphore, #tpu.memory_space<semaphore_mem>>) src(%arg13 : memref<64x128xf32, #tpu.memory_space<vmem>>) dst(%dma_wait3A_1635 : memref<10240x128xf32, #tpu.memory_space<vmem_shared>>)
        tpu.yield
      }) : () -> ()
      %dma_start3A_501 = arith.constant 6 : i32
      %dma_start3A_502 = arith.constant 0 : i32
      %dma_start3A_503 = tpu.memref_slice %arg7[%dma_start3A_501, %dma_start3A_502] : memref<16x128xi32, #tpu.memory_space<vmem>> -> memref<1x64xi32, #tpu.memory_space<vmem>>
      %dma_start3A_504 = tpu.memref_squeeze %dma_start3A_503 : memref<1x64xi32, #tpu.memory_space<vmem>> -> memref<64xi32, #tpu.memory_space<vmem>>
      %dma_start3A_505 = arith.constant 0 : i32
      %dma_start3A_506 = arith.constant 0 : i32
      %dma_start3A_507 = tpu.memref_slice %arg2[%dma_start3A_505, %dma_start3A_506] : memref<10000x128xf32, #tpu.memory_space<hbm>> -> memref<10000x128xf32, #tpu.memory_space<hbm>>
      tpu.enqueue_indirect_dma source(%dma_start3A_507 : memref<10000x128xf32, #tpu.memory_space<hbm>>) target(%arg13 : memref<64x128xf32, #tpu.memory_space<vmem>>) offsets(%dma_start3A_504 : memref<64xi32, #tpu.memory_space<vmem>>) semaphore(%arg18 : memref<!tpu.dma_semaphore, #tpu.memory_space<semaphore_mem>>)
      %get3A_508 = arith.constant 4 : i32
      %get3A_509 = arith.index_cast %get3A_508 : i32 to index
      %get3A_510 = arith.constant 64 : index
      %get3A_511 = tpu.vector_load %arg8[%get3A_509, %get3A_510] {strides = array<i32>} : memref<16x128xi32, #tpu.memory_space<vmem>>, vector<1x16xi32>,
      %get3A_512 = vector.shape_cast %get3A_511 : vector<1x16xi32> to vector<16xi32>
      %swap3A_513 = arith.constant 0 : index
      %swap3A_514 = tpu.vector_load %arg10[%swap3A_513] {strides = array<i32>} : memref<64xi32, #tpu.memory_space<vmem>>, vector<16xi32>,
      %swap3A_515 = vector.shape_cast %swap3A_514 : vector<16xi32> to vector<16xi32>
      %swap3A_516 = vector.shape_cast %get3A_512 : vector<16xi32> to vector<16xi32>
      tpu.vector_store %arg10[%swap3A_513], %swap3A_516 {strides = array<i32>} : memref<64xi32, #tpu.memory_space<vmem>>, vector<16xi32>,
      %get3A_517 = arith.constant 4 : i32
      %get3A_518 = arith.index_cast %get3A_517 : i32 to index
      %get3A_519 = arith.constant 80 : index
      %get3A_520 = tpu.vector_load %arg8[%get3A_518, %get3A_519] {strides = array<i32>} : memref<16x128xi32, #tpu.memory_space<vmem>>, vector<1x16xi32>,
      %get3A_521 = vector.shape_cast %get3A_520 : vector<1x16xi32> to vector<16xi32>
      %swap3A_522 = arith.constant 16 : index
      %swap3A_523 = tpu.vector_load %arg10[%swap3A_522] {strides = array<i32>} : memref<64xi32, #tpu.memory_space<vmem>>, vector<16xi32>,
      %swap3A_524 = vector.shape_cast %swap3A_523 : vector<16xi32> to vector<16xi32>
      %swap3A_525 = vector.shape_cast %get3A_521 : vector<16xi32> to vector<16xi32>
      tpu.vector_store %arg10[%swap3A_522], %swap3A_525 {strides = array<i32>} : memref<64xi32, #tpu.memory_space<vmem>>, vector<16xi32>,
      %get3A_526 = arith.constant 4 : i32
      %get3A_527 = arith.index_cast %get3A_526 : i32 to index
      %get3A_528 = arith.constant 96 : index
      %get3A_529 = tpu.vector_load %arg8[%get3A_527, %get3A_528] {strides = array<i32>} : memref<16x128xi32, #tpu.memory_space<vmem>>, vector<1x16xi32>,
      %get3A_530 = vector.shape_cast %get3A_529 : vector<1x16xi32> to vector<16xi32>
      %swap3A_531 = arith.constant 32 : index
      %swap3A_532 = tpu.vector_load %arg10[%swap3A_531] {strides = array<i32>} : memref<64xi32, #tpu.memory_space<vmem>>, vector<16xi32>,
      %swap3A_533 = vector.shape_cast %swap3A_532 : vector<16xi32> to vector<16xi32>
      %swap3A_534 = vector.shape_cast %get3A_530 : vector<16xi32> to vector<16xi32>
      tpu.vector_store %arg10[%swap3A_531], %swap3A_534 {strides = array<i32>} : memref<64xi32, #tpu.memory_space<vmem>>, vector<16xi32>,
      %get3A_535 = arith.constant 4 : i32
      %get3A_536 = arith.index_cast %get3A_535 : i32 to index
      %get3A_537 = arith.constant 112 : index
      %get3A_538 = tpu.vector_load %arg8[%get3A_536, %get3A_537] {strides = array<i32>} : memref<16x128xi32, #tpu.memory_space<vmem>>, vector<1x16xi32>,
      %get3A_539 = vector.shape_cast %get3A_538 : vector<1x16xi32> to vector<16xi32>
      %swap3A_540 = arith.constant 48 : index
      %swap3A_541 = tpu.vector_load %arg10[%swap3A_540] {strides = array<i32>} : memref<64xi32, #tpu.memory_space<vmem>>, vector<16xi32>,
      %swap3A_542 = vector.shape_cast %swap3A_541 : vector<16xi32> to vector<16xi32>
      %swap3A_543 = vector.shape_cast %get3A_539 : vector<16xi32> to vector<16xi32>
      tpu.vector_store %arg10[%swap3A_540], %swap3A_543 {strides = array<i32>} : memref<64xi32, #tpu.memory_space<vmem>>, vector<16xi32>,
      %dma_wait3A_544 = arith.constant 0 : i32
      %dma_wait3A_545 = arith.constant 0 : i32
      %dma_wait3A_546 = tpu.memref_slice %arg7[%dma_wait3A_544, %dma_wait3A_545] : memref<16x128xi32, #tpu.memory_space<vmem>> -> memref<1x64xi32, #tpu.memory_space<vmem>>
      %dma_wait3A_547 = tpu.memref_squeeze %dma_wait3A_546 : memref<1x64xi32, #tpu.memory_space<vmem>> -> memref<64xi32, #tpu.memory_space<vmem>>
      %dma_wait3A_548 = arith.constant 0 : i32
      %dma_wait3A_549 = arith.constant 0 : i32
      %dma_wait3A_550 = tpu.memref_slice %arg2[%dma_wait3A_548, %dma_wait3A_549] : memref<10000x128xf32, #tpu.memory_space<hbm>> -> memref<10000x128xf32, #tpu.memory_space<hbm>>
      tpu.wait_indirect_dma semaphore(%arg19 : memref<!tpu.dma_semaphore, #tpu.memory_space<semaphore_mem>>) src(%dma_wait3A_550 : memref<10000x128xf32, #tpu.memory_space<hbm>>) dst(%arg14 : memref<64x128xf32, #tpu.memory_space<vmem>>)
      "tpu.region"() ({
        %run_scoped3A = tpu.sem_alloc : memref<!tpu.dma_semaphore, #tpu.memory_space<semaphore_mem>>
        %dma_start3A_1630 = arith.constant 0 : i32
        %dma_start3A_1631 = arith.constant 0 : i32
        %dma_start3A_1632 = tpu.memref_slice %arg17[%dma_start3A_1630, %dma_start3A_1631] : memref<10240x128xf32, #tpu.memory_space<vmem_shared>> -> memref<10240x128xf32, #tpu.memory_space<vmem_shared>>
        tpu.enqueue_indirect_dma source(%arg14 : memref<64x128xf32, #tpu.memory_space<vmem>>) target(%dma_start3A_1632 : memref<10240x128xf32, #tpu.memory_space<vmem_shared>>) offsets(%arg10 : memref<64xi32, #tpu.memory_space<vmem>>) semaphore(%run_scoped3A : memref<!tpu.dma_semaphore, #tpu.memory_space<semaphore_mem>>) {add = true}
        %dma_wait3A_1633 = arith.constant 0 : i32
        %dma_wait3A_1634 = arith.constant 0 : i32
        %dma_wait3A_1635 = tpu.memref_slice %arg17[%dma_wait3A_1633, %dma_wait3A_1634] : memref<10240x128xf32, #tpu.memory_space<vmem_shared>> -> memref<10240x128xf32, #tpu.memory_space<vmem_shared>>
        tpu.wait_indirect_dma semaphore(%run_scoped3A : memref<!tpu.dma_semaphore, #tpu.memory_space<semaphore_mem>>) src(%arg14 : memref<64x128xf32, #tpu.memory_space<vmem>>) dst(%dma_wait3A_1635 : memref<10240x128xf32, #tpu.memory_space<vmem_shared>>)
        tpu.yield
      }) : () -> ()
      %dma_start3A_551 = arith.constant 6 : i32
      %dma_start3A_552 = arith.constant 64 : i32
      %dma_start3A_553 = tpu.memref_slice %arg7[%dma_start3A_551, %dma_start3A_552] : memref<16x128xi32, #tpu.memory_space<vmem>> -> memref<1x64xi32, #tpu.memory_space<vmem>>
      %dma_start3A_554 = tpu.memref_squeeze %dma_start3A_553 : memref<1x64xi32, #tpu.memory_space<vmem>> -> memref<64xi32, #tpu.memory_space<vmem>>
      %dma_start3A_555 = arith.constant 0 : i32
      %dma_start3A_556 = arith.constant 0 : i32
      %dma_start3A_557 = tpu.memref_slice %arg2[%dma_start3A_555, %dma_start3A_556] : memref<10000x128xf32, #tpu.memory_space<hbm>> -> memref<10000x128xf32, #tpu.memory_space<hbm>>
      tpu.enqueue_indirect_dma source(%dma_start3A_557 : memref<10000x128xf32, #tpu.memory_space<hbm>>) target(%arg14 : memref<64x128xf32, #tpu.memory_space<vmem>>) offsets(%dma_start3A_554 : memref<64xi32, #tpu.memory_space<vmem>>) semaphore(%arg19 : memref<!tpu.dma_semaphore, #tpu.memory_space<semaphore_mem>>)
      %get3A_558 = arith.constant 5 : i32
      %get3A_559 = arith.index_cast %get3A_558 : i32 to index
      %get3A_560 = arith.constant 0 : index
      %get3A_561 = tpu.vector_load %arg8[%get3A_559, %get3A_560] {strides = array<i32>} : memref<16x128xi32, #tpu.memory_space<vmem>>, vector<1x16xi32>,
      %get3A_562 = vector.shape_cast %get3A_561 : vector<1x16xi32> to vector<16xi32>
      %swap3A_563 = arith.constant 0 : index
      %swap3A_564 = tpu.vector_load %arg11[%swap3A_563] {strides = array<i32>} : memref<64xi32, #tpu.memory_space<vmem>>, vector<16xi32>,
      %swap3A_565 = vector.shape_cast %swap3A_564 : vector<16xi32> to vector<16xi32>
      %swap3A_566 = vector.shape_cast %get3A_562 : vector<16xi32> to vector<16xi32>
      tpu.vector_store %arg11[%swap3A_563], %swap3A_566 {strides = array<i32>} : memref<64xi32, #tpu.memory_space<vmem>>, vector<16xi32>,
      %get3A_567 = arith.constant 5 : i32
      %get3A_568 = arith.index_cast %get3A_567 : i32 to index
      %get3A_569 = arith.constant 16 : index
      %get3A_570 = tpu.vector_load %arg8[%get3A_568, %get3A_569] {strides = array<i32>} : memref<16x128xi32, #tpu.memory_space<vmem>>, vector<1x16xi32>,
      %get3A_571 = vector.shape_cast %get3A_570 : vector<1x16xi32> to vector<16xi32>
      %swap3A_572 = arith.constant 16 : index
      %swap3A_573 = tpu.vector_load %arg11[%swap3A_572] {strides = array<i32>} : memref<64xi32, #tpu.memory_space<vmem>>, vector<16xi32>,
      %swap3A_574 = vector.shape_cast %swap3A_573 : vector<16xi32> to vector<16xi32>
      %swap3A_575 = vector.shape_cast %get3A_571 : vector<16xi32> to vector<16xi32>
      tpu.vector_store %arg11[%swap3A_572], %swap3A_575 {strides = array<i32>} : memref<64xi32, #tpu.memory_space<vmem>>, vector<16xi32>,
      %get3A_576 = arith.constant 5 : i32
      %get3A_577 = arith.index_cast %get3A_576 : i32 to index
      %get3A_578 = arith.constant 32 : index
      %get3A_579 = tpu.vector_load %arg8[%get3A_577, %get3A_578] {strides = array<i32>} : memref<16x128xi32, #tpu.memory_space<vmem>>, vector<1x16xi32>,
      %get3A_580 = vector.shape_cast %get3A_579 : vector<1x16xi32> to vector<16xi32>
      %swap3A_581 = arith.constant 32 : index
      %swap3A_582 = tpu.vector_load %arg11[%swap3A_581] {strides = array<i32>} : memref<64xi32, #tpu.memory_space<vmem>>, vector<16xi32>,
      %swap3A_583 = vector.shape_cast %swap3A_582 : vector<16xi32> to vector<16xi32>
      %swap3A_584 = vector.shape_cast %get3A_580 : vector<16xi32> to vector<16xi32>
      tpu.vector_store %arg11[%swap3A_581], %swap3A_584 {strides = array<i32>} : memref<64xi32, #tpu.memory_space<vmem>>, vector<16xi32>,
      %get3A_585 = arith.constant 5 : i32
      %get3A_586 = arith.index_cast %get3A_585 : i32 to index
      %get3A_587 = arith.constant 48 : index
      %get3A_588 = tpu.vector_load %arg8[%get3A_586, %get3A_587] {strides = array<i32>} : memref<16x128xi32, #tpu.memory_space<vmem>>, vector<1x16xi32>,
      %get3A_589 = vector.shape_cast %get3A_588 : vector<1x16xi32> to vector<16xi32>
      %swap3A_590 = arith.constant 48 : index
      %swap3A_591 = tpu.vector_load %arg11[%swap3A_590] {strides = array<i32>} : memref<64xi32, #tpu.memory_space<vmem>>, vector<16xi32>,
      %swap3A_592 = vector.shape_cast %swap3A_591 : vector<16xi32> to vector<16xi32>
      %swap3A_593 = vector.shape_cast %get3A_589 : vector<16xi32> to vector<16xi32>
      tpu.vector_store %arg11[%swap3A_590], %swap3A_593 {strides = array<i32>} : memref<64xi32, #tpu.memory_space<vmem>>, vector<16xi32>,
      %dma_wait3A_594 = arith.constant 0 : i32
      %dma_wait3A_595 = arith.constant 0 : i32
      %dma_wait3A_596 = tpu.memref_slice %arg7[%dma_wait3A_594, %dma_wait3A_595] : memref<16x128xi32, #tpu.memory_space<vmem>> -> memref<1x64xi32, #tpu.memory_space<vmem>>
      %dma_wait3A_597 = tpu.memref_squeeze %dma_wait3A_596 : memref<1x64xi32, #tpu.memory_space<vmem>> -> memref<64xi32, #tpu.memory_space<vmem>>
      %dma_wait3A_598 = arith.constant 0 : i32
      %dma_wait3A_599 = arith.constant 0 : i32
      %dma_wait3A_600 = tpu.memref_slice %arg2[%dma_wait3A_598, %dma_wait3A_599] : memref<10000x128xf32, #tpu.memory_space<hbm>> -> memref<10000x128xf32, #tpu.memory_space<hbm>>
      tpu.wait_indirect_dma semaphore(%arg20 : memref<!tpu.dma_semaphore, #tpu.memory_space<semaphore_mem>>) src(%dma_wait3A_600 : memref<10000x128xf32, #tpu.memory_space<hbm>>) dst(%arg15 : memref<64x128xf32, #tpu.memory_space<vmem>>)
      "tpu.region"() ({
        %run_scoped3A = tpu.sem_alloc : memref<!tpu.dma_semaphore, #tpu.memory_space<semaphore_mem>>
        %dma_start3A_1630 = arith.constant 0 : i32
        %dma_start3A_1631 = arith.constant 0 : i32
        %dma_start3A_1632 = tpu.memref_slice %arg17[%dma_start3A_1630, %dma_start3A_1631] : memref<10240x128xf32, #tpu.memory_space<vmem_shared>> -> memref<10240x128xf32, #tpu.memory_space<vmem_shared>>
        tpu.enqueue_indirect_dma source(%arg15 : memref<64x128xf32, #tpu.memory_space<vmem>>) target(%dma_start3A_1632 : memref<10240x128xf32, #tpu.memory_space<vmem_shared>>) offsets(%arg11 : memref<64xi32, #tpu.memory_space<vmem>>) semaphore(%run_scoped3A : memref<!tpu.dma_semaphore, #tpu.memory_space<semaphore_mem>>) {add = true}
        %dma_wait3A_1633 = arith.constant 0 : i32
        %dma_wait3A_1634 = arith.constant 0 : i32
        %dma_wait3A_1635 = tpu.memref_slice %arg17[%dma_wait3A_1633, %dma_wait3A_1634] : memref<10240x128xf32, #tpu.memory_space<vmem_shared>> -> memref<10240x128xf32, #tpu.memory_space<vmem_shared>>
        tpu.wait_indirect_dma semaphore(%run_scoped3A : memref<!tpu.dma_semaphore, #tpu.memory_space<semaphore_mem>>) src(%arg15 : memref<64x128xf32, #tpu.memory_space<vmem>>) dst(%dma_wait3A_1635 : memref<10240x128xf32, #tpu.memory_space<vmem_shared>>)
        tpu.yield
      }) : () -> ()
      %dma_start3A_601 = arith.constant 7 : i32
      %dma_start3A_602 = arith.constant 0 : i32
      %dma_start3A_603 = tpu.memref_slice %arg7[%dma_start3A_601, %dma_start3A_602] : memref<16x128xi32, #tpu.memory_space<vmem>> -> memref<1x64xi32, #tpu.memory_space<vmem>>
      %dma_start3A_604 = tpu.memref_squeeze %dma_start3A_603 : memref<1x64xi32, #tpu.memory_space<vmem>> -> memref<64xi32, #tpu.memory_space<vmem>>
      %dma_start3A_605 = arith.constant 0 : i32
      %dma_start3A_606 = arith.constant 0 : i32
      %dma_start3A_607 = tpu.memref_slice %arg2[%dma_start3A_605, %dma_start3A_606] : memref<10000x128xf32, #tpu.memory_space<hbm>> -> memref<10000x128xf32, #tpu.memory_space<hbm>>
      tpu.enqueue_indirect_dma source(%dma_start3A_607 : memref<10000x128xf32, #tpu.memory_space<hbm>>) target(%arg15 : memref<64x128xf32, #tpu.memory_space<vmem>>) offsets(%dma_start3A_604 : memref<64xi32, #tpu.memory_space<vmem>>) semaphore(%arg20 : memref<!tpu.dma_semaphore, #tpu.memory_space<semaphore_mem>>)
      %get3A_608 = arith.constant 5 : i32
      %get3A_609 = arith.index_cast %get3A_608 : i32 to index
      %get3A_610 = arith.constant 64 : index
      %get3A_611 = tpu.vector_load %arg8[%get3A_609, %get3A_610] {strides = array<i32>} : memref<16x128xi32, #tpu.memory_space<vmem>>, vector<1x16xi32>,
      %get3A_612 = vector.shape_cast %get3A_611 : vector<1x16xi32> to vector<16xi32>
      %swap3A_613 = arith.constant 0 : index
      %swap3A_614 = tpu.vector_load %arg12[%swap3A_613] {strides = array<i32>} : memref<64xi32, #tpu.memory_space<vmem>>, vector<16xi32>,
      %swap3A_615 = vector.shape_cast %swap3A_614 : vector<16xi32> to vector<16xi32>
      %swap3A_616 = vector.shape_cast %get3A_612 : vector<16xi32> to vector<16xi32>
      tpu.vector_store %arg12[%swap3A_613], %swap3A_616 {strides = array<i32>} : memref<64xi32, #tpu.memory_space<vmem>>, vector<16xi32>,
      %get3A_617 = arith.constant 5 : i32
      %get3A_618 = arith.index_cast %get3A_617 : i32 to index
      %get3A_619 = arith.constant 80 : index
      %get3A_620 = tpu.vector_load %arg8[%get3A_618, %get3A_619] {strides = array<i32>} : memref<16x128xi32, #tpu.memory_space<vmem>>, vector<1x16xi32>,
      %get3A_621 = vector.shape_cast %get3A_620 : vector<1x16xi32> to vector<16xi32>
      %swap3A_622 = arith.constant 16 : index
      %swap3A_623 = tpu.vector_load %arg12[%swap3A_622] {strides = array<i32>} : memref<64xi32, #tpu.memory_space<vmem>>, vector<16xi32>,
      %swap3A_624 = vector.shape_cast %swap3A_623 : vector<16xi32> to vector<16xi32>
      %swap3A_625 = vector.shape_cast %get3A_621 : vector<16xi32> to vector<16xi32>
      tpu.vector_store %arg12[%swap3A_622], %swap3A_625 {strides = array<i32>} : memref<64xi32, #tpu.memory_space<vmem>>, vector<16xi32>,
      %get3A_626 = arith.constant 5 : i32
      %get3A_627 = arith.index_cast %get3A_626 : i32 to index
      %get3A_628 = arith.constant 96 : index
      %get3A_629 = tpu.vector_load %arg8[%get3A_627, %get3A_628] {strides = array<i32>} : memref<16x128xi32, #tpu.memory_space<vmem>>, vector<1x16xi32>,
      %get3A_630 = vector.shape_cast %get3A_629 : vector<1x16xi32> to vector<16xi32>
      %swap3A_631 = arith.constant 32 : index
      %swap3A_632 = tpu.vector_load %arg12[%swap3A_631] {strides = array<i32>} : memref<64xi32, #tpu.memory_space<vmem>>, vector<16xi32>,
      %swap3A_633 = vector.shape_cast %swap3A_632 : vector<16xi32> to vector<16xi32>
      %swap3A_634 = vector.shape_cast %get3A_630 : vector<16xi32> to vector<16xi32>
      tpu.vector_store %arg12[%swap3A_631], %swap3A_634 {strides = array<i32>} : memref<64xi32, #tpu.memory_space<vmem>>, vector<16xi32>,
      %get3A_635 = arith.constant 5 : i32
      %get3A_636 = arith.index_cast %get3A_635 : i32 to index
      %get3A_637 = arith.constant 112 : index
      %get3A_638 = tpu.vector_load %arg8[%get3A_636, %get3A_637] {strides = array<i32>} : memref<16x128xi32, #tpu.memory_space<vmem>>, vector<1x16xi32>,
      %get3A_639 = vector.shape_cast %get3A_638 : vector<1x16xi32> to vector<16xi32>
      %swap3A_640 = arith.constant 48 : index
      %swap3A_641 = tpu.vector_load %arg12[%swap3A_640] {strides = array<i32>} : memref<64xi32, #tpu.memory_space<vmem>>, vector<16xi32>,
      %swap3A_642 = vector.shape_cast %swap3A_641 : vector<16xi32> to vector<16xi32>
      %swap3A_643 = vector.shape_cast %get3A_639 : vector<16xi32> to vector<16xi32>
      tpu.vector_store %arg12[%swap3A_640], %swap3A_643 {strides = array<i32>} : memref<64xi32, #tpu.memory_space<vmem>>, vector<16xi32>,
      %dma_wait3A_644 = arith.constant 0 : i32
      %dma_wait3A_645 = arith.constant 0 : i32
      %dma_wait3A_646 = tpu.memref_slice %arg7[%dma_wait3A_644, %dma_wait3A_645] : memref<16x128xi32, #tpu.memory_space<vmem>> -> memref<1x64xi32, #tpu.memory_space<vmem>>
      %dma_wait3A_647 = tpu.memref_squeeze %dma_wait3A_646 : memref<1x64xi32, #tpu.memory_space<vmem>> -> memref<64xi32, #tpu.memory_space<vmem>>
      %dma_wait3A_648 = arith.constant 0 : i32
      %dma_wait3A_649 = arith.constant 0 : i32
      %dma_wait3A_650 = tpu.memref_slice %arg2[%dma_wait3A_648, %dma_wait3A_649] : memref<10000x128xf32, #tpu.memory_space<hbm>> -> memref<10000x128xf32, #tpu.memory_space<hbm>>
      tpu.wait_indirect_dma semaphore(%arg21 : memref<!tpu.dma_semaphore, #tpu.memory_space<semaphore_mem>>) src(%dma_wait3A_650 : memref<10000x128xf32, #tpu.memory_space<hbm>>) dst(%arg16 : memref<64x128xf32, #tpu.memory_space<vmem>>)
      "tpu.region"() ({
        %run_scoped3A = tpu.sem_alloc : memref<!tpu.dma_semaphore, #tpu.memory_space<semaphore_mem>>
        %dma_start3A_1630 = arith.constant 0 : i32
        %dma_start3A_1631 = arith.constant 0 : i32
        %dma_start3A_1632 = tpu.memref_slice %arg17[%dma_start3A_1630, %dma_start3A_1631] : memref<10240x128xf32, #tpu.memory_space<vmem_shared>> -> memref<10240x128xf32, #tpu.memory_space<vmem_shared>>
        tpu.enqueue_indirect_dma source(%arg16 : memref<64x128xf32, #tpu.memory_space<vmem>>) target(%dma_start3A_1632 : memref<10240x128xf32, #tpu.memory_space<vmem_shared>>) offsets(%arg12 : memref<64xi32, #tpu.memory_space<vmem>>) semaphore(%run_scoped3A : memref<!tpu.dma_semaphore, #tpu.memory_space<semaphore_mem>>) {add = true}
        %dma_wait3A_1633 = arith.constant 0 : i32
        %dma_wait3A_1634 = arith.constant 0 : i32
        %dma_wait3A_1635 = tpu.memref_slice %arg17[%dma_wait3A_1633, %dma_wait3A_1634] : memref<10240x128xf32, #tpu.memory_space<vmem_shared>> -> memref<10240x128xf32, #tpu.memory_space<vmem_shared>>
        tpu.wait_indirect_dma semaphore(%run_scoped3A : memref<!tpu.dma_semaphore, #tpu.memory_space<semaphore_mem>>) src(%arg16 : memref<64x128xf32, #tpu.memory_space<vmem>>) dst(%dma_wait3A_1635 : memref<10240x128xf32, #tpu.memory_space<vmem_shared>>)
        tpu.yield
      }) : () -> ()
      %dma_start3A_651 = arith.constant 7 : i32
      %dma_start3A_652 = arith.constant 64 : i32
      %dma_start3A_653 = tpu.memref_slice %arg7[%dma_start3A_651, %dma_start3A_652] : memref<16x128xi32, #tpu.memory_space<vmem>> -> memref<1x64xi32, #tpu.memory_space<vmem>>
      %dma_start3A_654 = tpu.memref_squeeze %dma_start3A_653 : memref<1x64xi32, #tpu.memory_space<vmem>> -> memref<64xi32, #tpu.memory_space<vmem>>
      %dma_start3A_655 = arith.constant 0 : i32
      %dma_start3A_656 = arith.constant 0 : i32
      %dma_start3A_657 = tpu.memref_slice %arg2[%dma_start3A_655, %dma_start3A_656] : memref<10000x128xf32, #tpu.memory_space<hbm>> -> memref<10000x128xf32, #tpu.memory_space<hbm>>
      tpu.enqueue_indirect_dma source(%dma_start3A_657 : memref<10000x128xf32, #tpu.memory_space<hbm>>) target(%arg16 : memref<64x128xf32, #tpu.memory_space<vmem>>) offsets(%dma_start3A_654 : memref<64xi32, #tpu.memory_space<vmem>>) semaphore(%arg21 : memref<!tpu.dma_semaphore, #tpu.memory_space<semaphore_mem>>)
      %get3A_658 = arith.constant 6 : i32
      %get3A_659 = arith.index_cast %get3A_658 : i32 to index
      %get3A_660 = arith.constant 0 : index
      %get3A_661 = tpu.vector_load %arg8[%get3A_659, %get3A_660] {strides = array<i32>} : memref<16x128xi32, #tpu.memory_space<vmem>>, vector<1x16xi32>,
      %get3A_662 = vector.shape_cast %get3A_661 : vector<1x16xi32> to vector<16xi32>
      %swap3A_663 = arith.constant 0 : index
      %swap3A_664 = tpu.vector_load %arg9[%swap3A_663] {strides = array<i32>} : memref<64xi32, #tpu.memory_space<vmem>>, vector<16xi32>,
      %swap3A_665 = vector.shape_cast %swap3A_664 : vector<16xi32> to vector<16xi32>
      %swap3A_666 = vector.shape_cast %get3A_662 : vector<16xi32> to vector<16xi32>
      tpu.vector_store %arg9[%swap3A_663], %swap3A_666 {strides = array<i32>} : memref<64xi32, #tpu.memory_space<vmem>>, vector<16xi32>,
      %get3A_667 = arith.constant 6 : i32
      %get3A_668 = arith.index_cast %get3A_667 : i32 to index
      %get3A_669 = arith.constant 16 : index
      %get3A_670 = tpu.vector_load %arg8[%get3A_668, %get3A_669] {strides = array<i32>} : memref<16x128xi32, #tpu.memory_space<vmem>>, vector<1x16xi32>,
      %get3A_671 = vector.shape_cast %get3A_670 : vector<1x16xi32> to vector<16xi32>
      %swap3A_672 = arith.constant 16 : index
      %swap3A_673 = tpu.vector_load %arg9[%swap3A_672] {strides = array<i32>} : memref<64xi32, #tpu.memory_space<vmem>>, vector<16xi32>,
      %swap3A_674 = vector.shape_cast %swap3A_673 : vector<16xi32> to vector<16xi32>
      %swap3A_675 = vector.shape_cast %get3A_671 : vector<16xi32> to vector<16xi32>
      tpu.vector_store %arg9[%swap3A_672], %swap3A_675 {strides = array<i32>} : memref<64xi32, #tpu.memory_space<vmem>>, vector<16xi32>,
      %get3A_676 = arith.constant 6 : i32
      %get3A_677 = arith.index_cast %get3A_676 : i32 to index
      %get3A_678 = arith.constant 32 : index
      %get3A_679 = tpu.vector_load %arg8[%get3A_677, %get3A_678] {strides = array<i32>} : memref<16x128xi32, #tpu.memory_space<vmem>>, vector<1x16xi32>,
      %get3A_680 = vector.shape_cast %get3A_679 : vector<1x16xi32> to vector<16xi32>
      %swap3A_681 = arith.constant 32 : index
      %swap3A_682 = tpu.vector_load %arg9[%swap3A_681] {strides = array<i32>} : memref<64xi32, #tpu.memory_space<vmem>>, vector<16xi32>,
      %swap3A_683 = vector.shape_cast %swap3A_682 : vector<16xi32> to vector<16xi32>
      %swap3A_684 = vector.shape_cast %get3A_680 : vector<16xi32> to vector<16xi32>
      tpu.vector_store %arg9[%swap3A_681], %swap3A_684 {strides = array<i32>} : memref<64xi32, #tpu.memory_space<vmem>>, vector<16xi32>,
      %get3A_685 = arith.constant 6 : i32
      %get3A_686 = arith.index_cast %get3A_685 : i32 to index
      %get3A_687 = arith.constant 48 : index
      %get3A_688 = tpu.vector_load %arg8[%get3A_686, %get3A_687] {strides = array<i32>} : memref<16x128xi32, #tpu.memory_space<vmem>>, vector<1x16xi32>,
      %get3A_689 = vector.shape_cast %get3A_688 : vector<1x16xi32> to vector<16xi32>
      %swap3A_690 = arith.constant 48 : index
      %swap3A_691 = tpu.vector_load %arg9[%swap3A_690] {strides = array<i32>} : memref<64xi32, #tpu.memory_space<vmem>>, vector<16xi32>,
      %swap3A_692 = vector.shape_cast %swap3A_691 : vector<16xi32> to vector<16xi32>
      %swap3A_693 = vector.shape_cast %get3A_689 : vector<16xi32> to vector<16xi32>
      tpu.vector_store %arg9[%swap3A_690], %swap3A_693 {strides = array<i32>} : memref<64xi32, #tpu.memory_space<vmem>>, vector<16xi32>,
      %dma_wait3A_694 = arith.constant 0 : i32
      %dma_wait3A_695 = arith.constant 0 : i32
      %dma_wait3A_696 = tpu.memref_slice %arg7[%dma_wait3A_694, %dma_wait3A_695] : memref<16x128xi32, #tpu.memory_space<vmem>> -> memref<1x64xi32, #tpu.memory_space<vmem>>
      %dma_wait3A_697 = tpu.memref_squeeze %dma_wait3A_696 : memref<1x64xi32, #tpu.memory_space<vmem>> -> memref<64xi32, #tpu.memory_space<vmem>>
      %dma_wait3A_698 = arith.constant 0 : i32
      %dma_wait3A_699 = arith.constant 0 : i32
      %dma_wait3A_700 = tpu.memref_slice %arg2[%dma_wait3A_698, %dma_wait3A_699] : memref<10000x128xf32, #tpu.memory_space<hbm>> -> memref<10000x128xf32, #tpu.memory_space<hbm>>
      tpu.wait_indirect_dma semaphore(%arg18 : memref<!tpu.dma_semaphore, #tpu.memory_space<semaphore_mem>>) src(%dma_wait3A_700 : memref<10000x128xf32, #tpu.memory_space<hbm>>) dst(%arg13 : memref<64x128xf32, #tpu.memory_space<vmem>>)
      "tpu.region"() ({
        %run_scoped3A = tpu.sem_alloc : memref<!tpu.dma_semaphore, #tpu.memory_space<semaphore_mem>>
        %dma_start3A_1630 = arith.constant 0 : i32
        %dma_start3A_1631 = arith.constant 0 : i32
        %dma_start3A_1632 = tpu.memref_slice %arg17[%dma_start3A_1630, %dma_start3A_1631] : memref<10240x128xf32, #tpu.memory_space<vmem_shared>> -> memref<10240x128xf32, #tpu.memory_space<vmem_shared>>
        tpu.enqueue_indirect_dma source(%arg13 : memref<64x128xf32, #tpu.memory_space<vmem>>) target(%dma_start3A_1632 : memref<10240x128xf32, #tpu.memory_space<vmem_shared>>) offsets(%arg9 : memref<64xi32, #tpu.memory_space<vmem>>) semaphore(%run_scoped3A : memref<!tpu.dma_semaphore, #tpu.memory_space<semaphore_mem>>) {add = true}
        %dma_wait3A_1633 = arith.constant 0 : i32
        %dma_wait3A_1634 = arith.constant 0 : i32
        %dma_wait3A_1635 = tpu.memref_slice %arg17[%dma_wait3A_1633, %dma_wait3A_1634] : memref<10240x128xf32, #tpu.memory_space<vmem_shared>> -> memref<10240x128xf32, #tpu.memory_space<vmem_shared>>
        tpu.wait_indirect_dma semaphore(%run_scoped3A : memref<!tpu.dma_semaphore, #tpu.memory_space<semaphore_mem>>) src(%arg13 : memref<64x128xf32, #tpu.memory_space<vmem>>) dst(%dma_wait3A_1635 : memref<10240x128xf32, #tpu.memory_space<vmem_shared>>)
        tpu.yield
      }) : () -> ()
      %dma_start3A_701 = arith.constant 8 : i32
      %dma_start3A_702 = arith.constant 0 : i32
      %dma_start3A_703 = tpu.memref_slice %arg7[%dma_start3A_701, %dma_start3A_702] : memref<16x128xi32, #tpu.memory_space<vmem>> -> memref<1x64xi32, #tpu.memory_space<vmem>>
      %dma_start3A_704 = tpu.memref_squeeze %dma_start3A_703 : memref<1x64xi32, #tpu.memory_space<vmem>> -> memref<64xi32, #tpu.memory_space<vmem>>
      %dma_start3A_705 = arith.constant 0 : i32
      %dma_start3A_706 = arith.constant 0 : i32
      %dma_start3A_707 = tpu.memref_slice %arg2[%dma_start3A_705, %dma_start3A_706] : memref<10000x128xf32, #tpu.memory_space<hbm>> -> memref<10000x128xf32, #tpu.memory_space<hbm>>
      tpu.enqueue_indirect_dma source(%dma_start3A_707 : memref<10000x128xf32, #tpu.memory_space<hbm>>) target(%arg13 : memref<64x128xf32, #tpu.memory_space<vmem>>) offsets(%dma_start3A_704 : memref<64xi32, #tpu.memory_space<vmem>>) semaphore(%arg18 : memref<!tpu.dma_semaphore, #tpu.memory_space<semaphore_mem>>)
      %get3A_708 = arith.constant 6 : i32
      %get3A_709 = arith.index_cast %get3A_708 : i32 to index
      %get3A_710 = arith.constant 64 : index
      %get3A_711 = tpu.vector_load %arg8[%get3A_709, %get3A_710] {strides = array<i32>} : memref<16x128xi32, #tpu.memory_space<vmem>>, vector<1x16xi32>,
      %get3A_712 = vector.shape_cast %get3A_711 : vector<1x16xi32> to vector<16xi32>
      %swap3A_713 = arith.constant 0 : index
      %swap3A_714 = tpu.vector_load %arg10[%swap3A_713] {strides = array<i32>} : memref<64xi32, #tpu.memory_space<vmem>>, vector<16xi32>,
      %swap3A_715 = vector.shape_cast %swap3A_714 : vector<16xi32> to vector<16xi32>
      %swap3A_716 = vector.shape_cast %get3A_712 : vector<16xi32> to vector<16xi32>
      tpu.vector_store %arg10[%swap3A_713], %swap3A_716 {strides = array<i32>} : memref<64xi32, #tpu.memory_space<vmem>>, vector<16xi32>,
      %get3A_717 = arith.constant 6 : i32
      %get3A_718 = arith.index_cast %get3A_717 : i32 to index
      %get3A_719 = arith.constant 80 : index
      %get3A_720 = tpu.vector_load %arg8[%get3A_718, %get3A_719] {strides = array<i32>} : memref<16x128xi32, #tpu.memory_space<vmem>>, vector<1x16xi32>,
      %get3A_721 = vector.shape_cast %get3A_720 : vector<1x16xi32> to vector<16xi32>
      %swap3A_722 = arith.constant 16 : index
      %swap3A_723 = tpu.vector_load %arg10[%swap3A_722] {strides = array<i32>} : memref<64xi32, #tpu.memory_space<vmem>>, vector<16xi32>,
      %swap3A_724 = vector.shape_cast %swap3A_723 : vector<16xi32> to vector<16xi32>
      %swap3A_725 = vector.shape_cast %get3A_721 : vector<16xi32> to vector<16xi32>
      tpu.vector_store %arg10[%swap3A_722], %swap3A_725 {strides = array<i32>} : memref<64xi32, #tpu.memory_space<vmem>>, vector<16xi32>,
      %get3A_726 = arith.constant 6 : i32
      %get3A_727 = arith.index_cast %get3A_726 : i32 to index
      %get3A_728 = arith.constant 96 : index
      %get3A_729 = tpu.vector_load %arg8[%get3A_727, %get3A_728] {strides = array<i32>} : memref<16x128xi32, #tpu.memory_space<vmem>>, vector<1x16xi32>,
      %get3A_730 = vector.shape_cast %get3A_729 : vector<1x16xi32> to vector<16xi32>
      %swap3A_731 = arith.constant 32 : index
      %swap3A_732 = tpu.vector_load %arg10[%swap3A_731] {strides = array<i32>} : memref<64xi32, #tpu.memory_space<vmem>>, vector<16xi32>,
      %swap3A_733 = vector.shape_cast %swap3A_732 : vector<16xi32> to vector<16xi32>
      %swap3A_734 = vector.shape_cast %get3A_730 : vector<16xi32> to vector<16xi32>
      tpu.vector_store %arg10[%swap3A_731], %swap3A_734 {strides = array<i32>} : memref<64xi32, #tpu.memory_space<vmem>>, vector<16xi32>,
      %get3A_735 = arith.constant 6 : i32
      %get3A_736 = arith.index_cast %get3A_735 : i32 to index
      %get3A_737 = arith.constant 112 : index
      %get3A_738 = tpu.vector_load %arg8[%get3A_736, %get3A_737] {strides = array<i32>} : memref<16x128xi32, #tpu.memory_space<vmem>>, vector<1x16xi32>,
      %get3A_739 = vector.shape_cast %get3A_738 : vector<1x16xi32> to vector<16xi32>
      %swap3A_740 = arith.constant 48 : index
      %swap3A_741 = tpu.vector_load %arg10[%swap3A_740] {strides = array<i32>} : memref<64xi32, #tpu.memory_space<vmem>>, vector<16xi32>,
      %swap3A_742 = vector.shape_cast %swap3A_741 : vector<16xi32> to vector<16xi32>
      %swap3A_743 = vector.shape_cast %get3A_739 : vector<16xi32> to vector<16xi32>
      tpu.vector_store %arg10[%swap3A_740], %swap3A_743 {strides = array<i32>} : memref<64xi32, #tpu.memory_space<vmem>>, vector<16xi32>,
      %dma_wait3A_744 = arith.constant 0 : i32
      %dma_wait3A_745 = arith.constant 0 : i32
      %dma_wait3A_746 = tpu.memref_slice %arg7[%dma_wait3A_744, %dma_wait3A_745] : memref<16x128xi32, #tpu.memory_space<vmem>> -> memref<1x64xi32, #tpu.memory_space<vmem>>
      %dma_wait3A_747 = tpu.memref_squeeze %dma_wait3A_746 : memref<1x64xi32, #tpu.memory_space<vmem>> -> memref<64xi32, #tpu.memory_space<vmem>>
      %dma_wait3A_748 = arith.constant 0 : i32
      %dma_wait3A_749 = arith.constant 0 : i32
      %dma_wait3A_750 = tpu.memref_slice %arg2[%dma_wait3A_748, %dma_wait3A_749] : memref<10000x128xf32, #tpu.memory_space<hbm>> -> memref<10000x128xf32, #tpu.memory_space<hbm>>
      tpu.wait_indirect_dma semaphore(%arg19 : memref<!tpu.dma_semaphore, #tpu.memory_space<semaphore_mem>>) src(%dma_wait3A_750 : memref<10000x128xf32, #tpu.memory_space<hbm>>) dst(%arg14 : memref<64x128xf32, #tpu.memory_space<vmem>>)
      "tpu.region"() ({
        %run_scoped3A = tpu.sem_alloc : memref<!tpu.dma_semaphore, #tpu.memory_space<semaphore_mem>>
        %dma_start3A_1630 = arith.constant 0 : i32
        %dma_start3A_1631 = arith.constant 0 : i32
        %dma_start3A_1632 = tpu.memref_slice %arg17[%dma_start3A_1630, %dma_start3A_1631] : memref<10240x128xf32, #tpu.memory_space<vmem_shared>> -> memref<10240x128xf32, #tpu.memory_space<vmem_shared>>
        tpu.enqueue_indirect_dma source(%arg14 : memref<64x128xf32, #tpu.memory_space<vmem>>) target(%dma_start3A_1632 : memref<10240x128xf32, #tpu.memory_space<vmem_shared>>) offsets(%arg10 : memref<64xi32, #tpu.memory_space<vmem>>) semaphore(%run_scoped3A : memref<!tpu.dma_semaphore, #tpu.memory_space<semaphore_mem>>) {add = true}
        %dma_wait3A_1633 = arith.constant 0 : i32
        %dma_wait3A_1634 = arith.constant 0 : i32
        %dma_wait3A_1635 = tpu.memref_slice %arg17[%dma_wait3A_1633, %dma_wait3A_1634] : memref<10240x128xf32, #tpu.memory_space<vmem_shared>> -> memref<10240x128xf32, #tpu.memory_space<vmem_shared>>
        tpu.wait_indirect_dma semaphore(%run_scoped3A : memref<!tpu.dma_semaphore, #tpu.memory_space<semaphore_mem>>) src(%arg14 : memref<64x128xf32, #tpu.memory_space<vmem>>) dst(%dma_wait3A_1635 : memref<10240x128xf32, #tpu.memory_space<vmem_shared>>)
        tpu.yield
      }) : () -> ()
      %dma_start3A_751 = arith.constant 8 : i32
      %dma_start3A_752 = arith.constant 64 : i32
      %dma_start3A_753 = tpu.memref_slice %arg7[%dma_start3A_751, %dma_start3A_752] : memref<16x128xi32, #tpu.memory_space<vmem>> -> memref<1x64xi32, #tpu.memory_space<vmem>>
      %dma_start3A_754 = tpu.memref_squeeze %dma_start3A_753 : memref<1x64xi32, #tpu.memory_space<vmem>> -> memref<64xi32, #tpu.memory_space<vmem>>
      %dma_start3A_755 = arith.constant 0 : i32
      %dma_start3A_756 = arith.constant 0 : i32
      %dma_start3A_757 = tpu.memref_slice %arg2[%dma_start3A_755, %dma_start3A_756] : memref<10000x128xf32, #tpu.memory_space<hbm>> -> memref<10000x128xf32, #tpu.memory_space<hbm>>
      tpu.enqueue_indirect_dma source(%dma_start3A_757 : memref<10000x128xf32, #tpu.memory_space<hbm>>) target(%arg14 : memref<64x128xf32, #tpu.memory_space<vmem>>) offsets(%dma_start3A_754 : memref<64xi32, #tpu.memory_space<vmem>>) semaphore(%arg19 : memref<!tpu.dma_semaphore, #tpu.memory_space<semaphore_mem>>)
      %get3A_758 = arith.constant 7 : i32
      %get3A_759 = arith.index_cast %get3A_758 : i32 to index
      %get3A_760 = arith.constant 0 : index
      %get3A_761 = tpu.vector_load %arg8[%get3A_759, %get3A_760] {strides = array<i32>} : memref<16x128xi32, #tpu.memory_space<vmem>>, vector<1x16xi32>,
      %get3A_762 = vector.shape_cast %get3A_761 : vector<1x16xi32> to vector<16xi32>
      %swap3A_763 = arith.constant 0 : index
      %swap3A_764 = tpu.vector_load %arg11[%swap3A_763] {strides = array<i32>} : memref<64xi32, #tpu.memory_space<vmem>>, vector<16xi32>,
      %swap3A_765 = vector.shape_cast %swap3A_764 : vector<16xi32> to vector<16xi32>
      %swap3A_766 = vector.shape_cast %get3A_762 : vector<16xi32> to vector<16xi32>
      tpu.vector_store %arg11[%swap3A_763], %swap3A_766 {strides = array<i32>} : memref<64xi32, #tpu.memory_space<vmem>>, vector<16xi32>,
      %get3A_767 = arith.constant 7 : i32
      %get3A_768 = arith.index_cast %get3A_767 : i32 to index
      %get3A_769 = arith.constant 16 : index
      %get3A_770 = tpu.vector_load %arg8[%get3A_768, %get3A_769] {strides = array<i32>} : memref<16x128xi32, #tpu.memory_space<vmem>>, vector<1x16xi32>,
      %get3A_771 = vector.shape_cast %get3A_770 : vector<1x16xi32> to vector<16xi32>
      %swap3A_772 = arith.constant 16 : index
      %swap3A_773 = tpu.vector_load %arg11[%swap3A_772] {strides = array<i32>} : memref<64xi32, #tpu.memory_space<vmem>>, vector<16xi32>,
      %swap3A_774 = vector.shape_cast %swap3A_773 : vector<16xi32> to vector<16xi32>
      %swap3A_775 = vector.shape_cast %get3A_771 : vector<16xi32> to vector<16xi32>
      tpu.vector_store %arg11[%swap3A_772], %swap3A_775 {strides = array<i32>} : memref<64xi32, #tpu.memory_space<vmem>>, vector<16xi32>,
      %get3A_776 = arith.constant 7 : i32
      %get3A_777 = arith.index_cast %get3A_776 : i32 to index
      %get3A_778 = arith.constant 32 : index
      %get3A_779 = tpu.vector_load %arg8[%get3A_777, %get3A_778] {strides = array<i32>} : memref<16x128xi32, #tpu.memory_space<vmem>>, vector<1x16xi32>,
      %get3A_780 = vector.shape_cast %get3A_779 : vector<1x16xi32> to vector<16xi32>
      %swap3A_781 = arith.constant 32 : index
      %swap3A_782 = tpu.vector_load %arg11[%swap3A_781] {strides = array<i32>} : memref<64xi32, #tpu.memory_space<vmem>>, vector<16xi32>,
      %swap3A_783 = vector.shape_cast %swap3A_782 : vector<16xi32> to vector<16xi32>
      %swap3A_784 = vector.shape_cast %get3A_780 : vector<16xi32> to vector<16xi32>
      tpu.vector_store %arg11[%swap3A_781], %swap3A_784 {strides = array<i32>} : memref<64xi32, #tpu.memory_space<vmem>>, vector<16xi32>,
      %get3A_785 = arith.constant 7 : i32
      %get3A_786 = arith.index_cast %get3A_785 : i32 to index
      %get3A_787 = arith.constant 48 : index
      %get3A_788 = tpu.vector_load %arg8[%get3A_786, %get3A_787] {strides = array<i32>} : memref<16x128xi32, #tpu.memory_space<vmem>>, vector<1x16xi32>,
      %get3A_789 = vector.shape_cast %get3A_788 : vector<1x16xi32> to vector<16xi32>
      %swap3A_790 = arith.constant 48 : index
      %swap3A_791 = tpu.vector_load %arg11[%swap3A_790] {strides = array<i32>} : memref<64xi32, #tpu.memory_space<vmem>>, vector<16xi32>,
      %swap3A_792 = vector.shape_cast %swap3A_791 : vector<16xi32> to vector<16xi32>
      %swap3A_793 = vector.shape_cast %get3A_789 : vector<16xi32> to vector<16xi32>
      tpu.vector_store %arg11[%swap3A_790], %swap3A_793 {strides = array<i32>} : memref<64xi32, #tpu.memory_space<vmem>>, vector<16xi32>,
      %dma_wait3A_794 = arith.constant 0 : i32
      %dma_wait3A_795 = arith.constant 0 : i32
      %dma_wait3A_796 = tpu.memref_slice %arg7[%dma_wait3A_794, %dma_wait3A_795] : memref<16x128xi32, #tpu.memory_space<vmem>> -> memref<1x64xi32, #tpu.memory_space<vmem>>
      %dma_wait3A_797 = tpu.memref_squeeze %dma_wait3A_796 : memref<1x64xi32, #tpu.memory_space<vmem>> -> memref<64xi32, #tpu.memory_space<vmem>>
      %dma_wait3A_798 = arith.constant 0 : i32
      %dma_wait3A_799 = arith.constant 0 : i32
      %dma_wait3A_800 = tpu.memref_slice %arg2[%dma_wait3A_798, %dma_wait3A_799] : memref<10000x128xf32, #tpu.memory_space<hbm>> -> memref<10000x128xf32, #tpu.memory_space<hbm>>
      tpu.wait_indirect_dma semaphore(%arg20 : memref<!tpu.dma_semaphore, #tpu.memory_space<semaphore_mem>>) src(%dma_wait3A_800 : memref<10000x128xf32, #tpu.memory_space<hbm>>) dst(%arg15 : memref<64x128xf32, #tpu.memory_space<vmem>>)
      "tpu.region"() ({
        %run_scoped3A = tpu.sem_alloc : memref<!tpu.dma_semaphore, #tpu.memory_space<semaphore_mem>>
        %dma_start3A_1630 = arith.constant 0 : i32
        %dma_start3A_1631 = arith.constant 0 : i32
        %dma_start3A_1632 = tpu.memref_slice %arg17[%dma_start3A_1630, %dma_start3A_1631] : memref<10240x128xf32, #tpu.memory_space<vmem_shared>> -> memref<10240x128xf32, #tpu.memory_space<vmem_shared>>
        tpu.enqueue_indirect_dma source(%arg15 : memref<64x128xf32, #tpu.memory_space<vmem>>) target(%dma_start3A_1632 : memref<10240x128xf32, #tpu.memory_space<vmem_shared>>) offsets(%arg11 : memref<64xi32, #tpu.memory_space<vmem>>) semaphore(%run_scoped3A : memref<!tpu.dma_semaphore, #tpu.memory_space<semaphore_mem>>) {add = true}
        %dma_wait3A_1633 = arith.constant 0 : i32
        %dma_wait3A_1634 = arith.constant 0 : i32
        %dma_wait3A_1635 = tpu.memref_slice %arg17[%dma_wait3A_1633, %dma_wait3A_1634] : memref<10240x128xf32, #tpu.memory_space<vmem_shared>> -> memref<10240x128xf32, #tpu.memory_space<vmem_shared>>
        tpu.wait_indirect_dma semaphore(%run_scoped3A : memref<!tpu.dma_semaphore, #tpu.memory_space<semaphore_mem>>) src(%arg15 : memref<64x128xf32, #tpu.memory_space<vmem>>) dst(%dma_wait3A_1635 : memref<10240x128xf32, #tpu.memory_space<vmem_shared>>)
        tpu.yield
      }) : () -> ()
      %dma_start3A_801 = arith.constant 9 : i32
      %dma_start3A_802 = arith.constant 0 : i32
      %dma_start3A_803 = tpu.memref_slice %arg7[%dma_start3A_801, %dma_start3A_802] : memref<16x128xi32, #tpu.memory_space<vmem>> -> memref<1x64xi32, #tpu.memory_space<vmem>>
      %dma_start3A_804 = tpu.memref_squeeze %dma_start3A_803 : memref<1x64xi32, #tpu.memory_space<vmem>> -> memref<64xi32, #tpu.memory_space<vmem>>
      %dma_start3A_805 = arith.constant 0 : i32
      %dma_start3A_806 = arith.constant 0 : i32
      %dma_start3A_807 = tpu.memref_slice %arg2[%dma_start3A_805, %dma_start3A_806] : memref<10000x128xf32, #tpu.memory_space<hbm>> -> memref<10000x128xf32, #tpu.memory_space<hbm>>
      tpu.enqueue_indirect_dma source(%dma_start3A_807 : memref<10000x128xf32, #tpu.memory_space<hbm>>) target(%arg15 : memref<64x128xf32, #tpu.memory_space<vmem>>) offsets(%dma_start3A_804 : memref<64xi32, #tpu.memory_space<vmem>>) semaphore(%arg20 : memref<!tpu.dma_semaphore, #tpu.memory_space<semaphore_mem>>)
      %get3A_808 = arith.constant 7 : i32
      %get3A_809 = arith.index_cast %get3A_808 : i32 to index
      %get3A_810 = arith.constant 64 : index
      %get3A_811 = tpu.vector_load %arg8[%get3A_809, %get3A_810] {strides = array<i32>} : memref<16x128xi32, #tpu.memory_space<vmem>>, vector<1x16xi32>,
      %get3A_812 = vector.shape_cast %get3A_811 : vector<1x16xi32> to vector<16xi32>
      %swap3A_813 = arith.constant 0 : index
      %swap3A_814 = tpu.vector_load %arg12[%swap3A_813] {strides = array<i32>} : memref<64xi32, #tpu.memory_space<vmem>>, vector<16xi32>,
      %swap3A_815 = vector.shape_cast %swap3A_814 : vector<16xi32> to vector<16xi32>
      %swap3A_816 = vector.shape_cast %get3A_812 : vector<16xi32> to vector<16xi32>
      tpu.vector_store %arg12[%swap3A_813], %swap3A_816 {strides = array<i32>} : memref<64xi32, #tpu.memory_space<vmem>>, vector<16xi32>,
      %get3A_817 = arith.constant 7 : i32
      %get3A_818 = arith.index_cast %get3A_817 : i32 to index
      %get3A_819 = arith.constant 80 : index
      %get3A_820 = tpu.vector_load %arg8[%get3A_818, %get3A_819] {strides = array<i32>} : memref<16x128xi32, #tpu.memory_space<vmem>>, vector<1x16xi32>,
      %get3A_821 = vector.shape_cast %get3A_820 : vector<1x16xi32> to vector<16xi32>
      %swap3A_822 = arith.constant 16 : index
      %swap3A_823 = tpu.vector_load %arg12[%swap3A_822] {strides = array<i32>} : memref<64xi32, #tpu.memory_space<vmem>>, vector<16xi32>,
      %swap3A_824 = vector.shape_cast %swap3A_823 : vector<16xi32> to vector<16xi32>
      %swap3A_825 = vector.shape_cast %get3A_821 : vector<16xi32> to vector<16xi32>
      tpu.vector_store %arg12[%swap3A_822], %swap3A_825 {strides = array<i32>} : memref<64xi32, #tpu.memory_space<vmem>>, vector<16xi32>,
      %get3A_826 = arith.constant 7 : i32
      %get3A_827 = arith.index_cast %get3A_826 : i32 to index
      %get3A_828 = arith.constant 96 : index
      %get3A_829 = tpu.vector_load %arg8[%get3A_827, %get3A_828] {strides = array<i32>} : memref<16x128xi32, #tpu.memory_space<vmem>>, vector<1x16xi32>,
      %get3A_830 = vector.shape_cast %get3A_829 : vector<1x16xi32> to vector<16xi32>
      %swap3A_831 = arith.constant 32 : index
      %swap3A_832 = tpu.vector_load %arg12[%swap3A_831] {strides = array<i32>} : memref<64xi32, #tpu.memory_space<vmem>>, vector<16xi32>,
      %swap3A_833 = vector.shape_cast %swap3A_832 : vector<16xi32> to vector<16xi32>
      %swap3A_834 = vector.shape_cast %get3A_830 : vector<16xi32> to vector<16xi32>
      tpu.vector_store %arg12[%swap3A_831], %swap3A_834 {strides = array<i32>} : memref<64xi32, #tpu.memory_space<vmem>>, vector<16xi32>,
      %get3A_835 = arith.constant 7 : i32
      %get3A_836 = arith.index_cast %get3A_835 : i32 to index
      %get3A_837 = arith.constant 112 : index
      %get3A_838 = tpu.vector_load %arg8[%get3A_836, %get3A_837] {strides = array<i32>} : memref<16x128xi32, #tpu.memory_space<vmem>>, vector<1x16xi32>,
      %get3A_839 = vector.shape_cast %get3A_838 : vector<1x16xi32> to vector<16xi32>
      %swap3A_840 = arith.constant 48 : index
      %swap3A_841 = tpu.vector_load %arg12[%swap3A_840] {strides = array<i32>} : memref<64xi32, #tpu.memory_space<vmem>>, vector<16xi32>,
      %swap3A_842 = vector.shape_cast %swap3A_841 : vector<16xi32> to vector<16xi32>
      %swap3A_843 = vector.shape_cast %get3A_839 : vector<16xi32> to vector<16xi32>
      tpu.vector_store %arg12[%swap3A_840], %swap3A_843 {strides = array<i32>} : memref<64xi32, #tpu.memory_space<vmem>>, vector<16xi32>,
      %dma_wait3A_844 = arith.constant 0 : i32
      %dma_wait3A_845 = arith.constant 0 : i32
      %dma_wait3A_846 = tpu.memref_slice %arg7[%dma_wait3A_844, %dma_wait3A_845] : memref<16x128xi32, #tpu.memory_space<vmem>> -> memref<1x64xi32, #tpu.memory_space<vmem>>
      %dma_wait3A_847 = tpu.memref_squeeze %dma_wait3A_846 : memref<1x64xi32, #tpu.memory_space<vmem>> -> memref<64xi32, #tpu.memory_space<vmem>>
      %dma_wait3A_848 = arith.constant 0 : i32
      %dma_wait3A_849 = arith.constant 0 : i32
      %dma_wait3A_850 = tpu.memref_slice %arg2[%dma_wait3A_848, %dma_wait3A_849] : memref<10000x128xf32, #tpu.memory_space<hbm>> -> memref<10000x128xf32, #tpu.memory_space<hbm>>
      tpu.wait_indirect_dma semaphore(%arg21 : memref<!tpu.dma_semaphore, #tpu.memory_space<semaphore_mem>>) src(%dma_wait3A_850 : memref<10000x128xf32, #tpu.memory_space<hbm>>) dst(%arg16 : memref<64x128xf32, #tpu.memory_space<vmem>>)
      "tpu.region"() ({
        %run_scoped3A = tpu.sem_alloc : memref<!tpu.dma_semaphore, #tpu.memory_space<semaphore_mem>>
        %dma_start3A_1630 = arith.constant 0 : i32
        %dma_start3A_1631 = arith.constant 0 : i32
        %dma_start3A_1632 = tpu.memref_slice %arg17[%dma_start3A_1630, %dma_start3A_1631] : memref<10240x128xf32, #tpu.memory_space<vmem_shared>> -> memref<10240x128xf32, #tpu.memory_space<vmem_shared>>
        tpu.enqueue_indirect_dma source(%arg16 : memref<64x128xf32, #tpu.memory_space<vmem>>) target(%dma_start3A_1632 : memref<10240x128xf32, #tpu.memory_space<vmem_shared>>) offsets(%arg12 : memref<64xi32, #tpu.memory_space<vmem>>) semaphore(%run_scoped3A : memref<!tpu.dma_semaphore, #tpu.memory_space<semaphore_mem>>) {add = true}
        %dma_wait3A_1633 = arith.constant 0 : i32
        %dma_wait3A_1634 = arith.constant 0 : i32
        %dma_wait3A_1635 = tpu.memref_slice %arg17[%dma_wait3A_1633, %dma_wait3A_1634] : memref<10240x128xf32, #tpu.memory_space<vmem_shared>> -> memref<10240x128xf32, #tpu.memory_space<vmem_shared>>
        tpu.wait_indirect_dma semaphore(%run_scoped3A : memref<!tpu.dma_semaphore, #tpu.memory_space<semaphore_mem>>) src(%arg16 : memref<64x128xf32, #tpu.memory_space<vmem>>) dst(%dma_wait3A_1635 : memref<10240x128xf32, #tpu.memory_space<vmem_shared>>)
        tpu.yield
      }) : () -> ()
      %dma_start3A_851 = arith.constant 9 : i32
      %dma_start3A_852 = arith.constant 64 : i32
      %dma_start3A_853 = tpu.memref_slice %arg7[%dma_start3A_851, %dma_start3A_852] : memref<16x128xi32, #tpu.memory_space<vmem>> -> memref<1x64xi32, #tpu.memory_space<vmem>>
      %dma_start3A_854 = tpu.memref_squeeze %dma_start3A_853 : memref<1x64xi32, #tpu.memory_space<vmem>> -> memref<64xi32, #tpu.memory_space<vmem>>
      %dma_start3A_855 = arith.constant 0 : i32
      %dma_start3A_856 = arith.constant 0 : i32
      %dma_start3A_857 = tpu.memref_slice %arg2[%dma_start3A_855, %dma_start3A_856] : memref<10000x128xf32, #tpu.memory_space<hbm>> -> memref<10000x128xf32, #tpu.memory_space<hbm>>
      tpu.enqueue_indirect_dma source(%dma_start3A_857 : memref<10000x128xf32, #tpu.memory_space<hbm>>) target(%arg16 : memref<64x128xf32, #tpu.memory_space<vmem>>) offsets(%dma_start3A_854 : memref<64xi32, #tpu.memory_space<vmem>>) semaphore(%arg21 : memref<!tpu.dma_semaphore, #tpu.memory_space<semaphore_mem>>)
      %get3A_858 = arith.constant 8 : i32
      %get3A_859 = arith.index_cast %get3A_858 : i32 to index
      %get3A_860 = arith.constant 0 : index
      %get3A_861 = tpu.vector_load %arg8[%get3A_859, %get3A_860] {strides = array<i32>} : memref<16x128xi32, #tpu.memory_space<vmem>>, vector<1x16xi32>,
      %get3A_862 = vector.shape_cast %get3A_861 : vector<1x16xi32> to vector<16xi32>
      %swap3A_863 = arith.constant 0 : index
      %swap3A_864 = tpu.vector_load %arg9[%swap3A_863] {strides = array<i32>} : memref<64xi32, #tpu.memory_space<vmem>>, vector<16xi32>,
      %swap3A_865 = vector.shape_cast %swap3A_864 : vector<16xi32> to vector<16xi32>
      %swap3A_866 = vector.shape_cast %get3A_862 : vector<16xi32> to vector<16xi32>
      tpu.vector_store %arg9[%swap3A_863], %swap3A_866 {strides = array<i32>} : memref<64xi32, #tpu.memory_space<vmem>>, vector<16xi32>,
      %get3A_867 = arith.constant 8 : i32
      %get3A_868 = arith.index_cast %get3A_867 : i32 to index
      %get3A_869 = arith.constant 16 : index
      %get3A_870 = tpu.vector_load %arg8[%get3A_868, %get3A_869] {strides = array<i32>} : memref<16x128xi32, #tpu.memory_space<vmem>>, vector<1x16xi32>,
      %get3A_871 = vector.shape_cast %get3A_870 : vector<1x16xi32> to vector<16xi32>
      %swap3A_872 = arith.constant 16 : index
      %swap3A_873 = tpu.vector_load %arg9[%swap3A_872] {strides = array<i32>} : memref<64xi32, #tpu.memory_space<vmem>>, vector<16xi32>,
      %swap3A_874 = vector.shape_cast %swap3A_873 : vector<16xi32> to vector<16xi32>
      %swap3A_875 = vector.shape_cast %get3A_871 : vector<16xi32> to vector<16xi32>
      tpu.vector_store %arg9[%swap3A_872], %swap3A_875 {strides = array<i32>} : memref<64xi32, #tpu.memory_space<vmem>>, vector<16xi32>,
      %get3A_876 = arith.constant 8 : i32
      %get3A_877 = arith.index_cast %get3A_876 : i32 to index
      %get3A_878 = arith.constant 32 : index
      %get3A_879 = tpu.vector_load %arg8[%get3A_877, %get3A_878] {strides = array<i32>} : memref<16x128xi32, #tpu.memory_space<vmem>>, vector<1x16xi32>,
      %get3A_880 = vector.shape_cast %get3A_879 : vector<1x16xi32> to vector<16xi32>
      %swap3A_881 = arith.constant 32 : index
      %swap3A_882 = tpu.vector_load %arg9[%swap3A_881] {strides = array<i32>} : memref<64xi32, #tpu.memory_space<vmem>>, vector<16xi32>,
      %swap3A_883 = vector.shape_cast %swap3A_882 : vector<16xi32> to vector<16xi32>
      %swap3A_884 = vector.shape_cast %get3A_880 : vector<16xi32> to vector<16xi32>
      tpu.vector_store %arg9[%swap3A_881], %swap3A_884 {strides = array<i32>} : memref<64xi32, #tpu.memory_space<vmem>>, vector<16xi32>,
      %get3A_885 = arith.constant 8 : i32
      %get3A_886 = arith.index_cast %get3A_885 : i32 to index
      %get3A_887 = arith.constant 48 : index
      %get3A_888 = tpu.vector_load %arg8[%get3A_886, %get3A_887] {strides = array<i32>} : memref<16x128xi32, #tpu.memory_space<vmem>>, vector<1x16xi32>,
      %get3A_889 = vector.shape_cast %get3A_888 : vector<1x16xi32> to vector<16xi32>
      %swap3A_890 = arith.constant 48 : index
      %swap3A_891 = tpu.vector_load %arg9[%swap3A_890] {strides = array<i32>} : memref<64xi32, #tpu.memory_space<vmem>>, vector<16xi32>,
      %swap3A_892 = vector.shape_cast %swap3A_891 : vector<16xi32> to vector<16xi32>
      %swap3A_893 = vector.shape_cast %get3A_889 : vector<16xi32> to vector<16xi32>
      tpu.vector_store %arg9[%swap3A_890], %swap3A_893 {strides = array<i32>} : memref<64xi32, #tpu.memory_space<vmem>>, vector<16xi32>,
      %dma_wait3A_894 = arith.constant 0 : i32
      %dma_wait3A_895 = arith.constant 0 : i32
      %dma_wait3A_896 = tpu.memref_slice %arg7[%dma_wait3A_894, %dma_wait3A_895] : memref<16x128xi32, #tpu.memory_space<vmem>> -> memref<1x64xi32, #tpu.memory_space<vmem>>
      %dma_wait3A_897 = tpu.memref_squeeze %dma_wait3A_896 : memref<1x64xi32, #tpu.memory_space<vmem>> -> memref<64xi32, #tpu.memory_space<vmem>>
      %dma_wait3A_898 = arith.constant 0 : i32
      %dma_wait3A_899 = arith.constant 0 : i32
      %dma_wait3A_900 = tpu.memref_slice %arg2[%dma_wait3A_898, %dma_wait3A_899] : memref<10000x128xf32, #tpu.memory_space<hbm>> -> memref<10000x128xf32, #tpu.memory_space<hbm>>
      tpu.wait_indirect_dma semaphore(%arg18 : memref<!tpu.dma_semaphore, #tpu.memory_space<semaphore_mem>>) src(%dma_wait3A_900 : memref<10000x128xf32, #tpu.memory_space<hbm>>) dst(%arg13 : memref<64x128xf32, #tpu.memory_space<vmem>>)
      "tpu.region"() ({
        %run_scoped3A = tpu.sem_alloc : memref<!tpu.dma_semaphore, #tpu.memory_space<semaphore_mem>>
        %dma_start3A_1630 = arith.constant 0 : i32
        %dma_start3A_1631 = arith.constant 0 : i32
        %dma_start3A_1632 = tpu.memref_slice %arg17[%dma_start3A_1630, %dma_start3A_1631] : memref<10240x128xf32, #tpu.memory_space<vmem_shared>> -> memref<10240x128xf32, #tpu.memory_space<vmem_shared>>
        tpu.enqueue_indirect_dma source(%arg13 : memref<64x128xf32, #tpu.memory_space<vmem>>) target(%dma_start3A_1632 : memref<10240x128xf32, #tpu.memory_space<vmem_shared>>) offsets(%arg9 : memref<64xi32, #tpu.memory_space<vmem>>) semaphore(%run_scoped3A : memref<!tpu.dma_semaphore, #tpu.memory_space<semaphore_mem>>) {add = true}
        %dma_wait3A_1633 = arith.constant 0 : i32
        %dma_wait3A_1634 = arith.constant 0 : i32
        %dma_wait3A_1635 = tpu.memref_slice %arg17[%dma_wait3A_1633, %dma_wait3A_1634] : memref<10240x128xf32, #tpu.memory_space<vmem_shared>> -> memref<10240x128xf32, #tpu.memory_space<vmem_shared>>
        tpu.wait_indirect_dma semaphore(%run_scoped3A : memref<!tpu.dma_semaphore, #tpu.memory_space<semaphore_mem>>) src(%arg13 : memref<64x128xf32, #tpu.memory_space<vmem>>) dst(%dma_wait3A_1635 : memref<10240x128xf32, #tpu.memory_space<vmem_shared>>)
        tpu.yield
      }) : () -> ()
      %dma_start3A_901 = arith.constant 10 : i32
      %dma_start3A_902 = arith.constant 0 : i32
      %dma_start3A_903 = tpu.memref_slice %arg7[%dma_start3A_901, %dma_start3A_902] : memref<16x128xi32, #tpu.memory_space<vmem>> -> memref<1x64xi32, #tpu.memory_space<vmem>>
      %dma_start3A_904 = tpu.memref_squeeze %dma_start3A_903 : memref<1x64xi32, #tpu.memory_space<vmem>> -> memref<64xi32, #tpu.memory_space<vmem>>
      %dma_start3A_905 = arith.constant 0 : i32
      %dma_start3A_906 = arith.constant 0 : i32
      %dma_start3A_907 = tpu.memref_slice %arg2[%dma_start3A_905, %dma_start3A_906] : memref<10000x128xf32, #tpu.memory_space<hbm>> -> memref<10000x128xf32, #tpu.memory_space<hbm>>
      tpu.enqueue_indirect_dma source(%dma_start3A_907 : memref<10000x128xf32, #tpu.memory_space<hbm>>) target(%arg13 : memref<64x128xf32, #tpu.memory_space<vmem>>) offsets(%dma_start3A_904 : memref<64xi32, #tpu.memory_space<vmem>>) semaphore(%arg18 : memref<!tpu.dma_semaphore, #tpu.memory_space<semaphore_mem>>)
      %get3A_908 = arith.constant 8 : i32
      %get3A_909 = arith.index_cast %get3A_908 : i32 to index
      %get3A_910 = arith.constant 64 : index
      %get3A_911 = tpu.vector_load %arg8[%get3A_909, %get3A_910] {strides = array<i32>} : memref<16x128xi32, #tpu.memory_space<vmem>>, vector<1x16xi32>,
      %get3A_912 = vector.shape_cast %get3A_911 : vector<1x16xi32> to vector<16xi32>
      %swap3A_913 = arith.constant 0 : index
      %swap3A_914 = tpu.vector_load %arg10[%swap3A_913] {strides = array<i32>} : memref<64xi32, #tpu.memory_space<vmem>>, vector<16xi32>,
      %swap3A_915 = vector.shape_cast %swap3A_914 : vector<16xi32> to vector<16xi32>
      %swap3A_916 = vector.shape_cast %get3A_912 : vector<16xi32> to vector<16xi32>
      tpu.vector_store %arg10[%swap3A_913], %swap3A_916 {strides = array<i32>} : memref<64xi32, #tpu.memory_space<vmem>>, vector<16xi32>,
      %get3A_917 = arith.constant 8 : i32
      %get3A_918 = arith.index_cast %get3A_917 : i32 to index
      %get3A_919 = arith.constant 80 : index
      %get3A_920 = tpu.vector_load %arg8[%get3A_918, %get3A_919] {strides = array<i32>} : memref<16x128xi32, #tpu.memory_space<vmem>>, vector<1x16xi32>,
      %get3A_921 = vector.shape_cast %get3A_920 : vector<1x16xi32> to vector<16xi32>
      %swap3A_922 = arith.constant 16 : index
      %swap3A_923 = tpu.vector_load %arg10[%swap3A_922] {strides = array<i32>} : memref<64xi32, #tpu.memory_space<vmem>>, vector<16xi32>,
      %swap3A_924 = vector.shape_cast %swap3A_923 : vector<16xi32> to vector<16xi32>
      %swap3A_925 = vector.shape_cast %get3A_921 : vector<16xi32> to vector<16xi32>
      tpu.vector_store %arg10[%swap3A_922], %swap3A_925 {strides = array<i32>} : memref<64xi32, #tpu.memory_space<vmem>>, vector<16xi32>,
      %get3A_926 = arith.constant 8 : i32
      %get3A_927 = arith.index_cast %get3A_926 : i32 to index
      %get3A_928 = arith.constant 96 : index
      %get3A_929 = tpu.vector_load %arg8[%get3A_927, %get3A_928] {strides = array<i32>} : memref<16x128xi32, #tpu.memory_space<vmem>>, vector<1x16xi32>,
      %get3A_930 = vector.shape_cast %get3A_929 : vector<1x16xi32> to vector<16xi32>
      %swap3A_931 = arith.constant 32 : index
      %swap3A_932 = tpu.vector_load %arg10[%swap3A_931] {strides = array<i32>} : memref<64xi32, #tpu.memory_space<vmem>>, vector<16xi32>,
      %swap3A_933 = vector.shape_cast %swap3A_932 : vector<16xi32> to vector<16xi32>
      %swap3A_934 = vector.shape_cast %get3A_930 : vector<16xi32> to vector<16xi32>
      tpu.vector_store %arg10[%swap3A_931], %swap3A_934 {strides = array<i32>} : memref<64xi32, #tpu.memory_space<vmem>>, vector<16xi32>,
      %get3A_935 = arith.constant 8 : i32
      %get3A_936 = arith.index_cast %get3A_935 : i32 to index
      %get3A_937 = arith.constant 112 : index
      %get3A_938 = tpu.vector_load %arg8[%get3A_936, %get3A_937] {strides = array<i32>} : memref<16x128xi32, #tpu.memory_space<vmem>>, vector<1x16xi32>,
      %get3A_939 = vector.shape_cast %get3A_938 : vector<1x16xi32> to vector<16xi32>
      %swap3A_940 = arith.constant 48 : index
      %swap3A_941 = tpu.vector_load %arg10[%swap3A_940] {strides = array<i32>} : memref<64xi32, #tpu.memory_space<vmem>>, vector<16xi32>,
      %swap3A_942 = vector.shape_cast %swap3A_941 : vector<16xi32> to vector<16xi32>
      %swap3A_943 = vector.shape_cast %get3A_939 : vector<16xi32> to vector<16xi32>
      tpu.vector_store %arg10[%swap3A_940], %swap3A_943 {strides = array<i32>} : memref<64xi32, #tpu.memory_space<vmem>>, vector<16xi32>,
      %dma_wait3A_944 = arith.constant 0 : i32
      %dma_wait3A_945 = arith.constant 0 : i32
      %dma_wait3A_946 = tpu.memref_slice %arg7[%dma_wait3A_944, %dma_wait3A_945] : memref<16x128xi32, #tpu.memory_space<vmem>> -> memref<1x64xi32, #tpu.memory_space<vmem>>
      %dma_wait3A_947 = tpu.memref_squeeze %dma_wait3A_946 : memref<1x64xi32, #tpu.memory_space<vmem>> -> memref<64xi32, #tpu.memory_space<vmem>>
      %dma_wait3A_948 = arith.constant 0 : i32
      %dma_wait3A_949 = arith.constant 0 : i32
      %dma_wait3A_950 = tpu.memref_slice %arg2[%dma_wait3A_948, %dma_wait3A_949] : memref<10000x128xf32, #tpu.memory_space<hbm>> -> memref<10000x128xf32, #tpu.memory_space<hbm>>
      tpu.wait_indirect_dma semaphore(%arg19 : memref<!tpu.dma_semaphore, #tpu.memory_space<semaphore_mem>>) src(%dma_wait3A_950 : memref<10000x128xf32, #tpu.memory_space<hbm>>) dst(%arg14 : memref<64x128xf32, #tpu.memory_space<vmem>>)
      "tpu.region"() ({
        %run_scoped3A = tpu.sem_alloc : memref<!tpu.dma_semaphore, #tpu.memory_space<semaphore_mem>>
        %dma_start3A_1630 = arith.constant 0 : i32
        %dma_start3A_1631 = arith.constant 0 : i32
        %dma_start3A_1632 = tpu.memref_slice %arg17[%dma_start3A_1630, %dma_start3A_1631] : memref<10240x128xf32, #tpu.memory_space<vmem_shared>> -> memref<10240x128xf32, #tpu.memory_space<vmem_shared>>
        tpu.enqueue_indirect_dma source(%arg14 : memref<64x128xf32, #tpu.memory_space<vmem>>) target(%dma_start3A_1632 : memref<10240x128xf32, #tpu.memory_space<vmem_shared>>) offsets(%arg10 : memref<64xi32, #tpu.memory_space<vmem>>) semaphore(%run_scoped3A : memref<!tpu.dma_semaphore, #tpu.memory_space<semaphore_mem>>) {add = true}
        %dma_wait3A_1633 = arith.constant 0 : i32
        %dma_wait3A_1634 = arith.constant 0 : i32
        %dma_wait3A_1635 = tpu.memref_slice %arg17[%dma_wait3A_1633, %dma_wait3A_1634] : memref<10240x128xf32, #tpu.memory_space<vmem_shared>> -> memref<10240x128xf32, #tpu.memory_space<vmem_shared>>
        tpu.wait_indirect_dma semaphore(%run_scoped3A : memref<!tpu.dma_semaphore, #tpu.memory_space<semaphore_mem>>) src(%arg14 : memref<64x128xf32, #tpu.memory_space<vmem>>) dst(%dma_wait3A_1635 : memref<10240x128xf32, #tpu.memory_space<vmem_shared>>)
        tpu.yield
      }) : () -> ()
      %dma_start3A_951 = arith.constant 10 : i32
      %dma_start3A_952 = arith.constant 64 : i32
      %dma_start3A_953 = tpu.memref_slice %arg7[%dma_start3A_951, %dma_start3A_952] : memref<16x128xi32, #tpu.memory_space<vmem>> -> memref<1x64xi32, #tpu.memory_space<vmem>>
      %dma_start3A_954 = tpu.memref_squeeze %dma_start3A_953 : memref<1x64xi32, #tpu.memory_space<vmem>> -> memref<64xi32, #tpu.memory_space<vmem>>
      %dma_start3A_955 = arith.constant 0 : i32
      %dma_start3A_956 = arith.constant 0 : i32
      %dma_start3A_957 = tpu.memref_slice %arg2[%dma_start3A_955, %dma_start3A_956] : memref<10000x128xf32, #tpu.memory_space<hbm>> -> memref<10000x128xf32, #tpu.memory_space<hbm>>
      tpu.enqueue_indirect_dma source(%dma_start3A_957 : memref<10000x128xf32, #tpu.memory_space<hbm>>) target(%arg14 : memref<64x128xf32, #tpu.memory_space<vmem>>) offsets(%dma_start3A_954 : memref<64xi32, #tpu.memory_space<vmem>>) semaphore(%arg19 : memref<!tpu.dma_semaphore, #tpu.memory_space<semaphore_mem>>)
      %get3A_958 = arith.constant 9 : i32
      %get3A_959 = arith.index_cast %get3A_958 : i32 to index
      %get3A_960 = arith.constant 0 : index
      %get3A_961 = tpu.vector_load %arg8[%get3A_959, %get3A_960] {strides = array<i32>} : memref<16x128xi32, #tpu.memory_space<vmem>>, vector<1x16xi32>,
      %get3A_962 = vector.shape_cast %get3A_961 : vector<1x16xi32> to vector<16xi32>
      %swap3A_963 = arith.constant 0 : index
      %swap3A_964 = tpu.vector_load %arg11[%swap3A_963] {strides = array<i32>} : memref<64xi32, #tpu.memory_space<vmem>>, vector<16xi32>,
      %swap3A_965 = vector.shape_cast %swap3A_964 : vector<16xi32> to vector<16xi32>
      %swap3A_966 = vector.shape_cast %get3A_962 : vector<16xi32> to vector<16xi32>
      tpu.vector_store %arg11[%swap3A_963], %swap3A_966 {strides = array<i32>} : memref<64xi32, #tpu.memory_space<vmem>>, vector<16xi32>,
      %get3A_967 = arith.constant 9 : i32
      %get3A_968 = arith.index_cast %get3A_967 : i32 to index
      %get3A_969 = arith.constant 16 : index
      %get3A_970 = tpu.vector_load %arg8[%get3A_968, %get3A_969] {strides = array<i32>} : memref<16x128xi32, #tpu.memory_space<vmem>>, vector<1x16xi32>,
      %get3A_971 = vector.shape_cast %get3A_970 : vector<1x16xi32> to vector<16xi32>
      %swap3A_972 = arith.constant 16 : index
      %swap3A_973 = tpu.vector_load %arg11[%swap3A_972] {strides = array<i32>} : memref<64xi32, #tpu.memory_space<vmem>>, vector<16xi32>,
      %swap3A_974 = vector.shape_cast %swap3A_973 : vector<16xi32> to vector<16xi32>
      %swap3A_975 = vector.shape_cast %get3A_971 : vector<16xi32> to vector<16xi32>
      tpu.vector_store %arg11[%swap3A_972], %swap3A_975 {strides = array<i32>} : memref<64xi32, #tpu.memory_space<vmem>>, vector<16xi32>,
      %get3A_976 = arith.constant 9 : i32
      %get3A_977 = arith.index_cast %get3A_976 : i32 to index
      %get3A_978 = arith.constant 32 : index
      %get3A_979 = tpu.vector_load %arg8[%get3A_977, %get3A_978] {strides = array<i32>} : memref<16x128xi32, #tpu.memory_space<vmem>>, vector<1x16xi32>,
      %get3A_980 = vector.shape_cast %get3A_979 : vector<1x16xi32> to vector<16xi32>
      %swap3A_981 = arith.constant 32 : index
      %swap3A_982 = tpu.vector_load %arg11[%swap3A_981] {strides = array<i32>} : memref<64xi32, #tpu.memory_space<vmem>>, vector<16xi32>,
      %swap3A_983 = vector.shape_cast %swap3A_982 : vector<16xi32> to vector<16xi32>
      %swap3A_984 = vector.shape_cast %get3A_980 : vector<16xi32> to vector<16xi32>
      tpu.vector_store %arg11[%swap3A_981], %swap3A_984 {strides = array<i32>} : memref<64xi32, #tpu.memory_space<vmem>>, vector<16xi32>,
      %get3A_985 = arith.constant 9 : i32
      %get3A_986 = arith.index_cast %get3A_985 : i32 to index
      %get3A_987 = arith.constant 48 : index
      %get3A_988 = tpu.vector_load %arg8[%get3A_986, %get3A_987] {strides = array<i32>} : memref<16x128xi32, #tpu.memory_space<vmem>>, vector<1x16xi32>,
      %get3A_989 = vector.shape_cast %get3A_988 : vector<1x16xi32> to vector<16xi32>
      %swap3A_990 = arith.constant 48 : index
      %swap3A_991 = tpu.vector_load %arg11[%swap3A_990] {strides = array<i32>} : memref<64xi32, #tpu.memory_space<vmem>>, vector<16xi32>,
      %swap3A_992 = vector.shape_cast %swap3A_991 : vector<16xi32> to vector<16xi32>
      %swap3A_993 = vector.shape_cast %get3A_989 : vector<16xi32> to vector<16xi32>
      tpu.vector_store %arg11[%swap3A_990], %swap3A_993 {strides = array<i32>} : memref<64xi32, #tpu.memory_space<vmem>>, vector<16xi32>,
      %dma_wait3A_994 = arith.constant 0 : i32
      %dma_wait3A_995 = arith.constant 0 : i32
      %dma_wait3A_996 = tpu.memref_slice %arg7[%dma_wait3A_994, %dma_wait3A_995] : memref<16x128xi32, #tpu.memory_space<vmem>> -> memref<1x64xi32, #tpu.memory_space<vmem>>
      %dma_wait3A_997 = tpu.memref_squeeze %dma_wait3A_996 : memref<1x64xi32, #tpu.memory_space<vmem>> -> memref<64xi32, #tpu.memory_space<vmem>>
      %dma_wait3A_998 = arith.constant 0 : i32
      %dma_wait3A_999 = arith.constant 0 : i32
      %dma_wait3A_1000 = tpu.memref_slice %arg2[%dma_wait3A_998, %dma_wait3A_999] : memref<10000x128xf32, #tpu.memory_space<hbm>> -> memref<10000x128xf32, #tpu.memory_space<hbm>>
      tpu.wait_indirect_dma semaphore(%arg20 : memref<!tpu.dma_semaphore, #tpu.memory_space<semaphore_mem>>) src(%dma_wait3A_1000 : memref<10000x128xf32, #tpu.memory_space<hbm>>) dst(%arg15 : memref<64x128xf32, #tpu.memory_space<vmem>>)
      "tpu.region"() ({
        %run_scoped3A = tpu.sem_alloc : memref<!tpu.dma_semaphore, #tpu.memory_space<semaphore_mem>>
        %dma_start3A_1630 = arith.constant 0 : i32
        %dma_start3A_1631 = arith.constant 0 : i32
        %dma_start3A_1632 = tpu.memref_slice %arg17[%dma_start3A_1630, %dma_start3A_1631] : memref<10240x128xf32, #tpu.memory_space<vmem_shared>> -> memref<10240x128xf32, #tpu.memory_space<vmem_shared>>
        tpu.enqueue_indirect_dma source(%arg15 : memref<64x128xf32, #tpu.memory_space<vmem>>) target(%dma_start3A_1632 : memref<10240x128xf32, #tpu.memory_space<vmem_shared>>) offsets(%arg11 : memref<64xi32, #tpu.memory_space<vmem>>) semaphore(%run_scoped3A : memref<!tpu.dma_semaphore, #tpu.memory_space<semaphore_mem>>) {add = true}
        %dma_wait3A_1633 = arith.constant 0 : i32
        %dma_wait3A_1634 = arith.constant 0 : i32
        %dma_wait3A_1635 = tpu.memref_slice %arg17[%dma_wait3A_1633, %dma_wait3A_1634] : memref<10240x128xf32, #tpu.memory_space<vmem_shared>> -> memref<10240x128xf32, #tpu.memory_space<vmem_shared>>
        tpu.wait_indirect_dma semaphore(%run_scoped3A : memref<!tpu.dma_semaphore, #tpu.memory_space<semaphore_mem>>) src(%arg15 : memref<64x128xf32, #tpu.memory_space<vmem>>) dst(%dma_wait3A_1635 : memref<10240x128xf32, #tpu.memory_space<vmem_shared>>)
        tpu.yield
      }) : () -> ()
      %dma_start3A_1001 = arith.constant 11 : i32
      %dma_start3A_1002 = arith.constant 0 : i32
      %dma_start3A_1003 = tpu.memref_slice %arg7[%dma_start3A_1001, %dma_start3A_1002] : memref<16x128xi32, #tpu.memory_space<vmem>> -> memref<1x64xi32, #tpu.memory_space<vmem>>
      %dma_start3A_1004 = tpu.memref_squeeze %dma_start3A_1003 : memref<1x64xi32, #tpu.memory_space<vmem>> -> memref<64xi32, #tpu.memory_space<vmem>>
      %dma_start3A_1005 = arith.constant 0 : i32
      %dma_start3A_1006 = arith.constant 0 : i32
      %dma_start3A_1007 = tpu.memref_slice %arg2[%dma_start3A_1005, %dma_start3A_1006] : memref<10000x128xf32, #tpu.memory_space<hbm>> -> memref<10000x128xf32, #tpu.memory_space<hbm>>
      tpu.enqueue_indirect_dma source(%dma_start3A_1007 : memref<10000x128xf32, #tpu.memory_space<hbm>>) target(%arg15 : memref<64x128xf32, #tpu.memory_space<vmem>>) offsets(%dma_start3A_1004 : memref<64xi32, #tpu.memory_space<vmem>>) semaphore(%arg20 : memref<!tpu.dma_semaphore, #tpu.memory_space<semaphore_mem>>)
      %get3A_1008 = arith.constant 9 : i32
      %get3A_1009 = arith.index_cast %get3A_1008 : i32 to index
      %get3A_1010 = arith.constant 64 : index
      %get3A_1011 = tpu.vector_load %arg8[%get3A_1009, %get3A_1010] {strides = array<i32>} : memref<16x128xi32, #tpu.memory_space<vmem>>, vector<1x16xi32>,
      %get3A_1012 = vector.shape_cast %get3A_1011 : vector<1x16xi32> to vector<16xi32>
      %swap3A_1013 = arith.constant 0 : index
      %swap3A_1014 = tpu.vector_load %arg12[%swap3A_1013] {strides = array<i32>} : memref<64xi32, #tpu.memory_space<vmem>>, vector<16xi32>,
      %swap3A_1015 = vector.shape_cast %swap3A_1014 : vector<16xi32> to vector<16xi32>
      %swap3A_1016 = vector.shape_cast %get3A_1012 : vector<16xi32> to vector<16xi32>
      tpu.vector_store %arg12[%swap3A_1013], %swap3A_1016 {strides = array<i32>} : memref<64xi32, #tpu.memory_space<vmem>>, vector<16xi32>,
      %get3A_1017 = arith.constant 9 : i32
      %get3A_1018 = arith.index_cast %get3A_1017 : i32 to index
      %get3A_1019 = arith.constant 80 : index
      %get3A_1020 = tpu.vector_load %arg8[%get3A_1018, %get3A_1019] {strides = array<i32>} : memref<16x128xi32, #tpu.memory_space<vmem>>, vector<1x16xi32>,
      %get3A_1021 = vector.shape_cast %get3A_1020 : vector<1x16xi32> to vector<16xi32>
      %swap3A_1022 = arith.constant 16 : index
      %swap3A_1023 = tpu.vector_load %arg12[%swap3A_1022] {strides = array<i32>} : memref<64xi32, #tpu.memory_space<vmem>>, vector<16xi32>,
      %swap3A_1024 = vector.shape_cast %swap3A_1023 : vector<16xi32> to vector<16xi32>
      %swap3A_1025 = vector.shape_cast %get3A_1021 : vector<16xi32> to vector<16xi32>
      tpu.vector_store %arg12[%swap3A_1022], %swap3A_1025 {strides = array<i32>} : memref<64xi32, #tpu.memory_space<vmem>>, vector<16xi32>,
      %get3A_1026 = arith.constant 9 : i32
      %get3A_1027 = arith.index_cast %get3A_1026 : i32 to index
      %get3A_1028 = arith.constant 96 : index
      %get3A_1029 = tpu.vector_load %arg8[%get3A_1027, %get3A_1028] {strides = array<i32>} : memref<16x128xi32, #tpu.memory_space<vmem>>, vector<1x16xi32>,
      %get3A_1030 = vector.shape_cast %get3A_1029 : vector<1x16xi32> to vector<16xi32>
      %swap3A_1031 = arith.constant 32 : index
      %swap3A_1032 = tpu.vector_load %arg12[%swap3A_1031] {strides = array<i32>} : memref<64xi32, #tpu.memory_space<vmem>>, vector<16xi32>,
      %swap3A_1033 = vector.shape_cast %swap3A_1032 : vector<16xi32> to vector<16xi32>
      %swap3A_1034 = vector.shape_cast %get3A_1030 : vector<16xi32> to vector<16xi32>
      tpu.vector_store %arg12[%swap3A_1031], %swap3A_1034 {strides = array<i32>} : memref<64xi32, #tpu.memory_space<vmem>>, vector<16xi32>,
      %get3A_1035 = arith.constant 9 : i32
      %get3A_1036 = arith.index_cast %get3A_1035 : i32 to index
      %get3A_1037 = arith.constant 112 : index
      %get3A_1038 = tpu.vector_load %arg8[%get3A_1036, %get3A_1037] {strides = array<i32>} : memref<16x128xi32, #tpu.memory_space<vmem>>, vector<1x16xi32>,
      %get3A_1039 = vector.shape_cast %get3A_1038 : vector<1x16xi32> to vector<16xi32>
      %swap3A_1040 = arith.constant 48 : index
      %swap3A_1041 = tpu.vector_load %arg12[%swap3A_1040] {strides = array<i32>} : memref<64xi32, #tpu.memory_space<vmem>>, vector<16xi32>,
      %swap3A_1042 = vector.shape_cast %swap3A_1041 : vector<16xi32> to vector<16xi32>
      %swap3A_1043 = vector.shape_cast %get3A_1039 : vector<16xi32> to vector<16xi32>
      tpu.vector_store %arg12[%swap3A_1040], %swap3A_1043 {strides = array<i32>} : memref<64xi32, #tpu.memory_space<vmem>>, vector<16xi32>,
      %dma_wait3A_1044 = arith.constant 0 : i32
      %dma_wait3A_1045 = arith.constant 0 : i32
      %dma_wait3A_1046 = tpu.memref_slice %arg7[%dma_wait3A_1044, %dma_wait3A_1045] : memref<16x128xi32, #tpu.memory_space<vmem>> -> memref<1x64xi32, #tpu.memory_space<vmem>>
      %dma_wait3A_1047 = tpu.memref_squeeze %dma_wait3A_1046 : memref<1x64xi32, #tpu.memory_space<vmem>> -> memref<64xi32, #tpu.memory_space<vmem>>
      %dma_wait3A_1048 = arith.constant 0 : i32
      %dma_wait3A_1049 = arith.constant 0 : i32
      %dma_wait3A_1050 = tpu.memref_slice %arg2[%dma_wait3A_1048, %dma_wait3A_1049] : memref<10000x128xf32, #tpu.memory_space<hbm>> -> memref<10000x128xf32, #tpu.memory_space<hbm>>
      tpu.wait_indirect_dma semaphore(%arg21 : memref<!tpu.dma_semaphore, #tpu.memory_space<semaphore_mem>>) src(%dma_wait3A_1050 : memref<10000x128xf32, #tpu.memory_space<hbm>>) dst(%arg16 : memref<64x128xf32, #tpu.memory_space<vmem>>)
      "tpu.region"() ({
        %run_scoped3A = tpu.sem_alloc : memref<!tpu.dma_semaphore, #tpu.memory_space<semaphore_mem>>
        %dma_start3A_1630 = arith.constant 0 : i32
        %dma_start3A_1631 = arith.constant 0 : i32
        %dma_start3A_1632 = tpu.memref_slice %arg17[%dma_start3A_1630, %dma_start3A_1631] : memref<10240x128xf32, #tpu.memory_space<vmem_shared>> -> memref<10240x128xf32, #tpu.memory_space<vmem_shared>>
        tpu.enqueue_indirect_dma source(%arg16 : memref<64x128xf32, #tpu.memory_space<vmem>>) target(%dma_start3A_1632 : memref<10240x128xf32, #tpu.memory_space<vmem_shared>>) offsets(%arg12 : memref<64xi32, #tpu.memory_space<vmem>>) semaphore(%run_scoped3A : memref<!tpu.dma_semaphore, #tpu.memory_space<semaphore_mem>>) {add = true}
        %dma_wait3A_1633 = arith.constant 0 : i32
        %dma_wait3A_1634 = arith.constant 0 : i32
        %dma_wait3A_1635 = tpu.memref_slice %arg17[%dma_wait3A_1633, %dma_wait3A_1634] : memref<10240x128xf32, #tpu.memory_space<vmem_shared>> -> memref<10240x128xf32, #tpu.memory_space<vmem_shared>>
        tpu.wait_indirect_dma semaphore(%run_scoped3A : memref<!tpu.dma_semaphore, #tpu.memory_space<semaphore_mem>>) src(%arg16 : memref<64x128xf32, #tpu.memory_space<vmem>>) dst(%dma_wait3A_1635 : memref<10240x128xf32, #tpu.memory_space<vmem_shared>>)
        tpu.yield
      }) : () -> ()
      %dma_start3A_1051 = arith.constant 11 : i32
      %dma_start3A_1052 = arith.constant 64 : i32
      %dma_start3A_1053 = tpu.memref_slice %arg7[%dma_start3A_1051, %dma_start3A_1052] : memref<16x128xi32, #tpu.memory_space<vmem>> -> memref<1x64xi32, #tpu.memory_space<vmem>>
      %dma_start3A_1054 = tpu.memref_squeeze %dma_start3A_1053 : memref<1x64xi32, #tpu.memory_space<vmem>> -> memref<64xi32, #tpu.memory_space<vmem>>
      %dma_start3A_1055 = arith.constant 0 : i32
      %dma_start3A_1056 = arith.constant 0 : i32
      %dma_start3A_1057 = tpu.memref_slice %arg2[%dma_start3A_1055, %dma_start3A_1056] : memref<10000x128xf32, #tpu.memory_space<hbm>> -> memref<10000x128xf32, #tpu.memory_space<hbm>>
      tpu.enqueue_indirect_dma source(%dma_start3A_1057 : memref<10000x128xf32, #tpu.memory_space<hbm>>) target(%arg16 : memref<64x128xf32, #tpu.memory_space<vmem>>) offsets(%dma_start3A_1054 : memref<64xi32, #tpu.memory_space<vmem>>) semaphore(%arg21 : memref<!tpu.dma_semaphore, #tpu.memory_space<semaphore_mem>>)
      %get3A_1058 = arith.constant 10 : i32
      %get3A_1059 = arith.index_cast %get3A_1058 : i32 to index
      %get3A_1060 = arith.constant 0 : index
      %get3A_1061 = tpu.vector_load %arg8[%get3A_1059, %get3A_1060] {strides = array<i32>} : memref<16x128xi32, #tpu.memory_space<vmem>>, vector<1x16xi32>,
      %get3A_1062 = vector.shape_cast %get3A_1061 : vector<1x16xi32> to vector<16xi32>
      %swap3A_1063 = arith.constant 0 : index
      %swap3A_1064 = tpu.vector_load %arg9[%swap3A_1063] {strides = array<i32>} : memref<64xi32, #tpu.memory_space<vmem>>, vector<16xi32>,
      %swap3A_1065 = vector.shape_cast %swap3A_1064 : vector<16xi32> to vector<16xi32>
      %swap3A_1066 = vector.shape_cast %get3A_1062 : vector<16xi32> to vector<16xi32>
      tpu.vector_store %arg9[%swap3A_1063], %swap3A_1066 {strides = array<i32>} : memref<64xi32, #tpu.memory_space<vmem>>, vector<16xi32>,
      %get3A_1067 = arith.constant 10 : i32
      %get3A_1068 = arith.index_cast %get3A_1067 : i32 to index
      %get3A_1069 = arith.constant 16 : index
      %get3A_1070 = tpu.vector_load %arg8[%get3A_1068, %get3A_1069] {strides = array<i32>} : memref<16x128xi32, #tpu.memory_space<vmem>>, vector<1x16xi32>,
      %get3A_1071 = vector.shape_cast %get3A_1070 : vector<1x16xi32> to vector<16xi32>
      %swap3A_1072 = arith.constant 16 : index
      %swap3A_1073 = tpu.vector_load %arg9[%swap3A_1072] {strides = array<i32>} : memref<64xi32, #tpu.memory_space<vmem>>, vector<16xi32>,
      %swap3A_1074 = vector.shape_cast %swap3A_1073 : vector<16xi32> to vector<16xi32>
      %swap3A_1075 = vector.shape_cast %get3A_1071 : vector<16xi32> to vector<16xi32>
      tpu.vector_store %arg9[%swap3A_1072], %swap3A_1075 {strides = array<i32>} : memref<64xi32, #tpu.memory_space<vmem>>, vector<16xi32>,
      %get3A_1076 = arith.constant 10 : i32
      %get3A_1077 = arith.index_cast %get3A_1076 : i32 to index
      %get3A_1078 = arith.constant 32 : index
      %get3A_1079 = tpu.vector_load %arg8[%get3A_1077, %get3A_1078] {strides = array<i32>} : memref<16x128xi32, #tpu.memory_space<vmem>>, vector<1x16xi32>,
      %get3A_1080 = vector.shape_cast %get3A_1079 : vector<1x16xi32> to vector<16xi32>
      %swap3A_1081 = arith.constant 32 : index
      %swap3A_1082 = tpu.vector_load %arg9[%swap3A_1081] {strides = array<i32>} : memref<64xi32, #tpu.memory_space<vmem>>, vector<16xi32>,
      %swap3A_1083 = vector.shape_cast %swap3A_1082 : vector<16xi32> to vector<16xi32>
      %swap3A_1084 = vector.shape_cast %get3A_1080 : vector<16xi32> to vector<16xi32>
      tpu.vector_store %arg9[%swap3A_1081], %swap3A_1084 {strides = array<i32>} : memref<64xi32, #tpu.memory_space<vmem>>, vector<16xi32>,
      %get3A_1085 = arith.constant 10 : i32
      %get3A_1086 = arith.index_cast %get3A_1085 : i32 to index
      %get3A_1087 = arith.constant 48 : index
      %get3A_1088 = tpu.vector_load %arg8[%get3A_1086, %get3A_1087] {strides = array<i32>} : memref<16x128xi32, #tpu.memory_space<vmem>>, vector<1x16xi32>,
      %get3A_1089 = vector.shape_cast %get3A_1088 : vector<1x16xi32> to vector<16xi32>
      %swap3A_1090 = arith.constant 48 : index
      %swap3A_1091 = tpu.vector_load %arg9[%swap3A_1090] {strides = array<i32>} : memref<64xi32, #tpu.memory_space<vmem>>, vector<16xi32>,
      %swap3A_1092 = vector.shape_cast %swap3A_1091 : vector<16xi32> to vector<16xi32>
      %swap3A_1093 = vector.shape_cast %get3A_1089 : vector<16xi32> to vector<16xi32>
      tpu.vector_store %arg9[%swap3A_1090], %swap3A_1093 {strides = array<i32>} : memref<64xi32, #tpu.memory_space<vmem>>, vector<16xi32>,
      %dma_wait3A_1094 = arith.constant 0 : i32
      %dma_wait3A_1095 = arith.constant 0 : i32
      %dma_wait3A_1096 = tpu.memref_slice %arg7[%dma_wait3A_1094, %dma_wait3A_1095] : memref<16x128xi32, #tpu.memory_space<vmem>> -> memref<1x64xi32, #tpu.memory_space<vmem>>
      %dma_wait3A_1097 = tpu.memref_squeeze %dma_wait3A_1096 : memref<1x64xi32, #tpu.memory_space<vmem>> -> memref<64xi32, #tpu.memory_space<vmem>>
      %dma_wait3A_1098 = arith.constant 0 : i32
      %dma_wait3A_1099 = arith.constant 0 : i32
      %dma_wait3A_1100 = tpu.memref_slice %arg2[%dma_wait3A_1098, %dma_wait3A_1099] : memref<10000x128xf32, #tpu.memory_space<hbm>> -> memref<10000x128xf32, #tpu.memory_space<hbm>>
      tpu.wait_indirect_dma semaphore(%arg18 : memref<!tpu.dma_semaphore, #tpu.memory_space<semaphore_mem>>) src(%dma_wait3A_1100 : memref<10000x128xf32, #tpu.memory_space<hbm>>) dst(%arg13 : memref<64x128xf32, #tpu.memory_space<vmem>>)
      "tpu.region"() ({
        %run_scoped3A = tpu.sem_alloc : memref<!tpu.dma_semaphore, #tpu.memory_space<semaphore_mem>>
        %dma_start3A_1630 = arith.constant 0 : i32
        %dma_start3A_1631 = arith.constant 0 : i32
        %dma_start3A_1632 = tpu.memref_slice %arg17[%dma_start3A_1630, %dma_start3A_1631] : memref<10240x128xf32, #tpu.memory_space<vmem_shared>> -> memref<10240x128xf32, #tpu.memory_space<vmem_shared>>
        tpu.enqueue_indirect_dma source(%arg13 : memref<64x128xf32, #tpu.memory_space<vmem>>) target(%dma_start3A_1632 : memref<10240x128xf32, #tpu.memory_space<vmem_shared>>) offsets(%arg9 : memref<64xi32, #tpu.memory_space<vmem>>) semaphore(%run_scoped3A : memref<!tpu.dma_semaphore, #tpu.memory_space<semaphore_mem>>) {add = true}
        %dma_wait3A_1633 = arith.constant 0 : i32
        %dma_wait3A_1634 = arith.constant 0 : i32
        %dma_wait3A_1635 = tpu.memref_slice %arg17[%dma_wait3A_1633, %dma_wait3A_1634] : memref<10240x128xf32, #tpu.memory_space<vmem_shared>> -> memref<10240x128xf32, #tpu.memory_space<vmem_shared>>
        tpu.wait_indirect_dma semaphore(%run_scoped3A : memref<!tpu.dma_semaphore, #tpu.memory_space<semaphore_mem>>) src(%arg13 : memref<64x128xf32, #tpu.memory_space<vmem>>) dst(%dma_wait3A_1635 : memref<10240x128xf32, #tpu.memory_space<vmem_shared>>)
        tpu.yield
      }) : () -> ()
      %dma_start3A_1101 = arith.constant 12 : i32
      %dma_start3A_1102 = arith.constant 0 : i32
      %dma_start3A_1103 = tpu.memref_slice %arg7[%dma_start3A_1101, %dma_start3A_1102] : memref<16x128xi32, #tpu.memory_space<vmem>> -> memref<1x64xi32, #tpu.memory_space<vmem>>
      %dma_start3A_1104 = tpu.memref_squeeze %dma_start3A_1103 : memref<1x64xi32, #tpu.memory_space<vmem>> -> memref<64xi32, #tpu.memory_space<vmem>>
      %dma_start3A_1105 = arith.constant 0 : i32
      %dma_start3A_1106 = arith.constant 0 : i32
      %dma_start3A_1107 = tpu.memref_slice %arg2[%dma_start3A_1105, %dma_start3A_1106] : memref<10000x128xf32, #tpu.memory_space<hbm>> -> memref<10000x128xf32, #tpu.memory_space<hbm>>
      tpu.enqueue_indirect_dma source(%dma_start3A_1107 : memref<10000x128xf32, #tpu.memory_space<hbm>>) target(%arg13 : memref<64x128xf32, #tpu.memory_space<vmem>>) offsets(%dma_start3A_1104 : memref<64xi32, #tpu.memory_space<vmem>>) semaphore(%arg18 : memref<!tpu.dma_semaphore, #tpu.memory_space<semaphore_mem>>)
      %get3A_1108 = arith.constant 10 : i32
      %get3A_1109 = arith.index_cast %get3A_1108 : i32 to index
      %get3A_1110 = arith.constant 64 : index
      %get3A_1111 = tpu.vector_load %arg8[%get3A_1109, %get3A_1110] {strides = array<i32>} : memref<16x128xi32, #tpu.memory_space<vmem>>, vector<1x16xi32>,
      %get3A_1112 = vector.shape_cast %get3A_1111 : vector<1x16xi32> to vector<16xi32>
      %swap3A_1113 = arith.constant 0 : index
      %swap3A_1114 = tpu.vector_load %arg10[%swap3A_1113] {strides = array<i32>} : memref<64xi32, #tpu.memory_space<vmem>>, vector<16xi32>,
      %swap3A_1115 = vector.shape_cast %swap3A_1114 : vector<16xi32> to vector<16xi32>
      %swap3A_1116 = vector.shape_cast %get3A_1112 : vector<16xi32> to vector<16xi32>
      tpu.vector_store %arg10[%swap3A_1113], %swap3A_1116 {strides = array<i32>} : memref<64xi32, #tpu.memory_space<vmem>>, vector<16xi32>,
      %get3A_1117 = arith.constant 10 : i32
      %get3A_1118 = arith.index_cast %get3A_1117 : i32 to index
      %get3A_1119 = arith.constant 80 : index
      %get3A_1120 = tpu.vector_load %arg8[%get3A_1118, %get3A_1119] {strides = array<i32>} : memref<16x128xi32, #tpu.memory_space<vmem>>, vector<1x16xi32>,
      %get3A_1121 = vector.shape_cast %get3A_1120 : vector<1x16xi32> to vector<16xi32>
      %swap3A_1122 = arith.constant 16 : index
      %swap3A_1123 = tpu.vector_load %arg10[%swap3A_1122] {strides = array<i32>} : memref<64xi32, #tpu.memory_space<vmem>>, vector<16xi32>,
      %swap3A_1124 = vector.shape_cast %swap3A_1123 : vector<16xi32> to vector<16xi32>
      %swap3A_1125 = vector.shape_cast %get3A_1121 : vector<16xi32> to vector<16xi32>
      tpu.vector_store %arg10[%swap3A_1122], %swap3A_1125 {strides = array<i32>} : memref<64xi32, #tpu.memory_space<vmem>>, vector<16xi32>,
      %get3A_1126 = arith.constant 10 : i32
      %get3A_1127 = arith.index_cast %get3A_1126 : i32 to index
      %get3A_1128 = arith.constant 96 : index
      %get3A_1129 = tpu.vector_load %arg8[%get3A_1127, %get3A_1128] {strides = array<i32>} : memref<16x128xi32, #tpu.memory_space<vmem>>, vector<1x16xi32>,
      %get3A_1130 = vector.shape_cast %get3A_1129 : vector<1x16xi32> to vector<16xi32>
      %swap3A_1131 = arith.constant 32 : index
      %swap3A_1132 = tpu.vector_load %arg10[%swap3A_1131] {strides = array<i32>} : memref<64xi32, #tpu.memory_space<vmem>>, vector<16xi32>,
      %swap3A_1133 = vector.shape_cast %swap3A_1132 : vector<16xi32> to vector<16xi32>
      %swap3A_1134 = vector.shape_cast %get3A_1130 : vector<16xi32> to vector<16xi32>
      tpu.vector_store %arg10[%swap3A_1131], %swap3A_1134 {strides = array<i32>} : memref<64xi32, #tpu.memory_space<vmem>>, vector<16xi32>,
      %get3A_1135 = arith.constant 10 : i32
      %get3A_1136 = arith.index_cast %get3A_1135 : i32 to index
      %get3A_1137 = arith.constant 112 : index
      %get3A_1138 = tpu.vector_load %arg8[%get3A_1136, %get3A_1137] {strides = array<i32>} : memref<16x128xi32, #tpu.memory_space<vmem>>, vector<1x16xi32>,
      %get3A_1139 = vector.shape_cast %get3A_1138 : vector<1x16xi32> to vector<16xi32>
      %swap3A_1140 = arith.constant 48 : index
      %swap3A_1141 = tpu.vector_load %arg10[%swap3A_1140] {strides = array<i32>} : memref<64xi32, #tpu.memory_space<vmem>>, vector<16xi32>,
      %swap3A_1142 = vector.shape_cast %swap3A_1141 : vector<16xi32> to vector<16xi32>
      %swap3A_1143 = vector.shape_cast %get3A_1139 : vector<16xi32> to vector<16xi32>
      tpu.vector_store %arg10[%swap3A_1140], %swap3A_1143 {strides = array<i32>} : memref<64xi32, #tpu.memory_space<vmem>>, vector<16xi32>,
      %dma_wait3A_1144 = arith.constant 0 : i32
      %dma_wait3A_1145 = arith.constant 0 : i32
      %dma_wait3A_1146 = tpu.memref_slice %arg7[%dma_wait3A_1144, %dma_wait3A_1145] : memref<16x128xi32, #tpu.memory_space<vmem>> -> memref<1x64xi32, #tpu.memory_space<vmem>>
      %dma_wait3A_1147 = tpu.memref_squeeze %dma_wait3A_1146 : memref<1x64xi32, #tpu.memory_space<vmem>> -> memref<64xi32, #tpu.memory_space<vmem>>
      %dma_wait3A_1148 = arith.constant 0 : i32
      %dma_wait3A_1149 = arith.constant 0 : i32
      %dma_wait3A_1150 = tpu.memref_slice %arg2[%dma_wait3A_1148, %dma_wait3A_1149] : memref<10000x128xf32, #tpu.memory_space<hbm>> -> memref<10000x128xf32, #tpu.memory_space<hbm>>
      tpu.wait_indirect_dma semaphore(%arg19 : memref<!tpu.dma_semaphore, #tpu.memory_space<semaphore_mem>>) src(%dma_wait3A_1150 : memref<10000x128xf32, #tpu.memory_space<hbm>>) dst(%arg14 : memref<64x128xf32, #tpu.memory_space<vmem>>)
      "tpu.region"() ({
        %run_scoped3A = tpu.sem_alloc : memref<!tpu.dma_semaphore, #tpu.memory_space<semaphore_mem>>
        %dma_start3A_1630 = arith.constant 0 : i32
        %dma_start3A_1631 = arith.constant 0 : i32
        %dma_start3A_1632 = tpu.memref_slice %arg17[%dma_start3A_1630, %dma_start3A_1631] : memref<10240x128xf32, #tpu.memory_space<vmem_shared>> -> memref<10240x128xf32, #tpu.memory_space<vmem_shared>>
        tpu.enqueue_indirect_dma source(%arg14 : memref<64x128xf32, #tpu.memory_space<vmem>>) target(%dma_start3A_1632 : memref<10240x128xf32, #tpu.memory_space<vmem_shared>>) offsets(%arg10 : memref<64xi32, #tpu.memory_space<vmem>>) semaphore(%run_scoped3A : memref<!tpu.dma_semaphore, #tpu.memory_space<semaphore_mem>>) {add = true}
        %dma_wait3A_1633 = arith.constant 0 : i32
        %dma_wait3A_1634 = arith.constant 0 : i32
        %dma_wait3A_1635 = tpu.memref_slice %arg17[%dma_wait3A_1633, %dma_wait3A_1634] : memref<10240x128xf32, #tpu.memory_space<vmem_shared>> -> memref<10240x128xf32, #tpu.memory_space<vmem_shared>>
        tpu.wait_indirect_dma semaphore(%run_scoped3A : memref<!tpu.dma_semaphore, #tpu.memory_space<semaphore_mem>>) src(%arg14 : memref<64x128xf32, #tpu.memory_space<vmem>>) dst(%dma_wait3A_1635 : memref<10240x128xf32, #tpu.memory_space<vmem_shared>>)
        tpu.yield
      }) : () -> ()
      %dma_start3A_1151 = arith.constant 12 : i32
      %dma_start3A_1152 = arith.constant 64 : i32
      %dma_start3A_1153 = tpu.memref_slice %arg7[%dma_start3A_1151, %dma_start3A_1152] : memref<16x128xi32, #tpu.memory_space<vmem>> -> memref<1x64xi32, #tpu.memory_space<vmem>>
      %dma_start3A_1154 = tpu.memref_squeeze %dma_start3A_1153 : memref<1x64xi32, #tpu.memory_space<vmem>> -> memref<64xi32, #tpu.memory_space<vmem>>
      %dma_start3A_1155 = arith.constant 0 : i32
      %dma_start3A_1156 = arith.constant 0 : i32
      %dma_start3A_1157 = tpu.memref_slice %arg2[%dma_start3A_1155, %dma_start3A_1156] : memref<10000x128xf32, #tpu.memory_space<hbm>> -> memref<10000x128xf32, #tpu.memory_space<hbm>>
      tpu.enqueue_indirect_dma source(%dma_start3A_1157 : memref<10000x128xf32, #tpu.memory_space<hbm>>) target(%arg14 : memref<64x128xf32, #tpu.memory_space<vmem>>) offsets(%dma_start3A_1154 : memref<64xi32, #tpu.memory_space<vmem>>) semaphore(%arg19 : memref<!tpu.dma_semaphore, #tpu.memory_space<semaphore_mem>>)
      %get3A_1158 = arith.constant 11 : i32
      %get3A_1159 = arith.index_cast %get3A_1158 : i32 to index
      %get3A_1160 = arith.constant 0 : index
      %get3A_1161 = tpu.vector_load %arg8[%get3A_1159, %get3A_1160] {strides = array<i32>} : memref<16x128xi32, #tpu.memory_space<vmem>>, vector<1x16xi32>,
      %get3A_1162 = vector.shape_cast %get3A_1161 : vector<1x16xi32> to vector<16xi32>
      %swap3A_1163 = arith.constant 0 : index
      %swap3A_1164 = tpu.vector_load %arg11[%swap3A_1163] {strides = array<i32>} : memref<64xi32, #tpu.memory_space<vmem>>, vector<16xi32>,
      %swap3A_1165 = vector.shape_cast %swap3A_1164 : vector<16xi32> to vector<16xi32>
      %swap3A_1166 = vector.shape_cast %get3A_1162 : vector<16xi32> to vector<16xi32>
      tpu.vector_store %arg11[%swap3A_1163], %swap3A_1166 {strides = array<i32>} : memref<64xi32, #tpu.memory_space<vmem>>, vector<16xi32>,
      %get3A_1167 = arith.constant 11 : i32
      %get3A_1168 = arith.index_cast %get3A_1167 : i32 to index
      %get3A_1169 = arith.constant 16 : index
      %get3A_1170 = tpu.vector_load %arg8[%get3A_1168, %get3A_1169] {strides = array<i32>} : memref<16x128xi32, #tpu.memory_space<vmem>>, vector<1x16xi32>,
      %get3A_1171 = vector.shape_cast %get3A_1170 : vector<1x16xi32> to vector<16xi32>
      %swap3A_1172 = arith.constant 16 : index
      %swap3A_1173 = tpu.vector_load %arg11[%swap3A_1172] {strides = array<i32>} : memref<64xi32, #tpu.memory_space<vmem>>, vector<16xi32>,
      %swap3A_1174 = vector.shape_cast %swap3A_1173 : vector<16xi32> to vector<16xi32>
      %swap3A_1175 = vector.shape_cast %get3A_1171 : vector<16xi32> to vector<16xi32>
      tpu.vector_store %arg11[%swap3A_1172], %swap3A_1175 {strides = array<i32>} : memref<64xi32, #tpu.memory_space<vmem>>, vector<16xi32>,
      %get3A_1176 = arith.constant 11 : i32
      %get3A_1177 = arith.index_cast %get3A_1176 : i32 to index
      %get3A_1178 = arith.constant 32 : index
      %get3A_1179 = tpu.vector_load %arg8[%get3A_1177, %get3A_1178] {strides = array<i32>} : memref<16x128xi32, #tpu.memory_space<vmem>>, vector<1x16xi32>,
      %get3A_1180 = vector.shape_cast %get3A_1179 : vector<1x16xi32> to vector<16xi32>
      %swap3A_1181 = arith.constant 32 : index
      %swap3A_1182 = tpu.vector_load %arg11[%swap3A_1181] {strides = array<i32>} : memref<64xi32, #tpu.memory_space<vmem>>, vector<16xi32>,
      %swap3A_1183 = vector.shape_cast %swap3A_1182 : vector<16xi32> to vector<16xi32>
      %swap3A_1184 = vector.shape_cast %get3A_1180 : vector<16xi32> to vector<16xi32>
      tpu.vector_store %arg11[%swap3A_1181], %swap3A_1184 {strides = array<i32>} : memref<64xi32, #tpu.memory_space<vmem>>, vector<16xi32>,
      %get3A_1185 = arith.constant 11 : i32
      %get3A_1186 = arith.index_cast %get3A_1185 : i32 to index
      %get3A_1187 = arith.constant 48 : index
      %get3A_1188 = tpu.vector_load %arg8[%get3A_1186, %get3A_1187] {strides = array<i32>} : memref<16x128xi32, #tpu.memory_space<vmem>>, vector<1x16xi32>,
      %get3A_1189 = vector.shape_cast %get3A_1188 : vector<1x16xi32> to vector<16xi32>
      %swap3A_1190 = arith.constant 48 : index
      %swap3A_1191 = tpu.vector_load %arg11[%swap3A_1190] {strides = array<i32>} : memref<64xi32, #tpu.memory_space<vmem>>, vector<16xi32>,
      %swap3A_1192 = vector.shape_cast %swap3A_1191 : vector<16xi32> to vector<16xi32>
      %swap3A_1193 = vector.shape_cast %get3A_1189 : vector<16xi32> to vector<16xi32>
      tpu.vector_store %arg11[%swap3A_1190], %swap3A_1193 {strides = array<i32>} : memref<64xi32, #tpu.memory_space<vmem>>, vector<16xi32>,
      %dma_wait3A_1194 = arith.constant 0 : i32
      %dma_wait3A_1195 = arith.constant 0 : i32
      %dma_wait3A_1196 = tpu.memref_slice %arg7[%dma_wait3A_1194, %dma_wait3A_1195] : memref<16x128xi32, #tpu.memory_space<vmem>> -> memref<1x64xi32, #tpu.memory_space<vmem>>
      %dma_wait3A_1197 = tpu.memref_squeeze %dma_wait3A_1196 : memref<1x64xi32, #tpu.memory_space<vmem>> -> memref<64xi32, #tpu.memory_space<vmem>>
      %dma_wait3A_1198 = arith.constant 0 : i32
      %dma_wait3A_1199 = arith.constant 0 : i32
      %dma_wait3A_1200 = tpu.memref_slice %arg2[%dma_wait3A_1198, %dma_wait3A_1199] : memref<10000x128xf32, #tpu.memory_space<hbm>> -> memref<10000x128xf32, #tpu.memory_space<hbm>>
      tpu.wait_indirect_dma semaphore(%arg20 : memref<!tpu.dma_semaphore, #tpu.memory_space<semaphore_mem>>) src(%dma_wait3A_1200 : memref<10000x128xf32, #tpu.memory_space<hbm>>) dst(%arg15 : memref<64x128xf32, #tpu.memory_space<vmem>>)
      "tpu.region"() ({
        %run_scoped3A = tpu.sem_alloc : memref<!tpu.dma_semaphore, #tpu.memory_space<semaphore_mem>>
        %dma_start3A_1630 = arith.constant 0 : i32
        %dma_start3A_1631 = arith.constant 0 : i32
        %dma_start3A_1632 = tpu.memref_slice %arg17[%dma_start3A_1630, %dma_start3A_1631] : memref<10240x128xf32, #tpu.memory_space<vmem_shared>> -> memref<10240x128xf32, #tpu.memory_space<vmem_shared>>
        tpu.enqueue_indirect_dma source(%arg15 : memref<64x128xf32, #tpu.memory_space<vmem>>) target(%dma_start3A_1632 : memref<10240x128xf32, #tpu.memory_space<vmem_shared>>) offsets(%arg11 : memref<64xi32, #tpu.memory_space<vmem>>) semaphore(%run_scoped3A : memref<!tpu.dma_semaphore, #tpu.memory_space<semaphore_mem>>) {add = true}
        %dma_wait3A_1633 = arith.constant 0 : i32
        %dma_wait3A_1634 = arith.constant 0 : i32
        %dma_wait3A_1635 = tpu.memref_slice %arg17[%dma_wait3A_1633, %dma_wait3A_1634] : memref<10240x128xf32, #tpu.memory_space<vmem_shared>> -> memref<10240x128xf32, #tpu.memory_space<vmem_shared>>
        tpu.wait_indirect_dma semaphore(%run_scoped3A : memref<!tpu.dma_semaphore, #tpu.memory_space<semaphore_mem>>) src(%arg15 : memref<64x128xf32, #tpu.memory_space<vmem>>) dst(%dma_wait3A_1635 : memref<10240x128xf32, #tpu.memory_space<vmem_shared>>)
        tpu.yield
      }) : () -> ()
      %dma_start3A_1201 = arith.constant 13 : i32
      %dma_start3A_1202 = arith.constant 0 : i32
      %dma_start3A_1203 = tpu.memref_slice %arg7[%dma_start3A_1201, %dma_start3A_1202] : memref<16x128xi32, #tpu.memory_space<vmem>> -> memref<1x64xi32, #tpu.memory_space<vmem>>
      %dma_start3A_1204 = tpu.memref_squeeze %dma_start3A_1203 : memref<1x64xi32, #tpu.memory_space<vmem>> -> memref<64xi32, #tpu.memory_space<vmem>>
      %dma_start3A_1205 = arith.constant 0 : i32
      %dma_start3A_1206 = arith.constant 0 : i32
      %dma_start3A_1207 = tpu.memref_slice %arg2[%dma_start3A_1205, %dma_start3A_1206] : memref<10000x128xf32, #tpu.memory_space<hbm>> -> memref<10000x128xf32, #tpu.memory_space<hbm>>
      tpu.enqueue_indirect_dma source(%dma_start3A_1207 : memref<10000x128xf32, #tpu.memory_space<hbm>>) target(%arg15 : memref<64x128xf32, #tpu.memory_space<vmem>>) offsets(%dma_start3A_1204 : memref<64xi32, #tpu.memory_space<vmem>>) semaphore(%arg20 : memref<!tpu.dma_semaphore, #tpu.memory_space<semaphore_mem>>)
      %get3A_1208 = arith.constant 11 : i32
      %get3A_1209 = arith.index_cast %get3A_1208 : i32 to index
      %get3A_1210 = arith.constant 64 : index
      %get3A_1211 = tpu.vector_load %arg8[%get3A_1209, %get3A_1210] {strides = array<i32>} : memref<16x128xi32, #tpu.memory_space<vmem>>, vector<1x16xi32>,
      %get3A_1212 = vector.shape_cast %get3A_1211 : vector<1x16xi32> to vector<16xi32>
      %swap3A_1213 = arith.constant 0 : index
      %swap3A_1214 = tpu.vector_load %arg12[%swap3A_1213] {strides = array<i32>} : memref<64xi32, #tpu.memory_space<vmem>>, vector<16xi32>,
      %swap3A_1215 = vector.shape_cast %swap3A_1214 : vector<16xi32> to vector<16xi32>
      %swap3A_1216 = vector.shape_cast %get3A_1212 : vector<16xi32> to vector<16xi32>
      tpu.vector_store %arg12[%swap3A_1213], %swap3A_1216 {strides = array<i32>} : memref<64xi32, #tpu.memory_space<vmem>>, vector<16xi32>,
      %get3A_1217 = arith.constant 11 : i32
      %get3A_1218 = arith.index_cast %get3A_1217 : i32 to index
      %get3A_1219 = arith.constant 80 : index
      %get3A_1220 = tpu.vector_load %arg8[%get3A_1218, %get3A_1219] {strides = array<i32>} : memref<16x128xi32, #tpu.memory_space<vmem>>, vector<1x16xi32>,
      %get3A_1221 = vector.shape_cast %get3A_1220 : vector<1x16xi32> to vector<16xi32>
      %swap3A_1222 = arith.constant 16 : index
      %swap3A_1223 = tpu.vector_load %arg12[%swap3A_1222] {strides = array<i32>} : memref<64xi32, #tpu.memory_space<vmem>>, vector<16xi32>,
      %swap3A_1224 = vector.shape_cast %swap3A_1223 : vector<16xi32> to vector<16xi32>
      %swap3A_1225 = vector.shape_cast %get3A_1221 : vector<16xi32> to vector<16xi32>
      tpu.vector_store %arg12[%swap3A_1222], %swap3A_1225 {strides = array<i32>} : memref<64xi32, #tpu.memory_space<vmem>>, vector<16xi32>,
      %get3A_1226 = arith.constant 11 : i32
      %get3A_1227 = arith.index_cast %get3A_1226 : i32 to index
      %get3A_1228 = arith.constant 96 : index
      %get3A_1229 = tpu.vector_load %arg8[%get3A_1227, %get3A_1228] {strides = array<i32>} : memref<16x128xi32, #tpu.memory_space<vmem>>, vector<1x16xi32>,
      %get3A_1230 = vector.shape_cast %get3A_1229 : vector<1x16xi32> to vector<16xi32>
      %swap3A_1231 = arith.constant 32 : index
      %swap3A_1232 = tpu.vector_load %arg12[%swap3A_1231] {strides = array<i32>} : memref<64xi32, #tpu.memory_space<vmem>>, vector<16xi32>,
      %swap3A_1233 = vector.shape_cast %swap3A_1232 : vector<16xi32> to vector<16xi32>
      %swap3A_1234 = vector.shape_cast %get3A_1230 : vector<16xi32> to vector<16xi32>
      tpu.vector_store %arg12[%swap3A_1231], %swap3A_1234 {strides = array<i32>} : memref<64xi32, #tpu.memory_space<vmem>>, vector<16xi32>,
      %get3A_1235 = arith.constant 11 : i32
      %get3A_1236 = arith.index_cast %get3A_1235 : i32 to index
      %get3A_1237 = arith.constant 112 : index
      %get3A_1238 = tpu.vector_load %arg8[%get3A_1236, %get3A_1237] {strides = array<i32>} : memref<16x128xi32, #tpu.memory_space<vmem>>, vector<1x16xi32>,
      %get3A_1239 = vector.shape_cast %get3A_1238 : vector<1x16xi32> to vector<16xi32>
      %swap3A_1240 = arith.constant 48 : index
      %swap3A_1241 = tpu.vector_load %arg12[%swap3A_1240] {strides = array<i32>} : memref<64xi32, #tpu.memory_space<vmem>>, vector<16xi32>,
      %swap3A_1242 = vector.shape_cast %swap3A_1241 : vector<16xi32> to vector<16xi32>
      %swap3A_1243 = vector.shape_cast %get3A_1239 : vector<16xi32> to vector<16xi32>
      tpu.vector_store %arg12[%swap3A_1240], %swap3A_1243 {strides = array<i32>} : memref<64xi32, #tpu.memory_space<vmem>>, vector<16xi32>,
      %dma_wait3A_1244 = arith.constant 0 : i32
      %dma_wait3A_1245 = arith.constant 0 : i32
      %dma_wait3A_1246 = tpu.memref_slice %arg7[%dma_wait3A_1244, %dma_wait3A_1245] : memref<16x128xi32, #tpu.memory_space<vmem>> -> memref<1x64xi32, #tpu.memory_space<vmem>>
      %dma_wait3A_1247 = tpu.memref_squeeze %dma_wait3A_1246 : memref<1x64xi32, #tpu.memory_space<vmem>> -> memref<64xi32, #tpu.memory_space<vmem>>
      %dma_wait3A_1248 = arith.constant 0 : i32
      %dma_wait3A_1249 = arith.constant 0 : i32
      %dma_wait3A_1250 = tpu.memref_slice %arg2[%dma_wait3A_1248, %dma_wait3A_1249] : memref<10000x128xf32, #tpu.memory_space<hbm>> -> memref<10000x128xf32, #tpu.memory_space<hbm>>
      tpu.wait_indirect_dma semaphore(%arg21 : memref<!tpu.dma_semaphore, #tpu.memory_space<semaphore_mem>>) src(%dma_wait3A_1250 : memref<10000x128xf32, #tpu.memory_space<hbm>>) dst(%arg16 : memref<64x128xf32, #tpu.memory_space<vmem>>)
      "tpu.region"() ({
        %run_scoped3A = tpu.sem_alloc : memref<!tpu.dma_semaphore, #tpu.memory_space<semaphore_mem>>
        %dma_start3A_1630 = arith.constant 0 : i32
        %dma_start3A_1631 = arith.constant 0 : i32
        %dma_start3A_1632 = tpu.memref_slice %arg17[%dma_start3A_1630, %dma_start3A_1631] : memref<10240x128xf32, #tpu.memory_space<vmem_shared>> -> memref<10240x128xf32, #tpu.memory_space<vmem_shared>>
        tpu.enqueue_indirect_dma source(%arg16 : memref<64x128xf32, #tpu.memory_space<vmem>>) target(%dma_start3A_1632 : memref<10240x128xf32, #tpu.memory_space<vmem_shared>>) offsets(%arg12 : memref<64xi32, #tpu.memory_space<vmem>>) semaphore(%run_scoped3A : memref<!tpu.dma_semaphore, #tpu.memory_space<semaphore_mem>>) {add = true}
        %dma_wait3A_1633 = arith.constant 0 : i32
        %dma_wait3A_1634 = arith.constant 0 : i32
        %dma_wait3A_1635 = tpu.memref_slice %arg17[%dma_wait3A_1633, %dma_wait3A_1634] : memref<10240x128xf32, #tpu.memory_space<vmem_shared>> -> memref<10240x128xf32, #tpu.memory_space<vmem_shared>>
        tpu.wait_indirect_dma semaphore(%run_scoped3A : memref<!tpu.dma_semaphore, #tpu.memory_space<semaphore_mem>>) src(%arg16 : memref<64x128xf32, #tpu.memory_space<vmem>>) dst(%dma_wait3A_1635 : memref<10240x128xf32, #tpu.memory_space<vmem_shared>>)
        tpu.yield
      }) : () -> ()
      %dma_start3A_1251 = arith.constant 13 : i32
      %dma_start3A_1252 = arith.constant 64 : i32
      %dma_start3A_1253 = tpu.memref_slice %arg7[%dma_start3A_1251, %dma_start3A_1252] : memref<16x128xi32, #tpu.memory_space<vmem>> -> memref<1x64xi32, #tpu.memory_space<vmem>>
      %dma_start3A_1254 = tpu.memref_squeeze %dma_start3A_1253 : memref<1x64xi32, #tpu.memory_space<vmem>> -> memref<64xi32, #tpu.memory_space<vmem>>
      %dma_start3A_1255 = arith.constant 0 : i32
      %dma_start3A_1256 = arith.constant 0 : i32
      %dma_start3A_1257 = tpu.memref_slice %arg2[%dma_start3A_1255, %dma_start3A_1256] : memref<10000x128xf32, #tpu.memory_space<hbm>> -> memref<10000x128xf32, #tpu.memory_space<hbm>>
      tpu.enqueue_indirect_dma source(%dma_start3A_1257 : memref<10000x128xf32, #tpu.memory_space<hbm>>) target(%arg16 : memref<64x128xf32, #tpu.memory_space<vmem>>) offsets(%dma_start3A_1254 : memref<64xi32, #tpu.memory_space<vmem>>) semaphore(%arg21 : memref<!tpu.dma_semaphore, #tpu.memory_space<semaphore_mem>>)
      %get3A_1258 = arith.constant 12 : i32
      %get3A_1259 = arith.index_cast %get3A_1258 : i32 to index
      %get3A_1260 = arith.constant 0 : index
      %get3A_1261 = tpu.vector_load %arg8[%get3A_1259, %get3A_1260] {strides = array<i32>} : memref<16x128xi32, #tpu.memory_space<vmem>>, vector<1x16xi32>,
      %get3A_1262 = vector.shape_cast %get3A_1261 : vector<1x16xi32> to vector<16xi32>
      %swap3A_1263 = arith.constant 0 : index
      %swap3A_1264 = tpu.vector_load %arg9[%swap3A_1263] {strides = array<i32>} : memref<64xi32, #tpu.memory_space<vmem>>, vector<16xi32>,
      %swap3A_1265 = vector.shape_cast %swap3A_1264 : vector<16xi32> to vector<16xi32>
      %swap3A_1266 = vector.shape_cast %get3A_1262 : vector<16xi32> to vector<16xi32>
      tpu.vector_store %arg9[%swap3A_1263], %swap3A_1266 {strides = array<i32>} : memref<64xi32, #tpu.memory_space<vmem>>, vector<16xi32>,
      %get3A_1267 = arith.constant 12 : i32
      %get3A_1268 = arith.index_cast %get3A_1267 : i32 to index
      %get3A_1269 = arith.constant 16 : index
      %get3A_1270 = tpu.vector_load %arg8[%get3A_1268, %get3A_1269] {strides = array<i32>} : memref<16x128xi32, #tpu.memory_space<vmem>>, vector<1x16xi32>,
      %get3A_1271 = vector.shape_cast %get3A_1270 : vector<1x16xi32> to vector<16xi32>
      %swap3A_1272 = arith.constant 16 : index
      %swap3A_1273 = tpu.vector_load %arg9[%swap3A_1272] {strides = array<i32>} : memref<64xi32, #tpu.memory_space<vmem>>, vector<16xi32>,
      %swap3A_1274 = vector.shape_cast %swap3A_1273 : vector<16xi32> to vector<16xi32>
      %swap3A_1275 = vector.shape_cast %get3A_1271 : vector<16xi32> to vector<16xi32>
      tpu.vector_store %arg9[%swap3A_1272], %swap3A_1275 {strides = array<i32>} : memref<64xi32, #tpu.memory_space<vmem>>, vector<16xi32>,
      %get3A_1276 = arith.constant 12 : i32
      %get3A_1277 = arith.index_cast %get3A_1276 : i32 to index
      %get3A_1278 = arith.constant 32 : index
      %get3A_1279 = tpu.vector_load %arg8[%get3A_1277, %get3A_1278] {strides = array<i32>} : memref<16x128xi32, #tpu.memory_space<vmem>>, vector<1x16xi32>,
      %get3A_1280 = vector.shape_cast %get3A_1279 : vector<1x16xi32> to vector<16xi32>
      %swap3A_1281 = arith.constant 32 : index
      %swap3A_1282 = tpu.vector_load %arg9[%swap3A_1281] {strides = array<i32>} : memref<64xi32, #tpu.memory_space<vmem>>, vector<16xi32>,
      %swap3A_1283 = vector.shape_cast %swap3A_1282 : vector<16xi32> to vector<16xi32>
      %swap3A_1284 = vector.shape_cast %get3A_1280 : vector<16xi32> to vector<16xi32>
      tpu.vector_store %arg9[%swap3A_1281], %swap3A_1284 {strides = array<i32>} : memref<64xi32, #tpu.memory_space<vmem>>, vector<16xi32>,
      %get3A_1285 = arith.constant 12 : i32
      %get3A_1286 = arith.index_cast %get3A_1285 : i32 to index
      %get3A_1287 = arith.constant 48 : index
      %get3A_1288 = tpu.vector_load %arg8[%get3A_1286, %get3A_1287] {strides = array<i32>} : memref<16x128xi32, #tpu.memory_space<vmem>>, vector<1x16xi32>,
      %get3A_1289 = vector.shape_cast %get3A_1288 : vector<1x16xi32> to vector<16xi32>
      %swap3A_1290 = arith.constant 48 : index
      %swap3A_1291 = tpu.vector_load %arg9[%swap3A_1290] {strides = array<i32>} : memref<64xi32, #tpu.memory_space<vmem>>, vector<16xi32>,
      %swap3A_1292 = vector.shape_cast %swap3A_1291 : vector<16xi32> to vector<16xi32>
      %swap3A_1293 = vector.shape_cast %get3A_1289 : vector<16xi32> to vector<16xi32>
      tpu.vector_store %arg9[%swap3A_1290], %swap3A_1293 {strides = array<i32>} : memref<64xi32, #tpu.memory_space<vmem>>, vector<16xi32>,
      %dma_wait3A_1294 = arith.constant 0 : i32
      %dma_wait3A_1295 = arith.constant 0 : i32
      %dma_wait3A_1296 = tpu.memref_slice %arg7[%dma_wait3A_1294, %dma_wait3A_1295] : memref<16x128xi32, #tpu.memory_space<vmem>> -> memref<1x64xi32, #tpu.memory_space<vmem>>
      %dma_wait3A_1297 = tpu.memref_squeeze %dma_wait3A_1296 : memref<1x64xi32, #tpu.memory_space<vmem>> -> memref<64xi32, #tpu.memory_space<vmem>>
      %dma_wait3A_1298 = arith.constant 0 : i32
      %dma_wait3A_1299 = arith.constant 0 : i32
      %dma_wait3A_1300 = tpu.memref_slice %arg2[%dma_wait3A_1298, %dma_wait3A_1299] : memref<10000x128xf32, #tpu.memory_space<hbm>> -> memref<10000x128xf32, #tpu.memory_space<hbm>>
      tpu.wait_indirect_dma semaphore(%arg18 : memref<!tpu.dma_semaphore, #tpu.memory_space<semaphore_mem>>) src(%dma_wait3A_1300 : memref<10000x128xf32, #tpu.memory_space<hbm>>) dst(%arg13 : memref<64x128xf32, #tpu.memory_space<vmem>>)
      "tpu.region"() ({
        %run_scoped3A = tpu.sem_alloc : memref<!tpu.dma_semaphore, #tpu.memory_space<semaphore_mem>>
        %dma_start3A_1630 = arith.constant 0 : i32
        %dma_start3A_1631 = arith.constant 0 : i32
        %dma_start3A_1632 = tpu.memref_slice %arg17[%dma_start3A_1630, %dma_start3A_1631] : memref<10240x128xf32, #tpu.memory_space<vmem_shared>> -> memref<10240x128xf32, #tpu.memory_space<vmem_shared>>
        tpu.enqueue_indirect_dma source(%arg13 : memref<64x128xf32, #tpu.memory_space<vmem>>) target(%dma_start3A_1632 : memref<10240x128xf32, #tpu.memory_space<vmem_shared>>) offsets(%arg9 : memref<64xi32, #tpu.memory_space<vmem>>) semaphore(%run_scoped3A : memref<!tpu.dma_semaphore, #tpu.memory_space<semaphore_mem>>) {add = true}
        %dma_wait3A_1633 = arith.constant 0 : i32
        %dma_wait3A_1634 = arith.constant 0 : i32
        %dma_wait3A_1635 = tpu.memref_slice %arg17[%dma_wait3A_1633, %dma_wait3A_1634] : memref<10240x128xf32, #tpu.memory_space<vmem_shared>> -> memref<10240x128xf32, #tpu.memory_space<vmem_shared>>
        tpu.wait_indirect_dma semaphore(%run_scoped3A : memref<!tpu.dma_semaphore, #tpu.memory_space<semaphore_mem>>) src(%arg13 : memref<64x128xf32, #tpu.memory_space<vmem>>) dst(%dma_wait3A_1635 : memref<10240x128xf32, #tpu.memory_space<vmem_shared>>)
        tpu.yield
      }) : () -> ()
      %dma_start3A_1301 = arith.constant 14 : i32
      %dma_start3A_1302 = arith.constant 0 : i32
      %dma_start3A_1303 = tpu.memref_slice %arg7[%dma_start3A_1301, %dma_start3A_1302] : memref<16x128xi32, #tpu.memory_space<vmem>> -> memref<1x64xi32, #tpu.memory_space<vmem>>
      %dma_start3A_1304 = tpu.memref_squeeze %dma_start3A_1303 : memref<1x64xi32, #tpu.memory_space<vmem>> -> memref<64xi32, #tpu.memory_space<vmem>>
      %dma_start3A_1305 = arith.constant 0 : i32
      %dma_start3A_1306 = arith.constant 0 : i32
      %dma_start3A_1307 = tpu.memref_slice %arg2[%dma_start3A_1305, %dma_start3A_1306] : memref<10000x128xf32, #tpu.memory_space<hbm>> -> memref<10000x128xf32, #tpu.memory_space<hbm>>
      tpu.enqueue_indirect_dma source(%dma_start3A_1307 : memref<10000x128xf32, #tpu.memory_space<hbm>>) target(%arg13 : memref<64x128xf32, #tpu.memory_space<vmem>>) offsets(%dma_start3A_1304 : memref<64xi32, #tpu.memory_space<vmem>>) semaphore(%arg18 : memref<!tpu.dma_semaphore, #tpu.memory_space<semaphore_mem>>)
      %get3A_1308 = arith.constant 12 : i32
      %get3A_1309 = arith.index_cast %get3A_1308 : i32 to index
      %get3A_1310 = arith.constant 64 : index
      %get3A_1311 = tpu.vector_load %arg8[%get3A_1309, %get3A_1310] {strides = array<i32>} : memref<16x128xi32, #tpu.memory_space<vmem>>, vector<1x16xi32>,
      %get3A_1312 = vector.shape_cast %get3A_1311 : vector<1x16xi32> to vector<16xi32>
      %swap3A_1313 = arith.constant 0 : index
      %swap3A_1314 = tpu.vector_load %arg10[%swap3A_1313] {strides = array<i32>} : memref<64xi32, #tpu.memory_space<vmem>>, vector<16xi32>,
      %swap3A_1315 = vector.shape_cast %swap3A_1314 : vector<16xi32> to vector<16xi32>
      %swap3A_1316 = vector.shape_cast %get3A_1312 : vector<16xi32> to vector<16xi32>
      tpu.vector_store %arg10[%swap3A_1313], %swap3A_1316 {strides = array<i32>} : memref<64xi32, #tpu.memory_space<vmem>>, vector<16xi32>,
      %get3A_1317 = arith.constant 12 : i32
      %get3A_1318 = arith.index_cast %get3A_1317 : i32 to index
      %get3A_1319 = arith.constant 80 : index
      %get3A_1320 = tpu.vector_load %arg8[%get3A_1318, %get3A_1319] {strides = array<i32>} : memref<16x128xi32, #tpu.memory_space<vmem>>, vector<1x16xi32>,
      %get3A_1321 = vector.shape_cast %get3A_1320 : vector<1x16xi32> to vector<16xi32>
      %swap3A_1322 = arith.constant 16 : index
      %swap3A_1323 = tpu.vector_load %arg10[%swap3A_1322] {strides = array<i32>} : memref<64xi32, #tpu.memory_space<vmem>>, vector<16xi32>,
      %swap3A_1324 = vector.shape_cast %swap3A_1323 : vector<16xi32> to vector<16xi32>
      %swap3A_1325 = vector.shape_cast %get3A_1321 : vector<16xi32> to vector<16xi32>
      tpu.vector_store %arg10[%swap3A_1322], %swap3A_1325 {strides = array<i32>} : memref<64xi32, #tpu.memory_space<vmem>>, vector<16xi32>,
      %get3A_1326 = arith.constant 12 : i32
      %get3A_1327 = arith.index_cast %get3A_1326 : i32 to index
      %get3A_1328 = arith.constant 96 : index
      %get3A_1329 = tpu.vector_load %arg8[%get3A_1327, %get3A_1328] {strides = array<i32>} : memref<16x128xi32, #tpu.memory_space<vmem>>, vector<1x16xi32>,
      %get3A_1330 = vector.shape_cast %get3A_1329 : vector<1x16xi32> to vector<16xi32>
      %swap3A_1331 = arith.constant 32 : index
      %swap3A_1332 = tpu.vector_load %arg10[%swap3A_1331] {strides = array<i32>} : memref<64xi32, #tpu.memory_space<vmem>>, vector<16xi32>,
      %swap3A_1333 = vector.shape_cast %swap3A_1332 : vector<16xi32> to vector<16xi32>
      %swap3A_1334 = vector.shape_cast %get3A_1330 : vector<16xi32> to vector<16xi32>
      tpu.vector_store %arg10[%swap3A_1331], %swap3A_1334 {strides = array<i32>} : memref<64xi32, #tpu.memory_space<vmem>>, vector<16xi32>,
      %get3A_1335 = arith.constant 12 : i32
      %get3A_1336 = arith.index_cast %get3A_1335 : i32 to index
      %get3A_1337 = arith.constant 112 : index
      %get3A_1338 = tpu.vector_load %arg8[%get3A_1336, %get3A_1337] {strides = array<i32>} : memref<16x128xi32, #tpu.memory_space<vmem>>, vector<1x16xi32>,
      %get3A_1339 = vector.shape_cast %get3A_1338 : vector<1x16xi32> to vector<16xi32>
      %swap3A_1340 = arith.constant 48 : index
      %swap3A_1341 = tpu.vector_load %arg10[%swap3A_1340] {strides = array<i32>} : memref<64xi32, #tpu.memory_space<vmem>>, vector<16xi32>,
      %swap3A_1342 = vector.shape_cast %swap3A_1341 : vector<16xi32> to vector<16xi32>
      %swap3A_1343 = vector.shape_cast %get3A_1339 : vector<16xi32> to vector<16xi32>
      tpu.vector_store %arg10[%swap3A_1340], %swap3A_1343 {strides = array<i32>} : memref<64xi32, #tpu.memory_space<vmem>>, vector<16xi32>,
      %dma_wait3A_1344 = arith.constant 0 : i32
      %dma_wait3A_1345 = arith.constant 0 : i32
      %dma_wait3A_1346 = tpu.memref_slice %arg7[%dma_wait3A_1344, %dma_wait3A_1345] : memref<16x128xi32, #tpu.memory_space<vmem>> -> memref<1x64xi32, #tpu.memory_space<vmem>>
      %dma_wait3A_1347 = tpu.memref_squeeze %dma_wait3A_1346 : memref<1x64xi32, #tpu.memory_space<vmem>> -> memref<64xi32, #tpu.memory_space<vmem>>
      %dma_wait3A_1348 = arith.constant 0 : i32
      %dma_wait3A_1349 = arith.constant 0 : i32
      %dma_wait3A_1350 = tpu.memref_slice %arg2[%dma_wait3A_1348, %dma_wait3A_1349] : memref<10000x128xf32, #tpu.memory_space<hbm>> -> memref<10000x128xf32, #tpu.memory_space<hbm>>
      tpu.wait_indirect_dma semaphore(%arg19 : memref<!tpu.dma_semaphore, #tpu.memory_space<semaphore_mem>>) src(%dma_wait3A_1350 : memref<10000x128xf32, #tpu.memory_space<hbm>>) dst(%arg14 : memref<64x128xf32, #tpu.memory_space<vmem>>)
      "tpu.region"() ({
        %run_scoped3A = tpu.sem_alloc : memref<!tpu.dma_semaphore, #tpu.memory_space<semaphore_mem>>
        %dma_start3A_1630 = arith.constant 0 : i32
        %dma_start3A_1631 = arith.constant 0 : i32
        %dma_start3A_1632 = tpu.memref_slice %arg17[%dma_start3A_1630, %dma_start3A_1631] : memref<10240x128xf32, #tpu.memory_space<vmem_shared>> -> memref<10240x128xf32, #tpu.memory_space<vmem_shared>>
        tpu.enqueue_indirect_dma source(%arg14 : memref<64x128xf32, #tpu.memory_space<vmem>>) target(%dma_start3A_1632 : memref<10240x128xf32, #tpu.memory_space<vmem_shared>>) offsets(%arg10 : memref<64xi32, #tpu.memory_space<vmem>>) semaphore(%run_scoped3A : memref<!tpu.dma_semaphore, #tpu.memory_space<semaphore_mem>>) {add = true}
        %dma_wait3A_1633 = arith.constant 0 : i32
        %dma_wait3A_1634 = arith.constant 0 : i32
        %dma_wait3A_1635 = tpu.memref_slice %arg17[%dma_wait3A_1633, %dma_wait3A_1634] : memref<10240x128xf32, #tpu.memory_space<vmem_shared>> -> memref<10240x128xf32, #tpu.memory_space<vmem_shared>>
        tpu.wait_indirect_dma semaphore(%run_scoped3A : memref<!tpu.dma_semaphore, #tpu.memory_space<semaphore_mem>>) src(%arg14 : memref<64x128xf32, #tpu.memory_space<vmem>>) dst(%dma_wait3A_1635 : memref<10240x128xf32, #tpu.memory_space<vmem_shared>>)
        tpu.yield
      }) : () -> ()
      %dma_start3A_1351 = arith.constant 14 : i32
      %dma_start3A_1352 = arith.constant 64 : i32
      %dma_start3A_1353 = tpu.memref_slice %arg7[%dma_start3A_1351, %dma_start3A_1352] : memref<16x128xi32, #tpu.memory_space<vmem>> -> memref<1x64xi32, #tpu.memory_space<vmem>>
      %dma_start3A_1354 = tpu.memref_squeeze %dma_start3A_1353 : memref<1x64xi32, #tpu.memory_space<vmem>> -> memref<64xi32, #tpu.memory_space<vmem>>
      %dma_start3A_1355 = arith.constant 0 : i32
      %dma_start3A_1356 = arith.constant 0 : i32
      %dma_start3A_1357 = tpu.memref_slice %arg2[%dma_start3A_1355, %dma_start3A_1356] : memref<10000x128xf32, #tpu.memory_space<hbm>> -> memref<10000x128xf32, #tpu.memory_space<hbm>>
      tpu.enqueue_indirect_dma source(%dma_start3A_1357 : memref<10000x128xf32, #tpu.memory_space<hbm>>) target(%arg14 : memref<64x128xf32, #tpu.memory_space<vmem>>) offsets(%dma_start3A_1354 : memref<64xi32, #tpu.memory_space<vmem>>) semaphore(%arg19 : memref<!tpu.dma_semaphore, #tpu.memory_space<semaphore_mem>>)
      %get3A_1358 = arith.constant 13 : i32
      %get3A_1359 = arith.index_cast %get3A_1358 : i32 to index
      %get3A_1360 = arith.constant 0 : index
      %get3A_1361 = tpu.vector_load %arg8[%get3A_1359, %get3A_1360] {strides = array<i32>} : memref<16x128xi32, #tpu.memory_space<vmem>>, vector<1x16xi32>,
      %get3A_1362 = vector.shape_cast %get3A_1361 : vector<1x16xi32> to vector<16xi32>
      %swap3A_1363 = arith.constant 0 : index
      %swap3A_1364 = tpu.vector_load %arg11[%swap3A_1363] {strides = array<i32>} : memref<64xi32, #tpu.memory_space<vmem>>, vector<16xi32>,
      %swap3A_1365 = vector.shape_cast %swap3A_1364 : vector<16xi32> to vector<16xi32>
      %swap3A_1366 = vector.shape_cast %get3A_1362 : vector<16xi32> to vector<16xi32>
      tpu.vector_store %arg11[%swap3A_1363], %swap3A_1366 {strides = array<i32>} : memref<64xi32, #tpu.memory_space<vmem>>, vector<16xi32>,
      %get3A_1367 = arith.constant 13 : i32
      %get3A_1368 = arith.index_cast %get3A_1367 : i32 to index
      %get3A_1369 = arith.constant 16 : index
      %get3A_1370 = tpu.vector_load %arg8[%get3A_1368, %get3A_1369] {strides = array<i32>} : memref<16x128xi32, #tpu.memory_space<vmem>>, vector<1x16xi32>,
      %get3A_1371 = vector.shape_cast %get3A_1370 : vector<1x16xi32> to vector<16xi32>
      %swap3A_1372 = arith.constant 16 : index
      %swap3A_1373 = tpu.vector_load %arg11[%swap3A_1372] {strides = array<i32>} : memref<64xi32, #tpu.memory_space<vmem>>, vector<16xi32>,
      %swap3A_1374 = vector.shape_cast %swap3A_1373 : vector<16xi32> to vector<16xi32>
      %swap3A_1375 = vector.shape_cast %get3A_1371 : vector<16xi32> to vector<16xi32>
      tpu.vector_store %arg11[%swap3A_1372], %swap3A_1375 {strides = array<i32>} : memref<64xi32, #tpu.memory_space<vmem>>, vector<16xi32>,
      %get3A_1376 = arith.constant 13 : i32
      %get3A_1377 = arith.index_cast %get3A_1376 : i32 to index
      %get3A_1378 = arith.constant 32 : index
      %get3A_1379 = tpu.vector_load %arg8[%get3A_1377, %get3A_1378] {strides = array<i32>} : memref<16x128xi32, #tpu.memory_space<vmem>>, vector<1x16xi32>,
      %get3A_1380 = vector.shape_cast %get3A_1379 : vector<1x16xi32> to vector<16xi32>
      %swap3A_1381 = arith.constant 32 : index
      %swap3A_1382 = tpu.vector_load %arg11[%swap3A_1381] {strides = array<i32>} : memref<64xi32, #tpu.memory_space<vmem>>, vector<16xi32>,
      %swap3A_1383 = vector.shape_cast %swap3A_1382 : vector<16xi32> to vector<16xi32>
      %swap3A_1384 = vector.shape_cast %get3A_1380 : vector<16xi32> to vector<16xi32>
      tpu.vector_store %arg11[%swap3A_1381], %swap3A_1384 {strides = array<i32>} : memref<64xi32, #tpu.memory_space<vmem>>, vector<16xi32>,
      %get3A_1385 = arith.constant 13 : i32
      %get3A_1386 = arith.index_cast %get3A_1385 : i32 to index
      %get3A_1387 = arith.constant 48 : index
      %get3A_1388 = tpu.vector_load %arg8[%get3A_1386, %get3A_1387] {strides = array<i32>} : memref<16x128xi32, #tpu.memory_space<vmem>>, vector<1x16xi32>,
      %get3A_1389 = vector.shape_cast %get3A_1388 : vector<1x16xi32> to vector<16xi32>
      %swap3A_1390 = arith.constant 48 : index
      %swap3A_1391 = tpu.vector_load %arg11[%swap3A_1390] {strides = array<i32>} : memref<64xi32, #tpu.memory_space<vmem>>, vector<16xi32>,
      %swap3A_1392 = vector.shape_cast %swap3A_1391 : vector<16xi32> to vector<16xi32>
      %swap3A_1393 = vector.shape_cast %get3A_1389 : vector<16xi32> to vector<16xi32>
      tpu.vector_store %arg11[%swap3A_1390], %swap3A_1393 {strides = array<i32>} : memref<64xi32, #tpu.memory_space<vmem>>, vector<16xi32>,
      %dma_wait3A_1394 = arith.constant 0 : i32
      %dma_wait3A_1395 = arith.constant 0 : i32
      %dma_wait3A_1396 = tpu.memref_slice %arg7[%dma_wait3A_1394, %dma_wait3A_1395] : memref<16x128xi32, #tpu.memory_space<vmem>> -> memref<1x64xi32, #tpu.memory_space<vmem>>
      %dma_wait3A_1397 = tpu.memref_squeeze %dma_wait3A_1396 : memref<1x64xi32, #tpu.memory_space<vmem>> -> memref<64xi32, #tpu.memory_space<vmem>>
      %dma_wait3A_1398 = arith.constant 0 : i32
      %dma_wait3A_1399 = arith.constant 0 : i32
      %dma_wait3A_1400 = tpu.memref_slice %arg2[%dma_wait3A_1398, %dma_wait3A_1399] : memref<10000x128xf32, #tpu.memory_space<hbm>> -> memref<10000x128xf32, #tpu.memory_space<hbm>>
      tpu.wait_indirect_dma semaphore(%arg20 : memref<!tpu.dma_semaphore, #tpu.memory_space<semaphore_mem>>) src(%dma_wait3A_1400 : memref<10000x128xf32, #tpu.memory_space<hbm>>) dst(%arg15 : memref<64x128xf32, #tpu.memory_space<vmem>>)
      "tpu.region"() ({
        %run_scoped3A = tpu.sem_alloc : memref<!tpu.dma_semaphore, #tpu.memory_space<semaphore_mem>>
        %dma_start3A_1630 = arith.constant 0 : i32
        %dma_start3A_1631 = arith.constant 0 : i32
        %dma_start3A_1632 = tpu.memref_slice %arg17[%dma_start3A_1630, %dma_start3A_1631] : memref<10240x128xf32, #tpu.memory_space<vmem_shared>> -> memref<10240x128xf32, #tpu.memory_space<vmem_shared>>
        tpu.enqueue_indirect_dma source(%arg15 : memref<64x128xf32, #tpu.memory_space<vmem>>) target(%dma_start3A_1632 : memref<10240x128xf32, #tpu.memory_space<vmem_shared>>) offsets(%arg11 : memref<64xi32, #tpu.memory_space<vmem>>) semaphore(%run_scoped3A : memref<!tpu.dma_semaphore, #tpu.memory_space<semaphore_mem>>) {add = true}
        %dma_wait3A_1633 = arith.constant 0 : i32
        %dma_wait3A_1634 = arith.constant 0 : i32
        %dma_wait3A_1635 = tpu.memref_slice %arg17[%dma_wait3A_1633, %dma_wait3A_1634] : memref<10240x128xf32, #tpu.memory_space<vmem_shared>> -> memref<10240x128xf32, #tpu.memory_space<vmem_shared>>
        tpu.wait_indirect_dma semaphore(%run_scoped3A : memref<!tpu.dma_semaphore, #tpu.memory_space<semaphore_mem>>) src(%arg15 : memref<64x128xf32, #tpu.memory_space<vmem>>) dst(%dma_wait3A_1635 : memref<10240x128xf32, #tpu.memory_space<vmem_shared>>)
        tpu.yield
      }) : () -> ()
      %dma_start3A_1401 = arith.constant 15 : i32
      %dma_start3A_1402 = arith.constant 0 : i32
      %dma_start3A_1403 = tpu.memref_slice %arg7[%dma_start3A_1401, %dma_start3A_1402] : memref<16x128xi32, #tpu.memory_space<vmem>> -> memref<1x64xi32, #tpu.memory_space<vmem>>
      %dma_start3A_1404 = tpu.memref_squeeze %dma_start3A_1403 : memref<1x64xi32, #tpu.memory_space<vmem>> -> memref<64xi32, #tpu.memory_space<vmem>>
      %dma_start3A_1405 = arith.constant 0 : i32
      %dma_start3A_1406 = arith.constant 0 : i32
      %dma_start3A_1407 = tpu.memref_slice %arg2[%dma_start3A_1405, %dma_start3A_1406] : memref<10000x128xf32, #tpu.memory_space<hbm>> -> memref<10000x128xf32, #tpu.memory_space<hbm>>
      tpu.enqueue_indirect_dma source(%dma_start3A_1407 : memref<10000x128xf32, #tpu.memory_space<hbm>>) target(%arg15 : memref<64x128xf32, #tpu.memory_space<vmem>>) offsets(%dma_start3A_1404 : memref<64xi32, #tpu.memory_space<vmem>>) semaphore(%arg20 : memref<!tpu.dma_semaphore, #tpu.memory_space<semaphore_mem>>)
      %get3A_1408 = arith.constant 13 : i32
      %get3A_1409 = arith.index_cast %get3A_1408 : i32 to index
      %get3A_1410 = arith.constant 64 : index
      %get3A_1411 = tpu.vector_load %arg8[%get3A_1409, %get3A_1410] {strides = array<i32>} : memref<16x128xi32, #tpu.memory_space<vmem>>, vector<1x16xi32>,
      %get3A_1412 = vector.shape_cast %get3A_1411 : vector<1x16xi32> to vector<16xi32>
      %swap3A_1413 = arith.constant 0 : index
      %swap3A_1414 = tpu.vector_load %arg12[%swap3A_1413] {strides = array<i32>} : memref<64xi32, #tpu.memory_space<vmem>>, vector<16xi32>,
      %swap3A_1415 = vector.shape_cast %swap3A_1414 : vector<16xi32> to vector<16xi32>
      %swap3A_1416 = vector.shape_cast %get3A_1412 : vector<16xi32> to vector<16xi32>
      tpu.vector_store %arg12[%swap3A_1413], %swap3A_1416 {strides = array<i32>} : memref<64xi32, #tpu.memory_space<vmem>>, vector<16xi32>,
      %get3A_1417 = arith.constant 13 : i32
      %get3A_1418 = arith.index_cast %get3A_1417 : i32 to index
      %get3A_1419 = arith.constant 80 : index
      %get3A_1420 = tpu.vector_load %arg8[%get3A_1418, %get3A_1419] {strides = array<i32>} : memref<16x128xi32, #tpu.memory_space<vmem>>, vector<1x16xi32>,
      %get3A_1421 = vector.shape_cast %get3A_1420 : vector<1x16xi32> to vector<16xi32>
      %swap3A_1422 = arith.constant 16 : index
      %swap3A_1423 = tpu.vector_load %arg12[%swap3A_1422] {strides = array<i32>} : memref<64xi32, #tpu.memory_space<vmem>>, vector<16xi32>,
      %swap3A_1424 = vector.shape_cast %swap3A_1423 : vector<16xi32> to vector<16xi32>
      %swap3A_1425 = vector.shape_cast %get3A_1421 : vector<16xi32> to vector<16xi32>
      tpu.vector_store %arg12[%swap3A_1422], %swap3A_1425 {strides = array<i32>} : memref<64xi32, #tpu.memory_space<vmem>>, vector<16xi32>,
      %get3A_1426 = arith.constant 13 : i32
      %get3A_1427 = arith.index_cast %get3A_1426 : i32 to index
      %get3A_1428 = arith.constant 96 : index
      %get3A_1429 = tpu.vector_load %arg8[%get3A_1427, %get3A_1428] {strides = array<i32>} : memref<16x128xi32, #tpu.memory_space<vmem>>, vector<1x16xi32>,
      %get3A_1430 = vector.shape_cast %get3A_1429 : vector<1x16xi32> to vector<16xi32>
      %swap3A_1431 = arith.constant 32 : index
      %swap3A_1432 = tpu.vector_load %arg12[%swap3A_1431] {strides = array<i32>} : memref<64xi32, #tpu.memory_space<vmem>>, vector<16xi32>,
      %swap3A_1433 = vector.shape_cast %swap3A_1432 : vector<16xi32> to vector<16xi32>
      %swap3A_1434 = vector.shape_cast %get3A_1430 : vector<16xi32> to vector<16xi32>
      tpu.vector_store %arg12[%swap3A_1431], %swap3A_1434 {strides = array<i32>} : memref<64xi32, #tpu.memory_space<vmem>>, vector<16xi32>,
      %get3A_1435 = arith.constant 13 : i32
      %get3A_1436 = arith.index_cast %get3A_1435 : i32 to index
      %get3A_1437 = arith.constant 112 : index
      %get3A_1438 = tpu.vector_load %arg8[%get3A_1436, %get3A_1437] {strides = array<i32>} : memref<16x128xi32, #tpu.memory_space<vmem>>, vector<1x16xi32>,
      %get3A_1439 = vector.shape_cast %get3A_1438 : vector<1x16xi32> to vector<16xi32>
      %swap3A_1440 = arith.constant 48 : index
      %swap3A_1441 = tpu.vector_load %arg12[%swap3A_1440] {strides = array<i32>} : memref<64xi32, #tpu.memory_space<vmem>>, vector<16xi32>,
      %swap3A_1442 = vector.shape_cast %swap3A_1441 : vector<16xi32> to vector<16xi32>
      %swap3A_1443 = vector.shape_cast %get3A_1439 : vector<16xi32> to vector<16xi32>
      tpu.vector_store %arg12[%swap3A_1440], %swap3A_1443 {strides = array<i32>} : memref<64xi32, #tpu.memory_space<vmem>>, vector<16xi32>,
      %dma_wait3A_1444 = arith.constant 0 : i32
      %dma_wait3A_1445 = arith.constant 0 : i32
      %dma_wait3A_1446 = tpu.memref_slice %arg7[%dma_wait3A_1444, %dma_wait3A_1445] : memref<16x128xi32, #tpu.memory_space<vmem>> -> memref<1x64xi32, #tpu.memory_space<vmem>>
      %dma_wait3A_1447 = tpu.memref_squeeze %dma_wait3A_1446 : memref<1x64xi32, #tpu.memory_space<vmem>> -> memref<64xi32, #tpu.memory_space<vmem>>
      %dma_wait3A_1448 = arith.constant 0 : i32
      %dma_wait3A_1449 = arith.constant 0 : i32
      %dma_wait3A_1450 = tpu.memref_slice %arg2[%dma_wait3A_1448, %dma_wait3A_1449] : memref<10000x128xf32, #tpu.memory_space<hbm>> -> memref<10000x128xf32, #tpu.memory_space<hbm>>
      tpu.wait_indirect_dma semaphore(%arg21 : memref<!tpu.dma_semaphore, #tpu.memory_space<semaphore_mem>>) src(%dma_wait3A_1450 : memref<10000x128xf32, #tpu.memory_space<hbm>>) dst(%arg16 : memref<64x128xf32, #tpu.memory_space<vmem>>)
      "tpu.region"() ({
        %run_scoped3A = tpu.sem_alloc : memref<!tpu.dma_semaphore, #tpu.memory_space<semaphore_mem>>
        %dma_start3A_1630 = arith.constant 0 : i32
        %dma_start3A_1631 = arith.constant 0 : i32
        %dma_start3A_1632 = tpu.memref_slice %arg17[%dma_start3A_1630, %dma_start3A_1631] : memref<10240x128xf32, #tpu.memory_space<vmem_shared>> -> memref<10240x128xf32, #tpu.memory_space<vmem_shared>>
        tpu.enqueue_indirect_dma source(%arg16 : memref<64x128xf32, #tpu.memory_space<vmem>>) target(%dma_start3A_1632 : memref<10240x128xf32, #tpu.memory_space<vmem_shared>>) offsets(%arg12 : memref<64xi32, #tpu.memory_space<vmem>>) semaphore(%run_scoped3A : memref<!tpu.dma_semaphore, #tpu.memory_space<semaphore_mem>>) {add = true}
        %dma_wait3A_1633 = arith.constant 0 : i32
        %dma_wait3A_1634 = arith.constant 0 : i32
        %dma_wait3A_1635 = tpu.memref_slice %arg17[%dma_wait3A_1633, %dma_wait3A_1634] : memref<10240x128xf32, #tpu.memory_space<vmem_shared>> -> memref<10240x128xf32, #tpu.memory_space<vmem_shared>>
        tpu.wait_indirect_dma semaphore(%run_scoped3A : memref<!tpu.dma_semaphore, #tpu.memory_space<semaphore_mem>>) src(%arg16 : memref<64x128xf32, #tpu.memory_space<vmem>>) dst(%dma_wait3A_1635 : memref<10240x128xf32, #tpu.memory_space<vmem_shared>>)
        tpu.yield
      }) : () -> ()
      %dma_start3A_1451 = arith.constant 15 : i32
      %dma_start3A_1452 = arith.constant 64 : i32
      %dma_start3A_1453 = tpu.memref_slice %arg7[%dma_start3A_1451, %dma_start3A_1452] : memref<16x128xi32, #tpu.memory_space<vmem>> -> memref<1x64xi32, #tpu.memory_space<vmem>>
      %dma_start3A_1454 = tpu.memref_squeeze %dma_start3A_1453 : memref<1x64xi32, #tpu.memory_space<vmem>> -> memref<64xi32, #tpu.memory_space<vmem>>
      %dma_start3A_1455 = arith.constant 0 : i32
      %dma_start3A_1456 = arith.constant 0 : i32
      %dma_start3A_1457 = tpu.memref_slice %arg2[%dma_start3A_1455, %dma_start3A_1456] : memref<10000x128xf32, #tpu.memory_space<hbm>> -> memref<10000x128xf32, #tpu.memory_space<hbm>>
      tpu.enqueue_indirect_dma source(%dma_start3A_1457 : memref<10000x128xf32, #tpu.memory_space<hbm>>) target(%arg16 : memref<64x128xf32, #tpu.memory_space<vmem>>) offsets(%dma_start3A_1454 : memref<64xi32, #tpu.memory_space<vmem>>) semaphore(%arg21 : memref<!tpu.dma_semaphore, #tpu.memory_space<semaphore_mem>>)
      %get3A_1458 = arith.constant 14 : i32
      %get3A_1459 = arith.index_cast %get3A_1458 : i32 to index
      %get3A_1460 = arith.constant 0 : index
      %get3A_1461 = tpu.vector_load %arg8[%get3A_1459, %get3A_1460] {strides = array<i32>} : memref<16x128xi32, #tpu.memory_space<vmem>>, vector<1x16xi32>,
      %get3A_1462 = vector.shape_cast %get3A_1461 : vector<1x16xi32> to vector<16xi32>
      %swap3A_1463 = arith.constant 0 : index
      %swap3A_1464 = tpu.vector_load %arg9[%swap3A_1463] {strides = array<i32>} : memref<64xi32, #tpu.memory_space<vmem>>, vector<16xi32>,
      %swap3A_1465 = vector.shape_cast %swap3A_1464 : vector<16xi32> to vector<16xi32>
      %swap3A_1466 = vector.shape_cast %get3A_1462 : vector<16xi32> to vector<16xi32>
      tpu.vector_store %arg9[%swap3A_1463], %swap3A_1466 {strides = array<i32>} : memref<64xi32, #tpu.memory_space<vmem>>, vector<16xi32>,
      %get3A_1467 = arith.constant 14 : i32
      %get3A_1468 = arith.index_cast %get3A_1467 : i32 to index
      %get3A_1469 = arith.constant 16 : index
      %get3A_1470 = tpu.vector_load %arg8[%get3A_1468, %get3A_1469] {strides = array<i32>} : memref<16x128xi32, #tpu.memory_space<vmem>>, vector<1x16xi32>,
      %get3A_1471 = vector.shape_cast %get3A_1470 : vector<1x16xi32> to vector<16xi32>
      %swap3A_1472 = arith.constant 16 : index
      %swap3A_1473 = tpu.vector_load %arg9[%swap3A_1472] {strides = array<i32>} : memref<64xi32, #tpu.memory_space<vmem>>, vector<16xi32>,
      %swap3A_1474 = vector.shape_cast %swap3A_1473 : vector<16xi32> to vector<16xi32>
      %swap3A_1475 = vector.shape_cast %get3A_1471 : vector<16xi32> to vector<16xi32>
      tpu.vector_store %arg9[%swap3A_1472], %swap3A_1475 {strides = array<i32>} : memref<64xi32, #tpu.memory_space<vmem>>, vector<16xi32>,
      %get3A_1476 = arith.constant 14 : i32
      %get3A_1477 = arith.index_cast %get3A_1476 : i32 to index
      %get3A_1478 = arith.constant 32 : index
      %get3A_1479 = tpu.vector_load %arg8[%get3A_1477, %get3A_1478] {strides = array<i32>} : memref<16x128xi32, #tpu.memory_space<vmem>>, vector<1x16xi32>,
      %get3A_1480 = vector.shape_cast %get3A_1479 : vector<1x16xi32> to vector<16xi32>
      %swap3A_1481 = arith.constant 32 : index
      %swap3A_1482 = tpu.vector_load %arg9[%swap3A_1481] {strides = array<i32>} : memref<64xi32, #tpu.memory_space<vmem>>, vector<16xi32>,
      %swap3A_1483 = vector.shape_cast %swap3A_1482 : vector<16xi32> to vector<16xi32>
      %swap3A_1484 = vector.shape_cast %get3A_1480 : vector<16xi32> to vector<16xi32>
      tpu.vector_store %arg9[%swap3A_1481], %swap3A_1484 {strides = array<i32>} : memref<64xi32, #tpu.memory_space<vmem>>, vector<16xi32>,
      %get3A_1485 = arith.constant 14 : i32
      %get3A_1486 = arith.index_cast %get3A_1485 : i32 to index
      %get3A_1487 = arith.constant 48 : index
      %get3A_1488 = tpu.vector_load %arg8[%get3A_1486, %get3A_1487] {strides = array<i32>} : memref<16x128xi32, #tpu.memory_space<vmem>>, vector<1x16xi32>,
      %get3A_1489 = vector.shape_cast %get3A_1488 : vector<1x16xi32> to vector<16xi32>
      %swap3A_1490 = arith.constant 48 : index
      %swap3A_1491 = tpu.vector_load %arg9[%swap3A_1490] {strides = array<i32>} : memref<64xi32, #tpu.memory_space<vmem>>, vector<16xi32>,
      %swap3A_1492 = vector.shape_cast %swap3A_1491 : vector<16xi32> to vector<16xi32>
      %swap3A_1493 = vector.shape_cast %get3A_1489 : vector<16xi32> to vector<16xi32>
      tpu.vector_store %arg9[%swap3A_1490], %swap3A_1493 {strides = array<i32>} : memref<64xi32, #tpu.memory_space<vmem>>, vector<16xi32>,
      %dma_wait3A_1494 = arith.constant 0 : i32
      %dma_wait3A_1495 = arith.constant 0 : i32
      %dma_wait3A_1496 = tpu.memref_slice %arg7[%dma_wait3A_1494, %dma_wait3A_1495] : memref<16x128xi32, #tpu.memory_space<vmem>> -> memref<1x64xi32, #tpu.memory_space<vmem>>
      %dma_wait3A_1497 = tpu.memref_squeeze %dma_wait3A_1496 : memref<1x64xi32, #tpu.memory_space<vmem>> -> memref<64xi32, #tpu.memory_space<vmem>>
      %dma_wait3A_1498 = arith.constant 0 : i32
      %dma_wait3A_1499 = arith.constant 0 : i32
      %dma_wait3A_1500 = tpu.memref_slice %arg2[%dma_wait3A_1498, %dma_wait3A_1499] : memref<10000x128xf32, #tpu.memory_space<hbm>> -> memref<10000x128xf32, #tpu.memory_space<hbm>>
      tpu.wait_indirect_dma semaphore(%arg18 : memref<!tpu.dma_semaphore, #tpu.memory_space<semaphore_mem>>) src(%dma_wait3A_1500 : memref<10000x128xf32, #tpu.memory_space<hbm>>) dst(%arg13 : memref<64x128xf32, #tpu.memory_space<vmem>>)
      "tpu.region"() ({
        %run_scoped3A = tpu.sem_alloc : memref<!tpu.dma_semaphore, #tpu.memory_space<semaphore_mem>>
        %dma_start3A_1630 = arith.constant 0 : i32
        %dma_start3A_1631 = arith.constant 0 : i32
        %dma_start3A_1632 = tpu.memref_slice %arg17[%dma_start3A_1630, %dma_start3A_1631] : memref<10240x128xf32, #tpu.memory_space<vmem_shared>> -> memref<10240x128xf32, #tpu.memory_space<vmem_shared>>
        tpu.enqueue_indirect_dma source(%arg13 : memref<64x128xf32, #tpu.memory_space<vmem>>) target(%dma_start3A_1632 : memref<10240x128xf32, #tpu.memory_space<vmem_shared>>) offsets(%arg9 : memref<64xi32, #tpu.memory_space<vmem>>) semaphore(%run_scoped3A : memref<!tpu.dma_semaphore, #tpu.memory_space<semaphore_mem>>) {add = true}
        %dma_wait3A_1633 = arith.constant 0 : i32
        %dma_wait3A_1634 = arith.constant 0 : i32
        %dma_wait3A_1635 = tpu.memref_slice %arg17[%dma_wait3A_1633, %dma_wait3A_1634] : memref<10240x128xf32, #tpu.memory_space<vmem_shared>> -> memref<10240x128xf32, #tpu.memory_space<vmem_shared>>
        tpu.wait_indirect_dma semaphore(%run_scoped3A : memref<!tpu.dma_semaphore, #tpu.memory_space<semaphore_mem>>) src(%arg13 : memref<64x128xf32, #tpu.memory_space<vmem>>) dst(%dma_wait3A_1635 : memref<10240x128xf32, #tpu.memory_space<vmem_shared>>)
        tpu.yield
      }) : () -> ()
      %get3A_1501 = arith.constant 14 : i32
      %get3A_1502 = arith.index_cast %get3A_1501 : i32 to index
      %get3A_1503 = arith.constant 64 : index
      %get3A_1504 = tpu.vector_load %arg8[%get3A_1502, %get3A_1503] {strides = array<i32>} : memref<16x128xi32, #tpu.memory_space<vmem>>, vector<1x16xi32>,
      %get3A_1505 = vector.shape_cast %get3A_1504 : vector<1x16xi32> to vector<16xi32>
      %swap3A_1506 = arith.constant 0 : index
      %swap3A_1507 = tpu.vector_load %arg10[%swap3A_1506] {strides = array<i32>} : memref<64xi32, #tpu.memory_space<vmem>>, vector<16xi32>,
      %swap3A_1508 = vector.shape_cast %swap3A_1507 : vector<16xi32> to vector<16xi32>
      %swap3A_1509 = vector.shape_cast %get3A_1505 : vector<16xi32> to vector<16xi32>
      tpu.vector_store %arg10[%swap3A_1506], %swap3A_1509 {strides = array<i32>} : memref<64xi32, #tpu.memory_space<vmem>>, vector<16xi32>,
      %get3A_1510 = arith.constant 14 : i32
      %get3A_1511 = arith.index_cast %get3A_1510 : i32 to index
      %get3A_1512 = arith.constant 80 : index
      %get3A_1513 = tpu.vector_load %arg8[%get3A_1511, %get3A_1512] {strides = array<i32>} : memref<16x128xi32, #tpu.memory_space<vmem>>, vector<1x16xi32>,
      %get3A_1514 = vector.shape_cast %get3A_1513 : vector<1x16xi32> to vector<16xi32>
      %swap3A_1515 = arith.constant 16 : index
      %swap3A_1516 = tpu.vector_load %arg10[%swap3A_1515] {strides = array<i32>} : memref<64xi32, #tpu.memory_space<vmem>>, vector<16xi32>,
      %swap3A_1517 = vector.shape_cast %swap3A_1516 : vector<16xi32> to vector<16xi32>
      %swap3A_1518 = vector.shape_cast %get3A_1514 : vector<16xi32> to vector<16xi32>
      tpu.vector_store %arg10[%swap3A_1515], %swap3A_1518 {strides = array<i32>} : memref<64xi32, #tpu.memory_space<vmem>>, vector<16xi32>,
      %get3A_1519 = arith.constant 14 : i32
      %get3A_1520 = arith.index_cast %get3A_1519 : i32 to index
      %get3A_1521 = arith.constant 96 : index
      %get3A_1522 = tpu.vector_load %arg8[%get3A_1520, %get3A_1521] {strides = array<i32>} : memref<16x128xi32, #tpu.memory_space<vmem>>, vector<1x16xi32>,
      %get3A_1523 = vector.shape_cast %get3A_1522 : vector<1x16xi32> to vector<16xi32>
      %swap3A_1524 = arith.constant 32 : index
      %swap3A_1525 = tpu.vector_load %arg10[%swap3A_1524] {strides = array<i32>} : memref<64xi32, #tpu.memory_space<vmem>>, vector<16xi32>,
      %swap3A_1526 = vector.shape_cast %swap3A_1525 : vector<16xi32> to vector<16xi32>
      %swap3A_1527 = vector.shape_cast %get3A_1523 : vector<16xi32> to vector<16xi32>
      tpu.vector_store %arg10[%swap3A_1524], %swap3A_1527 {strides = array<i32>} : memref<64xi32, #tpu.memory_space<vmem>>, vector<16xi32>,
      %get3A_1528 = arith.constant 14 : i32
      %get3A_1529 = arith.index_cast %get3A_1528 : i32 to index
      %get3A_1530 = arith.constant 112 : index
      %get3A_1531 = tpu.vector_load %arg8[%get3A_1529, %get3A_1530] {strides = array<i32>} : memref<16x128xi32, #tpu.memory_space<vmem>>, vector<1x16xi32>,
      %get3A_1532 = vector.shape_cast %get3A_1531 : vector<1x16xi32> to vector<16xi32>
      %swap3A_1533 = arith.constant 48 : index
      %swap3A_1534 = tpu.vector_load %arg10[%swap3A_1533] {strides = array<i32>} : memref<64xi32, #tpu.memory_space<vmem>>, vector<16xi32>,
      %swap3A_1535 = vector.shape_cast %swap3A_1534 : vector<16xi32> to vector<16xi32>
      %swap3A_1536 = vector.shape_cast %get3A_1532 : vector<16xi32> to vector<16xi32>
      tpu.vector_store %arg10[%swap3A_1533], %swap3A_1536 {strides = array<i32>} : memref<64xi32, #tpu.memory_space<vmem>>, vector<16xi32>,
      %dma_wait3A_1537 = arith.constant 0 : i32
      %dma_wait3A_1538 = arith.constant 0 : i32
      %dma_wait3A_1539 = tpu.memref_slice %arg7[%dma_wait3A_1537, %dma_wait3A_1538] : memref<16x128xi32, #tpu.memory_space<vmem>> -> memref<1x64xi32, #tpu.memory_space<vmem>>
      %dma_wait3A_1540 = tpu.memref_squeeze %dma_wait3A_1539 : memref<1x64xi32, #tpu.memory_space<vmem>> -> memref<64xi32, #tpu.memory_space<vmem>>
      %dma_wait3A_1541 = arith.constant 0 : i32
      %dma_wait3A_1542 = arith.constant 0 : i32
      %dma_wait3A_1543 = tpu.memref_slice %arg2[%dma_wait3A_1541, %dma_wait3A_1542] : memref<10000x128xf32, #tpu.memory_space<hbm>> -> memref<10000x128xf32, #tpu.memory_space<hbm>>
      tpu.wait_indirect_dma semaphore(%arg19 : memref<!tpu.dma_semaphore, #tpu.memory_space<semaphore_mem>>) src(%dma_wait3A_1543 : memref<10000x128xf32, #tpu.memory_space<hbm>>) dst(%arg14 : memref<64x128xf32, #tpu.memory_space<vmem>>)
      "tpu.region"() ({
        %run_scoped3A = tpu.sem_alloc : memref<!tpu.dma_semaphore, #tpu.memory_space<semaphore_mem>>
        %dma_start3A_1630 = arith.constant 0 : i32
        %dma_start3A_1631 = arith.constant 0 : i32
        %dma_start3A_1632 = tpu.memref_slice %arg17[%dma_start3A_1630, %dma_start3A_1631] : memref<10240x128xf32, #tpu.memory_space<vmem_shared>> -> memref<10240x128xf32, #tpu.memory_space<vmem_shared>>
        tpu.enqueue_indirect_dma source(%arg14 : memref<64x128xf32, #tpu.memory_space<vmem>>) target(%dma_start3A_1632 : memref<10240x128xf32, #tpu.memory_space<vmem_shared>>) offsets(%arg10 : memref<64xi32, #tpu.memory_space<vmem>>) semaphore(%run_scoped3A : memref<!tpu.dma_semaphore, #tpu.memory_space<semaphore_mem>>) {add = true}
        %dma_wait3A_1633 = arith.constant 0 : i32
        %dma_wait3A_1634 = arith.constant 0 : i32
        %dma_wait3A_1635 = tpu.memref_slice %arg17[%dma_wait3A_1633, %dma_wait3A_1634] : memref<10240x128xf32, #tpu.memory_space<vmem_shared>> -> memref<10240x128xf32, #tpu.memory_space<vmem_shared>>
        tpu.wait_indirect_dma semaphore(%run_scoped3A : memref<!tpu.dma_semaphore, #tpu.memory_space<semaphore_mem>>) src(%arg14 : memref<64x128xf32, #tpu.memory_space<vmem>>) dst(%dma_wait3A_1635 : memref<10240x128xf32, #tpu.memory_space<vmem_shared>>)
        tpu.yield
      }) : () -> ()
      %get3A_1544 = arith.constant 15 : i32
      %get3A_1545 = arith.index_cast %get3A_1544 : i32 to index
      %get3A_1546 = arith.constant 0 : index
      %get3A_1547 = tpu.vector_load %arg8[%get3A_1545, %get3A_1546] {strides = array<i32>} : memref<16x128xi32, #tpu.memory_space<vmem>>, vector<1x16xi32>,
      %get3A_1548 = vector.shape_cast %get3A_1547 : vector<1x16xi32> to vector<16xi32>
      %swap3A_1549 = arith.constant 0 : index
      %swap3A_1550 = tpu.vector_load %arg11[%swap3A_1549] {strides = array<i32>} : memref<64xi32, #tpu.memory_space<vmem>>, vector<16xi32>,
      %swap3A_1551 = vector.shape_cast %swap3A_1550 : vector<16xi32> to vector<16xi32>
      %swap3A_1552 = vector.shape_cast %get3A_1548 : vector<16xi32> to vector<16xi32>
      tpu.vector_store %arg11[%swap3A_1549], %swap3A_1552 {strides = array<i32>} : memref<64xi32, #tpu.memory_space<vmem>>, vector<16xi32>,
      %get3A_1553 = arith.constant 15 : i32
      %get3A_1554 = arith.index_cast %get3A_1553 : i32 to index
      %get3A_1555 = arith.constant 16 : index
      %get3A_1556 = tpu.vector_load %arg8[%get3A_1554, %get3A_1555] {strides = array<i32>} : memref<16x128xi32, #tpu.memory_space<vmem>>, vector<1x16xi32>,
      %get3A_1557 = vector.shape_cast %get3A_1556 : vector<1x16xi32> to vector<16xi32>
      %swap3A_1558 = arith.constant 16 : index
      %swap3A_1559 = tpu.vector_load %arg11[%swap3A_1558] {strides = array<i32>} : memref<64xi32, #tpu.memory_space<vmem>>, vector<16xi32>,
      %swap3A_1560 = vector.shape_cast %swap3A_1559 : vector<16xi32> to vector<16xi32>
      %swap3A_1561 = vector.shape_cast %get3A_1557 : vector<16xi32> to vector<16xi32>
      tpu.vector_store %arg11[%swap3A_1558], %swap3A_1561 {strides = array<i32>} : memref<64xi32, #tpu.memory_space<vmem>>, vector<16xi32>,
      %get3A_1562 = arith.constant 15 : i32
      %get3A_1563 = arith.index_cast %get3A_1562 : i32 to index
      %get3A_1564 = arith.constant 32 : index
      %get3A_1565 = tpu.vector_load %arg8[%get3A_1563, %get3A_1564] {strides = array<i32>} : memref<16x128xi32, #tpu.memory_space<vmem>>, vector<1x16xi32>,
      %get3A_1566 = vector.shape_cast %get3A_1565 : vector<1x16xi32> to vector<16xi32>
      %swap3A_1567 = arith.constant 32 : index
      %swap3A_1568 = tpu.vector_load %arg11[%swap3A_1567] {strides = array<i32>} : memref<64xi32, #tpu.memory_space<vmem>>, vector<16xi32>,
      %swap3A_1569 = vector.shape_cast %swap3A_1568 : vector<16xi32> to vector<16xi32>
      %swap3A_1570 = vector.shape_cast %get3A_1566 : vector<16xi32> to vector<16xi32>
      tpu.vector_store %arg11[%swap3A_1567], %swap3A_1570 {strides = array<i32>} : memref<64xi32, #tpu.memory_space<vmem>>, vector<16xi32>,
      %get3A_1571 = arith.constant 15 : i32
      %get3A_1572 = arith.index_cast %get3A_1571 : i32 to index
      %get3A_1573 = arith.constant 48 : index
      %get3A_1574 = tpu.vector_load %arg8[%get3A_1572, %get3A_1573] {strides = array<i32>} : memref<16x128xi32, #tpu.memory_space<vmem>>, vector<1x16xi32>,
      %get3A_1575 = vector.shape_cast %get3A_1574 : vector<1x16xi32> to vector<16xi32>
      %swap3A_1576 = arith.constant 48 : index
      %swap3A_1577 = tpu.vector_load %arg11[%swap3A_1576] {strides = array<i32>} : memref<64xi32, #tpu.memory_space<vmem>>, vector<16xi32>,
      %swap3A_1578 = vector.shape_cast %swap3A_1577 : vector<16xi32> to vector<16xi32>
      %swap3A_1579 = vector.shape_cast %get3A_1575 : vector<16xi32> to vector<16xi32>
      tpu.vector_store %arg11[%swap3A_1576], %swap3A_1579 {strides = array<i32>} : memref<64xi32, #tpu.memory_space<vmem>>, vector<16xi32>,
      %dma_wait3A_1580 = arith.constant 0 : i32
      %dma_wait3A_1581 = arith.constant 0 : i32
      %dma_wait3A_1582 = tpu.memref_slice %arg7[%dma_wait3A_1580, %dma_wait3A_1581] : memref<16x128xi32, #tpu.memory_space<vmem>> -> memref<1x64xi32, #tpu.memory_space<vmem>>
      %dma_wait3A_1583 = tpu.memref_squeeze %dma_wait3A_1582 : memref<1x64xi32, #tpu.memory_space<vmem>> -> memref<64xi32, #tpu.memory_space<vmem>>
      %dma_wait3A_1584 = arith.constant 0 : i32
      %dma_wait3A_1585 = arith.constant 0 : i32
      %dma_wait3A_1586 = tpu.memref_slice %arg2[%dma_wait3A_1584, %dma_wait3A_1585] : memref<10000x128xf32, #tpu.memory_space<hbm>> -> memref<10000x128xf32, #tpu.memory_space<hbm>>
      tpu.wait_indirect_dma semaphore(%arg20 : memref<!tpu.dma_semaphore, #tpu.memory_space<semaphore_mem>>) src(%dma_wait3A_1586 : memref<10000x128xf32, #tpu.memory_space<hbm>>) dst(%arg15 : memref<64x128xf32, #tpu.memory_space<vmem>>)
      "tpu.region"() ({
        %run_scoped3A = tpu.sem_alloc : memref<!tpu.dma_semaphore, #tpu.memory_space<semaphore_mem>>
        %dma_start3A_1630 = arith.constant 0 : i32
        %dma_start3A_1631 = arith.constant 0 : i32
        %dma_start3A_1632 = tpu.memref_slice %arg17[%dma_start3A_1630, %dma_start3A_1631] : memref<10240x128xf32, #tpu.memory_space<vmem_shared>> -> memref<10240x128xf32, #tpu.memory_space<vmem_shared>>
        tpu.enqueue_indirect_dma source(%arg15 : memref<64x128xf32, #tpu.memory_space<vmem>>) target(%dma_start3A_1632 : memref<10240x128xf32, #tpu.memory_space<vmem_shared>>) offsets(%arg11 : memref<64xi32, #tpu.memory_space<vmem>>) semaphore(%run_scoped3A : memref<!tpu.dma_semaphore, #tpu.memory_space<semaphore_mem>>) {add = true}
        %dma_wait3A_1633 = arith.constant 0 : i32
        %dma_wait3A_1634 = arith.constant 0 : i32
        %dma_wait3A_1635 = tpu.memref_slice %arg17[%dma_wait3A_1633, %dma_wait3A_1634] : memref<10240x128xf32, #tpu.memory_space<vmem_shared>> -> memref<10240x128xf32, #tpu.memory_space<vmem_shared>>
        tpu.wait_indirect_dma semaphore(%run_scoped3A : memref<!tpu.dma_semaphore, #tpu.memory_space<semaphore_mem>>) src(%arg15 : memref<64x128xf32, #tpu.memory_space<vmem>>) dst(%dma_wait3A_1635 : memref<10240x128xf32, #tpu.memory_space<vmem_shared>>)
        tpu.yield
      }) : () -> ()
      %get3A_1587 = arith.constant 15 : i32
      %get3A_1588 = arith.index_cast %get3A_1587 : i32 to index
      %get3A_1589 = arith.constant 64 : index
      %get3A_1590 = tpu.vector_load %arg8[%get3A_1588, %get3A_1589] {strides = array<i32>} : memref<16x128xi32, #tpu.memory_space<vmem>>, vector<1x16xi32>,
      %get3A_1591 = vector.shape_cast %get3A_1590 : vector<1x16xi32> to vector<16xi32>
      %swap3A_1592 = arith.constant 0 : index
      %swap3A_1593 = tpu.vector_load %arg12[%swap3A_1592] {strides = array<i32>} : memref<64xi32, #tpu.memory_space<vmem>>, vector<16xi32>,
      %swap3A_1594 = vector.shape_cast %swap3A_1593 : vector<16xi32> to vector<16xi32>
      %swap3A_1595 = vector.shape_cast %get3A_1591 : vector<16xi32> to vector<16xi32>
      tpu.vector_store %arg12[%swap3A_1592], %swap3A_1595 {strides = array<i32>} : memref<64xi32, #tpu.memory_space<vmem>>, vector<16xi32>,
      %get3A_1596 = arith.constant 15 : i32
      %get3A_1597 = arith.index_cast %get3A_1596 : i32 to index
      %get3A_1598 = arith.constant 80 : index
      %get3A_1599 = tpu.vector_load %arg8[%get3A_1597, %get3A_1598] {strides = array<i32>} : memref<16x128xi32, #tpu.memory_space<vmem>>, vector<1x16xi32>,
      %get3A_1600 = vector.shape_cast %get3A_1599 : vector<1x16xi32> to vector<16xi32>
      %swap3A_1601 = arith.constant 16 : index
      %swap3A_1602 = tpu.vector_load %arg12[%swap3A_1601] {strides = array<i32>} : memref<64xi32, #tpu.memory_space<vmem>>, vector<16xi32>,
      %swap3A_1603 = vector.shape_cast %swap3A_1602 : vector<16xi32> to vector<16xi32>
      %swap3A_1604 = vector.shape_cast %get3A_1600 : vector<16xi32> to vector<16xi32>
      tpu.vector_store %arg12[%swap3A_1601], %swap3A_1604 {strides = array<i32>} : memref<64xi32, #tpu.memory_space<vmem>>, vector<16xi32>,
      %get3A_1605 = arith.constant 15 : i32
      %get3A_1606 = arith.index_cast %get3A_1605 : i32 to index
      %get3A_1607 = arith.constant 96 : index
      %get3A_1608 = tpu.vector_load %arg8[%get3A_1606, %get3A_1607] {strides = array<i32>} : memref<16x128xi32, #tpu.memory_space<vmem>>, vector<1x16xi32>,
      %get3A_1609 = vector.shape_cast %get3A_1608 : vector<1x16xi32> to vector<16xi32>
      %swap3A_1610 = arith.constant 32 : index
      %swap3A_1611 = tpu.vector_load %arg12[%swap3A_1610] {strides = array<i32>} : memref<64xi32, #tpu.memory_space<vmem>>, vector<16xi32>,
      %swap3A_1612 = vector.shape_cast %swap3A_1611 : vector<16xi32> to vector<16xi32>
      %swap3A_1613 = vector.shape_cast %get3A_1609 : vector<16xi32> to vector<16xi32>
      tpu.vector_store %arg12[%swap3A_1610], %swap3A_1613 {strides = array<i32>} : memref<64xi32, #tpu.memory_space<vmem>>, vector<16xi32>,
      %get3A_1614 = arith.constant 15 : i32
      %get3A_1615 = arith.index_cast %get3A_1614 : i32 to index
      %get3A_1616 = arith.constant 112 : index
      %get3A_1617 = tpu.vector_load %arg8[%get3A_1615, %get3A_1616] {strides = array<i32>} : memref<16x128xi32, #tpu.memory_space<vmem>>, vector<1x16xi32>,
      %get3A_1618 = vector.shape_cast %get3A_1617 : vector<1x16xi32> to vector<16xi32>
      %swap3A_1619 = arith.constant 48 : index
      %swap3A_1620 = tpu.vector_load %arg12[%swap3A_1619] {strides = array<i32>} : memref<64xi32, #tpu.memory_space<vmem>>, vector<16xi32>,
      %swap3A_1621 = vector.shape_cast %swap3A_1620 : vector<16xi32> to vector<16xi32>
      %swap3A_1622 = vector.shape_cast %get3A_1618 : vector<16xi32> to vector<16xi32>
      tpu.vector_store %arg12[%swap3A_1619], %swap3A_1622 {strides = array<i32>} : memref<64xi32, #tpu.memory_space<vmem>>, vector<16xi32>,
      %dma_wait3A_1623 = arith.constant 0 : i32
      %dma_wait3A_1624 = arith.constant 0 : i32
      %dma_wait3A_1625 = tpu.memref_slice %arg7[%dma_wait3A_1623, %dma_wait3A_1624] : memref<16x128xi32, #tpu.memory_space<vmem>> -> memref<1x64xi32, #tpu.memory_space<vmem>>
      %dma_wait3A_1626 = tpu.memref_squeeze %dma_wait3A_1625 : memref<1x64xi32, #tpu.memory_space<vmem>> -> memref<64xi32, #tpu.memory_space<vmem>>
      %dma_wait3A_1627 = arith.constant 0 : i32
      %dma_wait3A_1628 = arith.constant 0 : i32
      %dma_wait3A_1629 = tpu.memref_slice %arg2[%dma_wait3A_1627, %dma_wait3A_1628] : memref<10000x128xf32, #tpu.memory_space<hbm>> -> memref<10000x128xf32, #tpu.memory_space<hbm>>
      tpu.wait_indirect_dma semaphore(%arg21 : memref<!tpu.dma_semaphore, #tpu.memory_space<semaphore_mem>>) src(%dma_wait3A_1629 : memref<10000x128xf32, #tpu.memory_space<hbm>>) dst(%arg16 : memref<64x128xf32, #tpu.memory_space<vmem>>)
      "tpu.region"() ({
        %run_scoped3A = tpu.sem_alloc : memref<!tpu.dma_semaphore, #tpu.memory_space<semaphore_mem>>
        %dma_start3A_1630 = arith.constant 0 : i32
        %dma_start3A_1631 = arith.constant 0 : i32
        %dma_start3A_1632 = tpu.memref_slice %arg17[%dma_start3A_1630, %dma_start3A_1631] : memref<10240x128xf32, #tpu.memory_space<vmem_shared>> -> memref<10240x128xf32, #tpu.memory_space<vmem_shared>>
        tpu.enqueue_indirect_dma source(%arg16 : memref<64x128xf32, #tpu.memory_space<vmem>>) target(%dma_start3A_1632 : memref<10240x128xf32, #tpu.memory_space<vmem_shared>>) offsets(%arg12 : memref<64xi32, #tpu.memory_space<vmem>>) semaphore(%run_scoped3A : memref<!tpu.dma_semaphore, #tpu.memory_space<semaphore_mem>>) {add = true}
        %dma_wait3A_1633 = arith.constant 0 : i32
        %dma_wait3A_1634 = arith.constant 0 : i32
        %dma_wait3A_1635 = tpu.memref_slice %arg17[%dma_wait3A_1633, %dma_wait3A_1634] : memref<10240x128xf32, #tpu.memory_space<vmem_shared>> -> memref<10240x128xf32, #tpu.memory_space<vmem_shared>>
        tpu.wait_indirect_dma semaphore(%run_scoped3A : memref<!tpu.dma_semaphore, #tpu.memory_space<semaphore_mem>>) src(%arg16 : memref<64x128xf32, #tpu.memory_space<vmem>>) dst(%dma_wait3A_1635 : memref<10240x128xf32, #tpu.memory_space<vmem_shared>>)
        tpu.yield
      }) : () -> ()
    }
    %while3A_21 = arith.constant 1 : i32
    scf.for %while3A_27 = %while3A_19 to %while3A_15 step %while3A_21  : i32 {
      %mul3A_28 = arith.constant 16 : i32
      %mul3A_29 = arith.muli %while3A_27, %mul3A_28 : i32
      %add3A_30 = arith.addi %select_n3A, %mul3A_29 : i32
      "tpu.region"() ({
        %run_scoped3A = tpu.sem_alloc : memref<!tpu.dma_semaphore, #tpu.memory_space<semaphore_mem>>
        %dma_start3A_1630 = arith.constant 0 : i32
        %dma_start3A_1631 = tpu.memref_slice %arg3[%add3A_30, %dma_start3A_1630] : memref<2560x128xi32, #tpu.memory_space<hbm>> -> memref<16x128xi32, #tpu.memory_space<hbm>>
        %dma_start3A_1632 = arith.constant 0 : i32
        %dma_start3A_1633 = tpu.memref_slice %arg3[%add3A_30, %dma_start3A_1632] : memref<2560x128xi32, #tpu.memory_space<hbm>> -> memref<16x128xi32, #tpu.memory_space<hbm>>
        tpu.enqueue_dma source(%dma_start3A_1633 : memref<16x128xi32, #tpu.memory_space<hbm>>) target(%arg7 : memref<16x128xi32, #tpu.memory_space<vmem>>) target_semaphore(%run_scoped3A : memref<!tpu.dma_semaphore, #tpu.memory_space<semaphore_mem>>)
        %dma_wait3A_1634 = arith.constant 0 : i32
        %dma_wait3A_1635 = tpu.memref_slice %arg3[%add3A_30, %dma_wait3A_1634] : memref<2560x128xi32, #tpu.memory_space<hbm>> -> memref<16x128xi32, #tpu.memory_space<hbm>>
        %dma_wait3A_1636 = arith.constant 0 : i32
        %dma_wait3A_1637 = tpu.memref_slice %arg3[%add3A_30, %dma_wait3A_1636] : memref<2560x128xi32, #tpu.memory_space<hbm>> -> memref<16x128xi32, #tpu.memory_space<hbm>>
        tpu.wait_dma2 semaphore(%run_scoped3A : memref<!tpu.dma_semaphore, #tpu.memory_space<semaphore_mem>>) src(%dma_wait3A_1637 : memref<16x128xi32, #tpu.memory_space<hbm>>) dst(%arg7 : memref<16x128xi32, #tpu.memory_space<vmem>>)
        tpu.yield
      }) : () -> ()
      %mul3A_31 = arith.constant 16 : i32
      %mul3A_32 = arith.muli %while3A_27, %mul3A_31 : i32
      %add3A_33 = arith.addi %select_n3A, %mul3A_32 : i32
      "tpu.region"() ({
        %run_scoped3A = tpu.sem_alloc : memref<!tpu.dma_semaphore, #tpu.memory_space<semaphore_mem>>
        %dma_start3A_1630 = arith.constant 0 : i32
        %dma_start3A_1631 = tpu.memref_slice %arg4[%add3A_33, %dma_start3A_1630] : memref<2560x128xi32, #tpu.memory_space<hbm>> -> memref<16x128xi32, #tpu.memory_space<hbm>>
        %dma_start3A_1632 = arith.constant 0 : i32
        %dma_start3A_1633 = tpu.memref_slice %arg4[%add3A_33, %dma_start3A_1632] : memref<2560x128xi32, #tpu.memory_space<hbm>> -> memref<16x128xi32, #tpu.memory_space<hbm>>
        tpu.enqueue_dma source(%dma_start3A_1633 : memref<16x128xi32, #tpu.memory_space<hbm>>) target(%arg8 : memref<16x128xi32, #tpu.memory_space<vmem>>) target_semaphore(%run_scoped3A : memref<!tpu.dma_semaphore, #tpu.memory_space<semaphore_mem>>)
        %dma_wait3A_1634 = arith.constant 0 : i32
        %dma_wait3A_1635 = tpu.memref_slice %arg4[%add3A_33, %dma_wait3A_1634] : memref<2560x128xi32, #tpu.memory_space<hbm>> -> memref<16x128xi32, #tpu.memory_space<hbm>>
        %dma_wait3A_1636 = arith.constant 0 : i32
        %dma_wait3A_1637 = tpu.memref_slice %arg4[%add3A_33, %dma_wait3A_1636] : memref<2560x128xi32, #tpu.memory_space<hbm>> -> memref<16x128xi32, #tpu.memory_space<hbm>>
        tpu.wait_dma2 semaphore(%run_scoped3A : memref<!tpu.dma_semaphore, #tpu.memory_space<semaphore_mem>>) src(%dma_wait3A_1637 : memref<16x128xi32, #tpu.memory_space<hbm>>) dst(%arg8 : memref<16x128xi32, #tpu.memory_space<vmem>>)
        tpu.yield
      }) : () -> ()
      %dma_start3A = arith.constant 0 : i32
      %dma_start3A_34 = arith.constant 0 : i32
      %dma_start3A_35 = tpu.memref_slice %arg7[%dma_start3A, %dma_start3A_34] : memref<16x128xi32, #tpu.memory_space<vmem>> -> memref<1x64xi32, #tpu.memory_space<vmem>>
      %dma_start3A_36 = tpu.memref_squeeze %dma_start3A_35 : memref<1x64xi32, #tpu.memory_space<vmem>> -> memref<64xi32, #tpu.memory_space<vmem>>
      %dma_start3A_37 = arith.constant 0 : i32
      %dma_start3A_38 = arith.constant 0 : i32
      %dma_start3A_39 = tpu.memref_slice %arg2[%dma_start3A_37, %dma_start3A_38] : memref<10000x128xf32, #tpu.memory_space<hbm>> -> memref<10000x128xf32, #tpu.memory_space<hbm>>
      tpu.enqueue_indirect_dma source(%dma_start3A_39 : memref<10000x128xf32, #tpu.memory_space<hbm>>) target(%arg13 : memref<64x128xf32, #tpu.memory_space<vmem>>) offsets(%dma_start3A_36 : memref<64xi32, #tpu.memory_space<vmem>>) semaphore(%arg18 : memref<!tpu.dma_semaphore, #tpu.memory_space<semaphore_mem>>)
      %dma_start3A_40 = arith.constant 0 : i32
      %dma_start3A_41 = arith.constant 64 : i32
      %dma_start3A_42 = tpu.memref_slice %arg7[%dma_start3A_40, %dma_start3A_41] : memref<16x128xi32, #tpu.memory_space<vmem>> -> memref<1x64xi32, #tpu.memory_space<vmem>>
      %dma_start3A_43 = tpu.memref_squeeze %dma_start3A_42 : memref<1x64xi32, #tpu.memory_space<vmem>> -> memref<64xi32, #tpu.memory_space<vmem>>
      %dma_start3A_44 = arith.constant 0 : i32
      %dma_start3A_45 = arith.constant 0 : i32
      %dma_start3A_46 = tpu.memref_slice %arg2[%dma_start3A_44, %dma_start3A_45] : memref<10000x128xf32, #tpu.memory_space<hbm>> -> memref<10000x128xf32, #tpu.memory_space<hbm>>
      tpu.enqueue_indirect_dma source(%dma_start3A_46 : memref<10000x128xf32, #tpu.memory_space<hbm>>) target(%arg14 : memref<64x128xf32, #tpu.memory_space<vmem>>) offsets(%dma_start3A_43 : memref<64xi32, #tpu.memory_space<vmem>>) semaphore(%arg19 : memref<!tpu.dma_semaphore, #tpu.memory_space<semaphore_mem>>)
      %dma_start3A_47 = arith.constant 1 : i32
      %dma_start3A_48 = arith.constant 0 : i32
      %dma_start3A_49 = tpu.memref_slice %arg7[%dma_start3A_47, %dma_start3A_48] : memref<16x128xi32, #tpu.memory_space<vmem>> -> memref<1x64xi32, #tpu.memory_space<vmem>>
      %dma_start3A_50 = tpu.memref_squeeze %dma_start3A_49 : memref<1x64xi32, #tpu.memory_space<vmem>> -> memref<64xi32, #tpu.memory_space<vmem>>
      %dma_start3A_51 = arith.constant 0 : i32
      %dma_start3A_52 = arith.constant 0 : i32
      %dma_start3A_53 = tpu.memref_slice %arg2[%dma_start3A_51, %dma_start3A_52] : memref<10000x128xf32, #tpu.memory_space<hbm>> -> memref<10000x128xf32, #tpu.memory_space<hbm>>
      tpu.enqueue_indirect_dma source(%dma_start3A_53 : memref<10000x128xf32, #tpu.memory_space<hbm>>) target(%arg15 : memref<64x128xf32, #tpu.memory_space<vmem>>) offsets(%dma_start3A_50 : memref<64xi32, #tpu.memory_space<vmem>>) semaphore(%arg20 : memref<!tpu.dma_semaphore, #tpu.memory_space<semaphore_mem>>)
      %dma_start3A_54 = arith.constant 1 : i32
      %dma_start3A_55 = arith.constant 64 : i32
      %dma_start3A_56 = tpu.memref_slice %arg7[%dma_start3A_54, %dma_start3A_55] : memref<16x128xi32, #tpu.memory_space<vmem>> -> memref<1x64xi32, #tpu.memory_space<vmem>>
      %dma_start3A_57 = tpu.memref_squeeze %dma_start3A_56 : memref<1x64xi32, #tpu.memory_space<vmem>> -> memref<64xi32, #tpu.memory_space<vmem>>
      %dma_start3A_58 = arith.constant 0 : i32
      %dma_start3A_59 = arith.constant 0 : i32
      %dma_start3A_60 = tpu.memref_slice %arg2[%dma_start3A_58, %dma_start3A_59] : memref<10000x128xf32, #tpu.memory_space<hbm>> -> memref<10000x128xf32, #tpu.memory_space<hbm>>
      tpu.enqueue_indirect_dma source(%dma_start3A_60 : memref<10000x128xf32, #tpu.memory_space<hbm>>) target(%arg16 : memref<64x128xf32, #tpu.memory_space<vmem>>) offsets(%dma_start3A_57 : memref<64xi32, #tpu.memory_space<vmem>>) semaphore(%arg21 : memref<!tpu.dma_semaphore, #tpu.memory_space<semaphore_mem>>)
      %get3A = arith.constant 0 : i32
      %get3A_61 = arith.index_cast %get3A : i32 to index
      %get3A_62 = arith.constant 0 : index
      %get3A_63 = tpu.vector_load %arg8[%get3A_61, %get3A_62] {strides = array<i32>} : memref<16x128xi32, #tpu.memory_space<vmem>>, vector<1x16xi32>,
      %get3A_64 = vector.shape_cast %get3A_63 : vector<1x16xi32> to vector<16xi32>
      %swap3A = arith.constant 0 : index
      %swap3A_65 = tpu.vector_load %arg9[%swap3A] {strides = array<i32>} : memref<64xi32, #tpu.memory_space<vmem>>, vector<16xi32>,
      %swap3A_66 = vector.shape_cast %swap3A_65 : vector<16xi32> to vector<16xi32>
      %swap3A_67 = vector.shape_cast %get3A_64 : vector<16xi32> to vector<16xi32>
      tpu.vector_store %arg9[%swap3A], %swap3A_67 {strides = array<i32>} : memref<64xi32, #tpu.memory_space<vmem>>, vector<16xi32>,
      %get3A_68 = arith.constant 0 : i32
      %get3A_69 = arith.index_cast %get3A_68 : i32 to index
      %get3A_70 = arith.constant 16 : index
      %get3A_71 = tpu.vector_load %arg8[%get3A_69, %get3A_70] {strides = array<i32>} : memref<16x128xi32, #tpu.memory_space<vmem>>, vector<1x16xi32>,
      %get3A_72 = vector.shape_cast %get3A_71 : vector<1x16xi32> to vector<16xi32>
      %swap3A_73 = arith.constant 16 : index
      %swap3A_74 = tpu.vector_load %arg9[%swap3A_73] {strides = array<i32>} : memref<64xi32, #tpu.memory_space<vmem>>, vector<16xi32>,
      %swap3A_75 = vector.shape_cast %swap3A_74 : vector<16xi32> to vector<16xi32>
      %swap3A_76 = vector.shape_cast %get3A_72 : vector<16xi32> to vector<16xi32>
      tpu.vector_store %arg9[%swap3A_73], %swap3A_76 {strides = array<i32>} : memref<64xi32, #tpu.memory_space<vmem>>, vector<16xi32>,
      %get3A_77 = arith.constant 0 : i32
      %get3A_78 = arith.index_cast %get3A_77 : i32 to index
      %get3A_79 = arith.constant 32 : index
      %get3A_80 = tpu.vector_load %arg8[%get3A_78, %get3A_79] {strides = array<i32>} : memref<16x128xi32, #tpu.memory_space<vmem>>, vector<1x16xi32>,
      %get3A_81 = vector.shape_cast %get3A_80 : vector<1x16xi32> to vector<16xi32>
      %swap3A_82 = arith.constant 32 : index
      %swap3A_83 = tpu.vector_load %arg9[%swap3A_82] {strides = array<i32>} : memref<64xi32, #tpu.memory_space<vmem>>, vector<16xi32>,
      %swap3A_84 = vector.shape_cast %swap3A_83 : vector<16xi32> to vector<16xi32>
      %swap3A_85 = vector.shape_cast %get3A_81 : vector<16xi32> to vector<16xi32>
      tpu.vector_store %arg9[%swap3A_82], %swap3A_85 {strides = array<i32>} : memref<64xi32, #tpu.memory_space<vmem>>, vector<16xi32>,
      %get3A_86 = arith.constant 0 : i32
      %get3A_87 = arith.index_cast %get3A_86 : i32 to index
      %get3A_88 = arith.constant 48 : index
      %get3A_89 = tpu.vector_load %arg8[%get3A_87, %get3A_88] {strides = array<i32>} : memref<16x128xi32, #tpu.memory_space<vmem>>, vector<1x16xi32>,
      %get3A_90 = vector.shape_cast %get3A_89 : vector<1x16xi32> to vector<16xi32>
      %swap3A_91 = arith.constant 48 : index
      %swap3A_92 = tpu.vector_load %arg9[%swap3A_91] {strides = array<i32>} : memref<64xi32, #tpu.memory_space<vmem>>, vector<16xi32>,
      %swap3A_93 = vector.shape_cast %swap3A_92 : vector<16xi32> to vector<16xi32>
      %swap3A_94 = vector.shape_cast %get3A_90 : vector<16xi32> to vector<16xi32>
      tpu.vector_store %arg9[%swap3A_91], %swap3A_94 {strides = array<i32>} : memref<64xi32, #tpu.memory_space<vmem>>, vector<16xi32>,
      %dma_wait3A = arith.constant 0 : i32
      %dma_wait3A_95 = arith.constant 0 : i32
      %dma_wait3A_96 = tpu.memref_slice %arg7[%dma_wait3A, %dma_wait3A_95] : memref<16x128xi32, #tpu.memory_space<vmem>> -> memref<1x64xi32, #tpu.memory_space<vmem>>
      %dma_wait3A_97 = tpu.memref_squeeze %dma_wait3A_96 : memref<1x64xi32, #tpu.memory_space<vmem>> -> memref<64xi32, #tpu.memory_space<vmem>>
      %dma_wait3A_98 = arith.constant 0 : i32
      %dma_wait3A_99 = arith.constant 0 : i32
      %dma_wait3A_100 = tpu.memref_slice %arg2[%dma_wait3A_98, %dma_wait3A_99] : memref<10000x128xf32, #tpu.memory_space<hbm>> -> memref<10000x128xf32, #tpu.memory_space<hbm>>
      tpu.wait_indirect_dma semaphore(%arg18 : memref<!tpu.dma_semaphore, #tpu.memory_space<semaphore_mem>>) src(%dma_wait3A_100 : memref<10000x128xf32, #tpu.memory_space<hbm>>) dst(%arg13 : memref<64x128xf32, #tpu.memory_space<vmem>>)
      "tpu.region"() ({
        %run_scoped3A = tpu.sem_alloc : memref<!tpu.dma_semaphore, #tpu.memory_space<semaphore_mem>>
        %dma_start3A_1630 = arith.constant 0 : i32
        %dma_start3A_1631 = arith.constant 0 : i32
        %dma_start3A_1632 = tpu.memref_slice %arg17[%dma_start3A_1630, %dma_start3A_1631] : memref<10240x128xf32, #tpu.memory_space<vmem_shared>> -> memref<10240x128xf32, #tpu.memory_space<vmem_shared>>
        tpu.enqueue_indirect_dma source(%arg13 : memref<64x128xf32, #tpu.memory_space<vmem>>) target(%dma_start3A_1632 : memref<10240x128xf32, #tpu.memory_space<vmem_shared>>) offsets(%arg9 : memref<64xi32, #tpu.memory_space<vmem>>) semaphore(%run_scoped3A : memref<!tpu.dma_semaphore, #tpu.memory_space<semaphore_mem>>) {add = true}
        %dma_wait3A_1633 = arith.constant 0 : i32
        %dma_wait3A_1634 = arith.constant 0 : i32
        %dma_wait3A_1635 = tpu.memref_slice %arg17[%dma_wait3A_1633, %dma_wait3A_1634] : memref<10240x128xf32, #tpu.memory_space<vmem_shared>> -> memref<10240x128xf32, #tpu.memory_space<vmem_shared>>
        tpu.wait_indirect_dma semaphore(%run_scoped3A : memref<!tpu.dma_semaphore, #tpu.memory_space<semaphore_mem>>) src(%arg13 : memref<64x128xf32, #tpu.memory_space<vmem>>) dst(%dma_wait3A_1635 : memref<10240x128xf32, #tpu.memory_space<vmem_shared>>)
        tpu.yield
      }) : () -> ()
      %dma_start3A_101 = arith.constant 2 : i32
      %dma_start3A_102 = arith.constant 0 : i32
      %dma_start3A_103 = tpu.memref_slice %arg7[%dma_start3A_101, %dma_start3A_102] : memref<16x128xi32, #tpu.memory_space<vmem>> -> memref<1x64xi32, #tpu.memory_space<vmem>>
      %dma_start3A_104 = tpu.memref_squeeze %dma_start3A_103 : memref<1x64xi32, #tpu.memory_space<vmem>> -> memref<64xi32, #tpu.memory_space<vmem>>
      %dma_start3A_105 = arith.constant 0 : i32
      %dma_start3A_106 = arith.constant 0 : i32
      %dma_start3A_107 = tpu.memref_slice %arg2[%dma_start3A_105, %dma_start3A_106] : memref<10000x128xf32, #tpu.memory_space<hbm>> -> memref<10000x128xf32, #tpu.memory_space<hbm>>
      tpu.enqueue_indirect_dma source(%dma_start3A_107 : memref<10000x128xf32, #tpu.memory_space<hbm>>) target(%arg13 : memref<64x128xf32, #tpu.memory_space<vmem>>) offsets(%dma_start3A_104 : memref<64xi32, #tpu.memory_space<vmem>>) semaphore(%arg18 : memref<!tpu.dma_semaphore, #tpu.memory_space<semaphore_mem>>)
      %get3A_108 = arith.constant 0 : i32
      %get3A_109 = arith.index_cast %get3A_108 : i32 to index
      %get3A_110 = arith.constant 64 : index
      %get3A_111 = tpu.vector_load %arg8[%get3A_109, %get3A_110] {strides = array<i32>} : memref<16x128xi32, #tpu.memory_space<vmem>>, vector<1x16xi32>,
      %get3A_112 = vector.shape_cast %get3A_111 : vector<1x16xi32> to vector<16xi32>
      %swap3A_113 = arith.constant 0 : index
      %swap3A_114 = tpu.vector_load %arg10[%swap3A_113] {strides = array<i32>} : memref<64xi32, #tpu.memory_space<vmem>>, vector<16xi32>,
      %swap3A_115 = vector.shape_cast %swap3A_114 : vector<16xi32> to vector<16xi32>
      %swap3A_116 = vector.shape_cast %get3A_112 : vector<16xi32> to vector<16xi32>
      tpu.vector_store %arg10[%swap3A_113], %swap3A_116 {strides = array<i32>} : memref<64xi32, #tpu.memory_space<vmem>>, vector<16xi32>,
      %get3A_117 = arith.constant 0 : i32
      %get3A_118 = arith.index_cast %get3A_117 : i32 to index
      %get3A_119 = arith.constant 80 : index
      %get3A_120 = tpu.vector_load %arg8[%get3A_118, %get3A_119] {strides = array<i32>} : memref<16x128xi32, #tpu.memory_space<vmem>>, vector<1x16xi32>,
      %get3A_121 = vector.shape_cast %get3A_120 : vector<1x16xi32> to vector<16xi32>
      %swap3A_122 = arith.constant 16 : index
      %swap3A_123 = tpu.vector_load %arg10[%swap3A_122] {strides = array<i32>} : memref<64xi32, #tpu.memory_space<vmem>>, vector<16xi32>,
      %swap3A_124 = vector.shape_cast %swap3A_123 : vector<16xi32> to vector<16xi32>
      %swap3A_125 = vector.shape_cast %get3A_121 : vector<16xi32> to vector<16xi32>
      tpu.vector_store %arg10[%swap3A_122], %swap3A_125 {strides = array<i32>} : memref<64xi32, #tpu.memory_space<vmem>>, vector<16xi32>,
      %get3A_126 = arith.constant 0 : i32
      %get3A_127 = arith.index_cast %get3A_126 : i32 to index
      %get3A_128 = arith.constant 96 : index
      %get3A_129 = tpu.vector_load %arg8[%get3A_127, %get3A_128] {strides = array<i32>} : memref<16x128xi32, #tpu.memory_space<vmem>>, vector<1x16xi32>,
      %get3A_130 = vector.shape_cast %get3A_129 : vector<1x16xi32> to vector<16xi32>
      %swap3A_131 = arith.constant 32 : index
      %swap3A_132 = tpu.vector_load %arg10[%swap3A_131] {strides = array<i32>} : memref<64xi32, #tpu.memory_space<vmem>>, vector<16xi32>,
      %swap3A_133 = vector.shape_cast %swap3A_132 : vector<16xi32> to vector<16xi32>
      %swap3A_134 = vector.shape_cast %get3A_130 : vector<16xi32> to vector<16xi32>
      tpu.vector_store %arg10[%swap3A_131], %swap3A_134 {strides = array<i32>} : memref<64xi32, #tpu.memory_space<vmem>>, vector<16xi32>,
      %get3A_135 = arith.constant 0 : i32
      %get3A_136 = arith.index_cast %get3A_135 : i32 to index
      %get3A_137 = arith.constant 112 : index
      %get3A_138 = tpu.vector_load %arg8[%get3A_136, %get3A_137] {strides = array<i32>} : memref<16x128xi32, #tpu.memory_space<vmem>>, vector<1x16xi32>,
      %get3A_139 = vector.shape_cast %get3A_138 : vector<1x16xi32> to vector<16xi32>
      %swap3A_140 = arith.constant 48 : index
      %swap3A_141 = tpu.vector_load %arg10[%swap3A_140] {strides = array<i32>} : memref<64xi32, #tpu.memory_space<vmem>>, vector<16xi32>,
      %swap3A_142 = vector.shape_cast %swap3A_141 : vector<16xi32> to vector<16xi32>
      %swap3A_143 = vector.shape_cast %get3A_139 : vector<16xi32> to vector<16xi32>
      tpu.vector_store %arg10[%swap3A_140], %swap3A_143 {strides = array<i32>} : memref<64xi32, #tpu.memory_space<vmem>>, vector<16xi32>,
      %dma_wait3A_144 = arith.constant 0 : i32
      %dma_wait3A_145 = arith.constant 0 : i32
      %dma_wait3A_146 = tpu.memref_slice %arg7[%dma_wait3A_144, %dma_wait3A_145] : memref<16x128xi32, #tpu.memory_space<vmem>> -> memref<1x64xi32, #tpu.memory_space<vmem>>
      %dma_wait3A_147 = tpu.memref_squeeze %dma_wait3A_146 : memref<1x64xi32, #tpu.memory_space<vmem>> -> memref<64xi32, #tpu.memory_space<vmem>>
      %dma_wait3A_148 = arith.constant 0 : i32
      %dma_wait3A_149 = arith.constant 0 : i32
      %dma_wait3A_150 = tpu.memref_slice %arg2[%dma_wait3A_148, %dma_wait3A_149] : memref<10000x128xf32, #tpu.memory_space<hbm>> -> memref<10000x128xf32, #tpu.memory_space<hbm>>
      tpu.wait_indirect_dma semaphore(%arg19 : memref<!tpu.dma_semaphore, #tpu.memory_space<semaphore_mem>>) src(%dma_wait3A_150 : memref<10000x128xf32, #tpu.memory_space<hbm>>) dst(%arg14 : memref<64x128xf32, #tpu.memory_space<vmem>>)
      "tpu.region"() ({
        %run_scoped3A = tpu.sem_alloc : memref<!tpu.dma_semaphore, #tpu.memory_space<semaphore_mem>>
        %dma_start3A_1630 = arith.constant 0 : i32
        %dma_start3A_1631 = arith.constant 0 : i32
        %dma_start3A_1632 = tpu.memref_slice %arg17[%dma_start3A_1630, %dma_start3A_1631] : memref<10240x128xf32, #tpu.memory_space<vmem_shared>> -> memref<10240x128xf32, #tpu.memory_space<vmem_shared>>
        tpu.enqueue_indirect_dma source(%arg14 : memref<64x128xf32, #tpu.memory_space<vmem>>) target(%dma_start3A_1632 : memref<10240x128xf32, #tpu.memory_space<vmem_shared>>) offsets(%arg10 : memref<64xi32, #tpu.memory_space<vmem>>) semaphore(%run_scoped3A : memref<!tpu.dma_semaphore, #tpu.memory_space<semaphore_mem>>) {add = true}
        %dma_wait3A_1633 = arith.constant 0 : i32
        %dma_wait3A_1634 = arith.constant 0 : i32
        %dma_wait3A_1635 = tpu.memref_slice %arg17[%dma_wait3A_1633, %dma_wait3A_1634] : memref<10240x128xf32, #tpu.memory_space<vmem_shared>> -> memref<10240x128xf32, #tpu.memory_space<vmem_shared>>
        tpu.wait_indirect_dma semaphore(%run_scoped3A : memref<!tpu.dma_semaphore, #tpu.memory_space<semaphore_mem>>) src(%arg14 : memref<64x128xf32, #tpu.memory_space<vmem>>) dst(%dma_wait3A_1635 : memref<10240x128xf32, #tpu.memory_space<vmem_shared>>)
        tpu.yield
      }) : () -> ()
      %dma_start3A_151 = arith.constant 2 : i32
      %dma_start3A_152 = arith.constant 64 : i32
      %dma_start3A_153 = tpu.memref_slice %arg7[%dma_start3A_151, %dma_start3A_152] : memref<16x128xi32, #tpu.memory_space<vmem>> -> memref<1x64xi32, #tpu.memory_space<vmem>>
      %dma_start3A_154 = tpu.memref_squeeze %dma_start3A_153 : memref<1x64xi32, #tpu.memory_space<vmem>> -> memref<64xi32, #tpu.memory_space<vmem>>
      %dma_start3A_155 = arith.constant 0 : i32
      %dma_start3A_156 = arith.constant 0 : i32
      %dma_start3A_157 = tpu.memref_slice %arg2[%dma_start3A_155, %dma_start3A_156] : memref<10000x128xf32, #tpu.memory_space<hbm>> -> memref<10000x128xf32, #tpu.memory_space<hbm>>
      tpu.enqueue_indirect_dma source(%dma_start3A_157 : memref<10000x128xf32, #tpu.memory_space<hbm>>) target(%arg14 : memref<64x128xf32, #tpu.memory_space<vmem>>) offsets(%dma_start3A_154 : memref<64xi32, #tpu.memory_space<vmem>>) semaphore(%arg19 : memref<!tpu.dma_semaphore, #tpu.memory_space<semaphore_mem>>)
      %get3A_158 = arith.constant 1 : i32
      %get3A_159 = arith.index_cast %get3A_158 : i32 to index
      %get3A_160 = arith.constant 0 : index
      %get3A_161 = tpu.vector_load %arg8[%get3A_159, %get3A_160] {strides = array<i32>} : memref<16x128xi32, #tpu.memory_space<vmem>>, vector<1x16xi32>,
      %get3A_162 = vector.shape_cast %get3A_161 : vector<1x16xi32> to vector<16xi32>
      %swap3A_163 = arith.constant 0 : index
      %swap3A_164 = tpu.vector_load %arg11[%swap3A_163] {strides = array<i32>} : memref<64xi32, #tpu.memory_space<vmem>>, vector<16xi32>,
      %swap3A_165 = vector.shape_cast %swap3A_164 : vector<16xi32> to vector<16xi32>
      %swap3A_166 = vector.shape_cast %get3A_162 : vector<16xi32> to vector<16xi32>
      tpu.vector_store %arg11[%swap3A_163], %swap3A_166 {strides = array<i32>} : memref<64xi32, #tpu.memory_space<vmem>>, vector<16xi32>,
      %get3A_167 = arith.constant 1 : i32
      %get3A_168 = arith.index_cast %get3A_167 : i32 to index
      %get3A_169 = arith.constant 16 : index
      %get3A_170 = tpu.vector_load %arg8[%get3A_168, %get3A_169] {strides = array<i32>} : memref<16x128xi32, #tpu.memory_space<vmem>>, vector<1x16xi32>,
      %get3A_171 = vector.shape_cast %get3A_170 : vector<1x16xi32> to vector<16xi32>
      %swap3A_172 = arith.constant 16 : index
      %swap3A_173 = tpu.vector_load %arg11[%swap3A_172] {strides = array<i32>} : memref<64xi32, #tpu.memory_space<vmem>>, vector<16xi32>,
      %swap3A_174 = vector.shape_cast %swap3A_173 : vector<16xi32> to vector<16xi32>
      %swap3A_175 = vector.shape_cast %get3A_171 : vector<16xi32> to vector<16xi32>
      tpu.vector_store %arg11[%swap3A_172], %swap3A_175 {strides = array<i32>} : memref<64xi32, #tpu.memory_space<vmem>>, vector<16xi32>,
      %get3A_176 = arith.constant 1 : i32
      %get3A_177 = arith.index_cast %get3A_176 : i32 to index
      %get3A_178 = arith.constant 32 : index
      %get3A_179 = tpu.vector_load %arg8[%get3A_177, %get3A_178] {strides = array<i32>} : memref<16x128xi32, #tpu.memory_space<vmem>>, vector<1x16xi32>,
      %get3A_180 = vector.shape_cast %get3A_179 : vector<1x16xi32> to vector<16xi32>
      %swap3A_181 = arith.constant 32 : index
      %swap3A_182 = tpu.vector_load %arg11[%swap3A_181] {strides = array<i32>} : memref<64xi32, #tpu.memory_space<vmem>>, vector<16xi32>,
      %swap3A_183 = vector.shape_cast %swap3A_182 : vector<16xi32> to vector<16xi32>
      %swap3A_184 = vector.shape_cast %get3A_180 : vector<16xi32> to vector<16xi32>
      tpu.vector_store %arg11[%swap3A_181], %swap3A_184 {strides = array<i32>} : memref<64xi32, #tpu.memory_space<vmem>>, vector<16xi32>,
      %get3A_185 = arith.constant 1 : i32
      %get3A_186 = arith.index_cast %get3A_185 : i32 to index
      %get3A_187 = arith.constant 48 : index
      %get3A_188 = tpu.vector_load %arg8[%get3A_186, %get3A_187] {strides = array<i32>} : memref<16x128xi32, #tpu.memory_space<vmem>>, vector<1x16xi32>,
      %get3A_189 = vector.shape_cast %get3A_188 : vector<1x16xi32> to vector<16xi32>
      %swap3A_190 = arith.constant 48 : index
      %swap3A_191 = tpu.vector_load %arg11[%swap3A_190] {strides = array<i32>} : memref<64xi32, #tpu.memory_space<vmem>>, vector<16xi32>,
      %swap3A_192 = vector.shape_cast %swap3A_191 : vector<16xi32> to vector<16xi32>
      %swap3A_193 = vector.shape_cast %get3A_189 : vector<16xi32> to vector<16xi32>
      tpu.vector_store %arg11[%swap3A_190], %swap3A_193 {strides = array<i32>} : memref<64xi32, #tpu.memory_space<vmem>>, vector<16xi32>,
      %dma_wait3A_194 = arith.constant 0 : i32
      %dma_wait3A_195 = arith.constant 0 : i32
      %dma_wait3A_196 = tpu.memref_slice %arg7[%dma_wait3A_194, %dma_wait3A_195] : memref<16x128xi32, #tpu.memory_space<vmem>> -> memref<1x64xi32, #tpu.memory_space<vmem>>
      %dma_wait3A_197 = tpu.memref_squeeze %dma_wait3A_196 : memref<1x64xi32, #tpu.memory_space<vmem>> -> memref<64xi32, #tpu.memory_space<vmem>>
      %dma_wait3A_198 = arith.constant 0 : i32
      %dma_wait3A_199 = arith.constant 0 : i32
      %dma_wait3A_200 = tpu.memref_slice %arg2[%dma_wait3A_198, %dma_wait3A_199] : memref<10000x128xf32, #tpu.memory_space<hbm>> -> memref<10000x128xf32, #tpu.memory_space<hbm>>
      tpu.wait_indirect_dma semaphore(%arg20 : memref<!tpu.dma_semaphore, #tpu.memory_space<semaphore_mem>>) src(%dma_wait3A_200 : memref<10000x128xf32, #tpu.memory_space<hbm>>) dst(%arg15 : memref<64x128xf32, #tpu.memory_space<vmem>>)
      "tpu.region"() ({
        %run_scoped3A = tpu.sem_alloc : memref<!tpu.dma_semaphore, #tpu.memory_space<semaphore_mem>>
        %dma_start3A_1630 = arith.constant 0 : i32
        %dma_start3A_1631 = arith.constant 0 : i32
        %dma_start3A_1632 = tpu.memref_slice %arg17[%dma_start3A_1630, %dma_start3A_1631] : memref<10240x128xf32, #tpu.memory_space<vmem_shared>> -> memref<10240x128xf32, #tpu.memory_space<vmem_shared>>
        tpu.enqueue_indirect_dma source(%arg15 : memref<64x128xf32, #tpu.memory_space<vmem>>) target(%dma_start3A_1632 : memref<10240x128xf32, #tpu.memory_space<vmem_shared>>) offsets(%arg11 : memref<64xi32, #tpu.memory_space<vmem>>) semaphore(%run_scoped3A : memref<!tpu.dma_semaphore, #tpu.memory_space<semaphore_mem>>) {add = true}
        %dma_wait3A_1633 = arith.constant 0 : i32
        %dma_wait3A_1634 = arith.constant 0 : i32
        %dma_wait3A_1635 = tpu.memref_slice %arg17[%dma_wait3A_1633, %dma_wait3A_1634] : memref<10240x128xf32, #tpu.memory_space<vmem_shared>> -> memref<10240x128xf32, #tpu.memory_space<vmem_shared>>
        tpu.wait_indirect_dma semaphore(%run_scoped3A : memref<!tpu.dma_semaphore, #tpu.memory_space<semaphore_mem>>) src(%arg15 : memref<64x128xf32, #tpu.memory_space<vmem>>) dst(%dma_wait3A_1635 : memref<10240x128xf32, #tpu.memory_space<vmem_shared>>)
        tpu.yield
      }) : () -> ()
      %dma_start3A_201 = arith.constant 3 : i32
      %dma_start3A_202 = arith.constant 0 : i32
      %dma_start3A_203 = tpu.memref_slice %arg7[%dma_start3A_201, %dma_start3A_202] : memref<16x128xi32, #tpu.memory_space<vmem>> -> memref<1x64xi32, #tpu.memory_space<vmem>>
      %dma_start3A_204 = tpu.memref_squeeze %dma_start3A_203 : memref<1x64xi32, #tpu.memory_space<vmem>> -> memref<64xi32, #tpu.memory_space<vmem>>
      %dma_start3A_205 = arith.constant 0 : i32
      %dma_start3A_206 = arith.constant 0 : i32
      %dma_start3A_207 = tpu.memref_slice %arg2[%dma_start3A_205, %dma_start3A_206] : memref<10000x128xf32, #tpu.memory_space<hbm>> -> memref<10000x128xf32, #tpu.memory_space<hbm>>
      tpu.enqueue_indirect_dma source(%dma_start3A_207 : memref<10000x128xf32, #tpu.memory_space<hbm>>) target(%arg15 : memref<64x128xf32, #tpu.memory_space<vmem>>) offsets(%dma_start3A_204 : memref<64xi32, #tpu.memory_space<vmem>>) semaphore(%arg20 : memref<!tpu.dma_semaphore, #tpu.memory_space<semaphore_mem>>)
      %get3A_208 = arith.constant 1 : i32
      %get3A_209 = arith.index_cast %get3A_208 : i32 to index
      %get3A_210 = arith.constant 64 : index
      %get3A_211 = tpu.vector_load %arg8[%get3A_209, %get3A_210] {strides = array<i32>} : memref<16x128xi32, #tpu.memory_space<vmem>>, vector<1x16xi32>,
      %get3A_212 = vector.shape_cast %get3A_211 : vector<1x16xi32> to vector<16xi32>
      %swap3A_213 = arith.constant 0 : index
      %swap3A_214 = tpu.vector_load %arg12[%swap3A_213] {strides = array<i32>} : memref<64xi32, #tpu.memory_space<vmem>>, vector<16xi32>,
      %swap3A_215 = vector.shape_cast %swap3A_214 : vector<16xi32> to vector<16xi32>
      %swap3A_216 = vector.shape_cast %get3A_212 : vector<16xi32> to vector<16xi32>
      tpu.vector_store %arg12[%swap3A_213], %swap3A_216 {strides = array<i32>} : memref<64xi32, #tpu.memory_space<vmem>>, vector<16xi32>,
      %get3A_217 = arith.constant 1 : i32
      %get3A_218 = arith.index_cast %get3A_217 : i32 to index
      %get3A_219 = arith.constant 80 : index
      %get3A_220 = tpu.vector_load %arg8[%get3A_218, %get3A_219] {strides = array<i32>} : memref<16x128xi32, #tpu.memory_space<vmem>>, vector<1x16xi32>,
      %get3A_221 = vector.shape_cast %get3A_220 : vector<1x16xi32> to vector<16xi32>
      %swap3A_222 = arith.constant 16 : index
      %swap3A_223 = tpu.vector_load %arg12[%swap3A_222] {strides = array<i32>} : memref<64xi32, #tpu.memory_space<vmem>>, vector<16xi32>,
      %swap3A_224 = vector.shape_cast %swap3A_223 : vector<16xi32> to vector<16xi32>
      %swap3A_225 = vector.shape_cast %get3A_221 : vector<16xi32> to vector<16xi32>
      tpu.vector_store %arg12[%swap3A_222], %swap3A_225 {strides = array<i32>} : memref<64xi32, #tpu.memory_space<vmem>>, vector<16xi32>,
      %get3A_226 = arith.constant 1 : i32
      %get3A_227 = arith.index_cast %get3A_226 : i32 to index
      %get3A_228 = arith.constant 96 : index
      %get3A_229 = tpu.vector_load %arg8[%get3A_227, %get3A_228] {strides = array<i32>} : memref<16x128xi32, #tpu.memory_space<vmem>>, vector<1x16xi32>,
      %get3A_230 = vector.shape_cast %get3A_229 : vector<1x16xi32> to vector<16xi32>
      %swap3A_231 = arith.constant 32 : index
      %swap3A_232 = tpu.vector_load %arg12[%swap3A_231] {strides = array<i32>} : memref<64xi32, #tpu.memory_space<vmem>>, vector<16xi32>,
      %swap3A_233 = vector.shape_cast %swap3A_232 : vector<16xi32> to vector<16xi32>
      %swap3A_234 = vector.shape_cast %get3A_230 : vector<16xi32> to vector<16xi32>
      tpu.vector_store %arg12[%swap3A_231], %swap3A_234 {strides = array<i32>} : memref<64xi32, #tpu.memory_space<vmem>>, vector<16xi32>,
      %get3A_235 = arith.constant 1 : i32
      %get3A_236 = arith.index_cast %get3A_235 : i32 to index
      %get3A_237 = arith.constant 112 : index
      %get3A_238 = tpu.vector_load %arg8[%get3A_236, %get3A_237] {strides = array<i32>} : memref<16x128xi32, #tpu.memory_space<vmem>>, vector<1x16xi32>,
      %get3A_239 = vector.shape_cast %get3A_238 : vector<1x16xi32> to vector<16xi32>
      %swap3A_240 = arith.constant 48 : index
      %swap3A_241 = tpu.vector_load %arg12[%swap3A_240] {strides = array<i32>} : memref<64xi32, #tpu.memory_space<vmem>>, vector<16xi32>,
      %swap3A_242 = vector.shape_cast %swap3A_241 : vector<16xi32> to vector<16xi32>
      %swap3A_243 = vector.shape_cast %get3A_239 : vector<16xi32> to vector<16xi32>
      tpu.vector_store %arg12[%swap3A_240], %swap3A_243 {strides = array<i32>} : memref<64xi32, #tpu.memory_space<vmem>>, vector<16xi32>,
      %dma_wait3A_244 = arith.constant 0 : i32
      %dma_wait3A_245 = arith.constant 0 : i32
      %dma_wait3A_246 = tpu.memref_slice %arg7[%dma_wait3A_244, %dma_wait3A_245] : memref<16x128xi32, #tpu.memory_space<vmem>> -> memref<1x64xi32, #tpu.memory_space<vmem>>
      %dma_wait3A_247 = tpu.memref_squeeze %dma_wait3A_246 : memref<1x64xi32, #tpu.memory_space<vmem>> -> memref<64xi32, #tpu.memory_space<vmem>>
      %dma_wait3A_248 = arith.constant 0 : i32
      %dma_wait3A_249 = arith.constant 0 : i32
      %dma_wait3A_250 = tpu.memref_slice %arg2[%dma_wait3A_248, %dma_wait3A_249] : memref<10000x128xf32, #tpu.memory_space<hbm>> -> memref<10000x128xf32, #tpu.memory_space<hbm>>
      tpu.wait_indirect_dma semaphore(%arg21 : memref<!tpu.dma_semaphore, #tpu.memory_space<semaphore_mem>>) src(%dma_wait3A_250 : memref<10000x128xf32, #tpu.memory_space<hbm>>) dst(%arg16 : memref<64x128xf32, #tpu.memory_space<vmem>>)
      "tpu.region"() ({
        %run_scoped3A = tpu.sem_alloc : memref<!tpu.dma_semaphore, #tpu.memory_space<semaphore_mem>>
        %dma_start3A_1630 = arith.constant 0 : i32
        %dma_start3A_1631 = arith.constant 0 : i32
        %dma_start3A_1632 = tpu.memref_slice %arg17[%dma_start3A_1630, %dma_start3A_1631] : memref<10240x128xf32, #tpu.memory_space<vmem_shared>> -> memref<10240x128xf32, #tpu.memory_space<vmem_shared>>
        tpu.enqueue_indirect_dma source(%arg16 : memref<64x128xf32, #tpu.memory_space<vmem>>) target(%dma_start3A_1632 : memref<10240x128xf32, #tpu.memory_space<vmem_shared>>) offsets(%arg12 : memref<64xi32, #tpu.memory_space<vmem>>) semaphore(%run_scoped3A : memref<!tpu.dma_semaphore, #tpu.memory_space<semaphore_mem>>) {add = true}
        %dma_wait3A_1633 = arith.constant 0 : i32
        %dma_wait3A_1634 = arith.constant 0 : i32
        %dma_wait3A_1635 = tpu.memref_slice %arg17[%dma_wait3A_1633, %dma_wait3A_1634] : memref<10240x128xf32, #tpu.memory_space<vmem_shared>> -> memref<10240x128xf32, #tpu.memory_space<vmem_shared>>
        tpu.wait_indirect_dma semaphore(%run_scoped3A : memref<!tpu.dma_semaphore, #tpu.memory_space<semaphore_mem>>) src(%arg16 : memref<64x128xf32, #tpu.memory_space<vmem>>) dst(%dma_wait3A_1635 : memref<10240x128xf32, #tpu.memory_space<vmem_shared>>)
        tpu.yield
      }) : () -> ()
      %dma_start3A_251 = arith.constant 3 : i32
      %dma_start3A_252 = arith.constant 64 : i32
      %dma_start3A_253 = tpu.memref_slice %arg7[%dma_start3A_251, %dma_start3A_252] : memref<16x128xi32, #tpu.memory_space<vmem>> -> memref<1x64xi32, #tpu.memory_space<vmem>>
      %dma_start3A_254 = tpu.memref_squeeze %dma_start3A_253 : memref<1x64xi32, #tpu.memory_space<vmem>> -> memref<64xi32, #tpu.memory_space<vmem>>
      %dma_start3A_255 = arith.constant 0 : i32
      %dma_start3A_256 = arith.constant 0 : i32
      %dma_start3A_257 = tpu.memref_slice %arg2[%dma_start3A_255, %dma_start3A_256] : memref<10000x128xf32, #tpu.memory_space<hbm>> -> memref<10000x128xf32, #tpu.memory_space<hbm>>
      tpu.enqueue_indirect_dma source(%dma_start3A_257 : memref<10000x128xf32, #tpu.memory_space<hbm>>) target(%arg16 : memref<64x128xf32, #tpu.memory_space<vmem>>) offsets(%dma_start3A_254 : memref<64xi32, #tpu.memory_space<vmem>>) semaphore(%arg21 : memref<!tpu.dma_semaphore, #tpu.memory_space<semaphore_mem>>)
      %get3A_258 = arith.constant 2 : i32
      %get3A_259 = arith.index_cast %get3A_258 : i32 to index
      %get3A_260 = arith.constant 0 : index
      %get3A_261 = tpu.vector_load %arg8[%get3A_259, %get3A_260] {strides = array<i32>} : memref<16x128xi32, #tpu.memory_space<vmem>>, vector<1x16xi32>,
      %get3A_262 = vector.shape_cast %get3A_261 : vector<1x16xi32> to vector<16xi32>
      %swap3A_263 = arith.constant 0 : index
      %swap3A_264 = tpu.vector_load %arg9[%swap3A_263] {strides = array<i32>} : memref<64xi32, #tpu.memory_space<vmem>>, vector<16xi32>,
      %swap3A_265 = vector.shape_cast %swap3A_264 : vector<16xi32> to vector<16xi32>
      %swap3A_266 = vector.shape_cast %get3A_262 : vector<16xi32> to vector<16xi32>
      tpu.vector_store %arg9[%swap3A_263], %swap3A_266 {strides = array<i32>} : memref<64xi32, #tpu.memory_space<vmem>>, vector<16xi32>,
      %get3A_267 = arith.constant 2 : i32
      %get3A_268 = arith.index_cast %get3A_267 : i32 to index
      %get3A_269 = arith.constant 16 : index
      %get3A_270 = tpu.vector_load %arg8[%get3A_268, %get3A_269] {strides = array<i32>} : memref<16x128xi32, #tpu.memory_space<vmem>>, vector<1x16xi32>,
      %get3A_271 = vector.shape_cast %get3A_270 : vector<1x16xi32> to vector<16xi32>
      %swap3A_272 = arith.constant 16 : index
      %swap3A_273 = tpu.vector_load %arg9[%swap3A_272] {strides = array<i32>} : memref<64xi32, #tpu.memory_space<vmem>>, vector<16xi32>,
      %swap3A_274 = vector.shape_cast %swap3A_273 : vector<16xi32> to vector<16xi32>
      %swap3A_275 = vector.shape_cast %get3A_271 : vector<16xi32> to vector<16xi32>
      tpu.vector_store %arg9[%swap3A_272], %swap3A_275 {strides = array<i32>} : memref<64xi32, #tpu.memory_space<vmem>>, vector<16xi32>,
      %get3A_276 = arith.constant 2 : i32
      %get3A_277 = arith.index_cast %get3A_276 : i32 to index
      %get3A_278 = arith.constant 32 : index
      %get3A_279 = tpu.vector_load %arg8[%get3A_277, %get3A_278] {strides = array<i32>} : memref<16x128xi32, #tpu.memory_space<vmem>>, vector<1x16xi32>,
      %get3A_280 = vector.shape_cast %get3A_279 : vector<1x16xi32> to vector<16xi32>
      %swap3A_281 = arith.constant 32 : index
      %swap3A_282 = tpu.vector_load %arg9[%swap3A_281] {strides = array<i32>} : memref<64xi32, #tpu.memory_space<vmem>>, vector<16xi32>,
      %swap3A_283 = vector.shape_cast %swap3A_282 : vector<16xi32> to vector<16xi32>
      %swap3A_284 = vector.shape_cast %get3A_280 : vector<16xi32> to vector<16xi32>
      tpu.vector_store %arg9[%swap3A_281], %swap3A_284 {strides = array<i32>} : memref<64xi32, #tpu.memory_space<vmem>>, vector<16xi32>,
      %get3A_285 = arith.constant 2 : i32
      %get3A_286 = arith.index_cast %get3A_285 : i32 to index
      %get3A_287 = arith.constant 48 : index
      %get3A_288 = tpu.vector_load %arg8[%get3A_286, %get3A_287] {strides = array<i32>} : memref<16x128xi32, #tpu.memory_space<vmem>>, vector<1x16xi32>,
      %get3A_289 = vector.shape_cast %get3A_288 : vector<1x16xi32> to vector<16xi32>
      %swap3A_290 = arith.constant 48 : index
      %swap3A_291 = tpu.vector_load %arg9[%swap3A_290] {strides = array<i32>} : memref<64xi32, #tpu.memory_space<vmem>>, vector<16xi32>,
      %swap3A_292 = vector.shape_cast %swap3A_291 : vector<16xi32> to vector<16xi32>
      %swap3A_293 = vector.shape_cast %get3A_289 : vector<16xi32> to vector<16xi32>
      tpu.vector_store %arg9[%swap3A_290], %swap3A_293 {strides = array<i32>} : memref<64xi32, #tpu.memory_space<vmem>>, vector<16xi32>,
      %dma_wait3A_294 = arith.constant 0 : i32
      %dma_wait3A_295 = arith.constant 0 : i32
      %dma_wait3A_296 = tpu.memref_slice %arg7[%dma_wait3A_294, %dma_wait3A_295] : memref<16x128xi32, #tpu.memory_space<vmem>> -> memref<1x64xi32, #tpu.memory_space<vmem>>
      %dma_wait3A_297 = tpu.memref_squeeze %dma_wait3A_296 : memref<1x64xi32, #tpu.memory_space<vmem>> -> memref<64xi32, #tpu.memory_space<vmem>>
      %dma_wait3A_298 = arith.constant 0 : i32
      %dma_wait3A_299 = arith.constant 0 : i32
      %dma_wait3A_300 = tpu.memref_slice %arg2[%dma_wait3A_298, %dma_wait3A_299] : memref<10000x128xf32, #tpu.memory_space<hbm>> -> memref<10000x128xf32, #tpu.memory_space<hbm>>
      tpu.wait_indirect_dma semaphore(%arg18 : memref<!tpu.dma_semaphore, #tpu.memory_space<semaphore_mem>>) src(%dma_wait3A_300 : memref<10000x128xf32, #tpu.memory_space<hbm>>) dst(%arg13 : memref<64x128xf32, #tpu.memory_space<vmem>>)
      "tpu.region"() ({
        %run_scoped3A = tpu.sem_alloc : memref<!tpu.dma_semaphore, #tpu.memory_space<semaphore_mem>>
        %dma_start3A_1630 = arith.constant 0 : i32
        %dma_start3A_1631 = arith.constant 0 : i32
        %dma_start3A_1632 = tpu.memref_slice %arg17[%dma_start3A_1630, %dma_start3A_1631] : memref<10240x128xf32, #tpu.memory_space<vmem_shared>> -> memref<10240x128xf32, #tpu.memory_space<vmem_shared>>
        tpu.enqueue_indirect_dma source(%arg13 : memref<64x128xf32, #tpu.memory_space<vmem>>) target(%dma_start3A_1632 : memref<10240x128xf32, #tpu.memory_space<vmem_shared>>) offsets(%arg9 : memref<64xi32, #tpu.memory_space<vmem>>) semaphore(%run_scoped3A : memref<!tpu.dma_semaphore, #tpu.memory_space<semaphore_mem>>) {add = true}
        %dma_wait3A_1633 = arith.constant 0 : i32
        %dma_wait3A_1634 = arith.constant 0 : i32
        %dma_wait3A_1635 = tpu.memref_slice %arg17[%dma_wait3A_1633, %dma_wait3A_1634] : memref<10240x128xf32, #tpu.memory_space<vmem_shared>> -> memref<10240x128xf32, #tpu.memory_space<vmem_shared>>
        tpu.wait_indirect_dma semaphore(%run_scoped3A : memref<!tpu.dma_semaphore, #tpu.memory_space<semaphore_mem>>) src(%arg13 : memref<64x128xf32, #tpu.memory_space<vmem>>) dst(%dma_wait3A_1635 : memref<10240x128xf32, #tpu.memory_space<vmem_shared>>)
        tpu.yield
      }) : () -> ()
      %dma_start3A_301 = arith.constant 4 : i32
      %dma_start3A_302 = arith.constant 0 : i32
      %dma_start3A_303 = tpu.memref_slice %arg7[%dma_start3A_301, %dma_start3A_302] : memref<16x128xi32, #tpu.memory_space<vmem>> -> memref<1x64xi32, #tpu.memory_space<vmem>>
      %dma_start3A_304 = tpu.memref_squeeze %dma_start3A_303 : memref<1x64xi32, #tpu.memory_space<vmem>> -> memref<64xi32, #tpu.memory_space<vmem>>
      %dma_start3A_305 = arith.constant 0 : i32
      %dma_start3A_306 = arith.constant 0 : i32
      %dma_start3A_307 = tpu.memref_slice %arg2[%dma_start3A_305, %dma_start3A_306] : memref<10000x128xf32, #tpu.memory_space<hbm>> -> memref<10000x128xf32, #tpu.memory_space<hbm>>
      tpu.enqueue_indirect_dma source(%dma_start3A_307 : memref<10000x128xf32, #tpu.memory_space<hbm>>) target(%arg13 : memref<64x128xf32, #tpu.memory_space<vmem>>) offsets(%dma_start3A_304 : memref<64xi32, #tpu.memory_space<vmem>>) semaphore(%arg18 : memref<!tpu.dma_semaphore, #tpu.memory_space<semaphore_mem>>)
      %get3A_308 = arith.constant 2 : i32
      %get3A_309 = arith.index_cast %get3A_308 : i32 to index
      %get3A_310 = arith.constant 64 : index
      %get3A_311 = tpu.vector_load %arg8[%get3A_309, %get3A_310] {strides = array<i32>} : memref<16x128xi32, #tpu.memory_space<vmem>>, vector<1x16xi32>,
      %get3A_312 = vector.shape_cast %get3A_311 : vector<1x16xi32> to vector<16xi32>
      %swap3A_313 = arith.constant 0 : index
      %swap3A_314 = tpu.vector_load %arg10[%swap3A_313] {strides = array<i32>} : memref<64xi32, #tpu.memory_space<vmem>>, vector<16xi32>,
      %swap3A_315 = vector.shape_cast %swap3A_314 : vector<16xi32> to vector<16xi32>
      %swap3A_316 = vector.shape_cast %get3A_312 : vector<16xi32> to vector<16xi32>
      tpu.vector_store %arg10[%swap3A_313], %swap3A_316 {strides = array<i32>} : memref<64xi32, #tpu.memory_space<vmem>>, vector<16xi32>,
      %get3A_317 = arith.constant 2 : i32
      %get3A_318 = arith.index_cast %get3A_317 : i32 to index
      %get3A_319 = arith.constant 80 : index
      %get3A_320 = tpu.vector_load %arg8[%get3A_318, %get3A_319] {strides = array<i32>} : memref<16x128xi32, #tpu.memory_space<vmem>>, vector<1x16xi32>,
      %get3A_321 = vector.shape_cast %get3A_320 : vector<1x16xi32> to vector<16xi32>
      %swap3A_322 = arith.constant 16 : index
      %swap3A_323 = tpu.vector_load %arg10[%swap3A_322] {strides = array<i32>} : memref<64xi32, #tpu.memory_space<vmem>>, vector<16xi32>,
      %swap3A_324 = vector.shape_cast %swap3A_323 : vector<16xi32> to vector<16xi32>
      %swap3A_325 = vector.shape_cast %get3A_321 : vector<16xi32> to vector<16xi32>
      tpu.vector_store %arg10[%swap3A_322], %swap3A_325 {strides = array<i32>} : memref<64xi32, #tpu.memory_space<vmem>>, vector<16xi32>,
      %get3A_326 = arith.constant 2 : i32
      %get3A_327 = arith.index_cast %get3A_326 : i32 to index
      %get3A_328 = arith.constant 96 : index
      %get3A_329 = tpu.vector_load %arg8[%get3A_327, %get3A_328] {strides = array<i32>} : memref<16x128xi32, #tpu.memory_space<vmem>>, vector<1x16xi32>,
      %get3A_330 = vector.shape_cast %get3A_329 : vector<1x16xi32> to vector<16xi32>
      %swap3A_331 = arith.constant 32 : index
      %swap3A_332 = tpu.vector_load %arg10[%swap3A_331] {strides = array<i32>} : memref<64xi32, #tpu.memory_space<vmem>>, vector<16xi32>,
      %swap3A_333 = vector.shape_cast %swap3A_332 : vector<16xi32> to vector<16xi32>
      %swap3A_334 = vector.shape_cast %get3A_330 : vector<16xi32> to vector<16xi32>
      tpu.vector_store %arg10[%swap3A_331], %swap3A_334 {strides = array<i32>} : memref<64xi32, #tpu.memory_space<vmem>>, vector<16xi32>,
      %get3A_335 = arith.constant 2 : i32
      %get3A_336 = arith.index_cast %get3A_335 : i32 to index
      %get3A_337 = arith.constant 112 : index
      %get3A_338 = tpu.vector_load %arg8[%get3A_336, %get3A_337] {strides = array<i32>} : memref<16x128xi32, #tpu.memory_space<vmem>>, vector<1x16xi32>,
      %get3A_339 = vector.shape_cast %get3A_338 : vector<1x16xi32> to vector<16xi32>
      %swap3A_340 = arith.constant 48 : index
      %swap3A_341 = tpu.vector_load %arg10[%swap3A_340] {strides = array<i32>} : memref<64xi32, #tpu.memory_space<vmem>>, vector<16xi32>,
      %swap3A_342 = vector.shape_cast %swap3A_341 : vector<16xi32> to vector<16xi32>
      %swap3A_343 = vector.shape_cast %get3A_339 : vector<16xi32> to vector<16xi32>
      tpu.vector_store %arg10[%swap3A_340], %swap3A_343 {strides = array<i32>} : memref<64xi32, #tpu.memory_space<vmem>>, vector<16xi32>,
      %dma_wait3A_344 = arith.constant 0 : i32
      %dma_wait3A_345 = arith.constant 0 : i32
      %dma_wait3A_346 = tpu.memref_slice %arg7[%dma_wait3A_344, %dma_wait3A_345] : memref<16x128xi32, #tpu.memory_space<vmem>> -> memref<1x64xi32, #tpu.memory_space<vmem>>
      %dma_wait3A_347 = tpu.memref_squeeze %dma_wait3A_346 : memref<1x64xi32, #tpu.memory_space<vmem>> -> memref<64xi32, #tpu.memory_space<vmem>>
      %dma_wait3A_348 = arith.constant 0 : i32
      %dma_wait3A_349 = arith.constant 0 : i32
      %dma_wait3A_350 = tpu.memref_slice %arg2[%dma_wait3A_348, %dma_wait3A_349] : memref<10000x128xf32, #tpu.memory_space<hbm>> -> memref<10000x128xf32, #tpu.memory_space<hbm>>
      tpu.wait_indirect_dma semaphore(%arg19 : memref<!tpu.dma_semaphore, #tpu.memory_space<semaphore_mem>>) src(%dma_wait3A_350 : memref<10000x128xf32, #tpu.memory_space<hbm>>) dst(%arg14 : memref<64x128xf32, #tpu.memory_space<vmem>>)
      "tpu.region"() ({
        %run_scoped3A = tpu.sem_alloc : memref<!tpu.dma_semaphore, #tpu.memory_space<semaphore_mem>>
        %dma_start3A_1630 = arith.constant 0 : i32
        %dma_start3A_1631 = arith.constant 0 : i32
        %dma_start3A_1632 = tpu.memref_slice %arg17[%dma_start3A_1630, %dma_start3A_1631] : memref<10240x128xf32, #tpu.memory_space<vmem_shared>> -> memref<10240x128xf32, #tpu.memory_space<vmem_shared>>
        tpu.enqueue_indirect_dma source(%arg14 : memref<64x128xf32, #tpu.memory_space<vmem>>) target(%dma_start3A_1632 : memref<10240x128xf32, #tpu.memory_space<vmem_shared>>) offsets(%arg10 : memref<64xi32, #tpu.memory_space<vmem>>) semaphore(%run_scoped3A : memref<!tpu.dma_semaphore, #tpu.memory_space<semaphore_mem>>) {add = true}
        %dma_wait3A_1633 = arith.constant 0 : i32
        %dma_wait3A_1634 = arith.constant 0 : i32
        %dma_wait3A_1635 = tpu.memref_slice %arg17[%dma_wait3A_1633, %dma_wait3A_1634] : memref<10240x128xf32, #tpu.memory_space<vmem_shared>> -> memref<10240x128xf32, #tpu.memory_space<vmem_shared>>
        tpu.wait_indirect_dma semaphore(%run_scoped3A : memref<!tpu.dma_semaphore, #tpu.memory_space<semaphore_mem>>) src(%arg14 : memref<64x128xf32, #tpu.memory_space<vmem>>) dst(%dma_wait3A_1635 : memref<10240x128xf32, #tpu.memory_space<vmem_shared>>)
        tpu.yield
      }) : () -> ()
      %dma_start3A_351 = arith.constant 4 : i32
      %dma_start3A_352 = arith.constant 64 : i32
      %dma_start3A_353 = tpu.memref_slice %arg7[%dma_start3A_351, %dma_start3A_352] : memref<16x128xi32, #tpu.memory_space<vmem>> -> memref<1x64xi32, #tpu.memory_space<vmem>>
      %dma_start3A_354 = tpu.memref_squeeze %dma_start3A_353 : memref<1x64xi32, #tpu.memory_space<vmem>> -> memref<64xi32, #tpu.memory_space<vmem>>
      %dma_start3A_355 = arith.constant 0 : i32
      %dma_start3A_356 = arith.constant 0 : i32
      %dma_start3A_357 = tpu.memref_slice %arg2[%dma_start3A_355, %dma_start3A_356] : memref<10000x128xf32, #tpu.memory_space<hbm>> -> memref<10000x128xf32, #tpu.memory_space<hbm>>
      tpu.enqueue_indirect_dma source(%dma_start3A_357 : memref<10000x128xf32, #tpu.memory_space<hbm>>) target(%arg14 : memref<64x128xf32, #tpu.memory_space<vmem>>) offsets(%dma_start3A_354 : memref<64xi32, #tpu.memory_space<vmem>>) semaphore(%arg19 : memref<!tpu.dma_semaphore, #tpu.memory_space<semaphore_mem>>)
      %get3A_358 = arith.constant 3 : i32
      %get3A_359 = arith.index_cast %get3A_358 : i32 to index
      %get3A_360 = arith.constant 0 : index
      %get3A_361 = tpu.vector_load %arg8[%get3A_359, %get3A_360] {strides = array<i32>} : memref<16x128xi32, #tpu.memory_space<vmem>>, vector<1x16xi32>,
      %get3A_362 = vector.shape_cast %get3A_361 : vector<1x16xi32> to vector<16xi32>
      %swap3A_363 = arith.constant 0 : index
      %swap3A_364 = tpu.vector_load %arg11[%swap3A_363] {strides = array<i32>} : memref<64xi32, #tpu.memory_space<vmem>>, vector<16xi32>,
      %swap3A_365 = vector.shape_cast %swap3A_364 : vector<16xi32> to vector<16xi32>
      %swap3A_366 = vector.shape_cast %get3A_362 : vector<16xi32> to vector<16xi32>
      tpu.vector_store %arg11[%swap3A_363], %swap3A_366 {strides = array<i32>} : memref<64xi32, #tpu.memory_space<vmem>>, vector<16xi32>,
      %get3A_367 = arith.constant 3 : i32
      %get3A_368 = arith.index_cast %get3A_367 : i32 to index
      %get3A_369 = arith.constant 16 : index
      %get3A_370 = tpu.vector_load %arg8[%get3A_368, %get3A_369] {strides = array<i32>} : memref<16x128xi32, #tpu.memory_space<vmem>>, vector<1x16xi32>,
      %get3A_371 = vector.shape_cast %get3A_370 : vector<1x16xi32> to vector<16xi32>
      %swap3A_372 = arith.constant 16 : index
      %swap3A_373 = tpu.vector_load %arg11[%swap3A_372] {strides = array<i32>} : memref<64xi32, #tpu.memory_space<vmem>>, vector<16xi32>,
      %swap3A_374 = vector.shape_cast %swap3A_373 : vector<16xi32> to vector<16xi32>
      %swap3A_375 = vector.shape_cast %get3A_371 : vector<16xi32> to vector<16xi32>
      tpu.vector_store %arg11[%swap3A_372], %swap3A_375 {strides = array<i32>} : memref<64xi32, #tpu.memory_space<vmem>>, vector<16xi32>,
      %get3A_376 = arith.constant 3 : i32
      %get3A_377 = arith.index_cast %get3A_376 : i32 to index
      %get3A_378 = arith.constant 32 : index
      %get3A_379 = tpu.vector_load %arg8[%get3A_377, %get3A_378] {strides = array<i32>} : memref<16x128xi32, #tpu.memory_space<vmem>>, vector<1x16xi32>,
      %get3A_380 = vector.shape_cast %get3A_379 : vector<1x16xi32> to vector<16xi32>
      %swap3A_381 = arith.constant 32 : index
      %swap3A_382 = tpu.vector_load %arg11[%swap3A_381] {strides = array<i32>} : memref<64xi32, #tpu.memory_space<vmem>>, vector<16xi32>,
      %swap3A_383 = vector.shape_cast %swap3A_382 : vector<16xi32> to vector<16xi32>
      %swap3A_384 = vector.shape_cast %get3A_380 : vector<16xi32> to vector<16xi32>
      tpu.vector_store %arg11[%swap3A_381], %swap3A_384 {strides = array<i32>} : memref<64xi32, #tpu.memory_space<vmem>>, vector<16xi32>,
      %get3A_385 = arith.constant 3 : i32
      %get3A_386 = arith.index_cast %get3A_385 : i32 to index
      %get3A_387 = arith.constant 48 : index
      %get3A_388 = tpu.vector_load %arg8[%get3A_386, %get3A_387] {strides = array<i32>} : memref<16x128xi32, #tpu.memory_space<vmem>>, vector<1x16xi32>,
      %get3A_389 = vector.shape_cast %get3A_388 : vector<1x16xi32> to vector<16xi32>
      %swap3A_390 = arith.constant 48 : index
      %swap3A_391 = tpu.vector_load %arg11[%swap3A_390] {strides = array<i32>} : memref<64xi32, #tpu.memory_space<vmem>>, vector<16xi32>,
      %swap3A_392 = vector.shape_cast %swap3A_391 : vector<16xi32> to vector<16xi32>
      %swap3A_393 = vector.shape_cast %get3A_389 : vector<16xi32> to vector<16xi32>
      tpu.vector_store %arg11[%swap3A_390], %swap3A_393 {strides = array<i32>} : memref<64xi32, #tpu.memory_space<vmem>>, vector<16xi32>,
      %dma_wait3A_394 = arith.constant 0 : i32
      %dma_wait3A_395 = arith.constant 0 : i32
      %dma_wait3A_396 = tpu.memref_slice %arg7[%dma_wait3A_394, %dma_wait3A_395] : memref<16x128xi32, #tpu.memory_space<vmem>> -> memref<1x64xi32, #tpu.memory_space<vmem>>
      %dma_wait3A_397 = tpu.memref_squeeze %dma_wait3A_396 : memref<1x64xi32, #tpu.memory_space<vmem>> -> memref<64xi32, #tpu.memory_space<vmem>>
      %dma_wait3A_398 = arith.constant 0 : i32
      %dma_wait3A_399 = arith.constant 0 : i32
      %dma_wait3A_400 = tpu.memref_slice %arg2[%dma_wait3A_398, %dma_wait3A_399] : memref<10000x128xf32, #tpu.memory_space<hbm>> -> memref<10000x128xf32, #tpu.memory_space<hbm>>
      tpu.wait_indirect_dma semaphore(%arg20 : memref<!tpu.dma_semaphore, #tpu.memory_space<semaphore_mem>>) src(%dma_wait3A_400 : memref<10000x128xf32, #tpu.memory_space<hbm>>) dst(%arg15 : memref<64x128xf32, #tpu.memory_space<vmem>>)
      "tpu.region"() ({
        %run_scoped3A = tpu.sem_alloc : memref<!tpu.dma_semaphore, #tpu.memory_space<semaphore_mem>>
        %dma_start3A_1630 = arith.constant 0 : i32
        %dma_start3A_1631 = arith.constant 0 : i32
        %dma_start3A_1632 = tpu.memref_slice %arg17[%dma_start3A_1630, %dma_start3A_1631] : memref<10240x128xf32, #tpu.memory_space<vmem_shared>> -> memref<10240x128xf32, #tpu.memory_space<vmem_shared>>
        tpu.enqueue_indirect_dma source(%arg15 : memref<64x128xf32, #tpu.memory_space<vmem>>) target(%dma_start3A_1632 : memref<10240x128xf32, #tpu.memory_space<vmem_shared>>) offsets(%arg11 : memref<64xi32, #tpu.memory_space<vmem>>) semaphore(%run_scoped3A : memref<!tpu.dma_semaphore, #tpu.memory_space<semaphore_mem>>) {add = true}
        %dma_wait3A_1633 = arith.constant 0 : i32
        %dma_wait3A_1634 = arith.constant 0 : i32
        %dma_wait3A_1635 = tpu.memref_slice %arg17[%dma_wait3A_1633, %dma_wait3A_1634] : memref<10240x128xf32, #tpu.memory_space<vmem_shared>> -> memref<10240x128xf32, #tpu.memory_space<vmem_shared>>
        tpu.wait_indirect_dma semaphore(%run_scoped3A : memref<!tpu.dma_semaphore, #tpu.memory_space<semaphore_mem>>) src(%arg15 : memref<64x128xf32, #tpu.memory_space<vmem>>) dst(%dma_wait3A_1635 : memref<10240x128xf32, #tpu.memory_space<vmem_shared>>)
        tpu.yield
      }) : () -> ()
      %dma_start3A_401 = arith.constant 5 : i32
      %dma_start3A_402 = arith.constant 0 : i32
      %dma_start3A_403 = tpu.memref_slice %arg7[%dma_start3A_401, %dma_start3A_402] : memref<16x128xi32, #tpu.memory_space<vmem>> -> memref<1x64xi32, #tpu.memory_space<vmem>>
      %dma_start3A_404 = tpu.memref_squeeze %dma_start3A_403 : memref<1x64xi32, #tpu.memory_space<vmem>> -> memref<64xi32, #tpu.memory_space<vmem>>
      %dma_start3A_405 = arith.constant 0 : i32
      %dma_start3A_406 = arith.constant 0 : i32
      %dma_start3A_407 = tpu.memref_slice %arg2[%dma_start3A_405, %dma_start3A_406] : memref<10000x128xf32, #tpu.memory_space<hbm>> -> memref<10000x128xf32, #tpu.memory_space<hbm>>
      tpu.enqueue_indirect_dma source(%dma_start3A_407 : memref<10000x128xf32, #tpu.memory_space<hbm>>) target(%arg15 : memref<64x128xf32, #tpu.memory_space<vmem>>) offsets(%dma_start3A_404 : memref<64xi32, #tpu.memory_space<vmem>>) semaphore(%arg20 : memref<!tpu.dma_semaphore, #tpu.memory_space<semaphore_mem>>)
      %get3A_408 = arith.constant 3 : i32
      %get3A_409 = arith.index_cast %get3A_408 : i32 to index
      %get3A_410 = arith.constant 64 : index
      %get3A_411 = tpu.vector_load %arg8[%get3A_409, %get3A_410] {strides = array<i32>} : memref<16x128xi32, #tpu.memory_space<vmem>>, vector<1x16xi32>,
      %get3A_412 = vector.shape_cast %get3A_411 : vector<1x16xi32> to vector<16xi32>
      %swap3A_413 = arith.constant 0 : index
      %swap3A_414 = tpu.vector_load %arg12[%swap3A_413] {strides = array<i32>} : memref<64xi32, #tpu.memory_space<vmem>>, vector<16xi32>,
      %swap3A_415 = vector.shape_cast %swap3A_414 : vector<16xi32> to vector<16xi32>
      %swap3A_416 = vector.shape_cast %get3A_412 : vector<16xi32> to vector<16xi32>
      tpu.vector_store %arg12[%swap3A_413], %swap3A_416 {strides = array<i32>} : memref<64xi32, #tpu.memory_space<vmem>>, vector<16xi32>,
      %get3A_417 = arith.constant 3 : i32
      %get3A_418 = arith.index_cast %get3A_417 : i32 to index
      %get3A_419 = arith.constant 80 : index
      %get3A_420 = tpu.vector_load %arg8[%get3A_418, %get3A_419] {strides = array<i32>} : memref<16x128xi32, #tpu.memory_space<vmem>>, vector<1x16xi32>,
      %get3A_421 = vector.shape_cast %get3A_420 : vector<1x16xi32> to vector<16xi32>
      %swap3A_422 = arith.constant 16 : index
      %swap3A_423 = tpu.vector_load %arg12[%swap3A_422] {strides = array<i32>} : memref<64xi32, #tpu.memory_space<vmem>>, vector<16xi32>,
      %swap3A_424 = vector.shape_cast %swap3A_423 : vector<16xi32> to vector<16xi32>
      %swap3A_425 = vector.shape_cast %get3A_421 : vector<16xi32> to vector<16xi32>
      tpu.vector_store %arg12[%swap3A_422], %swap3A_425 {strides = array<i32>} : memref<64xi32, #tpu.memory_space<vmem>>, vector<16xi32>,
      %get3A_426 = arith.constant 3 : i32
      %get3A_427 = arith.index_cast %get3A_426 : i32 to index
      %get3A_428 = arith.constant 96 : index
      %get3A_429 = tpu.vector_load %arg8[%get3A_427, %get3A_428] {strides = array<i32>} : memref<16x128xi32, #tpu.memory_space<vmem>>, vector<1x16xi32>,
      %get3A_430 = vector.shape_cast %get3A_429 : vector<1x16xi32> to vector<16xi32>
      %swap3A_431 = arith.constant 32 : index
      %swap3A_432 = tpu.vector_load %arg12[%swap3A_431] {strides = array<i32>} : memref<64xi32, #tpu.memory_space<vmem>>, vector<16xi32>,
      %swap3A_433 = vector.shape_cast %swap3A_432 : vector<16xi32> to vector<16xi32>
      %swap3A_434 = vector.shape_cast %get3A_430 : vector<16xi32> to vector<16xi32>
      tpu.vector_store %arg12[%swap3A_431], %swap3A_434 {strides = array<i32>} : memref<64xi32, #tpu.memory_space<vmem>>, vector<16xi32>,
      %get3A_435 = arith.constant 3 : i32
      %get3A_436 = arith.index_cast %get3A_435 : i32 to index
      %get3A_437 = arith.constant 112 : index
      %get3A_438 = tpu.vector_load %arg8[%get3A_436, %get3A_437] {strides = array<i32>} : memref<16x128xi32, #tpu.memory_space<vmem>>, vector<1x16xi32>,
      %get3A_439 = vector.shape_cast %get3A_438 : vector<1x16xi32> to vector<16xi32>
      %swap3A_440 = arith.constant 48 : index
      %swap3A_441 = tpu.vector_load %arg12[%swap3A_440] {strides = array<i32>} : memref<64xi32, #tpu.memory_space<vmem>>, vector<16xi32>,
      %swap3A_442 = vector.shape_cast %swap3A_441 : vector<16xi32> to vector<16xi32>
      %swap3A_443 = vector.shape_cast %get3A_439 : vector<16xi32> to vector<16xi32>
      tpu.vector_store %arg12[%swap3A_440], %swap3A_443 {strides = array<i32>} : memref<64xi32, #tpu.memory_space<vmem>>, vector<16xi32>,
      %dma_wait3A_444 = arith.constant 0 : i32
      %dma_wait3A_445 = arith.constant 0 : i32
      %dma_wait3A_446 = tpu.memref_slice %arg7[%dma_wait3A_444, %dma_wait3A_445] : memref<16x128xi32, #tpu.memory_space<vmem>> -> memref<1x64xi32, #tpu.memory_space<vmem>>
      %dma_wait3A_447 = tpu.memref_squeeze %dma_wait3A_446 : memref<1x64xi32, #tpu.memory_space<vmem>> -> memref<64xi32, #tpu.memory_space<vmem>>
      %dma_wait3A_448 = arith.constant 0 : i32
      %dma_wait3A_449 = arith.constant 0 : i32
      %dma_wait3A_450 = tpu.memref_slice %arg2[%dma_wait3A_448, %dma_wait3A_449] : memref<10000x128xf32, #tpu.memory_space<hbm>> -> memref<10000x128xf32, #tpu.memory_space<hbm>>
      tpu.wait_indirect_dma semaphore(%arg21 : memref<!tpu.dma_semaphore, #tpu.memory_space<semaphore_mem>>) src(%dma_wait3A_450 : memref<10000x128xf32, #tpu.memory_space<hbm>>) dst(%arg16 : memref<64x128xf32, #tpu.memory_space<vmem>>)
      "tpu.region"() ({
        %run_scoped3A = tpu.sem_alloc : memref<!tpu.dma_semaphore, #tpu.memory_space<semaphore_mem>>
        %dma_start3A_1630 = arith.constant 0 : i32
        %dma_start3A_1631 = arith.constant 0 : i32
        %dma_start3A_1632 = tpu.memref_slice %arg17[%dma_start3A_1630, %dma_start3A_1631] : memref<10240x128xf32, #tpu.memory_space<vmem_shared>> -> memref<10240x128xf32, #tpu.memory_space<vmem_shared>>
        tpu.enqueue_indirect_dma source(%arg16 : memref<64x128xf32, #tpu.memory_space<vmem>>) target(%dma_start3A_1632 : memref<10240x128xf32, #tpu.memory_space<vmem_shared>>) offsets(%arg12 : memref<64xi32, #tpu.memory_space<vmem>>) semaphore(%run_scoped3A : memref<!tpu.dma_semaphore, #tpu.memory_space<semaphore_mem>>) {add = true}
        %dma_wait3A_1633 = arith.constant 0 : i32
        %dma_wait3A_1634 = arith.constant 0 : i32
        %dma_wait3A_1635 = tpu.memref_slice %arg17[%dma_wait3A_1633, %dma_wait3A_1634] : memref<10240x128xf32, #tpu.memory_space<vmem_shared>> -> memref<10240x128xf32, #tpu.memory_space<vmem_shared>>
        tpu.wait_indirect_dma semaphore(%run_scoped3A : memref<!tpu.dma_semaphore, #tpu.memory_space<semaphore_mem>>) src(%arg16 : memref<64x128xf32, #tpu.memory_space<vmem>>) dst(%dma_wait3A_1635 : memref<10240x128xf32, #tpu.memory_space<vmem_shared>>)
        tpu.yield
      }) : () -> ()
      %dma_start3A_451 = arith.constant 5 : i32
      %dma_start3A_452 = arith.constant 64 : i32
      %dma_start3A_453 = tpu.memref_slice %arg7[%dma_start3A_451, %dma_start3A_452] : memref<16x128xi32, #tpu.memory_space<vmem>> -> memref<1x64xi32, #tpu.memory_space<vmem>>
      %dma_start3A_454 = tpu.memref_squeeze %dma_start3A_453 : memref<1x64xi32, #tpu.memory_space<vmem>> -> memref<64xi32, #tpu.memory_space<vmem>>
      %dma_start3A_455 = arith.constant 0 : i32
      %dma_start3A_456 = arith.constant 0 : i32
      %dma_start3A_457 = tpu.memref_slice %arg2[%dma_start3A_455, %dma_start3A_456] : memref<10000x128xf32, #tpu.memory_space<hbm>> -> memref<10000x128xf32, #tpu.memory_space<hbm>>
      tpu.enqueue_indirect_dma source(%dma_start3A_457 : memref<10000x128xf32, #tpu.memory_space<hbm>>) target(%arg16 : memref<64x128xf32, #tpu.memory_space<vmem>>) offsets(%dma_start3A_454 : memref<64xi32, #tpu.memory_space<vmem>>) semaphore(%arg21 : memref<!tpu.dma_semaphore, #tpu.memory_space<semaphore_mem>>)
      %get3A_458 = arith.constant 4 : i32
      %get3A_459 = arith.index_cast %get3A_458 : i32 to index
      %get3A_460 = arith.constant 0 : index
      %get3A_461 = tpu.vector_load %arg8[%get3A_459, %get3A_460] {strides = array<i32>} : memref<16x128xi32, #tpu.memory_space<vmem>>, vector<1x16xi32>,
      %get3A_462 = vector.shape_cast %get3A_461 : vector<1x16xi32> to vector<16xi32>
      %swap3A_463 = arith.constant 0 : index
      %swap3A_464 = tpu.vector_load %arg9[%swap3A_463] {strides = array<i32>} : memref<64xi32, #tpu.memory_space<vmem>>, vector<16xi32>,
      %swap3A_465 = vector.shape_cast %swap3A_464 : vector<16xi32> to vector<16xi32>
      %swap3A_466 = vector.shape_cast %get3A_462 : vector<16xi32> to vector<16xi32>
      tpu.vector_store %arg9[%swap3A_463], %swap3A_466 {strides = array<i32>} : memref<64xi32, #tpu.memory_space<vmem>>, vector<16xi32>,
      %get3A_467 = arith.constant 4 : i32
      %get3A_468 = arith.index_cast %get3A_467 : i32 to index
      %get3A_469 = arith.constant 16 : index
      %get3A_470 = tpu.vector_load %arg8[%get3A_468, %get3A_469] {strides = array<i32>} : memref<16x128xi32, #tpu.memory_space<vmem>>, vector<1x16xi32>,
      %get3A_471 = vector.shape_cast %get3A_470 : vector<1x16xi32> to vector<16xi32>
      %swap3A_472 = arith.constant 16 : index
      %swap3A_473 = tpu.vector_load %arg9[%swap3A_472] {strides = array<i32>} : memref<64xi32, #tpu.memory_space<vmem>>, vector<16xi32>,
      %swap3A_474 = vector.shape_cast %swap3A_473 : vector<16xi32> to vector<16xi32>
      %swap3A_475 = vector.shape_cast %get3A_471 : vector<16xi32> to vector<16xi32>
      tpu.vector_store %arg9[%swap3A_472], %swap3A_475 {strides = array<i32>} : memref<64xi32, #tpu.memory_space<vmem>>, vector<16xi32>,
      %get3A_476 = arith.constant 4 : i32
      %get3A_477 = arith.index_cast %get3A_476 : i32 to index
      %get3A_478 = arith.constant 32 : index
      %get3A_479 = tpu.vector_load %arg8[%get3A_477, %get3A_478] {strides = array<i32>} : memref<16x128xi32, #tpu.memory_space<vmem>>, vector<1x16xi32>,
      %get3A_480 = vector.shape_cast %get3A_479 : vector<1x16xi32> to vector<16xi32>
      %swap3A_481 = arith.constant 32 : index
      %swap3A_482 = tpu.vector_load %arg9[%swap3A_481] {strides = array<i32>} : memref<64xi32, #tpu.memory_space<vmem>>, vector<16xi32>,
      %swap3A_483 = vector.shape_cast %swap3A_482 : vector<16xi32> to vector<16xi32>
      %swap3A_484 = vector.shape_cast %get3A_480 : vector<16xi32> to vector<16xi32>
      tpu.vector_store %arg9[%swap3A_481], %swap3A_484 {strides = array<i32>} : memref<64xi32, #tpu.memory_space<vmem>>, vector<16xi32>,
      %get3A_485 = arith.constant 4 : i32
      %get3A_486 = arith.index_cast %get3A_485 : i32 to index
      %get3A_487 = arith.constant 48 : index
      %get3A_488 = tpu.vector_load %arg8[%get3A_486, %get3A_487] {strides = array<i32>} : memref<16x128xi32, #tpu.memory_space<vmem>>, vector<1x16xi32>,
      %get3A_489 = vector.shape_cast %get3A_488 : vector<1x16xi32> to vector<16xi32>
      %swap3A_490 = arith.constant 48 : index
      %swap3A_491 = tpu.vector_load %arg9[%swap3A_490] {strides = array<i32>} : memref<64xi32, #tpu.memory_space<vmem>>, vector<16xi32>,
      %swap3A_492 = vector.shape_cast %swap3A_491 : vector<16xi32> to vector<16xi32>
      %swap3A_493 = vector.shape_cast %get3A_489 : vector<16xi32> to vector<16xi32>
      tpu.vector_store %arg9[%swap3A_490], %swap3A_493 {strides = array<i32>} : memref<64xi32, #tpu.memory_space<vmem>>, vector<16xi32>,
      %dma_wait3A_494 = arith.constant 0 : i32
      %dma_wait3A_495 = arith.constant 0 : i32
      %dma_wait3A_496 = tpu.memref_slice %arg7[%dma_wait3A_494, %dma_wait3A_495] : memref<16x128xi32, #tpu.memory_space<vmem>> -> memref<1x64xi32, #tpu.memory_space<vmem>>
      %dma_wait3A_497 = tpu.memref_squeeze %dma_wait3A_496 : memref<1x64xi32, #tpu.memory_space<vmem>> -> memref<64xi32, #tpu.memory_space<vmem>>
      %dma_wait3A_498 = arith.constant 0 : i32
      %dma_wait3A_499 = arith.constant 0 : i32
      %dma_wait3A_500 = tpu.memref_slice %arg2[%dma_wait3A_498, %dma_wait3A_499] : memref<10000x128xf32, #tpu.memory_space<hbm>> -> memref<10000x128xf32, #tpu.memory_space<hbm>>
      tpu.wait_indirect_dma semaphore(%arg18 : memref<!tpu.dma_semaphore, #tpu.memory_space<semaphore_mem>>) src(%dma_wait3A_500 : memref<10000x128xf32, #tpu.memory_space<hbm>>) dst(%arg13 : memref<64x128xf32, #tpu.memory_space<vmem>>)
      "tpu.region"() ({
        %run_scoped3A = tpu.sem_alloc : memref<!tpu.dma_semaphore, #tpu.memory_space<semaphore_mem>>
        %dma_start3A_1630 = arith.constant 0 : i32
        %dma_start3A_1631 = arith.constant 0 : i32
        %dma_start3A_1632 = tpu.memref_slice %arg17[%dma_start3A_1630, %dma_start3A_1631] : memref<10240x128xf32, #tpu.memory_space<vmem_shared>> -> memref<10240x128xf32, #tpu.memory_space<vmem_shared>>
        tpu.enqueue_indirect_dma source(%arg13 : memref<64x128xf32, #tpu.memory_space<vmem>>) target(%dma_start3A_1632 : memref<10240x128xf32, #tpu.memory_space<vmem_shared>>) offsets(%arg9 : memref<64xi32, #tpu.memory_space<vmem>>) semaphore(%run_scoped3A : memref<!tpu.dma_semaphore, #tpu.memory_space<semaphore_mem>>) {add = true}
        %dma_wait3A_1633 = arith.constant 0 : i32
        %dma_wait3A_1634 = arith.constant 0 : i32
        %dma_wait3A_1635 = tpu.memref_slice %arg17[%dma_wait3A_1633, %dma_wait3A_1634] : memref<10240x128xf32, #tpu.memory_space<vmem_shared>> -> memref<10240x128xf32, #tpu.memory_space<vmem_shared>>
        tpu.wait_indirect_dma semaphore(%run_scoped3A : memref<!tpu.dma_semaphore, #tpu.memory_space<semaphore_mem>>) src(%arg13 : memref<64x128xf32, #tpu.memory_space<vmem>>) dst(%dma_wait3A_1635 : memref<10240x128xf32, #tpu.memory_space<vmem_shared>>)
        tpu.yield
      }) : () -> ()
      %dma_start3A_501 = arith.constant 6 : i32
      %dma_start3A_502 = arith.constant 0 : i32
      %dma_start3A_503 = tpu.memref_slice %arg7[%dma_start3A_501, %dma_start3A_502] : memref<16x128xi32, #tpu.memory_space<vmem>> -> memref<1x64xi32, #tpu.memory_space<vmem>>
      %dma_start3A_504 = tpu.memref_squeeze %dma_start3A_503 : memref<1x64xi32, #tpu.memory_space<vmem>> -> memref<64xi32, #tpu.memory_space<vmem>>
      %dma_start3A_505 = arith.constant 0 : i32
      %dma_start3A_506 = arith.constant 0 : i32
      %dma_start3A_507 = tpu.memref_slice %arg2[%dma_start3A_505, %dma_start3A_506] : memref<10000x128xf32, #tpu.memory_space<hbm>> -> memref<10000x128xf32, #tpu.memory_space<hbm>>
      tpu.enqueue_indirect_dma source(%dma_start3A_507 : memref<10000x128xf32, #tpu.memory_space<hbm>>) target(%arg13 : memref<64x128xf32, #tpu.memory_space<vmem>>) offsets(%dma_start3A_504 : memref<64xi32, #tpu.memory_space<vmem>>) semaphore(%arg18 : memref<!tpu.dma_semaphore, #tpu.memory_space<semaphore_mem>>)
      %get3A_508 = arith.constant 4 : i32
      %get3A_509 = arith.index_cast %get3A_508 : i32 to index
      %get3A_510 = arith.constant 64 : index
      %get3A_511 = tpu.vector_load %arg8[%get3A_509, %get3A_510] {strides = array<i32>} : memref<16x128xi32, #tpu.memory_space<vmem>>, vector<1x16xi32>,
      %get3A_512 = vector.shape_cast %get3A_511 : vector<1x16xi32> to vector<16xi32>
      %swap3A_513 = arith.constant 0 : index
      %swap3A_514 = tpu.vector_load %arg10[%swap3A_513] {strides = array<i32>} : memref<64xi32, #tpu.memory_space<vmem>>, vector<16xi32>,
      %swap3A_515 = vector.shape_cast %swap3A_514 : vector<16xi32> to vector<16xi32>
      %swap3A_516 = vector.shape_cast %get3A_512 : vector<16xi32> to vector<16xi32>
      tpu.vector_store %arg10[%swap3A_513], %swap3A_516 {strides = array<i32>} : memref<64xi32, #tpu.memory_space<vmem>>, vector<16xi32>,
      %get3A_517 = arith.constant 4 : i32
      %get3A_518 = arith.index_cast %get3A_517 : i32 to index
      %get3A_519 = arith.constant 80 : index
      %get3A_520 = tpu.vector_load %arg8[%get3A_518, %get3A_519] {strides = array<i32>} : memref<16x128xi32, #tpu.memory_space<vmem>>, vector<1x16xi32>,
      %get3A_521 = vector.shape_cast %get3A_520 : vector<1x16xi32> to vector<16xi32>
      %swap3A_522 = arith.constant 16 : index
      %swap3A_523 = tpu.vector_load %arg10[%swap3A_522] {strides = array<i32>} : memref<64xi32, #tpu.memory_space<vmem>>, vector<16xi32>,
      %swap3A_524 = vector.shape_cast %swap3A_523 : vector<16xi32> to vector<16xi32>
      %swap3A_525 = vector.shape_cast %get3A_521 : vector<16xi32> to vector<16xi32>
      tpu.vector_store %arg10[%swap3A_522], %swap3A_525 {strides = array<i32>} : memref<64xi32, #tpu.memory_space<vmem>>, vector<16xi32>,
      %get3A_526 = arith.constant 4 : i32
      %get3A_527 = arith.index_cast %get3A_526 : i32 to index
      %get3A_528 = arith.constant 96 : index
      %get3A_529 = tpu.vector_load %arg8[%get3A_527, %get3A_528] {strides = array<i32>} : memref<16x128xi32, #tpu.memory_space<vmem>>, vector<1x16xi32>,
      %get3A_530 = vector.shape_cast %get3A_529 : vector<1x16xi32> to vector<16xi32>
      %swap3A_531 = arith.constant 32 : index
      %swap3A_532 = tpu.vector_load %arg10[%swap3A_531] {strides = array<i32>} : memref<64xi32, #tpu.memory_space<vmem>>, vector<16xi32>,
      %swap3A_533 = vector.shape_cast %swap3A_532 : vector<16xi32> to vector<16xi32>
      %swap3A_534 = vector.shape_cast %get3A_530 : vector<16xi32> to vector<16xi32>
      tpu.vector_store %arg10[%swap3A_531], %swap3A_534 {strides = array<i32>} : memref<64xi32, #tpu.memory_space<vmem>>, vector<16xi32>,
      %get3A_535 = arith.constant 4 : i32
      %get3A_536 = arith.index_cast %get3A_535 : i32 to index
      %get3A_537 = arith.constant 112 : index
      %get3A_538 = tpu.vector_load %arg8[%get3A_536, %get3A_537] {strides = array<i32>} : memref<16x128xi32, #tpu.memory_space<vmem>>, vector<1x16xi32>,
      %get3A_539 = vector.shape_cast %get3A_538 : vector<1x16xi32> to vector<16xi32>
      %swap3A_540 = arith.constant 48 : index
      %swap3A_541 = tpu.vector_load %arg10[%swap3A_540] {strides = array<i32>} : memref<64xi32, #tpu.memory_space<vmem>>, vector<16xi32>,
      %swap3A_542 = vector.shape_cast %swap3A_541 : vector<16xi32> to vector<16xi32>
      %swap3A_543 = vector.shape_cast %get3A_539 : vector<16xi32> to vector<16xi32>
      tpu.vector_store %arg10[%swap3A_540], %swap3A_543 {strides = array<i32>} : memref<64xi32, #tpu.memory_space<vmem>>, vector<16xi32>,
      %dma_wait3A_544 = arith.constant 0 : i32
      %dma_wait3A_545 = arith.constant 0 : i32
      %dma_wait3A_546 = tpu.memref_slice %arg7[%dma_wait3A_544, %dma_wait3A_545] : memref<16x128xi32, #tpu.memory_space<vmem>> -> memref<1x64xi32, #tpu.memory_space<vmem>>
      %dma_wait3A_547 = tpu.memref_squeeze %dma_wait3A_546 : memref<1x64xi32, #tpu.memory_space<vmem>> -> memref<64xi32, #tpu.memory_space<vmem>>
      %dma_wait3A_548 = arith.constant 0 : i32
      %dma_wait3A_549 = arith.constant 0 : i32
      %dma_wait3A_550 = tpu.memref_slice %arg2[%dma_wait3A_548, %dma_wait3A_549] : memref<10000x128xf32, #tpu.memory_space<hbm>> -> memref<10000x128xf32, #tpu.memory_space<hbm>>
      tpu.wait_indirect_dma semaphore(%arg19 : memref<!tpu.dma_semaphore, #tpu.memory_space<semaphore_mem>>) src(%dma_wait3A_550 : memref<10000x128xf32, #tpu.memory_space<hbm>>) dst(%arg14 : memref<64x128xf32, #tpu.memory_space<vmem>>)
      "tpu.region"() ({
        %run_scoped3A = tpu.sem_alloc : memref<!tpu.dma_semaphore, #tpu.memory_space<semaphore_mem>>
        %dma_start3A_1630 = arith.constant 0 : i32
        %dma_start3A_1631 = arith.constant 0 : i32
        %dma_start3A_1632 = tpu.memref_slice %arg17[%dma_start3A_1630, %dma_start3A_1631] : memref<10240x128xf32, #tpu.memory_space<vmem_shared>> -> memref<10240x128xf32, #tpu.memory_space<vmem_shared>>
        tpu.enqueue_indirect_dma source(%arg14 : memref<64x128xf32, #tpu.memory_space<vmem>>) target(%dma_start3A_1632 : memref<10240x128xf32, #tpu.memory_space<vmem_shared>>) offsets(%arg10 : memref<64xi32, #tpu.memory_space<vmem>>) semaphore(%run_scoped3A : memref<!tpu.dma_semaphore, #tpu.memory_space<semaphore_mem>>) {add = true}
        %dma_wait3A_1633 = arith.constant 0 : i32
        %dma_wait3A_1634 = arith.constant 0 : i32
        %dma_wait3A_1635 = tpu.memref_slice %arg17[%dma_wait3A_1633, %dma_wait3A_1634] : memref<10240x128xf32, #tpu.memory_space<vmem_shared>> -> memref<10240x128xf32, #tpu.memory_space<vmem_shared>>
        tpu.wait_indirect_dma semaphore(%run_scoped3A : memref<!tpu.dma_semaphore, #tpu.memory_space<semaphore_mem>>) src(%arg14 : memref<64x128xf32, #tpu.memory_space<vmem>>) dst(%dma_wait3A_1635 : memref<10240x128xf32, #tpu.memory_space<vmem_shared>>)
        tpu.yield
      }) : () -> ()
      %dma_start3A_551 = arith.constant 6 : i32
      %dma_start3A_552 = arith.constant 64 : i32
      %dma_start3A_553 = tpu.memref_slice %arg7[%dma_start3A_551, %dma_start3A_552] : memref<16x128xi32, #tpu.memory_space<vmem>> -> memref<1x64xi32, #tpu.memory_space<vmem>>
      %dma_start3A_554 = tpu.memref_squeeze %dma_start3A_553 : memref<1x64xi32, #tpu.memory_space<vmem>> -> memref<64xi32, #tpu.memory_space<vmem>>
      %dma_start3A_555 = arith.constant 0 : i32
      %dma_start3A_556 = arith.constant 0 : i32
      %dma_start3A_557 = tpu.memref_slice %arg2[%dma_start3A_555, %dma_start3A_556] : memref<10000x128xf32, #tpu.memory_space<hbm>> -> memref<10000x128xf32, #tpu.memory_space<hbm>>
      tpu.enqueue_indirect_dma source(%dma_start3A_557 : memref<10000x128xf32, #tpu.memory_space<hbm>>) target(%arg14 : memref<64x128xf32, #tpu.memory_space<vmem>>) offsets(%dma_start3A_554 : memref<64xi32, #tpu.memory_space<vmem>>) semaphore(%arg19 : memref<!tpu.dma_semaphore, #tpu.memory_space<semaphore_mem>>)
      %get3A_558 = arith.constant 5 : i32
      %get3A_559 = arith.index_cast %get3A_558 : i32 to index
      %get3A_560 = arith.constant 0 : index
      %get3A_561 = tpu.vector_load %arg8[%get3A_559, %get3A_560] {strides = array<i32>} : memref<16x128xi32, #tpu.memory_space<vmem>>, vector<1x16xi32>,
      %get3A_562 = vector.shape_cast %get3A_561 : vector<1x16xi32> to vector<16xi32>
      %swap3A_563 = arith.constant 0 : index
      %swap3A_564 = tpu.vector_load %arg11[%swap3A_563] {strides = array<i32>} : memref<64xi32, #tpu.memory_space<vmem>>, vector<16xi32>,
      %swap3A_565 = vector.shape_cast %swap3A_564 : vector<16xi32> to vector<16xi32>
      %swap3A_566 = vector.shape_cast %get3A_562 : vector<16xi32> to vector<16xi32>
      tpu.vector_store %arg11[%swap3A_563], %swap3A_566 {strides = array<i32>} : memref<64xi32, #tpu.memory_space<vmem>>, vector<16xi32>,
      %get3A_567 = arith.constant 5 : i32
      %get3A_568 = arith.index_cast %get3A_567 : i32 to index
      %get3A_569 = arith.constant 16 : index
      %get3A_570 = tpu.vector_load %arg8[%get3A_568, %get3A_569] {strides = array<i32>} : memref<16x128xi32, #tpu.memory_space<vmem>>, vector<1x16xi32>,
      %get3A_571 = vector.shape_cast %get3A_570 : vector<1x16xi32> to vector<16xi32>
      %swap3A_572 = arith.constant 16 : index
      %swap3A_573 = tpu.vector_load %arg11[%swap3A_572] {strides = array<i32>} : memref<64xi32, #tpu.memory_space<vmem>>, vector<16xi32>,
      %swap3A_574 = vector.shape_cast %swap3A_573 : vector<16xi32> to vector<16xi32>
      %swap3A_575 = vector.shape_cast %get3A_571 : vector<16xi32> to vector<16xi32>
      tpu.vector_store %arg11[%swap3A_572], %swap3A_575 {strides = array<i32>} : memref<64xi32, #tpu.memory_space<vmem>>, vector<16xi32>,
      %get3A_576 = arith.constant 5 : i32
      %get3A_577 = arith.index_cast %get3A_576 : i32 to index
      %get3A_578 = arith.constant 32 : index
      %get3A_579 = tpu.vector_load %arg8[%get3A_577, %get3A_578] {strides = array<i32>} : memref<16x128xi32, #tpu.memory_space<vmem>>, vector<1x16xi32>,
      %get3A_580 = vector.shape_cast %get3A_579 : vector<1x16xi32> to vector<16xi32>
      %swap3A_581 = arith.constant 32 : index
      %swap3A_582 = tpu.vector_load %arg11[%swap3A_581] {strides = array<i32>} : memref<64xi32, #tpu.memory_space<vmem>>, vector<16xi32>,
      %swap3A_583 = vector.shape_cast %swap3A_582 : vector<16xi32> to vector<16xi32>
      %swap3A_584 = vector.shape_cast %get3A_580 : vector<16xi32> to vector<16xi32>
      tpu.vector_store %arg11[%swap3A_581], %swap3A_584 {strides = array<i32>} : memref<64xi32, #tpu.memory_space<vmem>>, vector<16xi32>,
      %get3A_585 = arith.constant 5 : i32
      %get3A_586 = arith.index_cast %get3A_585 : i32 to index
      %get3A_587 = arith.constant 48 : index
      %get3A_588 = tpu.vector_load %arg8[%get3A_586, %get3A_587] {strides = array<i32>} : memref<16x128xi32, #tpu.memory_space<vmem>>, vector<1x16xi32>,
      %get3A_589 = vector.shape_cast %get3A_588 : vector<1x16xi32> to vector<16xi32>
      %swap3A_590 = arith.constant 48 : index
      %swap3A_591 = tpu.vector_load %arg11[%swap3A_590] {strides = array<i32>} : memref<64xi32, #tpu.memory_space<vmem>>, vector<16xi32>,
      %swap3A_592 = vector.shape_cast %swap3A_591 : vector<16xi32> to vector<16xi32>
      %swap3A_593 = vector.shape_cast %get3A_589 : vector<16xi32> to vector<16xi32>
      tpu.vector_store %arg11[%swap3A_590], %swap3A_593 {strides = array<i32>} : memref<64xi32, #tpu.memory_space<vmem>>, vector<16xi32>,
      %dma_wait3A_594 = arith.constant 0 : i32
      %dma_wait3A_595 = arith.constant 0 : i32
      %dma_wait3A_596 = tpu.memref_slice %arg7[%dma_wait3A_594, %dma_wait3A_595] : memref<16x128xi32, #tpu.memory_space<vmem>> -> memref<1x64xi32, #tpu.memory_space<vmem>>
      %dma_wait3A_597 = tpu.memref_squeeze %dma_wait3A_596 : memref<1x64xi32, #tpu.memory_space<vmem>> -> memref<64xi32, #tpu.memory_space<vmem>>
      %dma_wait3A_598 = arith.constant 0 : i32
      %dma_wait3A_599 = arith.constant 0 : i32
      %dma_wait3A_600 = tpu.memref_slice %arg2[%dma_wait3A_598, %dma_wait3A_599] : memref<10000x128xf32, #tpu.memory_space<hbm>> -> memref<10000x128xf32, #tpu.memory_space<hbm>>
      tpu.wait_indirect_dma semaphore(%arg20 : memref<!tpu.dma_semaphore, #tpu.memory_space<semaphore_mem>>) src(%dma_wait3A_600 : memref<10000x128xf32, #tpu.memory_space<hbm>>) dst(%arg15 : memref<64x128xf32, #tpu.memory_space<vmem>>)
      "tpu.region"() ({
        %run_scoped3A = tpu.sem_alloc : memref<!tpu.dma_semaphore, #tpu.memory_space<semaphore_mem>>
        %dma_start3A_1630 = arith.constant 0 : i32
        %dma_start3A_1631 = arith.constant 0 : i32
        %dma_start3A_1632 = tpu.memref_slice %arg17[%dma_start3A_1630, %dma_start3A_1631] : memref<10240x128xf32, #tpu.memory_space<vmem_shared>> -> memref<10240x128xf32, #tpu.memory_space<vmem_shared>>
        tpu.enqueue_indirect_dma source(%arg15 : memref<64x128xf32, #tpu.memory_space<vmem>>) target(%dma_start3A_1632 : memref<10240x128xf32, #tpu.memory_space<vmem_shared>>) offsets(%arg11 : memref<64xi32, #tpu.memory_space<vmem>>) semaphore(%run_scoped3A : memref<!tpu.dma_semaphore, #tpu.memory_space<semaphore_mem>>) {add = true}
        %dma_wait3A_1633 = arith.constant 0 : i32
        %dma_wait3A_1634 = arith.constant 0 : i32
        %dma_wait3A_1635 = tpu.memref_slice %arg17[%dma_wait3A_1633, %dma_wait3A_1634] : memref<10240x128xf32, #tpu.memory_space<vmem_shared>> -> memref<10240x128xf32, #tpu.memory_space<vmem_shared>>
        tpu.wait_indirect_dma semaphore(%run_scoped3A : memref<!tpu.dma_semaphore, #tpu.memory_space<semaphore_mem>>) src(%arg15 : memref<64x128xf32, #tpu.memory_space<vmem>>) dst(%dma_wait3A_1635 : memref<10240x128xf32, #tpu.memory_space<vmem_shared>>)
        tpu.yield
      }) : () -> ()
      %dma_start3A_601 = arith.constant 7 : i32
      %dma_start3A_602 = arith.constant 0 : i32
      %dma_start3A_603 = tpu.memref_slice %arg7[%dma_start3A_601, %dma_start3A_602] : memref<16x128xi32, #tpu.memory_space<vmem>> -> memref<1x64xi32, #tpu.memory_space<vmem>>
      %dma_start3A_604 = tpu.memref_squeeze %dma_start3A_603 : memref<1x64xi32, #tpu.memory_space<vmem>> -> memref<64xi32, #tpu.memory_space<vmem>>
      %dma_start3A_605 = arith.constant 0 : i32
      %dma_start3A_606 = arith.constant 0 : i32
      %dma_start3A_607 = tpu.memref_slice %arg2[%dma_start3A_605, %dma_start3A_606] : memref<10000x128xf32, #tpu.memory_space<hbm>> -> memref<10000x128xf32, #tpu.memory_space<hbm>>
      tpu.enqueue_indirect_dma source(%dma_start3A_607 : memref<10000x128xf32, #tpu.memory_space<hbm>>) target(%arg15 : memref<64x128xf32, #tpu.memory_space<vmem>>) offsets(%dma_start3A_604 : memref<64xi32, #tpu.memory_space<vmem>>) semaphore(%arg20 : memref<!tpu.dma_semaphore, #tpu.memory_space<semaphore_mem>>)
      %get3A_608 = arith.constant 5 : i32
      %get3A_609 = arith.index_cast %get3A_608 : i32 to index
      %get3A_610 = arith.constant 64 : index
      %get3A_611 = tpu.vector_load %arg8[%get3A_609, %get3A_610] {strides = array<i32>} : memref<16x128xi32, #tpu.memory_space<vmem>>, vector<1x16xi32>,
      %get3A_612 = vector.shape_cast %get3A_611 : vector<1x16xi32> to vector<16xi32>
      %swap3A_613 = arith.constant 0 : index
      %swap3A_614 = tpu.vector_load %arg12[%swap3A_613] {strides = array<i32>} : memref<64xi32, #tpu.memory_space<vmem>>, vector<16xi32>,
      %swap3A_615 = vector.shape_cast %swap3A_614 : vector<16xi32> to vector<16xi32>
      %swap3A_616 = vector.shape_cast %get3A_612 : vector<16xi32> to vector<16xi32>
      tpu.vector_store %arg12[%swap3A_613], %swap3A_616 {strides = array<i32>} : memref<64xi32, #tpu.memory_space<vmem>>, vector<16xi32>,
      %get3A_617 = arith.constant 5 : i32
      %get3A_618 = arith.index_cast %get3A_617 : i32 to index
      %get3A_619 = arith.constant 80 : index
      %get3A_620 = tpu.vector_load %arg8[%get3A_618, %get3A_619] {strides = array<i32>} : memref<16x128xi32, #tpu.memory_space<vmem>>, vector<1x16xi32>,
      %get3A_621 = vector.shape_cast %get3A_620 : vector<1x16xi32> to vector<16xi32>
      %swap3A_622 = arith.constant 16 : index
      %swap3A_623 = tpu.vector_load %arg12[%swap3A_622] {strides = array<i32>} : memref<64xi32, #tpu.memory_space<vmem>>, vector<16xi32>,
      %swap3A_624 = vector.shape_cast %swap3A_623 : vector<16xi32> to vector<16xi32>
      %swap3A_625 = vector.shape_cast %get3A_621 : vector<16xi32> to vector<16xi32>
      tpu.vector_store %arg12[%swap3A_622], %swap3A_625 {strides = array<i32>} : memref<64xi32, #tpu.memory_space<vmem>>, vector<16xi32>,
      %get3A_626 = arith.constant 5 : i32
      %get3A_627 = arith.index_cast %get3A_626 : i32 to index
      %get3A_628 = arith.constant 96 : index
      %get3A_629 = tpu.vector_load %arg8[%get3A_627, %get3A_628] {strides = array<i32>} : memref<16x128xi32, #tpu.memory_space<vmem>>, vector<1x16xi32>,
      %get3A_630 = vector.shape_cast %get3A_629 : vector<1x16xi32> to vector<16xi32>
      %swap3A_631 = arith.constant 32 : index
      %swap3A_632 = tpu.vector_load %arg12[%swap3A_631] {strides = array<i32>} : memref<64xi32, #tpu.memory_space<vmem>>, vector<16xi32>,
      %swap3A_633 = vector.shape_cast %swap3A_632 : vector<16xi32> to vector<16xi32>
      %swap3A_634 = vector.shape_cast %get3A_630 : vector<16xi32> to vector<16xi32>
      tpu.vector_store %arg12[%swap3A_631], %swap3A_634 {strides = array<i32>} : memref<64xi32, #tpu.memory_space<vmem>>, vector<16xi32>,
      %get3A_635 = arith.constant 5 : i32
      %get3A_636 = arith.index_cast %get3A_635 : i32 to index
      %get3A_637 = arith.constant 112 : index
      %get3A_638 = tpu.vector_load %arg8[%get3A_636, %get3A_637] {strides = array<i32>} : memref<16x128xi32, #tpu.memory_space<vmem>>, vector<1x16xi32>,
      %get3A_639 = vector.shape_cast %get3A_638 : vector<1x16xi32> to vector<16xi32>
      %swap3A_640 = arith.constant 48 : index
      %swap3A_641 = tpu.vector_load %arg12[%swap3A_640] {strides = array<i32>} : memref<64xi32, #tpu.memory_space<vmem>>, vector<16xi32>,
      %swap3A_642 = vector.shape_cast %swap3A_641 : vector<16xi32> to vector<16xi32>
      %swap3A_643 = vector.shape_cast %get3A_639 : vector<16xi32> to vector<16xi32>
      tpu.vector_store %arg12[%swap3A_640], %swap3A_643 {strides = array<i32>} : memref<64xi32, #tpu.memory_space<vmem>>, vector<16xi32>,
      %dma_wait3A_644 = arith.constant 0 : i32
      %dma_wait3A_645 = arith.constant 0 : i32
      %dma_wait3A_646 = tpu.memref_slice %arg7[%dma_wait3A_644, %dma_wait3A_645] : memref<16x128xi32, #tpu.memory_space<vmem>> -> memref<1x64xi32, #tpu.memory_space<vmem>>
      %dma_wait3A_647 = tpu.memref_squeeze %dma_wait3A_646 : memref<1x64xi32, #tpu.memory_space<vmem>> -> memref<64xi32, #tpu.memory_space<vmem>>
      %dma_wait3A_648 = arith.constant 0 : i32
      %dma_wait3A_649 = arith.constant 0 : i32
      %dma_wait3A_650 = tpu.memref_slice %arg2[%dma_wait3A_648, %dma_wait3A_649] : memref<10000x128xf32, #tpu.memory_space<hbm>> -> memref<10000x128xf32, #tpu.memory_space<hbm>>
      tpu.wait_indirect_dma semaphore(%arg21 : memref<!tpu.dma_semaphore, #tpu.memory_space<semaphore_mem>>) src(%dma_wait3A_650 : memref<10000x128xf32, #tpu.memory_space<hbm>>) dst(%arg16 : memref<64x128xf32, #tpu.memory_space<vmem>>)
      "tpu.region"() ({
        %run_scoped3A = tpu.sem_alloc : memref<!tpu.dma_semaphore, #tpu.memory_space<semaphore_mem>>
        %dma_start3A_1630 = arith.constant 0 : i32
        %dma_start3A_1631 = arith.constant 0 : i32
        %dma_start3A_1632 = tpu.memref_slice %arg17[%dma_start3A_1630, %dma_start3A_1631] : memref<10240x128xf32, #tpu.memory_space<vmem_shared>> -> memref<10240x128xf32, #tpu.memory_space<vmem_shared>>
        tpu.enqueue_indirect_dma source(%arg16 : memref<64x128xf32, #tpu.memory_space<vmem>>) target(%dma_start3A_1632 : memref<10240x128xf32, #tpu.memory_space<vmem_shared>>) offsets(%arg12 : memref<64xi32, #tpu.memory_space<vmem>>) semaphore(%run_scoped3A : memref<!tpu.dma_semaphore, #tpu.memory_space<semaphore_mem>>) {add = true}
        %dma_wait3A_1633 = arith.constant 0 : i32
        %dma_wait3A_1634 = arith.constant 0 : i32
        %dma_wait3A_1635 = tpu.memref_slice %arg17[%dma_wait3A_1633, %dma_wait3A_1634] : memref<10240x128xf32, #tpu.memory_space<vmem_shared>> -> memref<10240x128xf32, #tpu.memory_space<vmem_shared>>
        tpu.wait_indirect_dma semaphore(%run_scoped3A : memref<!tpu.dma_semaphore, #tpu.memory_space<semaphore_mem>>) src(%arg16 : memref<64x128xf32, #tpu.memory_space<vmem>>) dst(%dma_wait3A_1635 : memref<10240x128xf32, #tpu.memory_space<vmem_shared>>)
        tpu.yield
      }) : () -> ()
      %dma_start3A_651 = arith.constant 7 : i32
      %dma_start3A_652 = arith.constant 64 : i32
      %dma_start3A_653 = tpu.memref_slice %arg7[%dma_start3A_651, %dma_start3A_652] : memref<16x128xi32, #tpu.memory_space<vmem>> -> memref<1x64xi32, #tpu.memory_space<vmem>>
      %dma_start3A_654 = tpu.memref_squeeze %dma_start3A_653 : memref<1x64xi32, #tpu.memory_space<vmem>> -> memref<64xi32, #tpu.memory_space<vmem>>
      %dma_start3A_655 = arith.constant 0 : i32
      %dma_start3A_656 = arith.constant 0 : i32
      %dma_start3A_657 = tpu.memref_slice %arg2[%dma_start3A_655, %dma_start3A_656] : memref<10000x128xf32, #tpu.memory_space<hbm>> -> memref<10000x128xf32, #tpu.memory_space<hbm>>
      tpu.enqueue_indirect_dma source(%dma_start3A_657 : memref<10000x128xf32, #tpu.memory_space<hbm>>) target(%arg16 : memref<64x128xf32, #tpu.memory_space<vmem>>) offsets(%dma_start3A_654 : memref<64xi32, #tpu.memory_space<vmem>>) semaphore(%arg21 : memref<!tpu.dma_semaphore, #tpu.memory_space<semaphore_mem>>)
      %get3A_658 = arith.constant 6 : i32
      %get3A_659 = arith.index_cast %get3A_658 : i32 to index
      %get3A_660 = arith.constant 0 : index
      %get3A_661 = tpu.vector_load %arg8[%get3A_659, %get3A_660] {strides = array<i32>} : memref<16x128xi32, #tpu.memory_space<vmem>>, vector<1x16xi32>,
      %get3A_662 = vector.shape_cast %get3A_661 : vector<1x16xi32> to vector<16xi32>
      %swap3A_663 = arith.constant 0 : index
      %swap3A_664 = tpu.vector_load %arg9[%swap3A_663] {strides = array<i32>} : memref<64xi32, #tpu.memory_space<vmem>>, vector<16xi32>,
      %swap3A_665 = vector.shape_cast %swap3A_664 : vector<16xi32> to vector<16xi32>
      %swap3A_666 = vector.shape_cast %get3A_662 : vector<16xi32> to vector<16xi32>
      tpu.vector_store %arg9[%swap3A_663], %swap3A_666 {strides = array<i32>} : memref<64xi32, #tpu.memory_space<vmem>>, vector<16xi32>,
      %get3A_667 = arith.constant 6 : i32
      %get3A_668 = arith.index_cast %get3A_667 : i32 to index
      %get3A_669 = arith.constant 16 : index
      %get3A_670 = tpu.vector_load %arg8[%get3A_668, %get3A_669] {strides = array<i32>} : memref<16x128xi32, #tpu.memory_space<vmem>>, vector<1x16xi32>,
      %get3A_671 = vector.shape_cast %get3A_670 : vector<1x16xi32> to vector<16xi32>
      %swap3A_672 = arith.constant 16 : index
      %swap3A_673 = tpu.vector_load %arg9[%swap3A_672] {strides = array<i32>} : memref<64xi32, #tpu.memory_space<vmem>>, vector<16xi32>,
      %swap3A_674 = vector.shape_cast %swap3A_673 : vector<16xi32> to vector<16xi32>
      %swap3A_675 = vector.shape_cast %get3A_671 : vector<16xi32> to vector<16xi32>
      tpu.vector_store %arg9[%swap3A_672], %swap3A_675 {strides = array<i32>} : memref<64xi32, #tpu.memory_space<vmem>>, vector<16xi32>,
      %get3A_676 = arith.constant 6 : i32
      %get3A_677 = arith.index_cast %get3A_676 : i32 to index
      %get3A_678 = arith.constant 32 : index
      %get3A_679 = tpu.vector_load %arg8[%get3A_677, %get3A_678] {strides = array<i32>} : memref<16x128xi32, #tpu.memory_space<vmem>>, vector<1x16xi32>,
      %get3A_680 = vector.shape_cast %get3A_679 : vector<1x16xi32> to vector<16xi32>
      %swap3A_681 = arith.constant 32 : index
      %swap3A_682 = tpu.vector_load %arg9[%swap3A_681] {strides = array<i32>} : memref<64xi32, #tpu.memory_space<vmem>>, vector<16xi32>,
      %swap3A_683 = vector.shape_cast %swap3A_682 : vector<16xi32> to vector<16xi32>
      %swap3A_684 = vector.shape_cast %get3A_680 : vector<16xi32> to vector<16xi32>
      tpu.vector_store %arg9[%swap3A_681], %swap3A_684 {strides = array<i32>} : memref<64xi32, #tpu.memory_space<vmem>>, vector<16xi32>,
      %get3A_685 = arith.constant 6 : i32
      %get3A_686 = arith.index_cast %get3A_685 : i32 to index
      %get3A_687 = arith.constant 48 : index
      %get3A_688 = tpu.vector_load %arg8[%get3A_686, %get3A_687] {strides = array<i32>} : memref<16x128xi32, #tpu.memory_space<vmem>>, vector<1x16xi32>,
      %get3A_689 = vector.shape_cast %get3A_688 : vector<1x16xi32> to vector<16xi32>
      %swap3A_690 = arith.constant 48 : index
      %swap3A_691 = tpu.vector_load %arg9[%swap3A_690] {strides = array<i32>} : memref<64xi32, #tpu.memory_space<vmem>>, vector<16xi32>,
      %swap3A_692 = vector.shape_cast %swap3A_691 : vector<16xi32> to vector<16xi32>
      %swap3A_693 = vector.shape_cast %get3A_689 : vector<16xi32> to vector<16xi32>
      tpu.vector_store %arg9[%swap3A_690], %swap3A_693 {strides = array<i32>} : memref<64xi32, #tpu.memory_space<vmem>>, vector<16xi32>,
      %dma_wait3A_694 = arith.constant 0 : i32
      %dma_wait3A_695 = arith.constant 0 : i32
      %dma_wait3A_696 = tpu.memref_slice %arg7[%dma_wait3A_694, %dma_wait3A_695] : memref<16x128xi32, #tpu.memory_space<vmem>> -> memref<1x64xi32, #tpu.memory_space<vmem>>
      %dma_wait3A_697 = tpu.memref_squeeze %dma_wait3A_696 : memref<1x64xi32, #tpu.memory_space<vmem>> -> memref<64xi32, #tpu.memory_space<vmem>>
      %dma_wait3A_698 = arith.constant 0 : i32
      %dma_wait3A_699 = arith.constant 0 : i32
      %dma_wait3A_700 = tpu.memref_slice %arg2[%dma_wait3A_698, %dma_wait3A_699] : memref<10000x128xf32, #tpu.memory_space<hbm>> -> memref<10000x128xf32, #tpu.memory_space<hbm>>
      tpu.wait_indirect_dma semaphore(%arg18 : memref<!tpu.dma_semaphore, #tpu.memory_space<semaphore_mem>>) src(%dma_wait3A_700 : memref<10000x128xf32, #tpu.memory_space<hbm>>) dst(%arg13 : memref<64x128xf32, #tpu.memory_space<vmem>>)
      "tpu.region"() ({
        %run_scoped3A = tpu.sem_alloc : memref<!tpu.dma_semaphore, #tpu.memory_space<semaphore_mem>>
        %dma_start3A_1630 = arith.constant 0 : i32
        %dma_start3A_1631 = arith.constant 0 : i32
        %dma_start3A_1632 = tpu.memref_slice %arg17[%dma_start3A_1630, %dma_start3A_1631] : memref<10240x128xf32, #tpu.memory_space<vmem_shared>> -> memref<10240x128xf32, #tpu.memory_space<vmem_shared>>
        tpu.enqueue_indirect_dma source(%arg13 : memref<64x128xf32, #tpu.memory_space<vmem>>) target(%dma_start3A_1632 : memref<10240x128xf32, #tpu.memory_space<vmem_shared>>) offsets(%arg9 : memref<64xi32, #tpu.memory_space<vmem>>) semaphore(%run_scoped3A : memref<!tpu.dma_semaphore, #tpu.memory_space<semaphore_mem>>) {add = true}
        %dma_wait3A_1633 = arith.constant 0 : i32
        %dma_wait3A_1634 = arith.constant 0 : i32
        %dma_wait3A_1635 = tpu.memref_slice %arg17[%dma_wait3A_1633, %dma_wait3A_1634] : memref<10240x128xf32, #tpu.memory_space<vmem_shared>> -> memref<10240x128xf32, #tpu.memory_space<vmem_shared>>
        tpu.wait_indirect_dma semaphore(%run_scoped3A : memref<!tpu.dma_semaphore, #tpu.memory_space<semaphore_mem>>) src(%arg13 : memref<64x128xf32, #tpu.memory_space<vmem>>) dst(%dma_wait3A_1635 : memref<10240x128xf32, #tpu.memory_space<vmem_shared>>)
        tpu.yield
      }) : () -> ()
      %dma_start3A_701 = arith.constant 8 : i32
      %dma_start3A_702 = arith.constant 0 : i32
      %dma_start3A_703 = tpu.memref_slice %arg7[%dma_start3A_701, %dma_start3A_702] : memref<16x128xi32, #tpu.memory_space<vmem>> -> memref<1x64xi32, #tpu.memory_space<vmem>>
      %dma_start3A_704 = tpu.memref_squeeze %dma_start3A_703 : memref<1x64xi32, #tpu.memory_space<vmem>> -> memref<64xi32, #tpu.memory_space<vmem>>
      %dma_start3A_705 = arith.constant 0 : i32
      %dma_start3A_706 = arith.constant 0 : i32
      %dma_start3A_707 = tpu.memref_slice %arg2[%dma_start3A_705, %dma_start3A_706] : memref<10000x128xf32, #tpu.memory_space<hbm>> -> memref<10000x128xf32, #tpu.memory_space<hbm>>
      tpu.enqueue_indirect_dma source(%dma_start3A_707 : memref<10000x128xf32, #tpu.memory_space<hbm>>) target(%arg13 : memref<64x128xf32, #tpu.memory_space<vmem>>) offsets(%dma_start3A_704 : memref<64xi32, #tpu.memory_space<vmem>>) semaphore(%arg18 : memref<!tpu.dma_semaphore, #tpu.memory_space<semaphore_mem>>)
      %get3A_708 = arith.constant 6 : i32
      %get3A_709 = arith.index_cast %get3A_708 : i32 to index
      %get3A_710 = arith.constant 64 : index
      %get3A_711 = tpu.vector_load %arg8[%get3A_709, %get3A_710] {strides = array<i32>} : memref<16x128xi32, #tpu.memory_space<vmem>>, vector<1x16xi32>,
      %get3A_712 = vector.shape_cast %get3A_711 : vector<1x16xi32> to vector<16xi32>
      %swap3A_713 = arith.constant 0 : index
      %swap3A_714 = tpu.vector_load %arg10[%swap3A_713] {strides = array<i32>} : memref<64xi32, #tpu.memory_space<vmem>>, vector<16xi32>,
      %swap3A_715 = vector.shape_cast %swap3A_714 : vector<16xi32> to vector<16xi32>
      %swap3A_716 = vector.shape_cast %get3A_712 : vector<16xi32> to vector<16xi32>
      tpu.vector_store %arg10[%swap3A_713], %swap3A_716 {strides = array<i32>} : memref<64xi32, #tpu.memory_space<vmem>>, vector<16xi32>,
      %get3A_717 = arith.constant 6 : i32
      %get3A_718 = arith.index_cast %get3A_717 : i32 to index
      %get3A_719 = arith.constant 80 : index
      %get3A_720 = tpu.vector_load %arg8[%get3A_718, %get3A_719] {strides = array<i32>} : memref<16x128xi32, #tpu.memory_space<vmem>>, vector<1x16xi32>,
      %get3A_721 = vector.shape_cast %get3A_720 : vector<1x16xi32> to vector<16xi32>
      %swap3A_722 = arith.constant 16 : index
      %swap3A_723 = tpu.vector_load %arg10[%swap3A_722] {strides = array<i32>} : memref<64xi32, #tpu.memory_space<vmem>>, vector<16xi32>,
      %swap3A_724 = vector.shape_cast %swap3A_723 : vector<16xi32> to vector<16xi32>
      %swap3A_725 = vector.shape_cast %get3A_721 : vector<16xi32> to vector<16xi32>
      tpu.vector_store %arg10[%swap3A_722], %swap3A_725 {strides = array<i32>} : memref<64xi32, #tpu.memory_space<vmem>>, vector<16xi32>,
      %get3A_726 = arith.constant 6 : i32
      %get3A_727 = arith.index_cast %get3A_726 : i32 to index
      %get3A_728 = arith.constant 96 : index
      %get3A_729 = tpu.vector_load %arg8[%get3A_727, %get3A_728] {strides = array<i32>} : memref<16x128xi32, #tpu.memory_space<vmem>>, vector<1x16xi32>,
      %get3A_730 = vector.shape_cast %get3A_729 : vector<1x16xi32> to vector<16xi32>
      %swap3A_731 = arith.constant 32 : index
      %swap3A_732 = tpu.vector_load %arg10[%swap3A_731] {strides = array<i32>} : memref<64xi32, #tpu.memory_space<vmem>>, vector<16xi32>,
      %swap3A_733 = vector.shape_cast %swap3A_732 : vector<16xi32> to vector<16xi32>
      %swap3A_734 = vector.shape_cast %get3A_730 : vector<16xi32> to vector<16xi32>
      tpu.vector_store %arg10[%swap3A_731], %swap3A_734 {strides = array<i32>} : memref<64xi32, #tpu.memory_space<vmem>>, vector<16xi32>,
      %get3A_735 = arith.constant 6 : i32
      %get3A_736 = arith.index_cast %get3A_735 : i32 to index
      %get3A_737 = arith.constant 112 : index
      %get3A_738 = tpu.vector_load %arg8[%get3A_736, %get3A_737] {strides = array<i32>} : memref<16x128xi32, #tpu.memory_space<vmem>>, vector<1x16xi32>,
      %get3A_739 = vector.shape_cast %get3A_738 : vector<1x16xi32> to vector<16xi32>
      %swap3A_740 = arith.constant 48 : index
      %swap3A_741 = tpu.vector_load %arg10[%swap3A_740] {strides = array<i32>} : memref<64xi32, #tpu.memory_space<vmem>>, vector<16xi32>,
      %swap3A_742 = vector.shape_cast %swap3A_741 : vector<16xi32> to vector<16xi32>
      %swap3A_743 = vector.shape_cast %get3A_739 : vector<16xi32> to vector<16xi32>
      tpu.vector_store %arg10[%swap3A_740], %swap3A_743 {strides = array<i32>} : memref<64xi32, #tpu.memory_space<vmem>>, vector<16xi32>,
      %dma_wait3A_744 = arith.constant 0 : i32
      %dma_wait3A_745 = arith.constant 0 : i32
      %dma_wait3A_746 = tpu.memref_slice %arg7[%dma_wait3A_744, %dma_wait3A_745] : memref<16x128xi32, #tpu.memory_space<vmem>> -> memref<1x64xi32, #tpu.memory_space<vmem>>
      %dma_wait3A_747 = tpu.memref_squeeze %dma_wait3A_746 : memref<1x64xi32, #tpu.memory_space<vmem>> -> memref<64xi32, #tpu.memory_space<vmem>>
      %dma_wait3A_748 = arith.constant 0 : i32
      %dma_wait3A_749 = arith.constant 0 : i32
      %dma_wait3A_750 = tpu.memref_slice %arg2[%dma_wait3A_748, %dma_wait3A_749] : memref<10000x128xf32, #tpu.memory_space<hbm>> -> memref<10000x128xf32, #tpu.memory_space<hbm>>
      tpu.wait_indirect_dma semaphore(%arg19 : memref<!tpu.dma_semaphore, #tpu.memory_space<semaphore_mem>>) src(%dma_wait3A_750 : memref<10000x128xf32, #tpu.memory_space<hbm>>) dst(%arg14 : memref<64x128xf32, #tpu.memory_space<vmem>>)
      "tpu.region"() ({
        %run_scoped3A = tpu.sem_alloc : memref<!tpu.dma_semaphore, #tpu.memory_space<semaphore_mem>>
        %dma_start3A_1630 = arith.constant 0 : i32
        %dma_start3A_1631 = arith.constant 0 : i32
        %dma_start3A_1632 = tpu.memref_slice %arg17[%dma_start3A_1630, %dma_start3A_1631] : memref<10240x128xf32, #tpu.memory_space<vmem_shared>> -> memref<10240x128xf32, #tpu.memory_space<vmem_shared>>
        tpu.enqueue_indirect_dma source(%arg14 : memref<64x128xf32, #tpu.memory_space<vmem>>) target(%dma_start3A_1632 : memref<10240x128xf32, #tpu.memory_space<vmem_shared>>) offsets(%arg10 : memref<64xi32, #tpu.memory_space<vmem>>) semaphore(%run_scoped3A : memref<!tpu.dma_semaphore, #tpu.memory_space<semaphore_mem>>) {add = true}
        %dma_wait3A_1633 = arith.constant 0 : i32
        %dma_wait3A_1634 = arith.constant 0 : i32
        %dma_wait3A_1635 = tpu.memref_slice %arg17[%dma_wait3A_1633, %dma_wait3A_1634] : memref<10240x128xf32, #tpu.memory_space<vmem_shared>> -> memref<10240x128xf32, #tpu.memory_space<vmem_shared>>
        tpu.wait_indirect_dma semaphore(%run_scoped3A : memref<!tpu.dma_semaphore, #tpu.memory_space<semaphore_mem>>) src(%arg14 : memref<64x128xf32, #tpu.memory_space<vmem>>) dst(%dma_wait3A_1635 : memref<10240x128xf32, #tpu.memory_space<vmem_shared>>)
        tpu.yield
      }) : () -> ()
      %dma_start3A_751 = arith.constant 8 : i32
      %dma_start3A_752 = arith.constant 64 : i32
      %dma_start3A_753 = tpu.memref_slice %arg7[%dma_start3A_751, %dma_start3A_752] : memref<16x128xi32, #tpu.memory_space<vmem>> -> memref<1x64xi32, #tpu.memory_space<vmem>>
      %dma_start3A_754 = tpu.memref_squeeze %dma_start3A_753 : memref<1x64xi32, #tpu.memory_space<vmem>> -> memref<64xi32, #tpu.memory_space<vmem>>
      %dma_start3A_755 = arith.constant 0 : i32
      %dma_start3A_756 = arith.constant 0 : i32
      %dma_start3A_757 = tpu.memref_slice %arg2[%dma_start3A_755, %dma_start3A_756] : memref<10000x128xf32, #tpu.memory_space<hbm>> -> memref<10000x128xf32, #tpu.memory_space<hbm>>
      tpu.enqueue_indirect_dma source(%dma_start3A_757 : memref<10000x128xf32, #tpu.memory_space<hbm>>) target(%arg14 : memref<64x128xf32, #tpu.memory_space<vmem>>) offsets(%dma_start3A_754 : memref<64xi32, #tpu.memory_space<vmem>>) semaphore(%arg19 : memref<!tpu.dma_semaphore, #tpu.memory_space<semaphore_mem>>)
      %get3A_758 = arith.constant 7 : i32
      %get3A_759 = arith.index_cast %get3A_758 : i32 to index
      %get3A_760 = arith.constant 0 : index
      %get3A_761 = tpu.vector_load %arg8[%get3A_759, %get3A_760] {strides = array<i32>} : memref<16x128xi32, #tpu.memory_space<vmem>>, vector<1x16xi32>,
      %get3A_762 = vector.shape_cast %get3A_761 : vector<1x16xi32> to vector<16xi32>
      %swap3A_763 = arith.constant 0 : index
      %swap3A_764 = tpu.vector_load %arg11[%swap3A_763] {strides = array<i32>} : memref<64xi32, #tpu.memory_space<vmem>>, vector<16xi32>,
      %swap3A_765 = vector.shape_cast %swap3A_764 : vector<16xi32> to vector<16xi32>
      %swap3A_766 = vector.shape_cast %get3A_762 : vector<16xi32> to vector<16xi32>
      tpu.vector_store %arg11[%swap3A_763], %swap3A_766 {strides = array<i32>} : memref<64xi32, #tpu.memory_space<vmem>>, vector<16xi32>,
      %get3A_767 = arith.constant 7 : i32
      %get3A_768 = arith.index_cast %get3A_767 : i32 to index
      %get3A_769 = arith.constant 16 : index
      %get3A_770 = tpu.vector_load %arg8[%get3A_768, %get3A_769] {strides = array<i32>} : memref<16x128xi32, #tpu.memory_space<vmem>>, vector<1x16xi32>,
      %get3A_771 = vector.shape_cast %get3A_770 : vector<1x16xi32> to vector<16xi32>
      %swap3A_772 = arith.constant 16 : index
      %swap3A_773 = tpu.vector_load %arg11[%swap3A_772] {strides = array<i32>} : memref<64xi32, #tpu.memory_space<vmem>>, vector<16xi32>,
      %swap3A_774 = vector.shape_cast %swap3A_773 : vector<16xi32> to vector<16xi32>
      %swap3A_775 = vector.shape_cast %get3A_771 : vector<16xi32> to vector<16xi32>
      tpu.vector_store %arg11[%swap3A_772], %swap3A_775 {strides = array<i32>} : memref<64xi32, #tpu.memory_space<vmem>>, vector<16xi32>,
      %get3A_776 = arith.constant 7 : i32
      %get3A_777 = arith.index_cast %get3A_776 : i32 to index
      %get3A_778 = arith.constant 32 : index
      %get3A_779 = tpu.vector_load %arg8[%get3A_777, %get3A_778] {strides = array<i32>} : memref<16x128xi32, #tpu.memory_space<vmem>>, vector<1x16xi32>,
      %get3A_780 = vector.shape_cast %get3A_779 : vector<1x16xi32> to vector<16xi32>
      %swap3A_781 = arith.constant 32 : index
      %swap3A_782 = tpu.vector_load %arg11[%swap3A_781] {strides = array<i32>} : memref<64xi32, #tpu.memory_space<vmem>>, vector<16xi32>,
      %swap3A_783 = vector.shape_cast %swap3A_782 : vector<16xi32> to vector<16xi32>
      %swap3A_784 = vector.shape_cast %get3A_780 : vector<16xi32> to vector<16xi32>
      tpu.vector_store %arg11[%swap3A_781], %swap3A_784 {strides = array<i32>} : memref<64xi32, #tpu.memory_space<vmem>>, vector<16xi32>,
      %get3A_785 = arith.constant 7 : i32
      %get3A_786 = arith.index_cast %get3A_785 : i32 to index
      %get3A_787 = arith.constant 48 : index
      %get3A_788 = tpu.vector_load %arg8[%get3A_786, %get3A_787] {strides = array<i32>} : memref<16x128xi32, #tpu.memory_space<vmem>>, vector<1x16xi32>,
      %get3A_789 = vector.shape_cast %get3A_788 : vector<1x16xi32> to vector<16xi32>
      %swap3A_790 = arith.constant 48 : index
      %swap3A_791 = tpu.vector_load %arg11[%swap3A_790] {strides = array<i32>} : memref<64xi32, #tpu.memory_space<vmem>>, vector<16xi32>,
      %swap3A_792 = vector.shape_cast %swap3A_791 : vector<16xi32> to vector<16xi32>
      %swap3A_793 = vector.shape_cast %get3A_789 : vector<16xi32> to vector<16xi32>
      tpu.vector_store %arg11[%swap3A_790], %swap3A_793 {strides = array<i32>} : memref<64xi32, #tpu.memory_space<vmem>>, vector<16xi32>,
      %dma_wait3A_794 = arith.constant 0 : i32
      %dma_wait3A_795 = arith.constant 0 : i32
      %dma_wait3A_796 = tpu.memref_slice %arg7[%dma_wait3A_794, %dma_wait3A_795] : memref<16x128xi32, #tpu.memory_space<vmem>> -> memref<1x64xi32, #tpu.memory_space<vmem>>
      %dma_wait3A_797 = tpu.memref_squeeze %dma_wait3A_796 : memref<1x64xi32, #tpu.memory_space<vmem>> -> memref<64xi32, #tpu.memory_space<vmem>>
      %dma_wait3A_798 = arith.constant 0 : i32
      %dma_wait3A_799 = arith.constant 0 : i32
      %dma_wait3A_800 = tpu.memref_slice %arg2[%dma_wait3A_798, %dma_wait3A_799] : memref<10000x128xf32, #tpu.memory_space<hbm>> -> memref<10000x128xf32, #tpu.memory_space<hbm>>
      tpu.wait_indirect_dma semaphore(%arg20 : memref<!tpu.dma_semaphore, #tpu.memory_space<semaphore_mem>>) src(%dma_wait3A_800 : memref<10000x128xf32, #tpu.memory_space<hbm>>) dst(%arg15 : memref<64x128xf32, #tpu.memory_space<vmem>>)
      "tpu.region"() ({
        %run_scoped3A = tpu.sem_alloc : memref<!tpu.dma_semaphore, #tpu.memory_space<semaphore_mem>>
        %dma_start3A_1630 = arith.constant 0 : i32
        %dma_start3A_1631 = arith.constant 0 : i32
        %dma_start3A_1632 = tpu.memref_slice %arg17[%dma_start3A_1630, %dma_start3A_1631] : memref<10240x128xf32, #tpu.memory_space<vmem_shared>> -> memref<10240x128xf32, #tpu.memory_space<vmem_shared>>
        tpu.enqueue_indirect_dma source(%arg15 : memref<64x128xf32, #tpu.memory_space<vmem>>) target(%dma_start3A_1632 : memref<10240x128xf32, #tpu.memory_space<vmem_shared>>) offsets(%arg11 : memref<64xi32, #tpu.memory_space<vmem>>) semaphore(%run_scoped3A : memref<!tpu.dma_semaphore, #tpu.memory_space<semaphore_mem>>) {add = true}
        %dma_wait3A_1633 = arith.constant 0 : i32
        %dma_wait3A_1634 = arith.constant 0 : i32
        %dma_wait3A_1635 = tpu.memref_slice %arg17[%dma_wait3A_1633, %dma_wait3A_1634] : memref<10240x128xf32, #tpu.memory_space<vmem_shared>> -> memref<10240x128xf32, #tpu.memory_space<vmem_shared>>
        tpu.wait_indirect_dma semaphore(%run_scoped3A : memref<!tpu.dma_semaphore, #tpu.memory_space<semaphore_mem>>) src(%arg15 : memref<64x128xf32, #tpu.memory_space<vmem>>) dst(%dma_wait3A_1635 : memref<10240x128xf32, #tpu.memory_space<vmem_shared>>)
        tpu.yield
      }) : () -> ()
      %dma_start3A_801 = arith.constant 9 : i32
      %dma_start3A_802 = arith.constant 0 : i32
      %dma_start3A_803 = tpu.memref_slice %arg7[%dma_start3A_801, %dma_start3A_802] : memref<16x128xi32, #tpu.memory_space<vmem>> -> memref<1x64xi32, #tpu.memory_space<vmem>>
      %dma_start3A_804 = tpu.memref_squeeze %dma_start3A_803 : memref<1x64xi32, #tpu.memory_space<vmem>> -> memref<64xi32, #tpu.memory_space<vmem>>
      %dma_start3A_805 = arith.constant 0 : i32
      %dma_start3A_806 = arith.constant 0 : i32
      %dma_start3A_807 = tpu.memref_slice %arg2[%dma_start3A_805, %dma_start3A_806] : memref<10000x128xf32, #tpu.memory_space<hbm>> -> memref<10000x128xf32, #tpu.memory_space<hbm>>
      tpu.enqueue_indirect_dma source(%dma_start3A_807 : memref<10000x128xf32, #tpu.memory_space<hbm>>) target(%arg15 : memref<64x128xf32, #tpu.memory_space<vmem>>) offsets(%dma_start3A_804 : memref<64xi32, #tpu.memory_space<vmem>>) semaphore(%arg20 : memref<!tpu.dma_semaphore, #tpu.memory_space<semaphore_mem>>)
      %get3A_808 = arith.constant 7 : i32
      %get3A_809 = arith.index_cast %get3A_808 : i32 to index
      %get3A_810 = arith.constant 64 : index
      %get3A_811 = tpu.vector_load %arg8[%get3A_809, %get3A_810] {strides = array<i32>} : memref<16x128xi32, #tpu.memory_space<vmem>>, vector<1x16xi32>,
      %get3A_812 = vector.shape_cast %get3A_811 : vector<1x16xi32> to vector<16xi32>
      %swap3A_813 = arith.constant 0 : index
      %swap3A_814 = tpu.vector_load %arg12[%swap3A_813] {strides = array<i32>} : memref<64xi32, #tpu.memory_space<vmem>>, vector<16xi32>,
      %swap3A_815 = vector.shape_cast %swap3A_814 : vector<16xi32> to vector<16xi32>
      %swap3A_816 = vector.shape_cast %get3A_812 : vector<16xi32> to vector<16xi32>
      tpu.vector_store %arg12[%swap3A_813], %swap3A_816 {strides = array<i32>} : memref<64xi32, #tpu.memory_space<vmem>>, vector<16xi32>,
      %get3A_817 = arith.constant 7 : i32
      %get3A_818 = arith.index_cast %get3A_817 : i32 to index
      %get3A_819 = arith.constant 80 : index
      %get3A_820 = tpu.vector_load %arg8[%get3A_818, %get3A_819] {strides = array<i32>} : memref<16x128xi32, #tpu.memory_space<vmem>>, vector<1x16xi32>,
      %get3A_821 = vector.shape_cast %get3A_820 : vector<1x16xi32> to vector<16xi32>
      %swap3A_822 = arith.constant 16 : index
      %swap3A_823 = tpu.vector_load %arg12[%swap3A_822] {strides = array<i32>} : memref<64xi32, #tpu.memory_space<vmem>>, vector<16xi32>,
      %swap3A_824 = vector.shape_cast %swap3A_823 : vector<16xi32> to vector<16xi32>
      %swap3A_825 = vector.shape_cast %get3A_821 : vector<16xi32> to vector<16xi32>
      tpu.vector_store %arg12[%swap3A_822], %swap3A_825 {strides = array<i32>} : memref<64xi32, #tpu.memory_space<vmem>>, vector<16xi32>,
      %get3A_826 = arith.constant 7 : i32
      %get3A_827 = arith.index_cast %get3A_826 : i32 to index
      %get3A_828 = arith.constant 96 : index
      %get3A_829 = tpu.vector_load %arg8[%get3A_827, %get3A_828] {strides = array<i32>} : memref<16x128xi32, #tpu.memory_space<vmem>>, vector<1x16xi32>,
      %get3A_830 = vector.shape_cast %get3A_829 : vector<1x16xi32> to vector<16xi32>
      %swap3A_831 = arith.constant 32 : index
      %swap3A_832 = tpu.vector_load %arg12[%swap3A_831] {strides = array<i32>} : memref<64xi32, #tpu.memory_space<vmem>>, vector<16xi32>,
      %swap3A_833 = vector.shape_cast %swap3A_832 : vector<16xi32> to vector<16xi32>
      %swap3A_834 = vector.shape_cast %get3A_830 : vector<16xi32> to vector<16xi32>
      tpu.vector_store %arg12[%swap3A_831], %swap3A_834 {strides = array<i32>} : memref<64xi32, #tpu.memory_space<vmem>>, vector<16xi32>,
      %get3A_835 = arith.constant 7 : i32
      %get3A_836 = arith.index_cast %get3A_835 : i32 to index
      %get3A_837 = arith.constant 112 : index
      %get3A_838 = tpu.vector_load %arg8[%get3A_836, %get3A_837] {strides = array<i32>} : memref<16x128xi32, #tpu.memory_space<vmem>>, vector<1x16xi32>,
      %get3A_839 = vector.shape_cast %get3A_838 : vector<1x16xi32> to vector<16xi32>
      %swap3A_840 = arith.constant 48 : index
      %swap3A_841 = tpu.vector_load %arg12[%swap3A_840] {strides = array<i32>} : memref<64xi32, #tpu.memory_space<vmem>>, vector<16xi32>,
      %swap3A_842 = vector.shape_cast %swap3A_841 : vector<16xi32> to vector<16xi32>
      %swap3A_843 = vector.shape_cast %get3A_839 : vector<16xi32> to vector<16xi32>
      tpu.vector_store %arg12[%swap3A_840], %swap3A_843 {strides = array<i32>} : memref<64xi32, #tpu.memory_space<vmem>>, vector<16xi32>,
      %dma_wait3A_844 = arith.constant 0 : i32
      %dma_wait3A_845 = arith.constant 0 : i32
      %dma_wait3A_846 = tpu.memref_slice %arg7[%dma_wait3A_844, %dma_wait3A_845] : memref<16x128xi32, #tpu.memory_space<vmem>> -> memref<1x64xi32, #tpu.memory_space<vmem>>
      %dma_wait3A_847 = tpu.memref_squeeze %dma_wait3A_846 : memref<1x64xi32, #tpu.memory_space<vmem>> -> memref<64xi32, #tpu.memory_space<vmem>>
      %dma_wait3A_848 = arith.constant 0 : i32
      %dma_wait3A_849 = arith.constant 0 : i32
      %dma_wait3A_850 = tpu.memref_slice %arg2[%dma_wait3A_848, %dma_wait3A_849] : memref<10000x128xf32, #tpu.memory_space<hbm>> -> memref<10000x128xf32, #tpu.memory_space<hbm>>
      tpu.wait_indirect_dma semaphore(%arg21 : memref<!tpu.dma_semaphore, #tpu.memory_space<semaphore_mem>>) src(%dma_wait3A_850 : memref<10000x128xf32, #tpu.memory_space<hbm>>) dst(%arg16 : memref<64x128xf32, #tpu.memory_space<vmem>>)
      "tpu.region"() ({
        %run_scoped3A = tpu.sem_alloc : memref<!tpu.dma_semaphore, #tpu.memory_space<semaphore_mem>>
        %dma_start3A_1630 = arith.constant 0 : i32
        %dma_start3A_1631 = arith.constant 0 : i32
        %dma_start3A_1632 = tpu.memref_slice %arg17[%dma_start3A_1630, %dma_start3A_1631] : memref<10240x128xf32, #tpu.memory_space<vmem_shared>> -> memref<10240x128xf32, #tpu.memory_space<vmem_shared>>
        tpu.enqueue_indirect_dma source(%arg16 : memref<64x128xf32, #tpu.memory_space<vmem>>) target(%dma_start3A_1632 : memref<10240x128xf32, #tpu.memory_space<vmem_shared>>) offsets(%arg12 : memref<64xi32, #tpu.memory_space<vmem>>) semaphore(%run_scoped3A : memref<!tpu.dma_semaphore, #tpu.memory_space<semaphore_mem>>) {add = true}
        %dma_wait3A_1633 = arith.constant 0 : i32
        %dma_wait3A_1634 = arith.constant 0 : i32
        %dma_wait3A_1635 = tpu.memref_slice %arg17[%dma_wait3A_1633, %dma_wait3A_1634] : memref<10240x128xf32, #tpu.memory_space<vmem_shared>> -> memref<10240x128xf32, #tpu.memory_space<vmem_shared>>
        tpu.wait_indirect_dma semaphore(%run_scoped3A : memref<!tpu.dma_semaphore, #tpu.memory_space<semaphore_mem>>) src(%arg16 : memref<64x128xf32, #tpu.memory_space<vmem>>) dst(%dma_wait3A_1635 : memref<10240x128xf32, #tpu.memory_space<vmem_shared>>)
        tpu.yield
      }) : () -> ()
      %dma_start3A_851 = arith.constant 9 : i32
      %dma_start3A_852 = arith.constant 64 : i32
      %dma_start3A_853 = tpu.memref_slice %arg7[%dma_start3A_851, %dma_start3A_852] : memref<16x128xi32, #tpu.memory_space<vmem>> -> memref<1x64xi32, #tpu.memory_space<vmem>>
      %dma_start3A_854 = tpu.memref_squeeze %dma_start3A_853 : memref<1x64xi32, #tpu.memory_space<vmem>> -> memref<64xi32, #tpu.memory_space<vmem>>
      %dma_start3A_855 = arith.constant 0 : i32
      %dma_start3A_856 = arith.constant 0 : i32
      %dma_start3A_857 = tpu.memref_slice %arg2[%dma_start3A_855, %dma_start3A_856] : memref<10000x128xf32, #tpu.memory_space<hbm>> -> memref<10000x128xf32, #tpu.memory_space<hbm>>
      tpu.enqueue_indirect_dma source(%dma_start3A_857 : memref<10000x128xf32, #tpu.memory_space<hbm>>) target(%arg16 : memref<64x128xf32, #tpu.memory_space<vmem>>) offsets(%dma_start3A_854 : memref<64xi32, #tpu.memory_space<vmem>>) semaphore(%arg21 : memref<!tpu.dma_semaphore, #tpu.memory_space<semaphore_mem>>)
      %get3A_858 = arith.constant 8 : i32
      %get3A_859 = arith.index_cast %get3A_858 : i32 to index
      %get3A_860 = arith.constant 0 : index
      %get3A_861 = tpu.vector_load %arg8[%get3A_859, %get3A_860] {strides = array<i32>} : memref<16x128xi32, #tpu.memory_space<vmem>>, vector<1x16xi32>,
      %get3A_862 = vector.shape_cast %get3A_861 : vector<1x16xi32> to vector<16xi32>
      %swap3A_863 = arith.constant 0 : index
      %swap3A_864 = tpu.vector_load %arg9[%swap3A_863] {strides = array<i32>} : memref<64xi32, #tpu.memory_space<vmem>>, vector<16xi32>,
      %swap3A_865 = vector.shape_cast %swap3A_864 : vector<16xi32> to vector<16xi32>
      %swap3A_866 = vector.shape_cast %get3A_862 : vector<16xi32> to vector<16xi32>
      tpu.vector_store %arg9[%swap3A_863], %swap3A_866 {strides = array<i32>} : memref<64xi32, #tpu.memory_space<vmem>>, vector<16xi32>,
      %get3A_867 = arith.constant 8 : i32
      %get3A_868 = arith.index_cast %get3A_867 : i32 to index
      %get3A_869 = arith.constant 16 : index
      %get3A_870 = tpu.vector_load %arg8[%get3A_868, %get3A_869] {strides = array<i32>} : memref<16x128xi32, #tpu.memory_space<vmem>>, vector<1x16xi32>,
      %get3A_871 = vector.shape_cast %get3A_870 : vector<1x16xi32> to vector<16xi32>
      %swap3A_872 = arith.constant 16 : index
      %swap3A_873 = tpu.vector_load %arg9[%swap3A_872] {strides = array<i32>} : memref<64xi32, #tpu.memory_space<vmem>>, vector<16xi32>,
      %swap3A_874 = vector.shape_cast %swap3A_873 : vector<16xi32> to vector<16xi32>
      %swap3A_875 = vector.shape_cast %get3A_871 : vector<16xi32> to vector<16xi32>
      tpu.vector_store %arg9[%swap3A_872], %swap3A_875 {strides = array<i32>} : memref<64xi32, #tpu.memory_space<vmem>>, vector<16xi32>,
      %get3A_876 = arith.constant 8 : i32
      %get3A_877 = arith.index_cast %get3A_876 : i32 to index
      %get3A_878 = arith.constant 32 : index
      %get3A_879 = tpu.vector_load %arg8[%get3A_877, %get3A_878] {strides = array<i32>} : memref<16x128xi32, #tpu.memory_space<vmem>>, vector<1x16xi32>,
      %get3A_880 = vector.shape_cast %get3A_879 : vector<1x16xi32> to vector<16xi32>
      %swap3A_881 = arith.constant 32 : index
      %swap3A_882 = tpu.vector_load %arg9[%swap3A_881] {strides = array<i32>} : memref<64xi32, #tpu.memory_space<vmem>>, vector<16xi32>,
      %swap3A_883 = vector.shape_cast %swap3A_882 : vector<16xi32> to vector<16xi32>
      %swap3A_884 = vector.shape_cast %get3A_880 : vector<16xi32> to vector<16xi32>
      tpu.vector_store %arg9[%swap3A_881], %swap3A_884 {strides = array<i32>} : memref<64xi32, #tpu.memory_space<vmem>>, vector<16xi32>,
      %get3A_885 = arith.constant 8 : i32
      %get3A_886 = arith.index_cast %get3A_885 : i32 to index
      %get3A_887 = arith.constant 48 : index
      %get3A_888 = tpu.vector_load %arg8[%get3A_886, %get3A_887] {strides = array<i32>} : memref<16x128xi32, #tpu.memory_space<vmem>>, vector<1x16xi32>,
      %get3A_889 = vector.shape_cast %get3A_888 : vector<1x16xi32> to vector<16xi32>
      %swap3A_890 = arith.constant 48 : index
      %swap3A_891 = tpu.vector_load %arg9[%swap3A_890] {strides = array<i32>} : memref<64xi32, #tpu.memory_space<vmem>>, vector<16xi32>,
      %swap3A_892 = vector.shape_cast %swap3A_891 : vector<16xi32> to vector<16xi32>
      %swap3A_893 = vector.shape_cast %get3A_889 : vector<16xi32> to vector<16xi32>
      tpu.vector_store %arg9[%swap3A_890], %swap3A_893 {strides = array<i32>} : memref<64xi32, #tpu.memory_space<vmem>>, vector<16xi32>,
      %dma_wait3A_894 = arith.constant 0 : i32
      %dma_wait3A_895 = arith.constant 0 : i32
      %dma_wait3A_896 = tpu.memref_slice %arg7[%dma_wait3A_894, %dma_wait3A_895] : memref<16x128xi32, #tpu.memory_space<vmem>> -> memref<1x64xi32, #tpu.memory_space<vmem>>
      %dma_wait3A_897 = tpu.memref_squeeze %dma_wait3A_896 : memref<1x64xi32, #tpu.memory_space<vmem>> -> memref<64xi32, #tpu.memory_space<vmem>>
      %dma_wait3A_898 = arith.constant 0 : i32
      %dma_wait3A_899 = arith.constant 0 : i32
      %dma_wait3A_900 = tpu.memref_slice %arg2[%dma_wait3A_898, %dma_wait3A_899] : memref<10000x128xf32, #tpu.memory_space<hbm>> -> memref<10000x128xf32, #tpu.memory_space<hbm>>
      tpu.wait_indirect_dma semaphore(%arg18 : memref<!tpu.dma_semaphore, #tpu.memory_space<semaphore_mem>>) src(%dma_wait3A_900 : memref<10000x128xf32, #tpu.memory_space<hbm>>) dst(%arg13 : memref<64x128xf32, #tpu.memory_space<vmem>>)
      "tpu.region"() ({
        %run_scoped3A = tpu.sem_alloc : memref<!tpu.dma_semaphore, #tpu.memory_space<semaphore_mem>>
        %dma_start3A_1630 = arith.constant 0 : i32
        %dma_start3A_1631 = arith.constant 0 : i32
        %dma_start3A_1632 = tpu.memref_slice %arg17[%dma_start3A_1630, %dma_start3A_1631] : memref<10240x128xf32, #tpu.memory_space<vmem_shared>> -> memref<10240x128xf32, #tpu.memory_space<vmem_shared>>
        tpu.enqueue_indirect_dma source(%arg13 : memref<64x128xf32, #tpu.memory_space<vmem>>) target(%dma_start3A_1632 : memref<10240x128xf32, #tpu.memory_space<vmem_shared>>) offsets(%arg9 : memref<64xi32, #tpu.memory_space<vmem>>) semaphore(%run_scoped3A : memref<!tpu.dma_semaphore, #tpu.memory_space<semaphore_mem>>) {add = true}
        %dma_wait3A_1633 = arith.constant 0 : i32
        %dma_wait3A_1634 = arith.constant 0 : i32
        %dma_wait3A_1635 = tpu.memref_slice %arg17[%dma_wait3A_1633, %dma_wait3A_1634] : memref<10240x128xf32, #tpu.memory_space<vmem_shared>> -> memref<10240x128xf32, #tpu.memory_space<vmem_shared>>
        tpu.wait_indirect_dma semaphore(%run_scoped3A : memref<!tpu.dma_semaphore, #tpu.memory_space<semaphore_mem>>) src(%arg13 : memref<64x128xf32, #tpu.memory_space<vmem>>) dst(%dma_wait3A_1635 : memref<10240x128xf32, #tpu.memory_space<vmem_shared>>)
        tpu.yield
      }) : () -> ()
      %dma_start3A_901 = arith.constant 10 : i32
      %dma_start3A_902 = arith.constant 0 : i32
      %dma_start3A_903 = tpu.memref_slice %arg7[%dma_start3A_901, %dma_start3A_902] : memref<16x128xi32, #tpu.memory_space<vmem>> -> memref<1x64xi32, #tpu.memory_space<vmem>>
      %dma_start3A_904 = tpu.memref_squeeze %dma_start3A_903 : memref<1x64xi32, #tpu.memory_space<vmem>> -> memref<64xi32, #tpu.memory_space<vmem>>
      %dma_start3A_905 = arith.constant 0 : i32
      %dma_start3A_906 = arith.constant 0 : i32
      %dma_start3A_907 = tpu.memref_slice %arg2[%dma_start3A_905, %dma_start3A_906] : memref<10000x128xf32, #tpu.memory_space<hbm>> -> memref<10000x128xf32, #tpu.memory_space<hbm>>
      tpu.enqueue_indirect_dma source(%dma_start3A_907 : memref<10000x128xf32, #tpu.memory_space<hbm>>) target(%arg13 : memref<64x128xf32, #tpu.memory_space<vmem>>) offsets(%dma_start3A_904 : memref<64xi32, #tpu.memory_space<vmem>>) semaphore(%arg18 : memref<!tpu.dma_semaphore, #tpu.memory_space<semaphore_mem>>)
      %get3A_908 = arith.constant 8 : i32
      %get3A_909 = arith.index_cast %get3A_908 : i32 to index
      %get3A_910 = arith.constant 64 : index
      %get3A_911 = tpu.vector_load %arg8[%get3A_909, %get3A_910] {strides = array<i32>} : memref<16x128xi32, #tpu.memory_space<vmem>>, vector<1x16xi32>,
      %get3A_912 = vector.shape_cast %get3A_911 : vector<1x16xi32> to vector<16xi32>
      %swap3A_913 = arith.constant 0 : index
      %swap3A_914 = tpu.vector_load %arg10[%swap3A_913] {strides = array<i32>} : memref<64xi32, #tpu.memory_space<vmem>>, vector<16xi32>,
      %swap3A_915 = vector.shape_cast %swap3A_914 : vector<16xi32> to vector<16xi32>
      %swap3A_916 = vector.shape_cast %get3A_912 : vector<16xi32> to vector<16xi32>
      tpu.vector_store %arg10[%swap3A_913], %swap3A_916 {strides = array<i32>} : memref<64xi32, #tpu.memory_space<vmem>>, vector<16xi32>,
      %get3A_917 = arith.constant 8 : i32
      %get3A_918 = arith.index_cast %get3A_917 : i32 to index
      %get3A_919 = arith.constant 80 : index
      %get3A_920 = tpu.vector_load %arg8[%get3A_918, %get3A_919] {strides = array<i32>} : memref<16x128xi32, #tpu.memory_space<vmem>>, vector<1x16xi32>,
      %get3A_921 = vector.shape_cast %get3A_920 : vector<1x16xi32> to vector<16xi32>
      %swap3A_922 = arith.constant 16 : index
      %swap3A_923 = tpu.vector_load %arg10[%swap3A_922] {strides = array<i32>} : memref<64xi32, #tpu.memory_space<vmem>>, vector<16xi32>,
      %swap3A_924 = vector.shape_cast %swap3A_923 : vector<16xi32> to vector<16xi32>
      %swap3A_925 = vector.shape_cast %get3A_921 : vector<16xi32> to vector<16xi32>
      tpu.vector_store %arg10[%swap3A_922], %swap3A_925 {strides = array<i32>} : memref<64xi32, #tpu.memory_space<vmem>>, vector<16xi32>,
      %get3A_926 = arith.constant 8 : i32
      %get3A_927 = arith.index_cast %get3A_926 : i32 to index
      %get3A_928 = arith.constant 96 : index
      %get3A_929 = tpu.vector_load %arg8[%get3A_927, %get3A_928] {strides = array<i32>} : memref<16x128xi32, #tpu.memory_space<vmem>>, vector<1x16xi32>,
      %get3A_930 = vector.shape_cast %get3A_929 : vector<1x16xi32> to vector<16xi32>
      %swap3A_931 = arith.constant 32 : index
      %swap3A_932 = tpu.vector_load %arg10[%swap3A_931] {strides = array<i32>} : memref<64xi32, #tpu.memory_space<vmem>>, vector<16xi32>,
      %swap3A_933 = vector.shape_cast %swap3A_932 : vector<16xi32> to vector<16xi32>
      %swap3A_934 = vector.shape_cast %get3A_930 : vector<16xi32> to vector<16xi32>
      tpu.vector_store %arg10[%swap3A_931], %swap3A_934 {strides = array<i32>} : memref<64xi32, #tpu.memory_space<vmem>>, vector<16xi32>,
      %get3A_935 = arith.constant 8 : i32
      %get3A_936 = arith.index_cast %get3A_935 : i32 to index
      %get3A_937 = arith.constant 112 : index
      %get3A_938 = tpu.vector_load %arg8[%get3A_936, %get3A_937] {strides = array<i32>} : memref<16x128xi32, #tpu.memory_space<vmem>>, vector<1x16xi32>,
      %get3A_939 = vector.shape_cast %get3A_938 : vector<1x16xi32> to vector<16xi32>
      %swap3A_940 = arith.constant 48 : index
      %swap3A_941 = tpu.vector_load %arg10[%swap3A_940] {strides = array<i32>} : memref<64xi32, #tpu.memory_space<vmem>>, vector<16xi32>,
      %swap3A_942 = vector.shape_cast %swap3A_941 : vector<16xi32> to vector<16xi32>
      %swap3A_943 = vector.shape_cast %get3A_939 : vector<16xi32> to vector<16xi32>
      tpu.vector_store %arg10[%swap3A_940], %swap3A_943 {strides = array<i32>} : memref<64xi32, #tpu.memory_space<vmem>>, vector<16xi32>,
      %dma_wait3A_944 = arith.constant 0 : i32
      %dma_wait3A_945 = arith.constant 0 : i32
      %dma_wait3A_946 = tpu.memref_slice %arg7[%dma_wait3A_944, %dma_wait3A_945] : memref<16x128xi32, #tpu.memory_space<vmem>> -> memref<1x64xi32, #tpu.memory_space<vmem>>
      %dma_wait3A_947 = tpu.memref_squeeze %dma_wait3A_946 : memref<1x64xi32, #tpu.memory_space<vmem>> -> memref<64xi32, #tpu.memory_space<vmem>>
      %dma_wait3A_948 = arith.constant 0 : i32
      %dma_wait3A_949 = arith.constant 0 : i32
      %dma_wait3A_950 = tpu.memref_slice %arg2[%dma_wait3A_948, %dma_wait3A_949] : memref<10000x128xf32, #tpu.memory_space<hbm>> -> memref<10000x128xf32, #tpu.memory_space<hbm>>
      tpu.wait_indirect_dma semaphore(%arg19 : memref<!tpu.dma_semaphore, #tpu.memory_space<semaphore_mem>>) src(%dma_wait3A_950 : memref<10000x128xf32, #tpu.memory_space<hbm>>) dst(%arg14 : memref<64x128xf32, #tpu.memory_space<vmem>>)
      "tpu.region"() ({
        %run_scoped3A = tpu.sem_alloc : memref<!tpu.dma_semaphore, #tpu.memory_space<semaphore_mem>>
        %dma_start3A_1630 = arith.constant 0 : i32
        %dma_start3A_1631 = arith.constant 0 : i32
        %dma_start3A_1632 = tpu.memref_slice %arg17[%dma_start3A_1630, %dma_start3A_1631] : memref<10240x128xf32, #tpu.memory_space<vmem_shared>> -> memref<10240x128xf32, #tpu.memory_space<vmem_shared>>
        tpu.enqueue_indirect_dma source(%arg14 : memref<64x128xf32, #tpu.memory_space<vmem>>) target(%dma_start3A_1632 : memref<10240x128xf32, #tpu.memory_space<vmem_shared>>) offsets(%arg10 : memref<64xi32, #tpu.memory_space<vmem>>) semaphore(%run_scoped3A : memref<!tpu.dma_semaphore, #tpu.memory_space<semaphore_mem>>) {add = true}
        %dma_wait3A_1633 = arith.constant 0 : i32
        %dma_wait3A_1634 = arith.constant 0 : i32
        %dma_wait3A_1635 = tpu.memref_slice %arg17[%dma_wait3A_1633, %dma_wait3A_1634] : memref<10240x128xf32, #tpu.memory_space<vmem_shared>> -> memref<10240x128xf32, #tpu.memory_space<vmem_shared>>
        tpu.wait_indirect_dma semaphore(%run_scoped3A : memref<!tpu.dma_semaphore, #tpu.memory_space<semaphore_mem>>) src(%arg14 : memref<64x128xf32, #tpu.memory_space<vmem>>) dst(%dma_wait3A_1635 : memref<10240x128xf32, #tpu.memory_space<vmem_shared>>)
        tpu.yield
      }) : () -> ()
      %dma_start3A_951 = arith.constant 10 : i32
      %dma_start3A_952 = arith.constant 64 : i32
      %dma_start3A_953 = tpu.memref_slice %arg7[%dma_start3A_951, %dma_start3A_952] : memref<16x128xi32, #tpu.memory_space<vmem>> -> memref<1x64xi32, #tpu.memory_space<vmem>>
      %dma_start3A_954 = tpu.memref_squeeze %dma_start3A_953 : memref<1x64xi32, #tpu.memory_space<vmem>> -> memref<64xi32, #tpu.memory_space<vmem>>
      %dma_start3A_955 = arith.constant 0 : i32
      %dma_start3A_956 = arith.constant 0 : i32
      %dma_start3A_957 = tpu.memref_slice %arg2[%dma_start3A_955, %dma_start3A_956] : memref<10000x128xf32, #tpu.memory_space<hbm>> -> memref<10000x128xf32, #tpu.memory_space<hbm>>
      tpu.enqueue_indirect_dma source(%dma_start3A_957 : memref<10000x128xf32, #tpu.memory_space<hbm>>) target(%arg14 : memref<64x128xf32, #tpu.memory_space<vmem>>) offsets(%dma_start3A_954 : memref<64xi32, #tpu.memory_space<vmem>>) semaphore(%arg19 : memref<!tpu.dma_semaphore, #tpu.memory_space<semaphore_mem>>)
      %get3A_958 = arith.constant 9 : i32
      %get3A_959 = arith.index_cast %get3A_958 : i32 to index
      %get3A_960 = arith.constant 0 : index
      %get3A_961 = tpu.vector_load %arg8[%get3A_959, %get3A_960] {strides = array<i32>} : memref<16x128xi32, #tpu.memory_space<vmem>>, vector<1x16xi32>,
      %get3A_962 = vector.shape_cast %get3A_961 : vector<1x16xi32> to vector<16xi32>
      %swap3A_963 = arith.constant 0 : index
      %swap3A_964 = tpu.vector_load %arg11[%swap3A_963] {strides = array<i32>} : memref<64xi32, #tpu.memory_space<vmem>>, vector<16xi32>,
      %swap3A_965 = vector.shape_cast %swap3A_964 : vector<16xi32> to vector<16xi32>
      %swap3A_966 = vector.shape_cast %get3A_962 : vector<16xi32> to vector<16xi32>
      tpu.vector_store %arg11[%swap3A_963], %swap3A_966 {strides = array<i32>} : memref<64xi32, #tpu.memory_space<vmem>>, vector<16xi32>,
      %get3A_967 = arith.constant 9 : i32
      %get3A_968 = arith.index_cast %get3A_967 : i32 to index
      %get3A_969 = arith.constant 16 : index
      %get3A_970 = tpu.vector_load %arg8[%get3A_968, %get3A_969] {strides = array<i32>} : memref<16x128xi32, #tpu.memory_space<vmem>>, vector<1x16xi32>,
      %get3A_971 = vector.shape_cast %get3A_970 : vector<1x16xi32> to vector<16xi32>
      %swap3A_972 = arith.constant 16 : index
      %swap3A_973 = tpu.vector_load %arg11[%swap3A_972] {strides = array<i32>} : memref<64xi32, #tpu.memory_space<vmem>>, vector<16xi32>,
      %swap3A_974 = vector.shape_cast %swap3A_973 : vector<16xi32> to vector<16xi32>
      %swap3A_975 = vector.shape_cast %get3A_971 : vector<16xi32> to vector<16xi32>
      tpu.vector_store %arg11[%swap3A_972], %swap3A_975 {strides = array<i32>} : memref<64xi32, #tpu.memory_space<vmem>>, vector<16xi32>,
      %get3A_976 = arith.constant 9 : i32
      %get3A_977 = arith.index_cast %get3A_976 : i32 to index
      %get3A_978 = arith.constant 32 : index
      %get3A_979 = tpu.vector_load %arg8[%get3A_977, %get3A_978] {strides = array<i32>} : memref<16x128xi32, #tpu.memory_space<vmem>>, vector<1x16xi32>,
      %get3A_980 = vector.shape_cast %get3A_979 : vector<1x16xi32> to vector<16xi32>
      %swap3A_981 = arith.constant 32 : index
      %swap3A_982 = tpu.vector_load %arg11[%swap3A_981] {strides = array<i32>} : memref<64xi32, #tpu.memory_space<vmem>>, vector<16xi32>,
      %swap3A_983 = vector.shape_cast %swap3A_982 : vector<16xi32> to vector<16xi32>
      %swap3A_984 = vector.shape_cast %get3A_980 : vector<16xi32> to vector<16xi32>
      tpu.vector_store %arg11[%swap3A_981], %swap3A_984 {strides = array<i32>} : memref<64xi32, #tpu.memory_space<vmem>>, vector<16xi32>,
      %get3A_985 = arith.constant 9 : i32
      %get3A_986 = arith.index_cast %get3A_985 : i32 to index
      %get3A_987 = arith.constant 48 : index
      %get3A_988 = tpu.vector_load %arg8[%get3A_986, %get3A_987] {strides = array<i32>} : memref<16x128xi32, #tpu.memory_space<vmem>>, vector<1x16xi32>,
      %get3A_989 = vector.shape_cast %get3A_988 : vector<1x16xi32> to vector<16xi32>
      %swap3A_990 = arith.constant 48 : index
      %swap3A_991 = tpu.vector_load %arg11[%swap3A_990] {strides = array<i32>} : memref<64xi32, #tpu.memory_space<vmem>>, vector<16xi32>,
      %swap3A_992 = vector.shape_cast %swap3A_991 : vector<16xi32> to vector<16xi32>
      %swap3A_993 = vector.shape_cast %get3A_989 : vector<16xi32> to vector<16xi32>
      tpu.vector_store %arg11[%swap3A_990], %swap3A_993 {strides = array<i32>} : memref<64xi32, #tpu.memory_space<vmem>>, vector<16xi32>,
      %dma_wait3A_994 = arith.constant 0 : i32
      %dma_wait3A_995 = arith.constant 0 : i32
      %dma_wait3A_996 = tpu.memref_slice %arg7[%dma_wait3A_994, %dma_wait3A_995] : memref<16x128xi32, #tpu.memory_space<vmem>> -> memref<1x64xi32, #tpu.memory_space<vmem>>
      %dma_wait3A_997 = tpu.memref_squeeze %dma_wait3A_996 : memref<1x64xi32, #tpu.memory_space<vmem>> -> memref<64xi32, #tpu.memory_space<vmem>>
      %dma_wait3A_998 = arith.constant 0 : i32
      %dma_wait3A_999 = arith.constant 0 : i32
      %dma_wait3A_1000 = tpu.memref_slice %arg2[%dma_wait3A_998, %dma_wait3A_999] : memref<10000x128xf32, #tpu.memory_space<hbm>> -> memref<10000x128xf32, #tpu.memory_space<hbm>>
      tpu.wait_indirect_dma semaphore(%arg20 : memref<!tpu.dma_semaphore, #tpu.memory_space<semaphore_mem>>) src(%dma_wait3A_1000 : memref<10000x128xf32, #tpu.memory_space<hbm>>) dst(%arg15 : memref<64x128xf32, #tpu.memory_space<vmem>>)
      "tpu.region"() ({
        %run_scoped3A = tpu.sem_alloc : memref<!tpu.dma_semaphore, #tpu.memory_space<semaphore_mem>>
        %dma_start3A_1630 = arith.constant 0 : i32
        %dma_start3A_1631 = arith.constant 0 : i32
        %dma_start3A_1632 = tpu.memref_slice %arg17[%dma_start3A_1630, %dma_start3A_1631] : memref<10240x128xf32, #tpu.memory_space<vmem_shared>> -> memref<10240x128xf32, #tpu.memory_space<vmem_shared>>
        tpu.enqueue_indirect_dma source(%arg15 : memref<64x128xf32, #tpu.memory_space<vmem>>) target(%dma_start3A_1632 : memref<10240x128xf32, #tpu.memory_space<vmem_shared>>) offsets(%arg11 : memref<64xi32, #tpu.memory_space<vmem>>) semaphore(%run_scoped3A : memref<!tpu.dma_semaphore, #tpu.memory_space<semaphore_mem>>) {add = true}
        %dma_wait3A_1633 = arith.constant 0 : i32
        %dma_wait3A_1634 = arith.constant 0 : i32
        %dma_wait3A_1635 = tpu.memref_slice %arg17[%dma_wait3A_1633, %dma_wait3A_1634] : memref<10240x128xf32, #tpu.memory_space<vmem_shared>> -> memref<10240x128xf32, #tpu.memory_space<vmem_shared>>
        tpu.wait_indirect_dma semaphore(%run_scoped3A : memref<!tpu.dma_semaphore, #tpu.memory_space<semaphore_mem>>) src(%arg15 : memref<64x128xf32, #tpu.memory_space<vmem>>) dst(%dma_wait3A_1635 : memref<10240x128xf32, #tpu.memory_space<vmem_shared>>)
        tpu.yield
      }) : () -> ()
      %dma_start3A_1001 = arith.constant 11 : i32
      %dma_start3A_1002 = arith.constant 0 : i32
      %dma_start3A_1003 = tpu.memref_slice %arg7[%dma_start3A_1001, %dma_start3A_1002] : memref<16x128xi32, #tpu.memory_space<vmem>> -> memref<1x64xi32, #tpu.memory_space<vmem>>
      %dma_start3A_1004 = tpu.memref_squeeze %dma_start3A_1003 : memref<1x64xi32, #tpu.memory_space<vmem>> -> memref<64xi32, #tpu.memory_space<vmem>>
      %dma_start3A_1005 = arith.constant 0 : i32
      %dma_start3A_1006 = arith.constant 0 : i32
      %dma_start3A_1007 = tpu.memref_slice %arg2[%dma_start3A_1005, %dma_start3A_1006] : memref<10000x128xf32, #tpu.memory_space<hbm>> -> memref<10000x128xf32, #tpu.memory_space<hbm>>
      tpu.enqueue_indirect_dma source(%dma_start3A_1007 : memref<10000x128xf32, #tpu.memory_space<hbm>>) target(%arg15 : memref<64x128xf32, #tpu.memory_space<vmem>>) offsets(%dma_start3A_1004 : memref<64xi32, #tpu.memory_space<vmem>>) semaphore(%arg20 : memref<!tpu.dma_semaphore, #tpu.memory_space<semaphore_mem>>)
      %get3A_1008 = arith.constant 9 : i32
      %get3A_1009 = arith.index_cast %get3A_1008 : i32 to index
      %get3A_1010 = arith.constant 64 : index
      %get3A_1011 = tpu.vector_load %arg8[%get3A_1009, %get3A_1010] {strides = array<i32>} : memref<16x128xi32, #tpu.memory_space<vmem>>, vector<1x16xi32>,
      %get3A_1012 = vector.shape_cast %get3A_1011 : vector<1x16xi32> to vector<16xi32>
      %swap3A_1013 = arith.constant 0 : index
      %swap3A_1014 = tpu.vector_load %arg12[%swap3A_1013] {strides = array<i32>} : memref<64xi32, #tpu.memory_space<vmem>>, vector<16xi32>,
      %swap3A_1015 = vector.shape_cast %swap3A_1014 : vector<16xi32> to vector<16xi32>
      %swap3A_1016 = vector.shape_cast %get3A_1012 : vector<16xi32> to vector<16xi32>
      tpu.vector_store %arg12[%swap3A_1013], %swap3A_1016 {strides = array<i32>} : memref<64xi32, #tpu.memory_space<vmem>>, vector<16xi32>,
      %get3A_1017 = arith.constant 9 : i32
      %get3A_1018 = arith.index_cast %get3A_1017 : i32 to index
      %get3A_1019 = arith.constant 80 : index
      %get3A_1020 = tpu.vector_load %arg8[%get3A_1018, %get3A_1019] {strides = array<i32>} : memref<16x128xi32, #tpu.memory_space<vmem>>, vector<1x16xi32>,
      %get3A_1021 = vector.shape_cast %get3A_1020 : vector<1x16xi32> to vector<16xi32>
      %swap3A_1022 = arith.constant 16 : index
      %swap3A_1023 = tpu.vector_load %arg12[%swap3A_1022] {strides = array<i32>} : memref<64xi32, #tpu.memory_space<vmem>>, vector<16xi32>,
      %swap3A_1024 = vector.shape_cast %swap3A_1023 : vector<16xi32> to vector<16xi32>
      %swap3A_1025 = vector.shape_cast %get3A_1021 : vector<16xi32> to vector<16xi32>
      tpu.vector_store %arg12[%swap3A_1022], %swap3A_1025 {strides = array<i32>} : memref<64xi32, #tpu.memory_space<vmem>>, vector<16xi32>,
      %get3A_1026 = arith.constant 9 : i32
      %get3A_1027 = arith.index_cast %get3A_1026 : i32 to index
      %get3A_1028 = arith.constant 96 : index
      %get3A_1029 = tpu.vector_load %arg8[%get3A_1027, %get3A_1028] {strides = array<i32>} : memref<16x128xi32, #tpu.memory_space<vmem>>, vector<1x16xi32>,
      %get3A_1030 = vector.shape_cast %get3A_1029 : vector<1x16xi32> to vector<16xi32>
      %swap3A_1031 = arith.constant 32 : index
      %swap3A_1032 = tpu.vector_load %arg12[%swap3A_1031] {strides = array<i32>} : memref<64xi32, #tpu.memory_space<vmem>>, vector<16xi32>,
      %swap3A_1033 = vector.shape_cast %swap3A_1032 : vector<16xi32> to vector<16xi32>
      %swap3A_1034 = vector.shape_cast %get3A_1030 : vector<16xi32> to vector<16xi32>
      tpu.vector_store %arg12[%swap3A_1031], %swap3A_1034 {strides = array<i32>} : memref<64xi32, #tpu.memory_space<vmem>>, vector<16xi32>,
      %get3A_1035 = arith.constant 9 : i32
      %get3A_1036 = arith.index_cast %get3A_1035 : i32 to index
      %get3A_1037 = arith.constant 112 : index
      %get3A_1038 = tpu.vector_load %arg8[%get3A_1036, %get3A_1037] {strides = array<i32>} : memref<16x128xi32, #tpu.memory_space<vmem>>, vector<1x16xi32>,
      %get3A_1039 = vector.shape_cast %get3A_1038 : vector<1x16xi32> to vector<16xi32>
      %swap3A_1040 = arith.constant 48 : index
      %swap3A_1041 = tpu.vector_load %arg12[%swap3A_1040] {strides = array<i32>} : memref<64xi32, #tpu.memory_space<vmem>>, vector<16xi32>,
      %swap3A_1042 = vector.shape_cast %swap3A_1041 : vector<16xi32> to vector<16xi32>
      %swap3A_1043 = vector.shape_cast %get3A_1039 : vector<16xi32> to vector<16xi32>
      tpu.vector_store %arg12[%swap3A_1040], %swap3A_1043 {strides = array<i32>} : memref<64xi32, #tpu.memory_space<vmem>>, vector<16xi32>,
      %dma_wait3A_1044 = arith.constant 0 : i32
      %dma_wait3A_1045 = arith.constant 0 : i32
      %dma_wait3A_1046 = tpu.memref_slice %arg7[%dma_wait3A_1044, %dma_wait3A_1045] : memref<16x128xi32, #tpu.memory_space<vmem>> -> memref<1x64xi32, #tpu.memory_space<vmem>>
      %dma_wait3A_1047 = tpu.memref_squeeze %dma_wait3A_1046 : memref<1x64xi32, #tpu.memory_space<vmem>> -> memref<64xi32, #tpu.memory_space<vmem>>
      %dma_wait3A_1048 = arith.constant 0 : i32
      %dma_wait3A_1049 = arith.constant 0 : i32
      %dma_wait3A_1050 = tpu.memref_slice %arg2[%dma_wait3A_1048, %dma_wait3A_1049] : memref<10000x128xf32, #tpu.memory_space<hbm>> -> memref<10000x128xf32, #tpu.memory_space<hbm>>
      tpu.wait_indirect_dma semaphore(%arg21 : memref<!tpu.dma_semaphore, #tpu.memory_space<semaphore_mem>>) src(%dma_wait3A_1050 : memref<10000x128xf32, #tpu.memory_space<hbm>>) dst(%arg16 : memref<64x128xf32, #tpu.memory_space<vmem>>)
      "tpu.region"() ({
        %run_scoped3A = tpu.sem_alloc : memref<!tpu.dma_semaphore, #tpu.memory_space<semaphore_mem>>
        %dma_start3A_1630 = arith.constant 0 : i32
        %dma_start3A_1631 = arith.constant 0 : i32
        %dma_start3A_1632 = tpu.memref_slice %arg17[%dma_start3A_1630, %dma_start3A_1631] : memref<10240x128xf32, #tpu.memory_space<vmem_shared>> -> memref<10240x128xf32, #tpu.memory_space<vmem_shared>>
        tpu.enqueue_indirect_dma source(%arg16 : memref<64x128xf32, #tpu.memory_space<vmem>>) target(%dma_start3A_1632 : memref<10240x128xf32, #tpu.memory_space<vmem_shared>>) offsets(%arg12 : memref<64xi32, #tpu.memory_space<vmem>>) semaphore(%run_scoped3A : memref<!tpu.dma_semaphore, #tpu.memory_space<semaphore_mem>>) {add = true}
        %dma_wait3A_1633 = arith.constant 0 : i32
        %dma_wait3A_1634 = arith.constant 0 : i32
        %dma_wait3A_1635 = tpu.memref_slice %arg17[%dma_wait3A_1633, %dma_wait3A_1634] : memref<10240x128xf32, #tpu.memory_space<vmem_shared>> -> memref<10240x128xf32, #tpu.memory_space<vmem_shared>>
        tpu.wait_indirect_dma semaphore(%run_scoped3A : memref<!tpu.dma_semaphore, #tpu.memory_space<semaphore_mem>>) src(%arg16 : memref<64x128xf32, #tpu.memory_space<vmem>>) dst(%dma_wait3A_1635 : memref<10240x128xf32, #tpu.memory_space<vmem_shared>>)
        tpu.yield
      }) : () -> ()
      %dma_start3A_1051 = arith.constant 11 : i32
      %dma_start3A_1052 = arith.constant 64 : i32
      %dma_start3A_1053 = tpu.memref_slice %arg7[%dma_start3A_1051, %dma_start3A_1052] : memref<16x128xi32, #tpu.memory_space<vmem>> -> memref<1x64xi32, #tpu.memory_space<vmem>>
      %dma_start3A_1054 = tpu.memref_squeeze %dma_start3A_1053 : memref<1x64xi32, #tpu.memory_space<vmem>> -> memref<64xi32, #tpu.memory_space<vmem>>
      %dma_start3A_1055 = arith.constant 0 : i32
      %dma_start3A_1056 = arith.constant 0 : i32
      %dma_start3A_1057 = tpu.memref_slice %arg2[%dma_start3A_1055, %dma_start3A_1056] : memref<10000x128xf32, #tpu.memory_space<hbm>> -> memref<10000x128xf32, #tpu.memory_space<hbm>>
      tpu.enqueue_indirect_dma source(%dma_start3A_1057 : memref<10000x128xf32, #tpu.memory_space<hbm>>) target(%arg16 : memref<64x128xf32, #tpu.memory_space<vmem>>) offsets(%dma_start3A_1054 : memref<64xi32, #tpu.memory_space<vmem>>) semaphore(%arg21 : memref<!tpu.dma_semaphore, #tpu.memory_space<semaphore_mem>>)
      %get3A_1058 = arith.constant 10 : i32
      %get3A_1059 = arith.index_cast %get3A_1058 : i32 to index
      %get3A_1060 = arith.constant 0 : index
      %get3A_1061 = tpu.vector_load %arg8[%get3A_1059, %get3A_1060] {strides = array<i32>} : memref<16x128xi32, #tpu.memory_space<vmem>>, vector<1x16xi32>,
      %get3A_1062 = vector.shape_cast %get3A_1061 : vector<1x16xi32> to vector<16xi32>
      %swap3A_1063 = arith.constant 0 : index
      %swap3A_1064 = tpu.vector_load %arg9[%swap3A_1063] {strides = array<i32>} : memref<64xi32, #tpu.memory_space<vmem>>, vector<16xi32>,
      %swap3A_1065 = vector.shape_cast %swap3A_1064 : vector<16xi32> to vector<16xi32>
      %swap3A_1066 = vector.shape_cast %get3A_1062 : vector<16xi32> to vector<16xi32>
      tpu.vector_store %arg9[%swap3A_1063], %swap3A_1066 {strides = array<i32>} : memref<64xi32, #tpu.memory_space<vmem>>, vector<16xi32>,
      %get3A_1067 = arith.constant 10 : i32
      %get3A_1068 = arith.index_cast %get3A_1067 : i32 to index
      %get3A_1069 = arith.constant 16 : index
      %get3A_1070 = tpu.vector_load %arg8[%get3A_1068, %get3A_1069] {strides = array<i32>} : memref<16x128xi32, #tpu.memory_space<vmem>>, vector<1x16xi32>,
      %get3A_1071 = vector.shape_cast %get3A_1070 : vector<1x16xi32> to vector<16xi32>
      %swap3A_1072 = arith.constant 16 : index
      %swap3A_1073 = tpu.vector_load %arg9[%swap3A_1072] {strides = array<i32>} : memref<64xi32, #tpu.memory_space<vmem>>, vector<16xi32>,
      %swap3A_1074 = vector.shape_cast %swap3A_1073 : vector<16xi32> to vector<16xi32>
      %swap3A_1075 = vector.shape_cast %get3A_1071 : vector<16xi32> to vector<16xi32>
      tpu.vector_store %arg9[%swap3A_1072], %swap3A_1075 {strides = array<i32>} : memref<64xi32, #tpu.memory_space<vmem>>, vector<16xi32>,
      %get3A_1076 = arith.constant 10 : i32
      %get3A_1077 = arith.index_cast %get3A_1076 : i32 to index
      %get3A_1078 = arith.constant 32 : index
      %get3A_1079 = tpu.vector_load %arg8[%get3A_1077, %get3A_1078] {strides = array<i32>} : memref<16x128xi32, #tpu.memory_space<vmem>>, vector<1x16xi32>,
      %get3A_1080 = vector.shape_cast %get3A_1079 : vector<1x16xi32> to vector<16xi32>
      %swap3A_1081 = arith.constant 32 : index
      %swap3A_1082 = tpu.vector_load %arg9[%swap3A_1081] {strides = array<i32>} : memref<64xi32, #tpu.memory_space<vmem>>, vector<16xi32>,
      %swap3A_1083 = vector.shape_cast %swap3A_1082 : vector<16xi32> to vector<16xi32>
      %swap3A_1084 = vector.shape_cast %get3A_1080 : vector<16xi32> to vector<16xi32>
      tpu.vector_store %arg9[%swap3A_1081], %swap3A_1084 {strides = array<i32>} : memref<64xi32, #tpu.memory_space<vmem>>, vector<16xi32>,
      %get3A_1085 = arith.constant 10 : i32
      %get3A_1086 = arith.index_cast %get3A_1085 : i32 to index
      %get3A_1087 = arith.constant 48 : index
      %get3A_1088 = tpu.vector_load %arg8[%get3A_1086, %get3A_1087] {strides = array<i32>} : memref<16x128xi32, #tpu.memory_space<vmem>>, vector<1x16xi32>,
      %get3A_1089 = vector.shape_cast %get3A_1088 : vector<1x16xi32> to vector<16xi32>
      %swap3A_1090 = arith.constant 48 : index
      %swap3A_1091 = tpu.vector_load %arg9[%swap3A_1090] {strides = array<i32>} : memref<64xi32, #tpu.memory_space<vmem>>, vector<16xi32>,
      %swap3A_1092 = vector.shape_cast %swap3A_1091 : vector<16xi32> to vector<16xi32>
      %swap3A_1093 = vector.shape_cast %get3A_1089 : vector<16xi32> to vector<16xi32>
      tpu.vector_store %arg9[%swap3A_1090], %swap3A_1093 {strides = array<i32>} : memref<64xi32, #tpu.memory_space<vmem>>, vector<16xi32>,
      %dma_wait3A_1094 = arith.constant 0 : i32
      %dma_wait3A_1095 = arith.constant 0 : i32
      %dma_wait3A_1096 = tpu.memref_slice %arg7[%dma_wait3A_1094, %dma_wait3A_1095] : memref<16x128xi32, #tpu.memory_space<vmem>> -> memref<1x64xi32, #tpu.memory_space<vmem>>
      %dma_wait3A_1097 = tpu.memref_squeeze %dma_wait3A_1096 : memref<1x64xi32, #tpu.memory_space<vmem>> -> memref<64xi32, #tpu.memory_space<vmem>>
      %dma_wait3A_1098 = arith.constant 0 : i32
      %dma_wait3A_1099 = arith.constant 0 : i32
      %dma_wait3A_1100 = tpu.memref_slice %arg2[%dma_wait3A_1098, %dma_wait3A_1099] : memref<10000x128xf32, #tpu.memory_space<hbm>> -> memref<10000x128xf32, #tpu.memory_space<hbm>>
      tpu.wait_indirect_dma semaphore(%arg18 : memref<!tpu.dma_semaphore, #tpu.memory_space<semaphore_mem>>) src(%dma_wait3A_1100 : memref<10000x128xf32, #tpu.memory_space<hbm>>) dst(%arg13 : memref<64x128xf32, #tpu.memory_space<vmem>>)
      "tpu.region"() ({
        %run_scoped3A = tpu.sem_alloc : memref<!tpu.dma_semaphore, #tpu.memory_space<semaphore_mem>>
        %dma_start3A_1630 = arith.constant 0 : i32
        %dma_start3A_1631 = arith.constant 0 : i32
        %dma_start3A_1632 = tpu.memref_slice %arg17[%dma_start3A_1630, %dma_start3A_1631] : memref<10240x128xf32, #tpu.memory_space<vmem_shared>> -> memref<10240x128xf32, #tpu.memory_space<vmem_shared>>
        tpu.enqueue_indirect_dma source(%arg13 : memref<64x128xf32, #tpu.memory_space<vmem>>) target(%dma_start3A_1632 : memref<10240x128xf32, #tpu.memory_space<vmem_shared>>) offsets(%arg9 : memref<64xi32, #tpu.memory_space<vmem>>) semaphore(%run_scoped3A : memref<!tpu.dma_semaphore, #tpu.memory_space<semaphore_mem>>) {add = true}
        %dma_wait3A_1633 = arith.constant 0 : i32
        %dma_wait3A_1634 = arith.constant 0 : i32
        %dma_wait3A_1635 = tpu.memref_slice %arg17[%dma_wait3A_1633, %dma_wait3A_1634] : memref<10240x128xf32, #tpu.memory_space<vmem_shared>> -> memref<10240x128xf32, #tpu.memory_space<vmem_shared>>
        tpu.wait_indirect_dma semaphore(%run_scoped3A : memref<!tpu.dma_semaphore, #tpu.memory_space<semaphore_mem>>) src(%arg13 : memref<64x128xf32, #tpu.memory_space<vmem>>) dst(%dma_wait3A_1635 : memref<10240x128xf32, #tpu.memory_space<vmem_shared>>)
        tpu.yield
      }) : () -> ()
      %dma_start3A_1101 = arith.constant 12 : i32
      %dma_start3A_1102 = arith.constant 0 : i32
      %dma_start3A_1103 = tpu.memref_slice %arg7[%dma_start3A_1101, %dma_start3A_1102] : memref<16x128xi32, #tpu.memory_space<vmem>> -> memref<1x64xi32, #tpu.memory_space<vmem>>
      %dma_start3A_1104 = tpu.memref_squeeze %dma_start3A_1103 : memref<1x64xi32, #tpu.memory_space<vmem>> -> memref<64xi32, #tpu.memory_space<vmem>>
      %dma_start3A_1105 = arith.constant 0 : i32
      %dma_start3A_1106 = arith.constant 0 : i32
      %dma_start3A_1107 = tpu.memref_slice %arg2[%dma_start3A_1105, %dma_start3A_1106] : memref<10000x128xf32, #tpu.memory_space<hbm>> -> memref<10000x128xf32, #tpu.memory_space<hbm>>
      tpu.enqueue_indirect_dma source(%dma_start3A_1107 : memref<10000x128xf32, #tpu.memory_space<hbm>>) target(%arg13 : memref<64x128xf32, #tpu.memory_space<vmem>>) offsets(%dma_start3A_1104 : memref<64xi32, #tpu.memory_space<vmem>>) semaphore(%arg18 : memref<!tpu.dma_semaphore, #tpu.memory_space<semaphore_mem>>)
      %get3A_1108 = arith.constant 10 : i32
      %get3A_1109 = arith.index_cast %get3A_1108 : i32 to index
      %get3A_1110 = arith.constant 64 : index
      %get3A_1111 = tpu.vector_load %arg8[%get3A_1109, %get3A_1110] {strides = array<i32>} : memref<16x128xi32, #tpu.memory_space<vmem>>, vector<1x16xi32>,
      %get3A_1112 = vector.shape_cast %get3A_1111 : vector<1x16xi32> to vector<16xi32>
      %swap3A_1113 = arith.constant 0 : index
      %swap3A_1114 = tpu.vector_load %arg10[%swap3A_1113] {strides = array<i32>} : memref<64xi32, #tpu.memory_space<vmem>>, vector<16xi32>,
      %swap3A_1115 = vector.shape_cast %swap3A_1114 : vector<16xi32> to vector<16xi32>
      %swap3A_1116 = vector.shape_cast %get3A_1112 : vector<16xi32> to vector<16xi32>
      tpu.vector_store %arg10[%swap3A_1113], %swap3A_1116 {strides = array<i32>} : memref<64xi32, #tpu.memory_space<vmem>>, vector<16xi32>,
      %get3A_1117 = arith.constant 10 : i32
      %get3A_1118 = arith.index_cast %get3A_1117 : i32 to index
      %get3A_1119 = arith.constant 80 : index
      %get3A_1120 = tpu.vector_load %arg8[%get3A_1118, %get3A_1119] {strides = array<i32>} : memref<16x128xi32, #tpu.memory_space<vmem>>, vector<1x16xi32>,
      %get3A_1121 = vector.shape_cast %get3A_1120 : vector<1x16xi32> to vector<16xi32>
      %swap3A_1122 = arith.constant 16 : index
      %swap3A_1123 = tpu.vector_load %arg10[%swap3A_1122] {strides = array<i32>} : memref<64xi32, #tpu.memory_space<vmem>>, vector<16xi32>,
      %swap3A_1124 = vector.shape_cast %swap3A_1123 : vector<16xi32> to vector<16xi32>
      %swap3A_1125 = vector.shape_cast %get3A_1121 : vector<16xi32> to vector<16xi32>
      tpu.vector_store %arg10[%swap3A_1122], %swap3A_1125 {strides = array<i32>} : memref<64xi32, #tpu.memory_space<vmem>>, vector<16xi32>,
      %get3A_1126 = arith.constant 10 : i32
      %get3A_1127 = arith.index_cast %get3A_1126 : i32 to index
      %get3A_1128 = arith.constant 96 : index
      %get3A_1129 = tpu.vector_load %arg8[%get3A_1127, %get3A_1128] {strides = array<i32>} : memref<16x128xi32, #tpu.memory_space<vmem>>, vector<1x16xi32>,
      %get3A_1130 = vector.shape_cast %get3A_1129 : vector<1x16xi32> to vector<16xi32>
      %swap3A_1131 = arith.constant 32 : index
      %swap3A_1132 = tpu.vector_load %arg10[%swap3A_1131] {strides = array<i32>} : memref<64xi32, #tpu.memory_space<vmem>>, vector<16xi32>,
      %swap3A_1133 = vector.shape_cast %swap3A_1132 : vector<16xi32> to vector<16xi32>
      %swap3A_1134 = vector.shape_cast %get3A_1130 : vector<16xi32> to vector<16xi32>
      tpu.vector_store %arg10[%swap3A_1131], %swap3A_1134 {strides = array<i32>} : memref<64xi32, #tpu.memory_space<vmem>>, vector<16xi32>,
      %get3A_1135 = arith.constant 10 : i32
      %get3A_1136 = arith.index_cast %get3A_1135 : i32 to index
      %get3A_1137 = arith.constant 112 : index
      %get3A_1138 = tpu.vector_load %arg8[%get3A_1136, %get3A_1137] {strides = array<i32>} : memref<16x128xi32, #tpu.memory_space<vmem>>, vector<1x16xi32>,
      %get3A_1139 = vector.shape_cast %get3A_1138 : vector<1x16xi32> to vector<16xi32>
      %swap3A_1140 = arith.constant 48 : index
      %swap3A_1141 = tpu.vector_load %arg10[%swap3A_1140] {strides = array<i32>} : memref<64xi32, #tpu.memory_space<vmem>>, vector<16xi32>,
      %swap3A_1142 = vector.shape_cast %swap3A_1141 : vector<16xi32> to vector<16xi32>
      %swap3A_1143 = vector.shape_cast %get3A_1139 : vector<16xi32> to vector<16xi32>
      tpu.vector_store %arg10[%swap3A_1140], %swap3A_1143 {strides = array<i32>} : memref<64xi32, #tpu.memory_space<vmem>>, vector<16xi32>,
      %dma_wait3A_1144 = arith.constant 0 : i32
      %dma_wait3A_1145 = arith.constant 0 : i32
      %dma_wait3A_1146 = tpu.memref_slice %arg7[%dma_wait3A_1144, %dma_wait3A_1145] : memref<16x128xi32, #tpu.memory_space<vmem>> -> memref<1x64xi32, #tpu.memory_space<vmem>>
      %dma_wait3A_1147 = tpu.memref_squeeze %dma_wait3A_1146 : memref<1x64xi32, #tpu.memory_space<vmem>> -> memref<64xi32, #tpu.memory_space<vmem>>
      %dma_wait3A_1148 = arith.constant 0 : i32
      %dma_wait3A_1149 = arith.constant 0 : i32
      %dma_wait3A_1150 = tpu.memref_slice %arg2[%dma_wait3A_1148, %dma_wait3A_1149] : memref<10000x128xf32, #tpu.memory_space<hbm>> -> memref<10000x128xf32, #tpu.memory_space<hbm>>
      tpu.wait_indirect_dma semaphore(%arg19 : memref<!tpu.dma_semaphore, #tpu.memory_space<semaphore_mem>>) src(%dma_wait3A_1150 : memref<10000x128xf32, #tpu.memory_space<hbm>>) dst(%arg14 : memref<64x128xf32, #tpu.memory_space<vmem>>)
      "tpu.region"() ({
        %run_scoped3A = tpu.sem_alloc : memref<!tpu.dma_semaphore, #tpu.memory_space<semaphore_mem>>
        %dma_start3A_1630 = arith.constant 0 : i32
        %dma_start3A_1631 = arith.constant 0 : i32
        %dma_start3A_1632 = tpu.memref_slice %arg17[%dma_start3A_1630, %dma_start3A_1631] : memref<10240x128xf32, #tpu.memory_space<vmem_shared>> -> memref<10240x128xf32, #tpu.memory_space<vmem_shared>>
        tpu.enqueue_indirect_dma source(%arg14 : memref<64x128xf32, #tpu.memory_space<vmem>>) target(%dma_start3A_1632 : memref<10240x128xf32, #tpu.memory_space<vmem_shared>>) offsets(%arg10 : memref<64xi32, #tpu.memory_space<vmem>>) semaphore(%run_scoped3A : memref<!tpu.dma_semaphore, #tpu.memory_space<semaphore_mem>>) {add = true}
        %dma_wait3A_1633 = arith.constant 0 : i32
        %dma_wait3A_1634 = arith.constant 0 : i32
        %dma_wait3A_1635 = tpu.memref_slice %arg17[%dma_wait3A_1633, %dma_wait3A_1634] : memref<10240x128xf32, #tpu.memory_space<vmem_shared>> -> memref<10240x128xf32, #tpu.memory_space<vmem_shared>>
        tpu.wait_indirect_dma semaphore(%run_scoped3A : memref<!tpu.dma_semaphore, #tpu.memory_space<semaphore_mem>>) src(%arg14 : memref<64x128xf32, #tpu.memory_space<vmem>>) dst(%dma_wait3A_1635 : memref<10240x128xf32, #tpu.memory_space<vmem_shared>>)
        tpu.yield
      }) : () -> ()
      %dma_start3A_1151 = arith.constant 12 : i32
      %dma_start3A_1152 = arith.constant 64 : i32
      %dma_start3A_1153 = tpu.memref_slice %arg7[%dma_start3A_1151, %dma_start3A_1152] : memref<16x128xi32, #tpu.memory_space<vmem>> -> memref<1x64xi32, #tpu.memory_space<vmem>>
      %dma_start3A_1154 = tpu.memref_squeeze %dma_start3A_1153 : memref<1x64xi32, #tpu.memory_space<vmem>> -> memref<64xi32, #tpu.memory_space<vmem>>
      %dma_start3A_1155 = arith.constant 0 : i32
      %dma_start3A_1156 = arith.constant 0 : i32
      %dma_start3A_1157 = tpu.memref_slice %arg2[%dma_start3A_1155, %dma_start3A_1156] : memref<10000x128xf32, #tpu.memory_space<hbm>> -> memref<10000x128xf32, #tpu.memory_space<hbm>>
      tpu.enqueue_indirect_dma source(%dma_start3A_1157 : memref<10000x128xf32, #tpu.memory_space<hbm>>) target(%arg14 : memref<64x128xf32, #tpu.memory_space<vmem>>) offsets(%dma_start3A_1154 : memref<64xi32, #tpu.memory_space<vmem>>) semaphore(%arg19 : memref<!tpu.dma_semaphore, #tpu.memory_space<semaphore_mem>>)
      %get3A_1158 = arith.constant 11 : i32
      %get3A_1159 = arith.index_cast %get3A_1158 : i32 to index
      %get3A_1160 = arith.constant 0 : index
      %get3A_1161 = tpu.vector_load %arg8[%get3A_1159, %get3A_1160] {strides = array<i32>} : memref<16x128xi32, #tpu.memory_space<vmem>>, vector<1x16xi32>,
      %get3A_1162 = vector.shape_cast %get3A_1161 : vector<1x16xi32> to vector<16xi32>
      %swap3A_1163 = arith.constant 0 : index
      %swap3A_1164 = tpu.vector_load %arg11[%swap3A_1163] {strides = array<i32>} : memref<64xi32, #tpu.memory_space<vmem>>, vector<16xi32>,
      %swap3A_1165 = vector.shape_cast %swap3A_1164 : vector<16xi32> to vector<16xi32>
      %swap3A_1166 = vector.shape_cast %get3A_1162 : vector<16xi32> to vector<16xi32>
      tpu.vector_store %arg11[%swap3A_1163], %swap3A_1166 {strides = array<i32>} : memref<64xi32, #tpu.memory_space<vmem>>, vector<16xi32>,
      %get3A_1167 = arith.constant 11 : i32
      %get3A_1168 = arith.index_cast %get3A_1167 : i32 to index
      %get3A_1169 = arith.constant 16 : index
      %get3A_1170 = tpu.vector_load %arg8[%get3A_1168, %get3A_1169] {strides = array<i32>} : memref<16x128xi32, #tpu.memory_space<vmem>>, vector<1x16xi32>,
      %get3A_1171 = vector.shape_cast %get3A_1170 : vector<1x16xi32> to vector<16xi32>
      %swap3A_1172 = arith.constant 16 : index
      %swap3A_1173 = tpu.vector_load %arg11[%swap3A_1172] {strides = array<i32>} : memref<64xi32, #tpu.memory_space<vmem>>, vector<16xi32>,
      %swap3A_1174 = vector.shape_cast %swap3A_1173 : vector<16xi32> to vector<16xi32>
      %swap3A_1175 = vector.shape_cast %get3A_1171 : vector<16xi32> to vector<16xi32>
      tpu.vector_store %arg11[%swap3A_1172], %swap3A_1175 {strides = array<i32>} : memref<64xi32, #tpu.memory_space<vmem>>, vector<16xi32>,
      %get3A_1176 = arith.constant 11 : i32
      %get3A_1177 = arith.index_cast %get3A_1176 : i32 to index
      %get3A_1178 = arith.constant 32 : index
      %get3A_1179 = tpu.vector_load %arg8[%get3A_1177, %get3A_1178] {strides = array<i32>} : memref<16x128xi32, #tpu.memory_space<vmem>>, vector<1x16xi32>,
      %get3A_1180 = vector.shape_cast %get3A_1179 : vector<1x16xi32> to vector<16xi32>
      %swap3A_1181 = arith.constant 32 : index
      %swap3A_1182 = tpu.vector_load %arg11[%swap3A_1181] {strides = array<i32>} : memref<64xi32, #tpu.memory_space<vmem>>, vector<16xi32>,
      %swap3A_1183 = vector.shape_cast %swap3A_1182 : vector<16xi32> to vector<16xi32>
      %swap3A_1184 = vector.shape_cast %get3A_1180 : vector<16xi32> to vector<16xi32>
      tpu.vector_store %arg11[%swap3A_1181], %swap3A_1184 {strides = array<i32>} : memref<64xi32, #tpu.memory_space<vmem>>, vector<16xi32>,
      %get3A_1185 = arith.constant 11 : i32
      %get3A_1186 = arith.index_cast %get3A_1185 : i32 to index
      %get3A_1187 = arith.constant 48 : index
      %get3A_1188 = tpu.vector_load %arg8[%get3A_1186, %get3A_1187] {strides = array<i32>} : memref<16x128xi32, #tpu.memory_space<vmem>>, vector<1x16xi32>,
      %get3A_1189 = vector.shape_cast %get3A_1188 : vector<1x16xi32> to vector<16xi32>
      %swap3A_1190 = arith.constant 48 : index
      %swap3A_1191 = tpu.vector_load %arg11[%swap3A_1190] {strides = array<i32>} : memref<64xi32, #tpu.memory_space<vmem>>, vector<16xi32>,
      %swap3A_1192 = vector.shape_cast %swap3A_1191 : vector<16xi32> to vector<16xi32>
      %swap3A_1193 = vector.shape_cast %get3A_1189 : vector<16xi32> to vector<16xi32>
      tpu.vector_store %arg11[%swap3A_1190], %swap3A_1193 {strides = array<i32>} : memref<64xi32, #tpu.memory_space<vmem>>, vector<16xi32>,
      %dma_wait3A_1194 = arith.constant 0 : i32
      %dma_wait3A_1195 = arith.constant 0 : i32
      %dma_wait3A_1196 = tpu.memref_slice %arg7[%dma_wait3A_1194, %dma_wait3A_1195] : memref<16x128xi32, #tpu.memory_space<vmem>> -> memref<1x64xi32, #tpu.memory_space<vmem>>
      %dma_wait3A_1197 = tpu.memref_squeeze %dma_wait3A_1196 : memref<1x64xi32, #tpu.memory_space<vmem>> -> memref<64xi32, #tpu.memory_space<vmem>>
      %dma_wait3A_1198 = arith.constant 0 : i32
      %dma_wait3A_1199 = arith.constant 0 : i32
      %dma_wait3A_1200 = tpu.memref_slice %arg2[%dma_wait3A_1198, %dma_wait3A_1199] : memref<10000x128xf32, #tpu.memory_space<hbm>> -> memref<10000x128xf32, #tpu.memory_space<hbm>>
      tpu.wait_indirect_dma semaphore(%arg20 : memref<!tpu.dma_semaphore, #tpu.memory_space<semaphore_mem>>) src(%dma_wait3A_1200 : memref<10000x128xf32, #tpu.memory_space<hbm>>) dst(%arg15 : memref<64x128xf32, #tpu.memory_space<vmem>>)
      "tpu.region"() ({
        %run_scoped3A = tpu.sem_alloc : memref<!tpu.dma_semaphore, #tpu.memory_space<semaphore_mem>>
        %dma_start3A_1630 = arith.constant 0 : i32
        %dma_start3A_1631 = arith.constant 0 : i32
        %dma_start3A_1632 = tpu.memref_slice %arg17[%dma_start3A_1630, %dma_start3A_1631] : memref<10240x128xf32, #tpu.memory_space<vmem_shared>> -> memref<10240x128xf32, #tpu.memory_space<vmem_shared>>
        tpu.enqueue_indirect_dma source(%arg15 : memref<64x128xf32, #tpu.memory_space<vmem>>) target(%dma_start3A_1632 : memref<10240x128xf32, #tpu.memory_space<vmem_shared>>) offsets(%arg11 : memref<64xi32, #tpu.memory_space<vmem>>) semaphore(%run_scoped3A : memref<!tpu.dma_semaphore, #tpu.memory_space<semaphore_mem>>) {add = true}
        %dma_wait3A_1633 = arith.constant 0 : i32
        %dma_wait3A_1634 = arith.constant 0 : i32
        %dma_wait3A_1635 = tpu.memref_slice %arg17[%dma_wait3A_1633, %dma_wait3A_1634] : memref<10240x128xf32, #tpu.memory_space<vmem_shared>> -> memref<10240x128xf32, #tpu.memory_space<vmem_shared>>
        tpu.wait_indirect_dma semaphore(%run_scoped3A : memref<!tpu.dma_semaphore, #tpu.memory_space<semaphore_mem>>) src(%arg15 : memref<64x128xf32, #tpu.memory_space<vmem>>) dst(%dma_wait3A_1635 : memref<10240x128xf32, #tpu.memory_space<vmem_shared>>)
        tpu.yield
      }) : () -> ()
      %dma_start3A_1201 = arith.constant 13 : i32
      %dma_start3A_1202 = arith.constant 0 : i32
      %dma_start3A_1203 = tpu.memref_slice %arg7[%dma_start3A_1201, %dma_start3A_1202] : memref<16x128xi32, #tpu.memory_space<vmem>> -> memref<1x64xi32, #tpu.memory_space<vmem>>
      %dma_start3A_1204 = tpu.memref_squeeze %dma_start3A_1203 : memref<1x64xi32, #tpu.memory_space<vmem>> -> memref<64xi32, #tpu.memory_space<vmem>>
      %dma_start3A_1205 = arith.constant 0 : i32
      %dma_start3A_1206 = arith.constant 0 : i32
      %dma_start3A_1207 = tpu.memref_slice %arg2[%dma_start3A_1205, %dma_start3A_1206] : memref<10000x128xf32, #tpu.memory_space<hbm>> -> memref<10000x128xf32, #tpu.memory_space<hbm>>
      tpu.enqueue_indirect_dma source(%dma_start3A_1207 : memref<10000x128xf32, #tpu.memory_space<hbm>>) target(%arg15 : memref<64x128xf32, #tpu.memory_space<vmem>>) offsets(%dma_start3A_1204 : memref<64xi32, #tpu.memory_space<vmem>>) semaphore(%arg20 : memref<!tpu.dma_semaphore, #tpu.memory_space<semaphore_mem>>)
      %get3A_1208 = arith.constant 11 : i32
      %get3A_1209 = arith.index_cast %get3A_1208 : i32 to index
      %get3A_1210 = arith.constant 64 : index
      %get3A_1211 = tpu.vector_load %arg8[%get3A_1209, %get3A_1210] {strides = array<i32>} : memref<16x128xi32, #tpu.memory_space<vmem>>, vector<1x16xi32>,
      %get3A_1212 = vector.shape_cast %get3A_1211 : vector<1x16xi32> to vector<16xi32>
      %swap3A_1213 = arith.constant 0 : index
      %swap3A_1214 = tpu.vector_load %arg12[%swap3A_1213] {strides = array<i32>} : memref<64xi32, #tpu.memory_space<vmem>>, vector<16xi32>,
      %swap3A_1215 = vector.shape_cast %swap3A_1214 : vector<16xi32> to vector<16xi32>
      %swap3A_1216 = vector.shape_cast %get3A_1212 : vector<16xi32> to vector<16xi32>
      tpu.vector_store %arg12[%swap3A_1213], %swap3A_1216 {strides = array<i32>} : memref<64xi32, #tpu.memory_space<vmem>>, vector<16xi32>,
      %get3A_1217 = arith.constant 11 : i32
      %get3A_1218 = arith.index_cast %get3A_1217 : i32 to index
      %get3A_1219 = arith.constant 80 : index
      %get3A_1220 = tpu.vector_load %arg8[%get3A_1218, %get3A_1219] {strides = array<i32>} : memref<16x128xi32, #tpu.memory_space<vmem>>, vector<1x16xi32>,
      %get3A_1221 = vector.shape_cast %get3A_1220 : vector<1x16xi32> to vector<16xi32>
      %swap3A_1222 = arith.constant 16 : index
      %swap3A_1223 = tpu.vector_load %arg12[%swap3A_1222] {strides = array<i32>} : memref<64xi32, #tpu.memory_space<vmem>>, vector<16xi32>,
      %swap3A_1224 = vector.shape_cast %swap3A_1223 : vector<16xi32> to vector<16xi32>
      %swap3A_1225 = vector.shape_cast %get3A_1221 : vector<16xi32> to vector<16xi32>
      tpu.vector_store %arg12[%swap3A_1222], %swap3A_1225 {strides = array<i32>} : memref<64xi32, #tpu.memory_space<vmem>>, vector<16xi32>,
      %get3A_1226 = arith.constant 11 : i32
      %get3A_1227 = arith.index_cast %get3A_1226 : i32 to index
      %get3A_1228 = arith.constant 96 : index
      %get3A_1229 = tpu.vector_load %arg8[%get3A_1227, %get3A_1228] {strides = array<i32>} : memref<16x128xi32, #tpu.memory_space<vmem>>, vector<1x16xi32>,
      %get3A_1230 = vector.shape_cast %get3A_1229 : vector<1x16xi32> to vector<16xi32>
      %swap3A_1231 = arith.constant 32 : index
      %swap3A_1232 = tpu.vector_load %arg12[%swap3A_1231] {strides = array<i32>} : memref<64xi32, #tpu.memory_space<vmem>>, vector<16xi32>,
      %swap3A_1233 = vector.shape_cast %swap3A_1232 : vector<16xi32> to vector<16xi32>
      %swap3A_1234 = vector.shape_cast %get3A_1230 : vector<16xi32> to vector<16xi32>
      tpu.vector_store %arg12[%swap3A_1231], %swap3A_1234 {strides = array<i32>} : memref<64xi32, #tpu.memory_space<vmem>>, vector<16xi32>,
      %get3A_1235 = arith.constant 11 : i32
      %get3A_1236 = arith.index_cast %get3A_1235 : i32 to index
      %get3A_1237 = arith.constant 112 : index
      %get3A_1238 = tpu.vector_load %arg8[%get3A_1236, %get3A_1237] {strides = array<i32>} : memref<16x128xi32, #tpu.memory_space<vmem>>, vector<1x16xi32>,
      %get3A_1239 = vector.shape_cast %get3A_1238 : vector<1x16xi32> to vector<16xi32>
      %swap3A_1240 = arith.constant 48 : index
      %swap3A_1241 = tpu.vector_load %arg12[%swap3A_1240] {strides = array<i32>} : memref<64xi32, #tpu.memory_space<vmem>>, vector<16xi32>,
      %swap3A_1242 = vector.shape_cast %swap3A_1241 : vector<16xi32> to vector<16xi32>
      %swap3A_1243 = vector.shape_cast %get3A_1239 : vector<16xi32> to vector<16xi32>
      tpu.vector_store %arg12[%swap3A_1240], %swap3A_1243 {strides = array<i32>} : memref<64xi32, #tpu.memory_space<vmem>>, vector<16xi32>,
      %dma_wait3A_1244 = arith.constant 0 : i32
      %dma_wait3A_1245 = arith.constant 0 : i32
      %dma_wait3A_1246 = tpu.memref_slice %arg7[%dma_wait3A_1244, %dma_wait3A_1245] : memref<16x128xi32, #tpu.memory_space<vmem>> -> memref<1x64xi32, #tpu.memory_space<vmem>>
      %dma_wait3A_1247 = tpu.memref_squeeze %dma_wait3A_1246 : memref<1x64xi32, #tpu.memory_space<vmem>> -> memref<64xi32, #tpu.memory_space<vmem>>
      %dma_wait3A_1248 = arith.constant 0 : i32
      %dma_wait3A_1249 = arith.constant 0 : i32
      %dma_wait3A_1250 = tpu.memref_slice %arg2[%dma_wait3A_1248, %dma_wait3A_1249] : memref<10000x128xf32, #tpu.memory_space<hbm>> -> memref<10000x128xf32, #tpu.memory_space<hbm>>
      tpu.wait_indirect_dma semaphore(%arg21 : memref<!tpu.dma_semaphore, #tpu.memory_space<semaphore_mem>>) src(%dma_wait3A_1250 : memref<10000x128xf32, #tpu.memory_space<hbm>>) dst(%arg16 : memref<64x128xf32, #tpu.memory_space<vmem>>)
      "tpu.region"() ({
        %run_scoped3A = tpu.sem_alloc : memref<!tpu.dma_semaphore, #tpu.memory_space<semaphore_mem>>
        %dma_start3A_1630 = arith.constant 0 : i32
        %dma_start3A_1631 = arith.constant 0 : i32
        %dma_start3A_1632 = tpu.memref_slice %arg17[%dma_start3A_1630, %dma_start3A_1631] : memref<10240x128xf32, #tpu.memory_space<vmem_shared>> -> memref<10240x128xf32, #tpu.memory_space<vmem_shared>>
        tpu.enqueue_indirect_dma source(%arg16 : memref<64x128xf32, #tpu.memory_space<vmem>>) target(%dma_start3A_1632 : memref<10240x128xf32, #tpu.memory_space<vmem_shared>>) offsets(%arg12 : memref<64xi32, #tpu.memory_space<vmem>>) semaphore(%run_scoped3A : memref<!tpu.dma_semaphore, #tpu.memory_space<semaphore_mem>>) {add = true}
        %dma_wait3A_1633 = arith.constant 0 : i32
        %dma_wait3A_1634 = arith.constant 0 : i32
        %dma_wait3A_1635 = tpu.memref_slice %arg17[%dma_wait3A_1633, %dma_wait3A_1634] : memref<10240x128xf32, #tpu.memory_space<vmem_shared>> -> memref<10240x128xf32, #tpu.memory_space<vmem_shared>>
        tpu.wait_indirect_dma semaphore(%run_scoped3A : memref<!tpu.dma_semaphore, #tpu.memory_space<semaphore_mem>>) src(%arg16 : memref<64x128xf32, #tpu.memory_space<vmem>>) dst(%dma_wait3A_1635 : memref<10240x128xf32, #tpu.memory_space<vmem_shared>>)
        tpu.yield
      }) : () -> ()
      %dma_start3A_1251 = arith.constant 13 : i32
      %dma_start3A_1252 = arith.constant 64 : i32
      %dma_start3A_1253 = tpu.memref_slice %arg7[%dma_start3A_1251, %dma_start3A_1252] : memref<16x128xi32, #tpu.memory_space<vmem>> -> memref<1x64xi32, #tpu.memory_space<vmem>>
      %dma_start3A_1254 = tpu.memref_squeeze %dma_start3A_1253 : memref<1x64xi32, #tpu.memory_space<vmem>> -> memref<64xi32, #tpu.memory_space<vmem>>
      %dma_start3A_1255 = arith.constant 0 : i32
      %dma_start3A_1256 = arith.constant 0 : i32
      %dma_start3A_1257 = tpu.memref_slice %arg2[%dma_start3A_1255, %dma_start3A_1256] : memref<10000x128xf32, #tpu.memory_space<hbm>> -> memref<10000x128xf32, #tpu.memory_space<hbm>>
      tpu.enqueue_indirect_dma source(%dma_start3A_1257 : memref<10000x128xf32, #tpu.memory_space<hbm>>) target(%arg16 : memref<64x128xf32, #tpu.memory_space<vmem>>) offsets(%dma_start3A_1254 : memref<64xi32, #tpu.memory_space<vmem>>) semaphore(%arg21 : memref<!tpu.dma_semaphore, #tpu.memory_space<semaphore_mem>>)
      %get3A_1258 = arith.constant 12 : i32
      %get3A_1259 = arith.index_cast %get3A_1258 : i32 to index
      %get3A_1260 = arith.constant 0 : index
      %get3A_1261 = tpu.vector_load %arg8[%get3A_1259, %get3A_1260] {strides = array<i32>} : memref<16x128xi32, #tpu.memory_space<vmem>>, vector<1x16xi32>,
      %get3A_1262 = vector.shape_cast %get3A_1261 : vector<1x16xi32> to vector<16xi32>
      %swap3A_1263 = arith.constant 0 : index
      %swap3A_1264 = tpu.vector_load %arg9[%swap3A_1263] {strides = array<i32>} : memref<64xi32, #tpu.memory_space<vmem>>, vector<16xi32>,
      %swap3A_1265 = vector.shape_cast %swap3A_1264 : vector<16xi32> to vector<16xi32>
      %swap3A_1266 = vector.shape_cast %get3A_1262 : vector<16xi32> to vector<16xi32>
      tpu.vector_store %arg9[%swap3A_1263], %swap3A_1266 {strides = array<i32>} : memref<64xi32, #tpu.memory_space<vmem>>, vector<16xi32>,
      %get3A_1267 = arith.constant 12 : i32
      %get3A_1268 = arith.index_cast %get3A_1267 : i32 to index
      %get3A_1269 = arith.constant 16 : index
      %get3A_1270 = tpu.vector_load %arg8[%get3A_1268, %get3A_1269] {strides = array<i32>} : memref<16x128xi32, #tpu.memory_space<vmem>>, vector<1x16xi32>,
      %get3A_1271 = vector.shape_cast %get3A_1270 : vector<1x16xi32> to vector<16xi32>
      %swap3A_1272 = arith.constant 16 : index
      %swap3A_1273 = tpu.vector_load %arg9[%swap3A_1272] {strides = array<i32>} : memref<64xi32, #tpu.memory_space<vmem>>, vector<16xi32>,
      %swap3A_1274 = vector.shape_cast %swap3A_1273 : vector<16xi32> to vector<16xi32>
      %swap3A_1275 = vector.shape_cast %get3A_1271 : vector<16xi32> to vector<16xi32>
      tpu.vector_store %arg9[%swap3A_1272], %swap3A_1275 {strides = array<i32>} : memref<64xi32, #tpu.memory_space<vmem>>, vector<16xi32>,
      %get3A_1276 = arith.constant 12 : i32
      %get3A_1277 = arith.index_cast %get3A_1276 : i32 to index
      %get3A_1278 = arith.constant 32 : index
      %get3A_1279 = tpu.vector_load %arg8[%get3A_1277, %get3A_1278] {strides = array<i32>} : memref<16x128xi32, #tpu.memory_space<vmem>>, vector<1x16xi32>,
      %get3A_1280 = vector.shape_cast %get3A_1279 : vector<1x16xi32> to vector<16xi32>
      %swap3A_1281 = arith.constant 32 : index
      %swap3A_1282 = tpu.vector_load %arg9[%swap3A_1281] {strides = array<i32>} : memref<64xi32, #tpu.memory_space<vmem>>, vector<16xi32>,
      %swap3A_1283 = vector.shape_cast %swap3A_1282 : vector<16xi32> to vector<16xi32>
      %swap3A_1284 = vector.shape_cast %get3A_1280 : vector<16xi32> to vector<16xi32>
      tpu.vector_store %arg9[%swap3A_1281], %swap3A_1284 {strides = array<i32>} : memref<64xi32, #tpu.memory_space<vmem>>, vector<16xi32>,
      %get3A_1285 = arith.constant 12 : i32
      %get3A_1286 = arith.index_cast %get3A_1285 : i32 to index
      %get3A_1287 = arith.constant 48 : index
      %get3A_1288 = tpu.vector_load %arg8[%get3A_1286, %get3A_1287] {strides = array<i32>} : memref<16x128xi32, #tpu.memory_space<vmem>>, vector<1x16xi32>,
      %get3A_1289 = vector.shape_cast %get3A_1288 : vector<1x16xi32> to vector<16xi32>
      %swap3A_1290 = arith.constant 48 : index
      %swap3A_1291 = tpu.vector_load %arg9[%swap3A_1290] {strides = array<i32>} : memref<64xi32, #tpu.memory_space<vmem>>, vector<16xi32>,
      %swap3A_1292 = vector.shape_cast %swap3A_1291 : vector<16xi32> to vector<16xi32>
      %swap3A_1293 = vector.shape_cast %get3A_1289 : vector<16xi32> to vector<16xi32>
      tpu.vector_store %arg9[%swap3A_1290], %swap3A_1293 {strides = array<i32>} : memref<64xi32, #tpu.memory_space<vmem>>, vector<16xi32>,
      %dma_wait3A_1294 = arith.constant 0 : i32
      %dma_wait3A_1295 = arith.constant 0 : i32
      %dma_wait3A_1296 = tpu.memref_slice %arg7[%dma_wait3A_1294, %dma_wait3A_1295] : memref<16x128xi32, #tpu.memory_space<vmem>> -> memref<1x64xi32, #tpu.memory_space<vmem>>
      %dma_wait3A_1297 = tpu.memref_squeeze %dma_wait3A_1296 : memref<1x64xi32, #tpu.memory_space<vmem>> -> memref<64xi32, #tpu.memory_space<vmem>>
      %dma_wait3A_1298 = arith.constant 0 : i32
      %dma_wait3A_1299 = arith.constant 0 : i32
      %dma_wait3A_1300 = tpu.memref_slice %arg2[%dma_wait3A_1298, %dma_wait3A_1299] : memref<10000x128xf32, #tpu.memory_space<hbm>> -> memref<10000x128xf32, #tpu.memory_space<hbm>>
      tpu.wait_indirect_dma semaphore(%arg18 : memref<!tpu.dma_semaphore, #tpu.memory_space<semaphore_mem>>) src(%dma_wait3A_1300 : memref<10000x128xf32, #tpu.memory_space<hbm>>) dst(%arg13 : memref<64x128xf32, #tpu.memory_space<vmem>>)
      "tpu.region"() ({
        %run_scoped3A = tpu.sem_alloc : memref<!tpu.dma_semaphore, #tpu.memory_space<semaphore_mem>>
        %dma_start3A_1630 = arith.constant 0 : i32
        %dma_start3A_1631 = arith.constant 0 : i32
        %dma_start3A_1632 = tpu.memref_slice %arg17[%dma_start3A_1630, %dma_start3A_1631] : memref<10240x128xf32, #tpu.memory_space<vmem_shared>> -> memref<10240x128xf32, #tpu.memory_space<vmem_shared>>
        tpu.enqueue_indirect_dma source(%arg13 : memref<64x128xf32, #tpu.memory_space<vmem>>) target(%dma_start3A_1632 : memref<10240x128xf32, #tpu.memory_space<vmem_shared>>) offsets(%arg9 : memref<64xi32, #tpu.memory_space<vmem>>) semaphore(%run_scoped3A : memref<!tpu.dma_semaphore, #tpu.memory_space<semaphore_mem>>) {add = true}
        %dma_wait3A_1633 = arith.constant 0 : i32
        %dma_wait3A_1634 = arith.constant 0 : i32
        %dma_wait3A_1635 = tpu.memref_slice %arg17[%dma_wait3A_1633, %dma_wait3A_1634] : memref<10240x128xf32, #tpu.memory_space<vmem_shared>> -> memref<10240x128xf32, #tpu.memory_space<vmem_shared>>
        tpu.wait_indirect_dma semaphore(%run_scoped3A : memref<!tpu.dma_semaphore, #tpu.memory_space<semaphore_mem>>) src(%arg13 : memref<64x128xf32, #tpu.memory_space<vmem>>) dst(%dma_wait3A_1635 : memref<10240x128xf32, #tpu.memory_space<vmem_shared>>)
        tpu.yield
      }) : () -> ()
      %dma_start3A_1301 = arith.constant 14 : i32
      %dma_start3A_1302 = arith.constant 0 : i32
      %dma_start3A_1303 = tpu.memref_slice %arg7[%dma_start3A_1301, %dma_start3A_1302] : memref<16x128xi32, #tpu.memory_space<vmem>> -> memref<1x64xi32, #tpu.memory_space<vmem>>
      %dma_start3A_1304 = tpu.memref_squeeze %dma_start3A_1303 : memref<1x64xi32, #tpu.memory_space<vmem>> -> memref<64xi32, #tpu.memory_space<vmem>>
      %dma_start3A_1305 = arith.constant 0 : i32
      %dma_start3A_1306 = arith.constant 0 : i32
      %dma_start3A_1307 = tpu.memref_slice %arg2[%dma_start3A_1305, %dma_start3A_1306] : memref<10000x128xf32, #tpu.memory_space<hbm>> -> memref<10000x128xf32, #tpu.memory_space<hbm>>
      tpu.enqueue_indirect_dma source(%dma_start3A_1307 : memref<10000x128xf32, #tpu.memory_space<hbm>>) target(%arg13 : memref<64x128xf32, #tpu.memory_space<vmem>>) offsets(%dma_start3A_1304 : memref<64xi32, #tpu.memory_space<vmem>>) semaphore(%arg18 : memref<!tpu.dma_semaphore, #tpu.memory_space<semaphore_mem>>)
      %get3A_1308 = arith.constant 12 : i32
      %get3A_1309 = arith.index_cast %get3A_1308 : i32 to index
      %get3A_1310 = arith.constant 64 : index
      %get3A_1311 = tpu.vector_load %arg8[%get3A_1309, %get3A_1310] {strides = array<i32>} : memref<16x128xi32, #tpu.memory_space<vmem>>, vector<1x16xi32>,
      %get3A_1312 = vector.shape_cast %get3A_1311 : vector<1x16xi32> to vector<16xi32>
      %swap3A_1313 = arith.constant 0 : index
      %swap3A_1314 = tpu.vector_load %arg10[%swap3A_1313] {strides = array<i32>} : memref<64xi32, #tpu.memory_space<vmem>>, vector<16xi32>,
      %swap3A_1315 = vector.shape_cast %swap3A_1314 : vector<16xi32> to vector<16xi32>
      %swap3A_1316 = vector.shape_cast %get3A_1312 : vector<16xi32> to vector<16xi32>
      tpu.vector_store %arg10[%swap3A_1313], %swap3A_1316 {strides = array<i32>} : memref<64xi32, #tpu.memory_space<vmem>>, vector<16xi32>,
      %get3A_1317 = arith.constant 12 : i32
      %get3A_1318 = arith.index_cast %get3A_1317 : i32 to index
      %get3A_1319 = arith.constant 80 : index
      %get3A_1320 = tpu.vector_load %arg8[%get3A_1318, %get3A_1319] {strides = array<i32>} : memref<16x128xi32, #tpu.memory_space<vmem>>, vector<1x16xi32>,
      %get3A_1321 = vector.shape_cast %get3A_1320 : vector<1x16xi32> to vector<16xi32>
      %swap3A_1322 = arith.constant 16 : index
      %swap3A_1323 = tpu.vector_load %arg10[%swap3A_1322] {strides = array<i32>} : memref<64xi32, #tpu.memory_space<vmem>>, vector<16xi32>,
      %swap3A_1324 = vector.shape_cast %swap3A_1323 : vector<16xi32> to vector<16xi32>
      %swap3A_1325 = vector.shape_cast %get3A_1321 : vector<16xi32> to vector<16xi32>
      tpu.vector_store %arg10[%swap3A_1322], %swap3A_1325 {strides = array<i32>} : memref<64xi32, #tpu.memory_space<vmem>>, vector<16xi32>,
      %get3A_1326 = arith.constant 12 : i32
      %get3A_1327 = arith.index_cast %get3A_1326 : i32 to index
      %get3A_1328 = arith.constant 96 : index
      %get3A_1329 = tpu.vector_load %arg8[%get3A_1327, %get3A_1328] {strides = array<i32>} : memref<16x128xi32, #tpu.memory_space<vmem>>, vector<1x16xi32>,
      %get3A_1330 = vector.shape_cast %get3A_1329 : vector<1x16xi32> to vector<16xi32>
      %swap3A_1331 = arith.constant 32 : index
      %swap3A_1332 = tpu.vector_load %arg10[%swap3A_1331] {strides = array<i32>} : memref<64xi32, #tpu.memory_space<vmem>>, vector<16xi32>,
      %swap3A_1333 = vector.shape_cast %swap3A_1332 : vector<16xi32> to vector<16xi32>
      %swap3A_1334 = vector.shape_cast %get3A_1330 : vector<16xi32> to vector<16xi32>
      tpu.vector_store %arg10[%swap3A_1331], %swap3A_1334 {strides = array<i32>} : memref<64xi32, #tpu.memory_space<vmem>>, vector<16xi32>,
      %get3A_1335 = arith.constant 12 : i32
      %get3A_1336 = arith.index_cast %get3A_1335 : i32 to index
      %get3A_1337 = arith.constant 112 : index
      %get3A_1338 = tpu.vector_load %arg8[%get3A_1336, %get3A_1337] {strides = array<i32>} : memref<16x128xi32, #tpu.memory_space<vmem>>, vector<1x16xi32>,
      %get3A_1339 = vector.shape_cast %get3A_1338 : vector<1x16xi32> to vector<16xi32>
      %swap3A_1340 = arith.constant 48 : index
      %swap3A_1341 = tpu.vector_load %arg10[%swap3A_1340] {strides = array<i32>} : memref<64xi32, #tpu.memory_space<vmem>>, vector<16xi32>,
      %swap3A_1342 = vector.shape_cast %swap3A_1341 : vector<16xi32> to vector<16xi32>
      %swap3A_1343 = vector.shape_cast %get3A_1339 : vector<16xi32> to vector<16xi32>
      tpu.vector_store %arg10[%swap3A_1340], %swap3A_1343 {strides = array<i32>} : memref<64xi32, #tpu.memory_space<vmem>>, vector<16xi32>,
      %dma_wait3A_1344 = arith.constant 0 : i32
      %dma_wait3A_1345 = arith.constant 0 : i32
      %dma_wait3A_1346 = tpu.memref_slice %arg7[%dma_wait3A_1344, %dma_wait3A_1345] : memref<16x128xi32, #tpu.memory_space<vmem>> -> memref<1x64xi32, #tpu.memory_space<vmem>>
      %dma_wait3A_1347 = tpu.memref_squeeze %dma_wait3A_1346 : memref<1x64xi32, #tpu.memory_space<vmem>> -> memref<64xi32, #tpu.memory_space<vmem>>
      %dma_wait3A_1348 = arith.constant 0 : i32
      %dma_wait3A_1349 = arith.constant 0 : i32
      %dma_wait3A_1350 = tpu.memref_slice %arg2[%dma_wait3A_1348, %dma_wait3A_1349] : memref<10000x128xf32, #tpu.memory_space<hbm>> -> memref<10000x128xf32, #tpu.memory_space<hbm>>
      tpu.wait_indirect_dma semaphore(%arg19 : memref<!tpu.dma_semaphore, #tpu.memory_space<semaphore_mem>>) src(%dma_wait3A_1350 : memref<10000x128xf32, #tpu.memory_space<hbm>>) dst(%arg14 : memref<64x128xf32, #tpu.memory_space<vmem>>)
      "tpu.region"() ({
        %run_scoped3A = tpu.sem_alloc : memref<!tpu.dma_semaphore, #tpu.memory_space<semaphore_mem>>
        %dma_start3A_1630 = arith.constant 0 : i32
        %dma_start3A_1631 = arith.constant 0 : i32
        %dma_start3A_1632 = tpu.memref_slice %arg17[%dma_start3A_1630, %dma_start3A_1631] : memref<10240x128xf32, #tpu.memory_space<vmem_shared>> -> memref<10240x128xf32, #tpu.memory_space<vmem_shared>>
        tpu.enqueue_indirect_dma source(%arg14 : memref<64x128xf32, #tpu.memory_space<vmem>>) target(%dma_start3A_1632 : memref<10240x128xf32, #tpu.memory_space<vmem_shared>>) offsets(%arg10 : memref<64xi32, #tpu.memory_space<vmem>>) semaphore(%run_scoped3A : memref<!tpu.dma_semaphore, #tpu.memory_space<semaphore_mem>>) {add = true}
        %dma_wait3A_1633 = arith.constant 0 : i32
        %dma_wait3A_1634 = arith.constant 0 : i32
        %dma_wait3A_1635 = tpu.memref_slice %arg17[%dma_wait3A_1633, %dma_wait3A_1634] : memref<10240x128xf32, #tpu.memory_space<vmem_shared>> -> memref<10240x128xf32, #tpu.memory_space<vmem_shared>>
        tpu.wait_indirect_dma semaphore(%run_scoped3A : memref<!tpu.dma_semaphore, #tpu.memory_space<semaphore_mem>>) src(%arg14 : memref<64x128xf32, #tpu.memory_space<vmem>>) dst(%dma_wait3A_1635 : memref<10240x128xf32, #tpu.memory_space<vmem_shared>>)
        tpu.yield
      }) : () -> ()
      %dma_start3A_1351 = arith.constant 14 : i32
      %dma_start3A_1352 = arith.constant 64 : i32
      %dma_start3A_1353 = tpu.memref_slice %arg7[%dma_start3A_1351, %dma_start3A_1352] : memref<16x128xi32, #tpu.memory_space<vmem>> -> memref<1x64xi32, #tpu.memory_space<vmem>>
      %dma_start3A_1354 = tpu.memref_squeeze %dma_start3A_1353 : memref<1x64xi32, #tpu.memory_space<vmem>> -> memref<64xi32, #tpu.memory_space<vmem>>
      %dma_start3A_1355 = arith.constant 0 : i32
      %dma_start3A_1356 = arith.constant 0 : i32
      %dma_start3A_1357 = tpu.memref_slice %arg2[%dma_start3A_1355, %dma_start3A_1356] : memref<10000x128xf32, #tpu.memory_space<hbm>> -> memref<10000x128xf32, #tpu.memory_space<hbm>>
      tpu.enqueue_indirect_dma source(%dma_start3A_1357 : memref<10000x128xf32, #tpu.memory_space<hbm>>) target(%arg14 : memref<64x128xf32, #tpu.memory_space<vmem>>) offsets(%dma_start3A_1354 : memref<64xi32, #tpu.memory_space<vmem>>) semaphore(%arg19 : memref<!tpu.dma_semaphore, #tpu.memory_space<semaphore_mem>>)
      %get3A_1358 = arith.constant 13 : i32
      %get3A_1359 = arith.index_cast %get3A_1358 : i32 to index
      %get3A_1360 = arith.constant 0 : index
      %get3A_1361 = tpu.vector_load %arg8[%get3A_1359, %get3A_1360] {strides = array<i32>} : memref<16x128xi32, #tpu.memory_space<vmem>>, vector<1x16xi32>,
      %get3A_1362 = vector.shape_cast %get3A_1361 : vector<1x16xi32> to vector<16xi32>
      %swap3A_1363 = arith.constant 0 : index
      %swap3A_1364 = tpu.vector_load %arg11[%swap3A_1363] {strides = array<i32>} : memref<64xi32, #tpu.memory_space<vmem>>, vector<16xi32>,
      %swap3A_1365 = vector.shape_cast %swap3A_1364 : vector<16xi32> to vector<16xi32>
      %swap3A_1366 = vector.shape_cast %get3A_1362 : vector<16xi32> to vector<16xi32>
      tpu.vector_store %arg11[%swap3A_1363], %swap3A_1366 {strides = array<i32>} : memref<64xi32, #tpu.memory_space<vmem>>, vector<16xi32>,
      %get3A_1367 = arith.constant 13 : i32
      %get3A_1368 = arith.index_cast %get3A_1367 : i32 to index
      %get3A_1369 = arith.constant 16 : index
      %get3A_1370 = tpu.vector_load %arg8[%get3A_1368, %get3A_1369] {strides = array<i32>} : memref<16x128xi32, #tpu.memory_space<vmem>>, vector<1x16xi32>,
      %get3A_1371 = vector.shape_cast %get3A_1370 : vector<1x16xi32> to vector<16xi32>
      %swap3A_1372 = arith.constant 16 : index
      %swap3A_1373 = tpu.vector_load %arg11[%swap3A_1372] {strides = array<i32>} : memref<64xi32, #tpu.memory_space<vmem>>, vector<16xi32>,
      %swap3A_1374 = vector.shape_cast %swap3A_1373 : vector<16xi32> to vector<16xi32>
      %swap3A_1375 = vector.shape_cast %get3A_1371 : vector<16xi32> to vector<16xi32>
      tpu.vector_store %arg11[%swap3A_1372], %swap3A_1375 {strides = array<i32>} : memref<64xi32, #tpu.memory_space<vmem>>, vector<16xi32>,
      %get3A_1376 = arith.constant 13 : i32
      %get3A_1377 = arith.index_cast %get3A_1376 : i32 to index
      %get3A_1378 = arith.constant 32 : index
      %get3A_1379 = tpu.vector_load %arg8[%get3A_1377, %get3A_1378] {strides = array<i32>} : memref<16x128xi32, #tpu.memory_space<vmem>>, vector<1x16xi32>,
      %get3A_1380 = vector.shape_cast %get3A_1379 : vector<1x16xi32> to vector<16xi32>
      %swap3A_1381 = arith.constant 32 : index
      %swap3A_1382 = tpu.vector_load %arg11[%swap3A_1381] {strides = array<i32>} : memref<64xi32, #tpu.memory_space<vmem>>, vector<16xi32>,
      %swap3A_1383 = vector.shape_cast %swap3A_1382 : vector<16xi32> to vector<16xi32>
      %swap3A_1384 = vector.shape_cast %get3A_1380 : vector<16xi32> to vector<16xi32>
      tpu.vector_store %arg11[%swap3A_1381], %swap3A_1384 {strides = array<i32>} : memref<64xi32, #tpu.memory_space<vmem>>, vector<16xi32>,
      %get3A_1385 = arith.constant 13 : i32
      %get3A_1386 = arith.index_cast %get3A_1385 : i32 to index
      %get3A_1387 = arith.constant 48 : index
      %get3A_1388 = tpu.vector_load %arg8[%get3A_1386, %get3A_1387] {strides = array<i32>} : memref<16x128xi32, #tpu.memory_space<vmem>>, vector<1x16xi32>,
      %get3A_1389 = vector.shape_cast %get3A_1388 : vector<1x16xi32> to vector<16xi32>
      %swap3A_1390 = arith.constant 48 : index
      %swap3A_1391 = tpu.vector_load %arg11[%swap3A_1390] {strides = array<i32>} : memref<64xi32, #tpu.memory_space<vmem>>, vector<16xi32>,
      %swap3A_1392 = vector.shape_cast %swap3A_1391 : vector<16xi32> to vector<16xi32>
      %swap3A_1393 = vector.shape_cast %get3A_1389 : vector<16xi32> to vector<16xi32>
      tpu.vector_store %arg11[%swap3A_1390], %swap3A_1393 {strides = array<i32>} : memref<64xi32, #tpu.memory_space<vmem>>, vector<16xi32>,
      %dma_wait3A_1394 = arith.constant 0 : i32
      %dma_wait3A_1395 = arith.constant 0 : i32
      %dma_wait3A_1396 = tpu.memref_slice %arg7[%dma_wait3A_1394, %dma_wait3A_1395] : memref<16x128xi32, #tpu.memory_space<vmem>> -> memref<1x64xi32, #tpu.memory_space<vmem>>
      %dma_wait3A_1397 = tpu.memref_squeeze %dma_wait3A_1396 : memref<1x64xi32, #tpu.memory_space<vmem>> -> memref<64xi32, #tpu.memory_space<vmem>>
      %dma_wait3A_1398 = arith.constant 0 : i32
      %dma_wait3A_1399 = arith.constant 0 : i32
      %dma_wait3A_1400 = tpu.memref_slice %arg2[%dma_wait3A_1398, %dma_wait3A_1399] : memref<10000x128xf32, #tpu.memory_space<hbm>> -> memref<10000x128xf32, #tpu.memory_space<hbm>>
      tpu.wait_indirect_dma semaphore(%arg20 : memref<!tpu.dma_semaphore, #tpu.memory_space<semaphore_mem>>) src(%dma_wait3A_1400 : memref<10000x128xf32, #tpu.memory_space<hbm>>) dst(%arg15 : memref<64x128xf32, #tpu.memory_space<vmem>>)
      "tpu.region"() ({
        %run_scoped3A = tpu.sem_alloc : memref<!tpu.dma_semaphore, #tpu.memory_space<semaphore_mem>>
        %dma_start3A_1630 = arith.constant 0 : i32
        %dma_start3A_1631 = arith.constant 0 : i32
        %dma_start3A_1632 = tpu.memref_slice %arg17[%dma_start3A_1630, %dma_start3A_1631] : memref<10240x128xf32, #tpu.memory_space<vmem_shared>> -> memref<10240x128xf32, #tpu.memory_space<vmem_shared>>
        tpu.enqueue_indirect_dma source(%arg15 : memref<64x128xf32, #tpu.memory_space<vmem>>) target(%dma_start3A_1632 : memref<10240x128xf32, #tpu.memory_space<vmem_shared>>) offsets(%arg11 : memref<64xi32, #tpu.memory_space<vmem>>) semaphore(%run_scoped3A : memref<!tpu.dma_semaphore, #tpu.memory_space<semaphore_mem>>) {add = true}
        %dma_wait3A_1633 = arith.constant 0 : i32
        %dma_wait3A_1634 = arith.constant 0 : i32
        %dma_wait3A_1635 = tpu.memref_slice %arg17[%dma_wait3A_1633, %dma_wait3A_1634] : memref<10240x128xf32, #tpu.memory_space<vmem_shared>> -> memref<10240x128xf32, #tpu.memory_space<vmem_shared>>
        tpu.wait_indirect_dma semaphore(%run_scoped3A : memref<!tpu.dma_semaphore, #tpu.memory_space<semaphore_mem>>) src(%arg15 : memref<64x128xf32, #tpu.memory_space<vmem>>) dst(%dma_wait3A_1635 : memref<10240x128xf32, #tpu.memory_space<vmem_shared>>)
        tpu.yield
      }) : () -> ()
      %dma_start3A_1401 = arith.constant 15 : i32
      %dma_start3A_1402 = arith.constant 0 : i32
      %dma_start3A_1403 = tpu.memref_slice %arg7[%dma_start3A_1401, %dma_start3A_1402] : memref<16x128xi32, #tpu.memory_space<vmem>> -> memref<1x64xi32, #tpu.memory_space<vmem>>
      %dma_start3A_1404 = tpu.memref_squeeze %dma_start3A_1403 : memref<1x64xi32, #tpu.memory_space<vmem>> -> memref<64xi32, #tpu.memory_space<vmem>>
      %dma_start3A_1405 = arith.constant 0 : i32
      %dma_start3A_1406 = arith.constant 0 : i32
      %dma_start3A_1407 = tpu.memref_slice %arg2[%dma_start3A_1405, %dma_start3A_1406] : memref<10000x128xf32, #tpu.memory_space<hbm>> -> memref<10000x128xf32, #tpu.memory_space<hbm>>
      tpu.enqueue_indirect_dma source(%dma_start3A_1407 : memref<10000x128xf32, #tpu.memory_space<hbm>>) target(%arg15 : memref<64x128xf32, #tpu.memory_space<vmem>>) offsets(%dma_start3A_1404 : memref<64xi32, #tpu.memory_space<vmem>>) semaphore(%arg20 : memref<!tpu.dma_semaphore, #tpu.memory_space<semaphore_mem>>)
      %get3A_1408 = arith.constant 13 : i32
      %get3A_1409 = arith.index_cast %get3A_1408 : i32 to index
      %get3A_1410 = arith.constant 64 : index
      %get3A_1411 = tpu.vector_load %arg8[%get3A_1409, %get3A_1410] {strides = array<i32>} : memref<16x128xi32, #tpu.memory_space<vmem>>, vector<1x16xi32>,
      %get3A_1412 = vector.shape_cast %get3A_1411 : vector<1x16xi32> to vector<16xi32>
      %swap3A_1413 = arith.constant 0 : index
      %swap3A_1414 = tpu.vector_load %arg12[%swap3A_1413] {strides = array<i32>} : memref<64xi32, #tpu.memory_space<vmem>>, vector<16xi32>,
      %swap3A_1415 = vector.shape_cast %swap3A_1414 : vector<16xi32> to vector<16xi32>
      %swap3A_1416 = vector.shape_cast %get3A_1412 : vector<16xi32> to vector<16xi32>
      tpu.vector_store %arg12[%swap3A_1413], %swap3A_1416 {strides = array<i32>} : memref<64xi32, #tpu.memory_space<vmem>>, vector<16xi32>,
      %get3A_1417 = arith.constant 13 : i32
      %get3A_1418 = arith.index_cast %get3A_1417 : i32 to index
      %get3A_1419 = arith.constant 80 : index
      %get3A_1420 = tpu.vector_load %arg8[%get3A_1418, %get3A_1419] {strides = array<i32>} : memref<16x128xi32, #tpu.memory_space<vmem>>, vector<1x16xi32>,
      %get3A_1421 = vector.shape_cast %get3A_1420 : vector<1x16xi32> to vector<16xi32>
      %swap3A_1422 = arith.constant 16 : index
      %swap3A_1423 = tpu.vector_load %arg12[%swap3A_1422] {strides = array<i32>} : memref<64xi32, #tpu.memory_space<vmem>>, vector<16xi32>,
      %swap3A_1424 = vector.shape_cast %swap3A_1423 : vector<16xi32> to vector<16xi32>
      %swap3A_1425 = vector.shape_cast %get3A_1421 : vector<16xi32> to vector<16xi32>
      tpu.vector_store %arg12[%swap3A_1422], %swap3A_1425 {strides = array<i32>} : memref<64xi32, #tpu.memory_space<vmem>>, vector<16xi32>,
      %get3A_1426 = arith.constant 13 : i32
      %get3A_1427 = arith.index_cast %get3A_1426 : i32 to index
      %get3A_1428 = arith.constant 96 : index
      %get3A_1429 = tpu.vector_load %arg8[%get3A_1427, %get3A_1428] {strides = array<i32>} : memref<16x128xi32, #tpu.memory_space<vmem>>, vector<1x16xi32>,
      %get3A_1430 = vector.shape_cast %get3A_1429 : vector<1x16xi32> to vector<16xi32>
      %swap3A_1431 = arith.constant 32 : index
      %swap3A_1432 = tpu.vector_load %arg12[%swap3A_1431] {strides = array<i32>} : memref<64xi32, #tpu.memory_space<vmem>>, vector<16xi32>,
      %swap3A_1433 = vector.shape_cast %swap3A_1432 : vector<16xi32> to vector<16xi32>
      %swap3A_1434 = vector.shape_cast %get3A_1430 : vector<16xi32> to vector<16xi32>
      tpu.vector_store %arg12[%swap3A_1431], %swap3A_1434 {strides = array<i32>} : memref<64xi32, #tpu.memory_space<vmem>>, vector<16xi32>,
      %get3A_1435 = arith.constant 13 : i32
      %get3A_1436 = arith.index_cast %get3A_1435 : i32 to index
      %get3A_1437 = arith.constant 112 : index
      %get3A_1438 = tpu.vector_load %arg8[%get3A_1436, %get3A_1437] {strides = array<i32>} : memref<16x128xi32, #tpu.memory_space<vmem>>, vector<1x16xi32>,
      %get3A_1439 = vector.shape_cast %get3A_1438 : vector<1x16xi32> to vector<16xi32>
      %swap3A_1440 = arith.constant 48 : index
      %swap3A_1441 = tpu.vector_load %arg12[%swap3A_1440] {strides = array<i32>} : memref<64xi32, #tpu.memory_space<vmem>>, vector<16xi32>,
      %swap3A_1442 = vector.shape_cast %swap3A_1441 : vector<16xi32> to vector<16xi32>
      %swap3A_1443 = vector.shape_cast %get3A_1439 : vector<16xi32> to vector<16xi32>
      tpu.vector_store %arg12[%swap3A_1440], %swap3A_1443 {strides = array<i32>} : memref<64xi32, #tpu.memory_space<vmem>>, vector<16xi32>,
      %dma_wait3A_1444 = arith.constant 0 : i32
      %dma_wait3A_1445 = arith.constant 0 : i32
      %dma_wait3A_1446 = tpu.memref_slice %arg7[%dma_wait3A_1444, %dma_wait3A_1445] : memref<16x128xi32, #tpu.memory_space<vmem>> -> memref<1x64xi32, #tpu.memory_space<vmem>>
      %dma_wait3A_1447 = tpu.memref_squeeze %dma_wait3A_1446 : memref<1x64xi32, #tpu.memory_space<vmem>> -> memref<64xi32, #tpu.memory_space<vmem>>
      %dma_wait3A_1448 = arith.constant 0 : i32
      %dma_wait3A_1449 = arith.constant 0 : i32
      %dma_wait3A_1450 = tpu.memref_slice %arg2[%dma_wait3A_1448, %dma_wait3A_1449] : memref<10000x128xf32, #tpu.memory_space<hbm>> -> memref<10000x128xf32, #tpu.memory_space<hbm>>
      tpu.wait_indirect_dma semaphore(%arg21 : memref<!tpu.dma_semaphore, #tpu.memory_space<semaphore_mem>>) src(%dma_wait3A_1450 : memref<10000x128xf32, #tpu.memory_space<hbm>>) dst(%arg16 : memref<64x128xf32, #tpu.memory_space<vmem>>)
      "tpu.region"() ({
        %run_scoped3A = tpu.sem_alloc : memref<!tpu.dma_semaphore, #tpu.memory_space<semaphore_mem>>
        %dma_start3A_1630 = arith.constant 0 : i32
        %dma_start3A_1631 = arith.constant 0 : i32
        %dma_start3A_1632 = tpu.memref_slice %arg17[%dma_start3A_1630, %dma_start3A_1631] : memref<10240x128xf32, #tpu.memory_space<vmem_shared>> -> memref<10240x128xf32, #tpu.memory_space<vmem_shared>>
        tpu.enqueue_indirect_dma source(%arg16 : memref<64x128xf32, #tpu.memory_space<vmem>>) target(%dma_start3A_1632 : memref<10240x128xf32, #tpu.memory_space<vmem_shared>>) offsets(%arg12 : memref<64xi32, #tpu.memory_space<vmem>>) semaphore(%run_scoped3A : memref<!tpu.dma_semaphore, #tpu.memory_space<semaphore_mem>>) {add = true}
        %dma_wait3A_1633 = arith.constant 0 : i32
        %dma_wait3A_1634 = arith.constant 0 : i32
        %dma_wait3A_1635 = tpu.memref_slice %arg17[%dma_wait3A_1633, %dma_wait3A_1634] : memref<10240x128xf32, #tpu.memory_space<vmem_shared>> -> memref<10240x128xf32, #tpu.memory_space<vmem_shared>>
        tpu.wait_indirect_dma semaphore(%run_scoped3A : memref<!tpu.dma_semaphore, #tpu.memory_space<semaphore_mem>>) src(%arg16 : memref<64x128xf32, #tpu.memory_space<vmem>>) dst(%dma_wait3A_1635 : memref<10240x128xf32, #tpu.memory_space<vmem_shared>>)
        tpu.yield
      }) : () -> ()
      %dma_start3A_1451 = arith.constant 15 : i32
      %dma_start3A_1452 = arith.constant 64 : i32
      %dma_start3A_1453 = tpu.memref_slice %arg7[%dma_start3A_1451, %dma_start3A_1452] : memref<16x128xi32, #tpu.memory_space<vmem>> -> memref<1x64xi32, #tpu.memory_space<vmem>>
      %dma_start3A_1454 = tpu.memref_squeeze %dma_start3A_1453 : memref<1x64xi32, #tpu.memory_space<vmem>> -> memref<64xi32, #tpu.memory_space<vmem>>
      %dma_start3A_1455 = arith.constant 0 : i32
      %dma_start3A_1456 = arith.constant 0 : i32
      %dma_start3A_1457 = tpu.memref_slice %arg2[%dma_start3A_1455, %dma_start3A_1456] : memref<10000x128xf32, #tpu.memory_space<hbm>> -> memref<10000x128xf32, #tpu.memory_space<hbm>>
      tpu.enqueue_indirect_dma source(%dma_start3A_1457 : memref<10000x128xf32, #tpu.memory_space<hbm>>) target(%arg16 : memref<64x128xf32, #tpu.memory_space<vmem>>) offsets(%dma_start3A_1454 : memref<64xi32, #tpu.memory_space<vmem>>) semaphore(%arg21 : memref<!tpu.dma_semaphore, #tpu.memory_space<semaphore_mem>>)
      %get3A_1458 = arith.constant 14 : i32
      %get3A_1459 = arith.index_cast %get3A_1458 : i32 to index
      %get3A_1460 = arith.constant 0 : index
      %get3A_1461 = tpu.vector_load %arg8[%get3A_1459, %get3A_1460] {strides = array<i32>} : memref<16x128xi32, #tpu.memory_space<vmem>>, vector<1x16xi32>,
      %get3A_1462 = vector.shape_cast %get3A_1461 : vector<1x16xi32> to vector<16xi32>
      %swap3A_1463 = arith.constant 0 : index
      %swap3A_1464 = tpu.vector_load %arg9[%swap3A_1463] {strides = array<i32>} : memref<64xi32, #tpu.memory_space<vmem>>, vector<16xi32>,
      %swap3A_1465 = vector.shape_cast %swap3A_1464 : vector<16xi32> to vector<16xi32>
      %swap3A_1466 = vector.shape_cast %get3A_1462 : vector<16xi32> to vector<16xi32>
      tpu.vector_store %arg9[%swap3A_1463], %swap3A_1466 {strides = array<i32>} : memref<64xi32, #tpu.memory_space<vmem>>, vector<16xi32>,
      %get3A_1467 = arith.constant 14 : i32
      %get3A_1468 = arith.index_cast %get3A_1467 : i32 to index
      %get3A_1469 = arith.constant 16 : index
      %get3A_1470 = tpu.vector_load %arg8[%get3A_1468, %get3A_1469] {strides = array<i32>} : memref<16x128xi32, #tpu.memory_space<vmem>>, vector<1x16xi32>,
      %get3A_1471 = vector.shape_cast %get3A_1470 : vector<1x16xi32> to vector<16xi32>
      %swap3A_1472 = arith.constant 16 : index
      %swap3A_1473 = tpu.vector_load %arg9[%swap3A_1472] {strides = array<i32>} : memref<64xi32, #tpu.memory_space<vmem>>, vector<16xi32>,
      %swap3A_1474 = vector.shape_cast %swap3A_1473 : vector<16xi32> to vector<16xi32>
      %swap3A_1475 = vector.shape_cast %get3A_1471 : vector<16xi32> to vector<16xi32>
      tpu.vector_store %arg9[%swap3A_1472], %swap3A_1475 {strides = array<i32>} : memref<64xi32, #tpu.memory_space<vmem>>, vector<16xi32>,
      %get3A_1476 = arith.constant 14 : i32
      %get3A_1477 = arith.index_cast %get3A_1476 : i32 to index
      %get3A_1478 = arith.constant 32 : index
      %get3A_1479 = tpu.vector_load %arg8[%get3A_1477, %get3A_1478] {strides = array<i32>} : memref<16x128xi32, #tpu.memory_space<vmem>>, vector<1x16xi32>,
      %get3A_1480 = vector.shape_cast %get3A_1479 : vector<1x16xi32> to vector<16xi32>
      %swap3A_1481 = arith.constant 32 : index
      %swap3A_1482 = tpu.vector_load %arg9[%swap3A_1481] {strides = array<i32>} : memref<64xi32, #tpu.memory_space<vmem>>, vector<16xi32>,
      %swap3A_1483 = vector.shape_cast %swap3A_1482 : vector<16xi32> to vector<16xi32>
      %swap3A_1484 = vector.shape_cast %get3A_1480 : vector<16xi32> to vector<16xi32>
      tpu.vector_store %arg9[%swap3A_1481], %swap3A_1484 {strides = array<i32>} : memref<64xi32, #tpu.memory_space<vmem>>, vector<16xi32>,
      %get3A_1485 = arith.constant 14 : i32
      %get3A_1486 = arith.index_cast %get3A_1485 : i32 to index
      %get3A_1487 = arith.constant 48 : index
      %get3A_1488 = tpu.vector_load %arg8[%get3A_1486, %get3A_1487] {strides = array<i32>} : memref<16x128xi32, #tpu.memory_space<vmem>>, vector<1x16xi32>,
      %get3A_1489 = vector.shape_cast %get3A_1488 : vector<1x16xi32> to vector<16xi32>
      %swap3A_1490 = arith.constant 48 : index
      %swap3A_1491 = tpu.vector_load %arg9[%swap3A_1490] {strides = array<i32>} : memref<64xi32, #tpu.memory_space<vmem>>, vector<16xi32>,
      %swap3A_1492 = vector.shape_cast %swap3A_1491 : vector<16xi32> to vector<16xi32>
      %swap3A_1493 = vector.shape_cast %get3A_1489 : vector<16xi32> to vector<16xi32>
      tpu.vector_store %arg9[%swap3A_1490], %swap3A_1493 {strides = array<i32>} : memref<64xi32, #tpu.memory_space<vmem>>, vector<16xi32>,
      %dma_wait3A_1494 = arith.constant 0 : i32
      %dma_wait3A_1495 = arith.constant 0 : i32
      %dma_wait3A_1496 = tpu.memref_slice %arg7[%dma_wait3A_1494, %dma_wait3A_1495] : memref<16x128xi32, #tpu.memory_space<vmem>> -> memref<1x64xi32, #tpu.memory_space<vmem>>
      %dma_wait3A_1497 = tpu.memref_squeeze %dma_wait3A_1496 : memref<1x64xi32, #tpu.memory_space<vmem>> -> memref<64xi32, #tpu.memory_space<vmem>>
      %dma_wait3A_1498 = arith.constant 0 : i32
      %dma_wait3A_1499 = arith.constant 0 : i32
      %dma_wait3A_1500 = tpu.memref_slice %arg2[%dma_wait3A_1498, %dma_wait3A_1499] : memref<10000x128xf32, #tpu.memory_space<hbm>> -> memref<10000x128xf32, #tpu.memory_space<hbm>>
      tpu.wait_indirect_dma semaphore(%arg18 : memref<!tpu.dma_semaphore, #tpu.memory_space<semaphore_mem>>) src(%dma_wait3A_1500 : memref<10000x128xf32, #tpu.memory_space<hbm>>) dst(%arg13 : memref<64x128xf32, #tpu.memory_space<vmem>>)
      "tpu.region"() ({
        %run_scoped3A = tpu.sem_alloc : memref<!tpu.dma_semaphore, #tpu.memory_space<semaphore_mem>>
        %dma_start3A_1630 = arith.constant 0 : i32
        %dma_start3A_1631 = arith.constant 0 : i32
        %dma_start3A_1632 = tpu.memref_slice %arg17[%dma_start3A_1630, %dma_start3A_1631] : memref<10240x128xf32, #tpu.memory_space<vmem_shared>> -> memref<10240x128xf32, #tpu.memory_space<vmem_shared>>
        tpu.enqueue_indirect_dma source(%arg13 : memref<64x128xf32, #tpu.memory_space<vmem>>) target(%dma_start3A_1632 : memref<10240x128xf32, #tpu.memory_space<vmem_shared>>) offsets(%arg9 : memref<64xi32, #tpu.memory_space<vmem>>) semaphore(%run_scoped3A : memref<!tpu.dma_semaphore, #tpu.memory_space<semaphore_mem>>) {add = true}
        %dma_wait3A_1633 = arith.constant 0 : i32
        %dma_wait3A_1634 = arith.constant 0 : i32
        %dma_wait3A_1635 = tpu.memref_slice %arg17[%dma_wait3A_1633, %dma_wait3A_1634] : memref<10240x128xf32, #tpu.memory_space<vmem_shared>> -> memref<10240x128xf32, #tpu.memory_space<vmem_shared>>
        tpu.wait_indirect_dma semaphore(%run_scoped3A : memref<!tpu.dma_semaphore, #tpu.memory_space<semaphore_mem>>) src(%arg13 : memref<64x128xf32, #tpu.memory_space<vmem>>) dst(%dma_wait3A_1635 : memref<10240x128xf32, #tpu.memory_space<vmem_shared>>)
        tpu.yield
      }) : () -> ()
      %get3A_1501 = arith.constant 14 : i32
      %get3A_1502 = arith.index_cast %get3A_1501 : i32 to index
      %get3A_1503 = arith.constant 64 : index
      %get3A_1504 = tpu.vector_load %arg8[%get3A_1502, %get3A_1503] {strides = array<i32>} : memref<16x128xi32, #tpu.memory_space<vmem>>, vector<1x16xi32>,
      %get3A_1505 = vector.shape_cast %get3A_1504 : vector<1x16xi32> to vector<16xi32>
      %swap3A_1506 = arith.constant 0 : index
      %swap3A_1507 = tpu.vector_load %arg10[%swap3A_1506] {strides = array<i32>} : memref<64xi32, #tpu.memory_space<vmem>>, vector<16xi32>,
      %swap3A_1508 = vector.shape_cast %swap3A_1507 : vector<16xi32> to vector<16xi32>
      %swap3A_1509 = vector.shape_cast %get3A_1505 : vector<16xi32> to vector<16xi32>
      tpu.vector_store %arg10[%swap3A_1506], %swap3A_1509 {strides = array<i32>} : memref<64xi32, #tpu.memory_space<vmem>>, vector<16xi32>,
      %get3A_1510 = arith.constant 14 : i32
      %get3A_1511 = arith.index_cast %get3A_1510 : i32 to index
      %get3A_1512 = arith.constant 80 : index
      %get3A_1513 = tpu.vector_load %arg8[%get3A_1511, %get3A_1512] {strides = array<i32>} : memref<16x128xi32, #tpu.memory_space<vmem>>, vector<1x16xi32>,
      %get3A_1514 = vector.shape_cast %get3A_1513 : vector<1x16xi32> to vector<16xi32>
      %swap3A_1515 = arith.constant 16 : index
      %swap3A_1516 = tpu.vector_load %arg10[%swap3A_1515] {strides = array<i32>} : memref<64xi32, #tpu.memory_space<vmem>>, vector<16xi32>,
      %swap3A_1517 = vector.shape_cast %swap3A_1516 : vector<16xi32> to vector<16xi32>
      %swap3A_1518 = vector.shape_cast %get3A_1514 : vector<16xi32> to vector<16xi32>
      tpu.vector_store %arg10[%swap3A_1515], %swap3A_1518 {strides = array<i32>} : memref<64xi32, #tpu.memory_space<vmem>>, vector<16xi32>,
      %get3A_1519 = arith.constant 14 : i32
      %get3A_1520 = arith.index_cast %get3A_1519 : i32 to index
      %get3A_1521 = arith.constant 96 : index
      %get3A_1522 = tpu.vector_load %arg8[%get3A_1520, %get3A_1521] {strides = array<i32>} : memref<16x128xi32, #tpu.memory_space<vmem>>, vector<1x16xi32>,
      %get3A_1523 = vector.shape_cast %get3A_1522 : vector<1x16xi32> to vector<16xi32>
      %swap3A_1524 = arith.constant 32 : index
      %swap3A_1525 = tpu.vector_load %arg10[%swap3A_1524] {strides = array<i32>} : memref<64xi32, #tpu.memory_space<vmem>>, vector<16xi32>,
      %swap3A_1526 = vector.shape_cast %swap3A_1525 : vector<16xi32> to vector<16xi32>
      %swap3A_1527 = vector.shape_cast %get3A_1523 : vector<16xi32> to vector<16xi32>
      tpu.vector_store %arg10[%swap3A_1524], %swap3A_1527 {strides = array<i32>} : memref<64xi32, #tpu.memory_space<vmem>>, vector<16xi32>,
      %get3A_1528 = arith.constant 14 : i32
      %get3A_1529 = arith.index_cast %get3A_1528 : i32 to index
      %get3A_1530 = arith.constant 112 : index
      %get3A_1531 = tpu.vector_load %arg8[%get3A_1529, %get3A_1530] {strides = array<i32>} : memref<16x128xi32, #tpu.memory_space<vmem>>, vector<1x16xi32>,
      %get3A_1532 = vector.shape_cast %get3A_1531 : vector<1x16xi32> to vector<16xi32>
      %swap3A_1533 = arith.constant 48 : index
      %swap3A_1534 = tpu.vector_load %arg10[%swap3A_1533] {strides = array<i32>} : memref<64xi32, #tpu.memory_space<vmem>>, vector<16xi32>,
      %swap3A_1535 = vector.shape_cast %swap3A_1534 : vector<16xi32> to vector<16xi32>
      %swap3A_1536 = vector.shape_cast %get3A_1532 : vector<16xi32> to vector<16xi32>
      tpu.vector_store %arg10[%swap3A_1533], %swap3A_1536 {strides = array<i32>} : memref<64xi32, #tpu.memory_space<vmem>>, vector<16xi32>,
      %dma_wait3A_1537 = arith.constant 0 : i32
      %dma_wait3A_1538 = arith.constant 0 : i32
      %dma_wait3A_1539 = tpu.memref_slice %arg7[%dma_wait3A_1537, %dma_wait3A_1538] : memref<16x128xi32, #tpu.memory_space<vmem>> -> memref<1x64xi32, #tpu.memory_space<vmem>>
      %dma_wait3A_1540 = tpu.memref_squeeze %dma_wait3A_1539 : memref<1x64xi32, #tpu.memory_space<vmem>> -> memref<64xi32, #tpu.memory_space<vmem>>
      %dma_wait3A_1541 = arith.constant 0 : i32
      %dma_wait3A_1542 = arith.constant 0 : i32
      %dma_wait3A_1543 = tpu.memref_slice %arg2[%dma_wait3A_1541, %dma_wait3A_1542] : memref<10000x128xf32, #tpu.memory_space<hbm>> -> memref<10000x128xf32, #tpu.memory_space<hbm>>
      tpu.wait_indirect_dma semaphore(%arg19 : memref<!tpu.dma_semaphore, #tpu.memory_space<semaphore_mem>>) src(%dma_wait3A_1543 : memref<10000x128xf32, #tpu.memory_space<hbm>>) dst(%arg14 : memref<64x128xf32, #tpu.memory_space<vmem>>)
      "tpu.region"() ({
        %run_scoped3A = tpu.sem_alloc : memref<!tpu.dma_semaphore, #tpu.memory_space<semaphore_mem>>
        %dma_start3A_1630 = arith.constant 0 : i32
        %dma_start3A_1631 = arith.constant 0 : i32
        %dma_start3A_1632 = tpu.memref_slice %arg17[%dma_start3A_1630, %dma_start3A_1631] : memref<10240x128xf32, #tpu.memory_space<vmem_shared>> -> memref<10240x128xf32, #tpu.memory_space<vmem_shared>>
        tpu.enqueue_indirect_dma source(%arg14 : memref<64x128xf32, #tpu.memory_space<vmem>>) target(%dma_start3A_1632 : memref<10240x128xf32, #tpu.memory_space<vmem_shared>>) offsets(%arg10 : memref<64xi32, #tpu.memory_space<vmem>>) semaphore(%run_scoped3A : memref<!tpu.dma_semaphore, #tpu.memory_space<semaphore_mem>>) {add = true}
        %dma_wait3A_1633 = arith.constant 0 : i32
        %dma_wait3A_1634 = arith.constant 0 : i32
        %dma_wait3A_1635 = tpu.memref_slice %arg17[%dma_wait3A_1633, %dma_wait3A_1634] : memref<10240x128xf32, #tpu.memory_space<vmem_shared>> -> memref<10240x128xf32, #tpu.memory_space<vmem_shared>>
        tpu.wait_indirect_dma semaphore(%run_scoped3A : memref<!tpu.dma_semaphore, #tpu.memory_space<semaphore_mem>>) src(%arg14 : memref<64x128xf32, #tpu.memory_space<vmem>>) dst(%dma_wait3A_1635 : memref<10240x128xf32, #tpu.memory_space<vmem_shared>>)
        tpu.yield
      }) : () -> ()
      %get3A_1544 = arith.constant 15 : i32
      %get3A_1545 = arith.index_cast %get3A_1544 : i32 to index
      %get3A_1546 = arith.constant 0 : index
      %get3A_1547 = tpu.vector_load %arg8[%get3A_1545, %get3A_1546] {strides = array<i32>} : memref<16x128xi32, #tpu.memory_space<vmem>>, vector<1x16xi32>,
      %get3A_1548 = vector.shape_cast %get3A_1547 : vector<1x16xi32> to vector<16xi32>
      %swap3A_1549 = arith.constant 0 : index
      %swap3A_1550 = tpu.vector_load %arg11[%swap3A_1549] {strides = array<i32>} : memref<64xi32, #tpu.memory_space<vmem>>, vector<16xi32>,
      %swap3A_1551 = vector.shape_cast %swap3A_1550 : vector<16xi32> to vector<16xi32>
      %swap3A_1552 = vector.shape_cast %get3A_1548 : vector<16xi32> to vector<16xi32>
      tpu.vector_store %arg11[%swap3A_1549], %swap3A_1552 {strides = array<i32>} : memref<64xi32, #tpu.memory_space<vmem>>, vector<16xi32>,
      %get3A_1553 = arith.constant 15 : i32
      %get3A_1554 = arith.index_cast %get3A_1553 : i32 to index
      %get3A_1555 = arith.constant 16 : index
      %get3A_1556 = tpu.vector_load %arg8[%get3A_1554, %get3A_1555] {strides = array<i32>} : memref<16x128xi32, #tpu.memory_space<vmem>>, vector<1x16xi32>,
      %get3A_1557 = vector.shape_cast %get3A_1556 : vector<1x16xi32> to vector<16xi32>
      %swap3A_1558 = arith.constant 16 : index
      %swap3A_1559 = tpu.vector_load %arg11[%swap3A_1558] {strides = array<i32>} : memref<64xi32, #tpu.memory_space<vmem>>, vector<16xi32>,
      %swap3A_1560 = vector.shape_cast %swap3A_1559 : vector<16xi32> to vector<16xi32>
      %swap3A_1561 = vector.shape_cast %get3A_1557 : vector<16xi32> to vector<16xi32>
      tpu.vector_store %arg11[%swap3A_1558], %swap3A_1561 {strides = array<i32>} : memref<64xi32, #tpu.memory_space<vmem>>, vector<16xi32>,
      %get3A_1562 = arith.constant 15 : i32
      %get3A_1563 = arith.index_cast %get3A_1562 : i32 to index
      %get3A_1564 = arith.constant 32 : index
      %get3A_1565 = tpu.vector_load %arg8[%get3A_1563, %get3A_1564] {strides = array<i32>} : memref<16x128xi32, #tpu.memory_space<vmem>>, vector<1x16xi32>,
      %get3A_1566 = vector.shape_cast %get3A_1565 : vector<1x16xi32> to vector<16xi32>
      %swap3A_1567 = arith.constant 32 : index
      %swap3A_1568 = tpu.vector_load %arg11[%swap3A_1567] {strides = array<i32>} : memref<64xi32, #tpu.memory_space<vmem>>, vector<16xi32>,
      %swap3A_1569 = vector.shape_cast %swap3A_1568 : vector<16xi32> to vector<16xi32>
      %swap3A_1570 = vector.shape_cast %get3A_1566 : vector<16xi32> to vector<16xi32>
      tpu.vector_store %arg11[%swap3A_1567], %swap3A_1570 {strides = array<i32>} : memref<64xi32, #tpu.memory_space<vmem>>, vector<16xi32>,
      %get3A_1571 = arith.constant 15 : i32
      %get3A_1572 = arith.index_cast %get3A_1571 : i32 to index
      %get3A_1573 = arith.constant 48 : index
      %get3A_1574 = tpu.vector_load %arg8[%get3A_1572, %get3A_1573] {strides = array<i32>} : memref<16x128xi32, #tpu.memory_space<vmem>>, vector<1x16xi32>,
      %get3A_1575 = vector.shape_cast %get3A_1574 : vector<1x16xi32> to vector<16xi32>
      %swap3A_1576 = arith.constant 48 : index
      %swap3A_1577 = tpu.vector_load %arg11[%swap3A_1576] {strides = array<i32>} : memref<64xi32, #tpu.memory_space<vmem>>, vector<16xi32>,
      %swap3A_1578 = vector.shape_cast %swap3A_1577 : vector<16xi32> to vector<16xi32>
      %swap3A_1579 = vector.shape_cast %get3A_1575 : vector<16xi32> to vector<16xi32>
      tpu.vector_store %arg11[%swap3A_1576], %swap3A_1579 {strides = array<i32>} : memref<64xi32, #tpu.memory_space<vmem>>, vector<16xi32>,
      %dma_wait3A_1580 = arith.constant 0 : i32
      %dma_wait3A_1581 = arith.constant 0 : i32
      %dma_wait3A_1582 = tpu.memref_slice %arg7[%dma_wait3A_1580, %dma_wait3A_1581] : memref<16x128xi32, #tpu.memory_space<vmem>> -> memref<1x64xi32, #tpu.memory_space<vmem>>
      %dma_wait3A_1583 = tpu.memref_squeeze %dma_wait3A_1582 : memref<1x64xi32, #tpu.memory_space<vmem>> -> memref<64xi32, #tpu.memory_space<vmem>>
      %dma_wait3A_1584 = arith.constant 0 : i32
      %dma_wait3A_1585 = arith.constant 0 : i32
      %dma_wait3A_1586 = tpu.memref_slice %arg2[%dma_wait3A_1584, %dma_wait3A_1585] : memref<10000x128xf32, #tpu.memory_space<hbm>> -> memref<10000x128xf32, #tpu.memory_space<hbm>>
      tpu.wait_indirect_dma semaphore(%arg20 : memref<!tpu.dma_semaphore, #tpu.memory_space<semaphore_mem>>) src(%dma_wait3A_1586 : memref<10000x128xf32, #tpu.memory_space<hbm>>) dst(%arg15 : memref<64x128xf32, #tpu.memory_space<vmem>>)
      "tpu.region"() ({
        %run_scoped3A = tpu.sem_alloc : memref<!tpu.dma_semaphore, #tpu.memory_space<semaphore_mem>>
        %dma_start3A_1630 = arith.constant 0 : i32
        %dma_start3A_1631 = arith.constant 0 : i32
        %dma_start3A_1632 = tpu.memref_slice %arg17[%dma_start3A_1630, %dma_start3A_1631] : memref<10240x128xf32, #tpu.memory_space<vmem_shared>> -> memref<10240x128xf32, #tpu.memory_space<vmem_shared>>
        tpu.enqueue_indirect_dma source(%arg15 : memref<64x128xf32, #tpu.memory_space<vmem>>) target(%dma_start3A_1632 : memref<10240x128xf32, #tpu.memory_space<vmem_shared>>) offsets(%arg11 : memref<64xi32, #tpu.memory_space<vmem>>) semaphore(%run_scoped3A : memref<!tpu.dma_semaphore, #tpu.memory_space<semaphore_mem>>) {add = true}
        %dma_wait3A_1633 = arith.constant 0 : i32
        %dma_wait3A_1634 = arith.constant 0 : i32
        %dma_wait3A_1635 = tpu.memref_slice %arg17[%dma_wait3A_1633, %dma_wait3A_1634] : memref<10240x128xf32, #tpu.memory_space<vmem_shared>> -> memref<10240x128xf32, #tpu.memory_space<vmem_shared>>
        tpu.wait_indirect_dma semaphore(%run_scoped3A : memref<!tpu.dma_semaphore, #tpu.memory_space<semaphore_mem>>) src(%arg15 : memref<64x128xf32, #tpu.memory_space<vmem>>) dst(%dma_wait3A_1635 : memref<10240x128xf32, #tpu.memory_space<vmem_shared>>)
        tpu.yield
      }) : () -> ()
      %get3A_1587 = arith.constant 15 : i32
      %get3A_1588 = arith.index_cast %get3A_1587 : i32 to index
      %get3A_1589 = arith.constant 64 : index
      %get3A_1590 = tpu.vector_load %arg8[%get3A_1588, %get3A_1589] {strides = array<i32>} : memref<16x128xi32, #tpu.memory_space<vmem>>, vector<1x16xi32>,
      %get3A_1591 = vector.shape_cast %get3A_1590 : vector<1x16xi32> to vector<16xi32>
      %swap3A_1592 = arith.constant 0 : index
      %swap3A_1593 = tpu.vector_load %arg12[%swap3A_1592] {strides = array<i32>} : memref<64xi32, #tpu.memory_space<vmem>>, vector<16xi32>,
      %swap3A_1594 = vector.shape_cast %swap3A_1593 : vector<16xi32> to vector<16xi32>
      %swap3A_1595 = vector.shape_cast %get3A_1591 : vector<16xi32> to vector<16xi32>
      tpu.vector_store %arg12[%swap3A_1592], %swap3A_1595 {strides = array<i32>} : memref<64xi32, #tpu.memory_space<vmem>>, vector<16xi32>,
      %get3A_1596 = arith.constant 15 : i32
      %get3A_1597 = arith.index_cast %get3A_1596 : i32 to index
      %get3A_1598 = arith.constant 80 : index
      %get3A_1599 = tpu.vector_load %arg8[%get3A_1597, %get3A_1598] {strides = array<i32>} : memref<16x128xi32, #tpu.memory_space<vmem>>, vector<1x16xi32>,
      %get3A_1600 = vector.shape_cast %get3A_1599 : vector<1x16xi32> to vector<16xi32>
      %swap3A_1601 = arith.constant 16 : index
      %swap3A_1602 = tpu.vector_load %arg12[%swap3A_1601] {strides = array<i32>} : memref<64xi32, #tpu.memory_space<vmem>>, vector<16xi32>,
      %swap3A_1603 = vector.shape_cast %swap3A_1602 : vector<16xi32> to vector<16xi32>
      %swap3A_1604 = vector.shape_cast %get3A_1600 : vector<16xi32> to vector<16xi32>
      tpu.vector_store %arg12[%swap3A_1601], %swap3A_1604 {strides = array<i32>} : memref<64xi32, #tpu.memory_space<vmem>>, vector<16xi32>,
      %get3A_1605 = arith.constant 15 : i32
      %get3A_1606 = arith.index_cast %get3A_1605 : i32 to index
      %get3A_1607 = arith.constant 96 : index
      %get3A_1608 = tpu.vector_load %arg8[%get3A_1606, %get3A_1607] {strides = array<i32>} : memref<16x128xi32, #tpu.memory_space<vmem>>, vector<1x16xi32>,
      %get3A_1609 = vector.shape_cast %get3A_1608 : vector<1x16xi32> to vector<16xi32>
      %swap3A_1610 = arith.constant 32 : index
      %swap3A_1611 = tpu.vector_load %arg12[%swap3A_1610] {strides = array<i32>} : memref<64xi32, #tpu.memory_space<vmem>>, vector<16xi32>,
      %swap3A_1612 = vector.shape_cast %swap3A_1611 : vector<16xi32> to vector<16xi32>
      %swap3A_1613 = vector.shape_cast %get3A_1609 : vector<16xi32> to vector<16xi32>
      tpu.vector_store %arg12[%swap3A_1610], %swap3A_1613 {strides = array<i32>} : memref<64xi32, #tpu.memory_space<vmem>>, vector<16xi32>,
      %get3A_1614 = arith.constant 15 : i32
      %get3A_1615 = arith.index_cast %get3A_1614 : i32 to index
      %get3A_1616 = arith.constant 112 : index
      %get3A_1617 = tpu.vector_load %arg8[%get3A_1615, %get3A_1616] {strides = array<i32>} : memref<16x128xi32, #tpu.memory_space<vmem>>, vector<1x16xi32>,
      %get3A_1618 = vector.shape_cast %get3A_1617 : vector<1x16xi32> to vector<16xi32>
      %swap3A_1619 = arith.constant 48 : index
      %swap3A_1620 = tpu.vector_load %arg12[%swap3A_1619] {strides = array<i32>} : memref<64xi32, #tpu.memory_space<vmem>>, vector<16xi32>,
      %swap3A_1621 = vector.shape_cast %swap3A_1620 : vector<16xi32> to vector<16xi32>
      %swap3A_1622 = vector.shape_cast %get3A_1618 : vector<16xi32> to vector<16xi32>
      tpu.vector_store %arg12[%swap3A_1619], %swap3A_1622 {strides = array<i32>} : memref<64xi32, #tpu.memory_space<vmem>>, vector<16xi32>,
      %dma_wait3A_1623 = arith.constant 0 : i32
      %dma_wait3A_1624 = arith.constant 0 : i32
      %dma_wait3A_1625 = tpu.memref_slice %arg7[%dma_wait3A_1623, %dma_wait3A_1624] : memref<16x128xi32, #tpu.memory_space<vmem>> -> memref<1x64xi32, #tpu.memory_space<vmem>>
      %dma_wait3A_1626 = tpu.memref_squeeze %dma_wait3A_1625 : memref<1x64xi32, #tpu.memory_space<vmem>> -> memref<64xi32, #tpu.memory_space<vmem>>
      %dma_wait3A_1627 = arith.constant 0 : i32
      %dma_wait3A_1628 = arith.constant 0 : i32
      %dma_wait3A_1629 = tpu.memref_slice %arg2[%dma_wait3A_1627, %dma_wait3A_1628] : memref<10000x128xf32, #tpu.memory_space<hbm>> -> memref<10000x128xf32, #tpu.memory_space<hbm>>
      tpu.wait_indirect_dma semaphore(%arg21 : memref<!tpu.dma_semaphore, #tpu.memory_space<semaphore_mem>>) src(%dma_wait3A_1629 : memref<10000x128xf32, #tpu.memory_space<hbm>>) dst(%arg16 : memref<64x128xf32, #tpu.memory_space<vmem>>)
      "tpu.region"() ({
        %run_scoped3A = tpu.sem_alloc : memref<!tpu.dma_semaphore, #tpu.memory_space<semaphore_mem>>
        %dma_start3A_1630 = arith.constant 0 : i32
        %dma_start3A_1631 = arith.constant 0 : i32
        %dma_start3A_1632 = tpu.memref_slice %arg17[%dma_start3A_1630, %dma_start3A_1631] : memref<10240x128xf32, #tpu.memory_space<vmem_shared>> -> memref<10240x128xf32, #tpu.memory_space<vmem_shared>>
        tpu.enqueue_indirect_dma source(%arg16 : memref<64x128xf32, #tpu.memory_space<vmem>>) target(%dma_start3A_1632 : memref<10240x128xf32, #tpu.memory_space<vmem_shared>>) offsets(%arg12 : memref<64xi32, #tpu.memory_space<vmem>>) semaphore(%run_scoped3A : memref<!tpu.dma_semaphore, #tpu.memory_space<semaphore_mem>>) {add = true}
        %dma_wait3A_1633 = arith.constant 0 : i32
        %dma_wait3A_1634 = arith.constant 0 : i32
        %dma_wait3A_1635 = tpu.memref_slice %arg17[%dma_wait3A_1633, %dma_wait3A_1634] : memref<10240x128xf32, #tpu.memory_space<vmem_shared>> -> memref<10240x128xf32, #tpu.memory_space<vmem_shared>>
        tpu.wait_indirect_dma semaphore(%run_scoped3A : memref<!tpu.dma_semaphore, #tpu.memory_space<semaphore_mem>>) src(%arg16 : memref<64x128xf32, #tpu.memory_space<vmem>>) dst(%dma_wait3A_1635 : memref<10240x128xf32, #tpu.memory_space<vmem_shared>>)
        tpu.yield
      }) : () -> ()
    }
    %barrier3A_22 = arith.constant 0 : index
    tpu.barrier barrier_id(%barrier3A_22)
    %mul3A_23 = arith.constant 640 : i32
    %mul3A_24 = arith.muli %arg1, %mul3A_23 : i32
    %mul3A_25 = arith.constant 640 : i32
    %mul3A_26 = arith.muli %arg1, %mul3A_25 : i32
    "tpu.region"() ({
      %run_scoped3A = tpu.sem_alloc : memref<!tpu.dma_semaphore, #tpu.memory_space<semaphore_mem>>
      %dma_start3A = arith.constant 0 : i32
      %dma_start3A_27 = tpu.memref_slice %arg6[%arg0, %mul3A_26, %dma_start3A] : memref<2x10240x128xf32, #tpu.memory_space<hbm>> -> memref<1x640x128xf32, #tpu.memory_space<hbm>>
      %dma_start3A_28 = tpu.memref_squeeze %dma_start3A_27 : memref<1x640x128xf32, #tpu.memory_space<hbm>> -> memref<640x128xf32, #tpu.memory_space<hbm>>
      %dma_start3A_29 = arith.constant 0 : i32
      %dma_start3A_30 = tpu.memref_slice %arg17[%mul3A_24, %dma_start3A_29] : memref<10240x128xf32, #tpu.memory_space<vmem_shared>> -> memref<640x128xf32, #tpu.memory_space<vmem_shared>>
      tpu.enqueue_dma source(%dma_start3A_30 : memref<640x128xf32, #tpu.memory_space<vmem_shared>>) target(%dma_start3A_28 : memref<640x128xf32, #tpu.memory_space<hbm>>) target_semaphore(%run_scoped3A : memref<!tpu.dma_semaphore, #tpu.memory_space<semaphore_mem>>)
      %dma_wait3A = arith.constant 0 : i32
      %dma_wait3A_31 = tpu.memref_slice %arg6[%arg0, %mul3A_26, %dma_wait3A] : memref<2x10240x128xf32, #tpu.memory_space<hbm>> -> memref<1x640x128xf32, #tpu.memory_space<hbm>>
      %dma_wait3A_32 = tpu.memref_squeeze %dma_wait3A_31 : memref<1x640x128xf32, #tpu.memory_space<hbm>> -> memref<640x128xf32, #tpu.memory_space<hbm>>
      %dma_wait3A_33 = arith.constant 0 : i32
      %dma_wait3A_34 = tpu.memref_slice %arg17[%mul3A_24, %dma_wait3A_33] : memref<10240x128xf32, #tpu.memory_space<vmem_shared>> -> memref<640x128xf32, #tpu.memory_space<vmem_shared>>
      tpu.wait_dma2 semaphore(%run_scoped3A : memref<!tpu.dma_semaphore, #tpu.memory_space<semaphore_mem>>) src(%dma_wait3A_34 : memref<640x128xf32, #tpu.memory_space<vmem_shared>>) dst(%dma_wait3A_32 : memref<640x128xf32, #tpu.memory_space<hbm>>)
      tpu.yield
    }) : () -> ()
    return
  }
}

module attributes {stable_mosaic.version = 14 : i64} {
  func.func @_prep_body(%arg0: i32, %arg1: memref<1000x128xf32, #tpu.memory_space<vmem>>, %arg2: memref<128x128xf32, #tpu.memory_space<vmem>>, %arg3: memref<1x1000x128xf32, #tpu.memory_space<vmem>>, %arg4: memref<1x1000x128xf32, #tpu.memory_space<vmem>>, %arg5: memref<1000x128xf32, #tpu.memory_space<vmem>>, %arg6: memref<1000x128xf32, #tpu.memory_space<vmem>>) attributes {dimension_semantics = [#tpu.dimension_semantics<arbitrary>], iteration_bounds = array<i64: 10>, scalar_prefetch = 0 : i64, scratch_operands = 0 : i64, tpu.core_type = #tpu.core_type<tc>, window_params = [{transform_indices = @transform_0, window_bounds = array<i64: 1000, 128>}, {pipeline_mode = #tpu.pipeline_mode<synchronous>, transform_indices = @transform_1, window_bounds = array<i64: 128, 128>}, {transform_indices = @transform_2, window_bounds = array<i64: 1, 1000, 128>}, {transform_indices = @transform_3, window_bounds = array<i64: 1, 1000, 128>}, {transform_indices = @transform_4, window_bounds = array<i64: 1000, 128>}, {transform_indices = @transform_5, window_bounds = array<i64: 1000, 128>}]} {
    %get3A = arith.constant 0 : index
    %get3A_0 = arith.constant 0 : index
    %get3A_1 = arith.constant 0 : index
    %get3A_2 = vector.load %arg3[%get3A, %get3A_0, %get3A_1] : memref<1x1000x128xf32, #tpu.memory_space<vmem>>, vector<1x1000x1xf32>
    %get3A_3 = vector.shape_cast %get3A_2 : vector<1x1000x1xf32> to vector<1000x1xf32>
    %get3A_4 = arith.constant 0 : index
    %get3A_5 = arith.constant 0 : index
    %get3A_6 = arith.constant 0 : index
    %get3A_7 = vector.load %arg4[%get3A_4, %get3A_5, %get3A_6] : memref<1x1000x128xf32, #tpu.memory_space<vmem>>, vector<1x1000x1xf32>
    %get3A_8 = vector.shape_cast %get3A_7 : vector<1x1000x1xf32> to vector<1000x1xf32>
    %add3A = arith.addf %get3A_3, %get3A_8 : vector<1000x1xf32>
    %add3A_9 = arith.constant 1.000000e+00 : f32
    %add3A_10 = vector.broadcast %add3A_9 : f32 to vector<1000x1xf32>
    %add3A_11 = arith.addf %add3A, %add3A_10 : vector<1000x1xf32>
    %rsqrt3A = math.rsqrt %add3A_11 : vector<1000x1xf32>
    %get3A_12 = arith.constant 0 : index
    %get3A_13 = arith.constant 0 : index
    %get3A_14 = vector.load %arg1[%get3A_12, %get3A_13] : memref<1000x128xf32, #tpu.memory_space<vmem>>, vector<1000x128xf32>
    %get3A_15 = arith.constant 0 : index
    %get3A_16 = arith.constant 0 : index
    %get3A_17 = vector.load %arg2[%get3A_15, %get3A_16] : memref<128x128xf32, #tpu.memory_space<vmem>>, vector<128x128xf32>
    %dot_general3A = arith.constant dense<0.000000e+00> : vector<1000x128xf32>
    %dot_general3A_18 = tpu.matmul %get3A_14, %get3A_17, %dot_general3A {dimension_numbers = #tpu.dot_dimension_numbers<[1], [1], [0], [0], [0, 0, 1, 0], [], []>, transpose_lhs_hint = false} : vector<1000x128xf32>, vector<128x128xf32>, vector<1000x128xf32> -> vector<1000x128xf32>
    %mul3A = vector.broadcast %rsqrt3A : vector<1000x1xf32> to vector<1000x128xf32>
    %mul3A_19 = arith.mulf %mul3A, %dot_general3A_18 : vector<1000x128xf32>
    %swap3A = arith.constant 0 : index
    %swap3A_20 = arith.constant 0 : index
    %swap3A_21 = vector.load %arg5[%swap3A, %swap3A_20] : memref<1000x128xf32, #tpu.memory_space<vmem>>, vector<1000x128xf32>
    tpu.vector_store %arg5[%swap3A, %swap3A_20], %mul3A_19 {strides = array<i32>} : memref<1000x128xf32, #tpu.memory_space<vmem>>, vector<1000x128xf32>,
    %mul3A_22 = vector.broadcast %rsqrt3A : vector<1000x1xf32> to vector<1000x128xf32>
    %mul3A_23 = arith.mulf %mul3A_22, %mul3A_19 : vector<1000x128xf32>
    %swap3A_24 = arith.constant 0 : index
    %swap3A_25 = arith.constant 0 : index
    %swap3A_26 = vector.load %arg6[%swap3A_24, %swap3A_25] : memref<1000x128xf32, #tpu.memory_space<vmem>>, vector<1000x128xf32>
    tpu.vector_store %arg6[%swap3A_24, %swap3A_25], %mul3A_23 {strides = array<i32>} : memref<1000x128xf32, #tpu.memory_space<vmem>>, vector<1000x128xf32>,
    return
  }
  func.func @transform_0(%arg0: i32) -> (i32, i32) {
    %c0_i32 = arith.constant 0 : i32
    %c0_i32_0 = arith.constant 0 : i32
    return %arg0, %c0_i32 : i32, i32
  }
  func.func @transform_1(%arg0: i32) -> (i32, i32) {
    %c0_i32 = arith.constant 0 : i32
    %c0_i32_0 = arith.constant 0 : i32
    %c0_i32_1 = arith.constant 0 : i32
    return %c0_i32, %c0_i32_0 : i32, i32
  }
  func.func @transform_2(%arg0: i32) -> (i32, i32, i32) {
    %c0_i32 = arith.constant 0 : i32
    %c0_i32_0 = arith.constant 0 : i32
    %c0_i32_1 = arith.constant 0 : i32
    return %c0_i32, %arg0, %c0_i32_0 : i32, i32, i32
  }
  func.func @transform_3(%arg0: i32) -> (i32, i32, i32) {
    %c1_i32 = arith.constant 1 : i32
    %c0_i32 = arith.constant 0 : i32
    %c0_i32_0 = arith.constant 0 : i32
    return %c1_i32, %arg0, %c0_i32 : i32, i32, i32
  }
  func.func @transform_4(%arg0: i32) -> (i32, i32) {
    %c0_i32 = arith.constant 0 : i32
    %c0_i32_0 = arith.constant 0 : i32
    return %arg0, %c0_i32 : i32, i32
  }
  func.func @transform_5(%arg0: i32) -> (i32, i32) {
    %c0_i32 = arith.constant 0 : i32
    %c0_i32_0 = arith.constant 0 : i32
    return %arg0, %c0_i32 : i32, i32
  }
}

module attributes {stable_mosaic.version = 14 : i64} {
  func.func @_fin_body(%arg0: i32, %arg1: memref<1x1000x128xf32, #tpu.memory_space<vmem>>, %arg2: memref<1x1000x128xf32, #tpu.memory_space<vmem>>, %arg3: memref<1000x128xf32, #tpu.memory_space<vmem>>, %arg4: memref<1x1000x128xf32, #tpu.memory_space<vmem>>, %arg5: memref<1x1000x128xf32, #tpu.memory_space<vmem>>, %arg6: memref<1x128xf32, #tpu.memory_space<vmem>>, %arg7: memref<1x128xf32, #tpu.memory_space<vmem>>, %arg8: memref<1x128xf32, #tpu.memory_space<vmem>>, %arg9: memref<1000x128xf32, #tpu.memory_space<vmem>>) attributes {dimension_semantics = [#tpu.dimension_semantics<arbitrary>], iteration_bounds = array<i64: 10>, scalar_prefetch = 0 : i64, scratch_operands = 0 : i64, tpu.core_type = #tpu.core_type<tc>, window_params = [{transform_indices = @transform_0, window_bounds = array<i64: 1, 1000, 128>}, {transform_indices = @transform_1, window_bounds = array<i64: 1, 1000, 128>}, {transform_indices = @transform_2, window_bounds = array<i64: 1000, 128>}, {transform_indices = @transform_3, window_bounds = array<i64: 1, 1000, 128>}, {transform_indices = @transform_4, window_bounds = array<i64: 1, 1000, 128>}, {pipeline_mode = #tpu.pipeline_mode<synchronous>, transform_indices = @transform_5, window_bounds = array<i64: 1, 128>}, {pipeline_mode = #tpu.pipeline_mode<synchronous>, transform_indices = @transform_6, window_bounds = array<i64: 1, 128>}, {pipeline_mode = #tpu.pipeline_mode<synchronous>, transform_indices = @transform_7, window_bounds = array<i64: 1, 128>}, {transform_indices = @transform_8, window_bounds = array<i64: 1000, 128>}]} {
    %get3A = arith.constant 0 : index
    %get3A_0 = arith.constant 0 : index
    %get3A_1 = arith.constant 0 : index
    %get3A_2 = vector.load %arg4[%get3A, %get3A_0, %get3A_1] : memref<1x1000x128xf32, #tpu.memory_space<vmem>>, vector<1x1000x1xf32>
    %get3A_3 = vector.shape_cast %get3A_2 : vector<1x1000x1xf32> to vector<1000x1xf32>
    %get3A_4 = arith.constant 0 : index
    %get3A_5 = arith.constant 0 : index
    %get3A_6 = arith.constant 0 : index
    %get3A_7 = vector.load %arg5[%get3A_4, %get3A_5, %get3A_6] : memref<1x1000x128xf32, #tpu.memory_space<vmem>>, vector<1x1000x1xf32>
    %get3A_8 = vector.shape_cast %get3A_7 : vector<1x1000x1xf32> to vector<1000x1xf32>
    %add3A = arith.addf %get3A_3, %get3A_8 : vector<1000x1xf32>
    %add3A_9 = arith.constant 1.000000e+00 : f32
    %add3A_10 = vector.broadcast %add3A_9 : f32 to vector<1000x1xf32>
    %add3A_11 = arith.addf %add3A, %add3A_10 : vector<1000x1xf32>
    %rsqrt3A = math.rsqrt %add3A_11 : vector<1000x1xf32>
    %get3A_12 = arith.constant 0 : index
    %get3A_13 = arith.constant 0 : index
    %get3A_14 = arith.constant 0 : index
    %get3A_15 = vector.load %arg1[%get3A_12, %get3A_13, %get3A_14] : memref<1x1000x128xf32, #tpu.memory_space<vmem>>, vector<1x1000x128xf32>
    %get3A_16 = vector.shape_cast %get3A_15 : vector<1x1000x128xf32> to vector<1000x128xf32>
    %get3A_17 = arith.constant 0 : index
    %get3A_18 = arith.constant 0 : index
    %get3A_19 = arith.constant 0 : index
    %get3A_20 = vector.load %arg2[%get3A_17, %get3A_18, %get3A_19] : memref<1x1000x128xf32, #tpu.memory_space<vmem>>, vector<1x1000x128xf32>
    %get3A_21 = vector.shape_cast %get3A_20 : vector<1x1000x128xf32> to vector<1000x128xf32>
    %add3A_22 = arith.addf %get3A_16, %get3A_21 : vector<1000x128xf32>
    %mul3A = vector.broadcast %rsqrt3A : vector<1000x1xf32> to vector<1000x128xf32>
    %mul3A_23 = arith.mulf %mul3A, %add3A_22 : vector<1000x128xf32>
    %get3A_24 = arith.constant 0 : index
    %get3A_25 = arith.constant 0 : index
    %get3A_26 = vector.load %arg3[%get3A_24, %get3A_25] : memref<1000x128xf32, #tpu.memory_space<vmem>>, vector<1000x128xf32>
    %add3A_27 = arith.addf %mul3A_23, %get3A_26 : vector<1000x128xf32>
    %get3A_28 = arith.constant 0 : index
    %get3A_29 = arith.constant 0 : index
    %get3A_30 = vector.load %arg6[%get3A_28, %get3A_29] : memref<1x128xf32, #tpu.memory_space<vmem>>, vector<1x128xf32>
    %add3A_31 = vector.broadcast %get3A_30 : vector<1x128xf32> to vector<1000x128xf32>
    %add3A_32 = arith.addf %add3A_27, %add3A_31 : vector<1000x128xf32>
    %reduce_sum3A = arith.constant dense<0.000000e+00> : vector<1000xf32>
    %reduce_sum3A_33 = vector.multi_reduction <add>, %add3A_32, %reduce_sum3A [1] : vector<1000x128xf32> to vector<1000xf32>
    %broadcast_in_dim3A = vector.shape_cast %reduce_sum3A_33 : vector<1000xf32> to vector<1000x1xf32>
    %div3A = arith.constant 1.280000e+02 : f32
    %div3A_34 = vector.broadcast %div3A : f32 to vector<1000x1xf32>
    %div3A_35 = arith.divf %broadcast_in_dim3A, %div3A_34 : vector<1000x1xf32>
    %sub3A = vector.broadcast %div3A_35 : vector<1000x1xf32> to vector<1000x128xf32>
    %sub3A_36 = arith.subf %add3A_32, %sub3A : vector<1000x128xf32>
    %mul3A_37 = arith.mulf %sub3A_36, %sub3A_36 : vector<1000x128xf32>
    %reduce_sum3A_38 = arith.constant dense<0.000000e+00> : vector<1000xf32>
    %reduce_sum3A_39 = vector.multi_reduction <add>, %mul3A_37, %reduce_sum3A_38 [1] : vector<1000x128xf32> to vector<1000xf32>
    %broadcast_in_dim3A_40 = vector.shape_cast %reduce_sum3A_39 : vector<1000xf32> to vector<1000x1xf32>
    %div3A_41 = arith.constant 1.280000e+02 : f32
    %div3A_42 = vector.broadcast %div3A_41 : f32 to vector<1000x1xf32>
    %div3A_43 = arith.divf %broadcast_in_dim3A_40, %div3A_42 : vector<1000x1xf32>
    %add3A_44 = arith.constant 9.99999974E-6 : f32
    %add3A_45 = vector.broadcast %add3A_44 : f32 to vector<1000x1xf32>
    %add3A_46 = arith.addf %div3A_43, %add3A_45 : vector<1000x1xf32>
    %rsqrt3A_47 = math.rsqrt %add3A_46 : vector<1000x1xf32>
    %mul3A_48 = vector.broadcast %rsqrt3A_47 : vector<1000x1xf32> to vector<1000x128xf32>
    %mul3A_49 = arith.mulf %sub3A_36, %mul3A_48 : vector<1000x128xf32>
    %get3A_50 = arith.constant 0 : index
    %get3A_51 = arith.constant 0 : index
    %get3A_52 = vector.load %arg7[%get3A_50, %get3A_51] : memref<1x128xf32, #tpu.memory_space<vmem>>, vector<1x128xf32>
    %mul3A_53 = vector.broadcast %get3A_52 : vector<1x128xf32> to vector<1000x128xf32>
    %mul3A_54 = arith.mulf %mul3A_49, %mul3A_53 : vector<1000x128xf32>
    %get3A_55 = arith.constant 0 : index
    %get3A_56 = arith.constant 0 : index
    %get3A_57 = vector.load %arg8[%get3A_55, %get3A_56] : memref<1x128xf32, #tpu.memory_space<vmem>>, vector<1x128xf32>
    %add3A_58 = vector.broadcast %get3A_57 : vector<1x128xf32> to vector<1000x128xf32>
    %add3A_59 = arith.addf %mul3A_54, %add3A_58 : vector<1000x128xf32>
    %swap3A = arith.constant 0 : index
    %swap3A_60 = arith.constant 0 : index
    %swap3A_61 = vector.load %arg9[%swap3A, %swap3A_60] : memref<1000x128xf32, #tpu.memory_space<vmem>>, vector<1000x128xf32>
    tpu.vector_store %arg9[%swap3A, %swap3A_60], %add3A_59 {strides = array<i32>} : memref<1000x128xf32, #tpu.memory_space<vmem>>, vector<1000x128xf32>,
    return
  }
  func.func @transform_0(%arg0: i32) -> (i32, i32, i32) {
    %c0_i32 = arith.constant 0 : i32
    %c0_i32_0 = arith.constant 0 : i32
    %c0_i32_1 = arith.constant 0 : i32
    return %c0_i32, %arg0, %c0_i32_0 : i32, i32, i32
  }
  func.func @transform_1(%arg0: i32) -> (i32, i32, i32) {
    %c1_i32 = arith.constant 1 : i32
    %c0_i32 = arith.constant 0 : i32
    %c0_i32_0 = arith.constant 0 : i32
    return %c1_i32, %arg0, %c0_i32 : i32, i32, i32
  }
  func.func @transform_2(%arg0: i32) -> (i32, i32) {
    %c0_i32 = arith.constant 0 : i32
    %c0_i32_0 = arith.constant 0 : i32
    return %arg0, %c0_i32 : i32, i32
  }
  func.func @transform_3(%arg0: i32) -> (i32, i32, i32) {
    %c0_i32 = arith.constant 0 : i32
    %c0_i32_0 = arith.constant 0 : i32
    %c0_i32_1 = arith.constant 0 : i32
    return %c0_i32, %arg0, %c0_i32_0 : i32, i32, i32
  }
  func.func @transform_4(%arg0: i32) -> (i32, i32, i32) {
    %c1_i32 = arith.constant 1 : i32
    %c0_i32 = arith.constant 0 : i32
    %c0_i32_0 = arith.constant 0 : i32
    return %c1_i32, %arg0, %c0_i32 : i32, i32, i32
  }
  func.func @transform_5(%arg0: i32) -> (i32, i32) {
    %c0_i32 = arith.constant 0 : i32
    %c0_i32_0 = arith.constant 0 : i32
    %c0_i32_1 = arith.constant 0 : i32
    return %c0_i32, %c0_i32_0 : i32, i32
  }
  func.func @transform_6(%arg0: i32) -> (i32, i32) {
    %c0_i32 = arith.constant 0 : i32
    %c0_i32_0 = arith.constant 0 : i32
    %c0_i32_1 = arith.constant 0 : i32
    return %c0_i32, %c0_i32_0 : i32, i32
  }
  func.func @transform_7(%arg0: i32) -> (i32, i32) {
    %c0_i32 = arith.constant 0 : i32
    %c0_i32_0 = arith.constant 0 : i32
    %c0_i32_1 = arith.constant 0 : i32
    return %c0_i32, %c0_i32_0 : i32, i32
  }
  func.func @transform_8(%arg0: i32) -> (i32, i32) {
    %c0_i32 = arith.constant 0 : i32
    %c0_i32_0 = arith.constant 0 : i32
    return %arg0, %c0_i32 : i32, i32
  }
}

</mosaic_0001>

<sc_bundles>
// kernel: kernel.6.cloned.1.call-start
scs
__scs_entry_jumppad:
0x0: {  	(pc) =	sbr.rel $0x88, $3  }
0x1: {  	(tag) =	ssettag $0x0;
	lr =	simm.s32 $0x1  }
0x2: {  	[smem:$0x3F9B] =	sst lr;
	_ =	strace $0xD0000000  }
0x3: {  	_ = 	snop  }
0x4: {  	_ = 	snop  }
0x5: {  	_ = 	snop  }
0x6: {  	_ = 	snop  }
0x7: {  	_ = 	snop  }
__scs_overlays_trampoline_lowered:
0x8: {  	[smem:$0x3FAA] =	sst s0  }
0x9: {  	[smem:$0x3FAB] =	sst s1  }
0xa: {  	[smem:$0x3FAC] =	sst s2  }
0xb: {  	[smem:$0x3FAD] =	sst s3  }
0xc: {  	[smem:$0x3FAE] =	sst s4  }
0xd: {  	[smem:$0x3FAF] =	sst s5  }
0xe: {  	[smem:$0x3FB0] =	sst s6  }
0xf: {  	[smem:$0x3FB1] =	sst s7  }
0x10: {  	[smem:$0x3FB2] =	sst s8  }
0x11: {  	[smem:$0x3FB3] =	sst s9;
	s0 =	simm.s32 @!p0 $0x0  }
0x12: {  	s1 =	sld [smem:$0x3F99];
	s0 =	simm.s32 @p0 $0x1  }
0x13: {  	[smem:$0x3FB4] =	sst s0;
	s0 =	simm.s32 @!p1 $0x0  }
0x14: {  	s2 =	sld [smem:$0x3F98];
	s0 =	simm.s32 @p1 $0x1  }
0x15: {  	[smem:$0x3FB5] =	sst s0;
	s0 =	simm.s32 @!p2 $0x0  }
0x16: {  	s3 =	sld [smem:$0x3FDB];
	s0 =	simm.s32 @p2 $0x1  }
0x17: {  	s4 =	simm.s32 $0x1BF5;
	[smem:$0x3FB7] =	sst s0  }
0x18: {  	s0 =	sld [smem:$0x3F9A];
	_ =	swait.ge [sflag:s4], $0x0  }
0x19: {  	s7 =	sld [smem:$0x3F9B]  }
0x1a: {  	s8 =	sadd.s32 $0xFFFFE003, lr  }
0x1b: {  	s9 =	sadd.s32 $0xFFFFFEF7, lr;
	s5 =	simm.s32 $0xFFFFFFFF;
	p2 =	slt.u32 s8, $0xFFFFF086  }
0x1c: {  	p1 =	slt.u32 s9, $0xF7A;
	s5 =	simm.s32 @!p2 $0x0  }
0x1d: {  	s5 =	simm.s32 @p1 $0x1;
	p0 =	seq.s32 s7, s2  }
0x1e: {  	s7 =	smul.u32 @!p0 $0xF7A, s2;
	p2 =	seq.s32 @!p0 s5, $0x0  }
0x1f: {  	s9 =	smul.u32 $0xF7A, s1;
	s8 =	simm.s32 @!p0 $0x1BF5;
	p2 =	por !p2, p0  }
0x20: {  	[sflag:s8] =	ssyncset.s32 @!p0 $0xFFFFF086;
	s6 =	sadd.s32 @!p0 s3, s7;
	s7 =	simm.s32 @!p0 $0x108  }
0x21: {  	s3 =	sadd.s32 s3, s9;
	s6 =	sadd.s32 @!p0 $0x88, s6;
	s7 =	simm.s32 @p2 $0x1082  }
0x22: {  	[simem:s7], [sflag:s8] =	dma.local @!p0 [hbm:s6], $0xF7A  }
0x23: {  	s9 =	sor.u32 $0xD0000000, s2;
	s6 =	simm.s32 $0x108;
	_ =	swait.ge @!p0 [sflag:s8], $0x0  }
0x24: {  	s3 =	sadd.s32 $0x88, s3;
	s6 =	simm.s32 @!p1 $0x1082;
	[sflag:s4] =	ssyncset.s32 $0xFFFFF086  }
0x25: {  	[simem:s6], [sflag:s4] =	dma.local [hbm:s3], $0xF7A  }
0x26: {  	[smem:$0x3F9B] =	sst s1;
	(tag) =	ssettag s2;
	_ =	strace s9  }
0x27: {  	s1 =	sld [smem:$0x3FAB]  }
0x28: {  	s2 =	sld [smem:$0x3FAC]  }
0x29: {  	s4 =	sld [smem:$0x3FAE]  }
0x2a: {  	p0 =	seq.s32 s5, $0x0;
	s5 =	sld [smem:$0x3FAF]  }
0x2b: {  	s6 =	sld [smem:$0x3FB0]  }
0x2c: {  	s7 =	sld [smem:$0x3FB1]  }
0x2d: {  	s3 =	simm.s32 $0x108;
	s8 =	sld [smem:$0x3FB2]  }
0x2e: {  	s3 =	simm.s32 @!p0 $0x1082;
	s9 =	sld [smem:$0x3FB3]  }
0x2f: {  	lr =	sadd.s32 s0, s3;
	s0 =	sld [smem:$0x3FAA]  }
0x30: {  	s3 =	sld [smem:$0x3FAD]  }
0x31: {  	[smem:$0x3FB6] =	sst s10  }
0x32: {  	s10 =	sld [smem:$0x3FB4];
	_ =	sdelay $0x3  }
0x33: {  	p0 =	seq.s32 s10, $0x1;
	s10 =	sld [smem:$0x3FB6];
	_ =	sdelay $0x3  }
0x34: {  	[smem:$0x3FB6] =	sst s10  }
0x35: {  	s10 =	sld [smem:$0x3FB5];
	_ =	sdelay $0x3  }
0x36: {  	p1 =	seq.s32 s10, $0x1;
	s10 =	sld [smem:$0x3FB6];
	_ =	sdelay $0x3  }
0x37: {  	[smem:$0x3FB6] =	sst s10  }
0x38: {  	s10 =	sld [smem:$0x3FB7]  }
0x39: {  	_ = 	snop;
	(pc) =	sbr.ind lr, $3  }
0x3a: {  	_ = 	snop  }
0x3b: {  	_ = 	snop  }
0x3c: {  	p2 =	seq.s32 s10, $0x1;
	s10 =	sld [smem:$0x3FB6]  }
0x3d: {  	_ =	shalt  }
0x3e: {  	_ =	shalt  }
0x3f: {  	_ =	shalt  }
0x40: {  	_ =	shalt  }
0x41: {  	_ =	shalt  }
0x42: {  	_ =	shalt  }
0x43: {  	_ =	shalt  }
0x44: {  	_ =	shalt  }
0x45: {  	_ =	shalt  }
0x46: {  	_ =	shalt  }
0x47: {  	_ =	shalt  }
0x48: {  	_ =	shalt  }
0x49: {  	_ =	shalt  }
0x4a: {  	_ =	shalt  }
0x4b: {  	_ =	shalt  }
0x4c: {  	_ =	shalt  }
0x4d: {  	_ =	shalt  }
0x4e: {  	_ =	shalt  }
0x4f: {  	_ =	shalt  }
0x50: {  	_ =	shalt  }
0x51: {  	_ =	shalt  }
0x52: {  	_ =	shalt  }
0x53: {  	_ =	shalt  }
0x54: {  	_ =	shalt  }
0x55: {  	_ =	shalt  }
0x56: {  	_ =	shalt  }
0x57: {  	_ =	shalt  }
0x58: {  	_ =	shalt  }
0x59: {  	_ =	shalt  }
0x5a: {  	_ =	shalt  }
0x5b: {  	_ =	shalt  }
0x5c: {  	_ =	shalt  }
0x5d: {  	_ =	shalt  }
0x5e: {  	_ =	shalt  }
0x5f: {  	_ =	shalt  }
0x60: {  	_ =	shalt  }
0x61: {  	_ =	shalt  }
0x62: {  	_ =	shalt  }
0x63: {  	_ =	shalt  }
0x64: {  	_ =	shalt  }
0x65: {  	_ =	shalt  }
0x66: {  	_ =	shalt  }
0x67: {  	_ =	shalt  }
0x68: {  	_ =	shalt  }
0x69: {  	_ =	shalt  }
0x6a: {  	_ =	shalt  }
0x6b: {  	_ =	shalt  }
0x6c: {  	_ =	shalt  }
0x6d: {  	_ =	shalt  }
0x6e: {  	_ =	shalt  }
0x6f: {  	_ =	shalt  }
0x70: {  	_ =	shalt  }
0x71: {  	_ =	shalt  }
0x72: {  	_ =	shalt  }
0x73: {  	_ =	shalt  }
0x74: {  	_ =	shalt  }
0x75: {  	_ =	shalt  }
0x76: {  	_ =	shalt  }
0x77: {  	_ =	shalt  }
0x78: {  	_ =	shalt  }
0x79: {  	_ =	shalt  }
0x7a: {  	_ =	shalt  }
0x7b: {  	_ =	shalt  }
0x7c: {  	_ =	shalt  }
0x7d: {  	_ =	shalt  }
0x7e: {  	_ =	shalt  }
0x7f: {  	_ =	shalt  }
0x80: {  	_ =	shalt  }
0x81: {  	_ =	shalt  }
0x82: {  	_ =	shalt  }
0x83: {  	_ =	shalt  }
0x84: {  	_ =	shalt  }
0x85: {  	_ =	shalt  }
0x86: {  	_ =	shalt  }
0x87: {  	_ =	shalt  }
.Lfunc_end0:
.L_simem_size_0:
called_computation_lowered:
.L_overlay_start_0:
0x88: {  	s2 =	sld [smem:$0x3FD9]  }
0x89: {  	s3 =	sld [smem:$0x3FFE];
	_ =	sdelay $0x1  }
0x8a: {  	s1 =	srdreg.scid  }
0x8b: {  	s0 =	sand.u32 $0x1, s1  }
0x8c: {  	s17 =	sshll.u32 s0, $0xA;
	s2 =	sadd.s32 s3, s2  }
0x8d: {  	s2 =	sadd.s32 s2, s17  }
0x8e: {  	[smem:$0x3FC2] =	sst s2  }
0x8f: {  	_ = 	snop  }
0x90: {  	s2 =	sld [smem:$0x3FD0];
	(tm) =	ssettm $0x1  }
0x91: {  	s18 =	sld [smem:$0x3FFB];
	_ =	sdelay $0x3  }
0x92: {  	_ =	strace s18  }
0x93: {  	s3 =	sld [smem:$0x3FFC];
	_ =	sdelay $0x3  }
0x94: {  	_ =	strace s3  }
0x95: {  	s3 =	sld [smem:$0x3FFD];
	_ =	sdelay $0x3  }
0x96: {  	_ =	strace s3  }
0x97: {  	_ =	strace $0x8FFFFFFF  }
0x98: {  	s19 =	sld [smem:$0x3FDB];
	_ =	sdelay $0x1  }
0x99: {  	s4 =	simm.s32 $_scs_section_size  }
0x9a: {  	s5 =	simm.s32 $_size__tile_overlayer_lowered;
	s6 =	simm.s32 $_tile_overlayer_lowered  }
0x9b: {  	s22 =	simm.s32 $0x1BFF;
	s21 =	sshll.u32 s6, $0x1;
	s3 =	sadd.s32 s4, s19  }
0x9c: {  	s7 =	simm.s32 $0x0;
	s20 =	sshll.u32 s5, $0x1;
	s5 =	sadd.s32 s21, s3  }
0x9d: {  	[timem:s7], [sflag:s22] =	dma.local [hbm:s5], s20  }
0x9e: {  	_ =	swait.ge [sflag:s22], s20  }
0x9f: {  	s4 =	ssub.s32 $0x0, s20;
	[sflag:s22] =	ssyncset.done $0x0  }
0xa0: {  	[sflag:s22] =	ssyncadd.s32 s4;
	_ =	sdelay $0x1  }
0xa1: {  	s23 =	simm.s32 $0x1B8B  }
0xa2: {  	_ =	swait.ge [sflag:s23], $0x1  }
0xa3: {  	[sflag:s23] =	ssyncset.done $0x0  }
0xa4: {  	s25 =	simm.s32 $0x1B8E;
	s24 =	sld [smem:$0x3FFE];
	[sflag:s23] =	ssyncadd.s32 $0xFFFFFFFF  }
0xa5: {  	s26 =	simm.s32 $execute0_lowered;
	[smem:$0x3FD2] =	sst s25  }
0xa6: {  	s5 =	sshll.u32 s26, $0x1;
	_ =	strace $0x80000046;
	[dreg:$0x1] =	wrdreg $0xFFFFFFFF  }
0xa7: {  	s28 =	simm.s32 $_size_execute0_lowered;
	s3 =	sadd.s32 s3, s5;
	[dreg:$0x0] =	wrdreg $0x0  }
0xa8: {  	s5 =	sshll.u32 s28, $0x1;
	[dreg:$0x2] =	wrdreg s3  }
0xa9: {  	[dreg:$0x3] =	wrdreg s5  }
0xaa: {  	[dreg:$0x4] =	wrdreg $0xC0  }
0xab: {  	_ =	task [dreg:s7], $0x5FFFF  }
0xac: {  	[dreg:$0x1] =	wrdreg $0xFFFFFFFF  }
0xad: {  	[dreg:$0x0] =	wrdreg $0x60  }
0xae: {  	[dreg:$0x2] =	wrdreg s24  }
0xaf: {  	[dreg:$0x3] =	wrdreg s2  }
0xb0: {  	[dreg:$0x4] =	wrdreg $0x68800  }
0xb1: {  	[dreg:$0x5] =	wrdreg $0x9  }
0xb2: {  	_ =	task.clear_ibuf [dreg:s7], $0x6FFFF;
	_ =	strace $0x90000046  }
0xb3: {  	s29 =	simm.s32 $0x9;
	_ =	strace $0x80000048  }
0xb4: {  	_ =	swait.ge [sflag:s29], $0x1  }
0xb5: {  	[sflag:s29] =	ssyncadd.s32 $0xFFFFFFFF  }
0xb6: {  	_ =	strace $0x90000048  }
0xb7: {  	_ =	sfence  }
0xb8: {  	s30 =	sld [smem:$0x0];
	_ =	sdelay $0x2  }
0xb9: {  	s31 =	sshll.u32 s1, $0xD;
	s1 =	sshrl.u32 s1, $0x2  }
0xba: {  	s3 =	sand.u32 $0x4000, s31;
	s1 =	sadd.s32 s1, s30  }
0xbb: {  	s0 =	sor.u32 s3, s0;
	s1 =	sshll.u32 s1, $0x11  }
0xbc: {  	s0 =	sor.u32 s1, s0  }
0xbd: {  	s0 =	sadd.s32 $0x8F2B, s0  }
0xbe: {  	[sflag:s0] =	ssyncadd.remote.s32 $0x1  }
0xbf: {  	_ =	sfence.sel $0xFFFF  }
0xc0: {  	[dreg:$0x0] =	wrdreg $0xFFFFFFFF;
	(pc) =	sbr.abs _section_cstart, $3  }
0xc1: {  	[dreg:$0x1] =	wrdreg $0xFFFFFFFF  }
0xc2: {  	_ =	task.clear_ibuf [dreg:s7], $0x2FFFF;
	_ =	strace $0x9FFFFFFF  }
0xc3: {  	(tm) =	ssettm $0x7FFFFFFF  }
tec
execute0_lowered:
.L_overlay_start_1:
0x0: {  	(tag) =	ssettag $0x1  }
0x1: {  	s6 =	rddreg [dreg:$0x0]  }
0x2: {  	s0 =	srdreg.scid;
	s2 =	rddreg [dreg:$0x1]  }
0x3: {  	s3 =	rddreg [dreg:$0x2];
	s4 =	simm.s32 $0x0;
	s13 =	simm.s32 $0x80  }
0x4: {  	s14 =	simm.s32 $0x2800;
	s5 =	sand.u32 $0x1, s0;
	s0 =	stileid.u32  }
0x5: {  	s15 =	simm.s32 $0x0;
	[smem:$0x7FF] =	sst s4;
	s8 =	smul.u32 $0x14000, s0  }
0x6: {  	s1 =	sshll.u32 s5, $0x4;
	s9 =	smul.u32 $0x140000, s5;
	s5 =	ssub.s32 $0x2, s5  }
0x7: {  	s28 =	smul.u32 $0x50000, s0;
	s31 =	sshll.u32 s0, $0x6;
	s1 =	sor.u32 s0, s1  }
0x8: {  	s29 =	sshrl.u32 s5, $0x1;
	s7 =	smul.u32 $0x500, s1;
	s1 =	rddreg [dreg:$0x3]  }
0x9: {  	_ =	strace $0x80000047;
	s10 =	sshrl.u32 s8, $0x3;
	s8 =	sadd.s32 s8, s9  }
0xa: {  	s11 =	ssub.s32 s5, s29;
	s30 =	sshrl.u32 s28, $0x2;
	s9 =	simm.s32 $0x1  }
0xb: {  	s8 =	sshrl.u32 s8, $0x3;
	s10 =	sadd.s32 s10, s6;
	s12 =	sadd.s32 s30, s3  }
0xc: {  	s7 =	sadd.s32 s7, s6;
	s8 =	sadd.s32 s8, s6;
	s6 =	sadd.s32 $0x15800, s10  }
0xd: {  	s10 =	simm.s32 $0x2880;
	s12 =	sshrl.u32 s12, $0x3;
	s5 =	sadd.s32 $0xB800, s7  }
0xe: {  	s7 =	sadd.s32 $0x3D800, s8;
	s8 =	smax.u32 s11, $0x1;
	s11 =	sor.u32 $0x1C01, s31  }
.LBB2_1:
0xf: {  	[tilespmem:s4], [sflag:$0x1] =	stream.linear.gather [hbm4b:s5+s4], $0x2800, $0x38;
	[tilespmem:$0x1A880] =	vst v63  }
0x10: {  	_ =	swait.ge [sflag:s9], $0x2800  }
0x11: {  	[sflag:s9] =	ssyncset.done $0x0  }
0x12: {  	[sflag:s9] =	ssyncadd.s32 $0xFFFFD800  }
0x13: {  	[tilespmem:s10], [sflag:$0x1] =	stream.linear.gather [hbm4b:s2+s4], $0x4000, $0x38;
	[tilespmem:$0x1A880] =	vst v63  }
0x14: {  	_ =	swait.ge [sflag:s9], $0x4000  }
0x15: {  	[sflag:s9] =	ssyncset.done $0x0  }
0x16: {  	[sflag:s9] =	ssyncadd.s32 $0xFFFFC000  }
0x17: {  	[spmem:s12], [sflag:s11] =	dma.local [hbm:s6], $0x2800  }
0x18: {  	_ =	swait.ge [sflag:s9], $0x2800  }
0x19: {  	[sflag:s9] =	ssyncset.done $0x0  }
0x1a: {  	[sflag:s9] =	ssyncadd.s32 $0xFFFFD800  }
0x1b: {  	s16 =	simm.s32 $0x0;
	[bflag:$0x0] =	sbarrier.arrive $0xFFFF  }
0x1c: {  	v0 =	vld [tilespmem:s16+$0x0];
	_ =	sdelay $0x4  }
0x1d: {  	[tilespmem:$0x2800] =	vst v0  }
0x1e: {  	v0 =	vld [tilespmem:s16+$0x10];
	_ =	sdelay $0x4  }
0x1f: {  	[tilespmem:$0x2810] =	vst v0  }
0x20: {  	v0 =	vld [tilespmem:s16+$0x20];
	_ =	sdelay $0x4  }
0x21: {  	[tilespmem:$0x2820] =	vst v0  }
0x22: {  	v0 =	vld [tilespmem:s16+$0x30];
	_ =	sdelay $0x4  }
0x23: {  	[tilespmem:$0x2830] =	vst v0  }
0x24: {  	v0 =	vld [tilespmem:s16+$0x40];
	_ =	sdelay $0x4  }
0x25: {  	[tilespmem:$0x2840] =	vst v0  }
0x26: {  	v0 =	vld [tilespmem:s16+$0x50];
	_ =	sdelay $0x4  }
0x27: {  	[tilespmem:$0x2850] =	vst v0  }
0x28: {  	v0 =	vld [tilespmem:s16+$0x60];
	_ =	sdelay $0x4  }
0x29: {  	[tilespmem:$0x2860] =	vst v0  }
0x2a: {  	v0 =	vld [tilespmem:s16+$0x70];
	_ =	sdelay $0x4  }
0x2b: {  	[tilespmem:$0x2870] =	vst v0  }
0x2c: {  	[spmem:s3] =	stream.indirect.scatter.add.f32 [tilespmem:s10], [sflag:$0x1], $0x80, s14, s13, $0xb8;
	[tilespmem:$0x1A880] =	vst v63  }
0x2d: {  	_ =	swait.ge [sflag:s9], $0x4000  }
0x2e: {  	s18 =	simm.s32 $0x400;
	s16 =	simm.s32 $0x200;
	[sflag:s9] =	ssyncset.done $0x0  }
.LBB2_2:
0x2f: {  	s19 =	sshra.s32 s16, $0x2  }
0x30: {  	[sflag:s9] =	ssyncadd.s32 $0xFFFFC000;
	s16 =	smov.u32 s18;
	s17 =	sadd.s32 $0x200, s18  }
0x31: {  	p0 =	sne.s32 s18, $0x9E00;
	v0 =	vld [tilespmem:s19+$0x0];
	_ =	sdelay $0x4  }
0x32: {  	[tilespmem:$0x2800] =	vst v0  }
0x33: {  	v0 =	vld [tilespmem:s19+$0x10];
	_ =	sdelay $0x4  }
0x34: {  	[tilespmem:$0x2810] =	vst v0  }
0x35: {  	v0 =	vld [tilespmem:s19+$0x20];
	_ =	sdelay $0x4  }
0x36: {  	[tilespmem:$0x2820] =	vst v0  }
0x37: {  	v0 =	vld [tilespmem:s19+$0x30];
	_ =	sdelay $0x4  }
0x38: {  	[tilespmem:$0x2830] =	vst v0  }
0x39: {  	v0 =	vld [tilespmem:s19+$0x40];
	_ =	sdelay $0x4  }
0x3a: {  	[tilespmem:$0x2840] =	vst v0  }
0x3b: {  	v0 =	vld [tilespmem:s19+$0x50];
	_ =	sdelay $0x4  }
0x3c: {  	[tilespmem:$0x2850] =	vst v0  }
0x3d: {  	v0 =	vld [tilespmem:s19+$0x60];
	_ =	sdelay $0x4  }
0x3e: {  	[tilespmem:$0x2860] =	vst v0  }
0x3f: {  	v0 =	vld [tilespmem:s19+$0x70];
	_ =	sdelay $0x3  }
.Ltmp0:
0x40: {  	(pc) =	sbr.rel @p0 .LBB2_2-.Ltmp0, $4  }
0x41: {  	[tilespmem:$0x2870] =	vst v0  }
0x42: {  	[spmem:s3] =	stream.indirect.scatter.add.f32 [tilespmem:s10], [sflag:$0x1], $0x80, s14, s13, $0xb8;
	[tilespmem:$0x1A880] =	vst v63  }
0x43: {  	_ =	swait.ge [sflag:s9], $0x4000  }
0x44: {  	s18 =	smov.u32 s17;
	[sflag:s9] =	ssyncset.done $0x0  }
0x45: {  	s16 =	sshra.s32 s16, $0x2;
	[sflag:s9] =	ssyncadd.s32 $0xFFFFC000  }
0x46: {  	v0 =	vld [tilespmem:s16+$0x0];
	_ =	sdelay $0x4  }
0x47: {  	[tilespmem:$0x2800] =	vst v0  }
0x48: {  	v0 =	vld [tilespmem:s16+$0x10];
	_ =	sdelay $0x4  }
0x49: {  	[tilespmem:$0x2810] =	vst v0  }
0x4a: {  	v0 =	vld [tilespmem:s16+$0x20];
	_ =	sdelay $0x4  }
0x4b: {  	[tilespmem:$0x2820] =	vst v0  }
0x4c: {  	v0 =	vld [tilespmem:s16+$0x30];
	_ =	sdelay $0x4  }
0x4d: {  	[tilespmem:$0x2830] =	vst v0  }
0x4e: {  	v0 =	vld [tilespmem:s16+$0x40];
	_ =	sdelay $0x4  }
0x4f: {  	[tilespmem:$0x2840] =	vst v0  }
0x50: {  	v0 =	vld [tilespmem:s16+$0x50];
	_ =	sdelay $0x4  }
0x51: {  	[tilespmem:$0x2850] =	vst v0  }
0x52: {  	v0 =	vld [tilespmem:s16+$0x60];
	_ =	sdelay $0x4  }
0x53: {  	[tilespmem:$0x2860] =	vst v0  }
0x54: {  	v0 =	vld [tilespmem:s16+$0x70];
	_ =	sdelay $0x4  }
0x55: {  	[tilespmem:$0x2870] =	vst v0  }
0x56: {  	[spmem:s3] =	stream.indirect.scatter.add.f32 [tilespmem:s10], [sflag:$0x1], $0x80, s14, s13, $0xb8;
	[tilespmem:$0x1A880] =	vst v63  }
0x57: {  	_ =	swait.ge [sflag:s9], $0x4000  }
0x58: {  	s15 =	sadd.s32 $0x1, s15;
	[sflag:s9] =	ssyncset.done $0x0  }
0x59: {  	p0 =	sne.s32 s15, s8;
	[sflag:s9] =	ssyncadd.s32 $0xFFFFC000  }
.Ltmp1:
0x5a: {  	[bflag:$0x0] =	sbarrier.arrive $0xFFFF;
	(pc) =	sbr.rel @p0 .LBB2_1-.Ltmp1, $4  }
0x5b: {  	[hbm:s7], [sflag:s11] =	dma.local [spmem:s12], $0x2800  }
0x5c: {  	_ =	swait.ge [sflag:s9], $0x2800  }
0x5d: {  	[sflag:s9] =	ssyncset.done $0x0  }
0x5e: {  	[sflag:s9] =	ssyncadd.s32 $0xFFFFD800  }
0x5f: {  	_ =	sfence.sel $0x180000  }
0x60: {  	[bflag:$0x0] =	sbarrier.arrive $0xFFFF  }
0x61: {  	p0 =	sne.s32 s0, $0x0;
	_ =	strace $0x90000047  }
0x62: {  	s0 =	sadd.s32 @!p0 $0x100000, s1;
	[bflag:$0x2] =	sbarrier.arrive $0xFFFF  }
0x63: {  	[sflag:s0] =	ssyncadd.tile.s32 @!p0 $0x1;
	_ =	shalt  }
.Lfunc_end2:
_tile_overlayer_lowered:
.L_overlay_start_2:
0x64: {  	(tag) =	ssettag $0x2  }
0x65: {  	s0 =	rddreg [dreg:$0x0];
	s2 =	stileid.u32  }
0x66: {  	s1 =	rddreg [dreg:$0x1];
	p0 =	sne.s32 s2, $0x0  }
0x67: {  	s3 =	rddreg [dreg:$0x2];
	[bflag:$0x3] =	sbarrier.arrive $0xFFFF;
	s2 =	simm.s32 @!p0 $0x1C01  }
0x68: {  	[timem:s3], [sflag:s2] =	dma.local @!p0 [hbm:s0], s1  }
0x69: {  	s0 =	simm.s32 @!p0 $0x1  }
0x6a: {  	_ =	swait.ge @!p0 [sflag:s0], s1  }
0x6b: {  	s1 =	ssub.s32 @!p0 $0x0, s1;
	[sflag:s0] =	ssyncset.done @!p0 $0x0  }
0x6c: {  	[sflag:s0] =	ssyncadd.s32 @!p0 s1  }
0x6d: {  	[bflag:$0x3] =	sbarrier.arrive $0xFFFF  }
0x6e: {  	_ =	shalt  }

// kernel: kernel.9.cloned.1.call-start
scs
__scs_entry_jumppad:
0x0: {  	(pc) =	sbr.rel $0x88, $3  }
0x1: {  	(tag) =	ssettag $0x0;
	lr =	simm.s32 $0x1  }
0x2: {  	[smem:$0x3F9B] =	sst lr;
	_ =	strace $0xD0000000  }
0x3: {  	_ = 	snop  }
0x4: {  	_ = 	snop  }
0x5: {  	_ = 	snop  }
0x6: {  	_ = 	snop  }
0x7: {  	_ = 	snop  }
__scs_overlays_trampoline_lowered:
0x8: {  	[smem:$0x3FAA] =	sst s0  }
0x9: {  	[smem:$0x3FAB] =	sst s1  }
0xa: {  	[smem:$0x3FAC] =	sst s2  }
0xb: {  	[smem:$0x3FAD] =	sst s3  }
0xc: {  	[smem:$0x3FAE] =	sst s4  }
0xd: {  	[smem:$0x3FAF] =	sst s5  }
0xe: {  	[smem:$0x3FB0] =	sst s6  }
0xf: {  	[smem:$0x3FB1] =	sst s7  }
0x10: {  	[smem:$0x3FB2] =	sst s8  }
0x11: {  	[smem:$0x3FB3] =	sst s9;
	s0 =	simm.s32 @!p0 $0x0  }
0x12: {  	s1 =	sld [smem:$0x3F99];
	s0 =	simm.s32 @p0 $0x1  }
0x13: {  	[smem:$0x3FB4] =	sst s0;
	s0 =	simm.s32 @!p1 $0x0  }
0x14: {  	s2 =	sld [smem:$0x3F98];
	s0 =	simm.s32 @p1 $0x1  }
0x15: {  	[smem:$0x3FB5] =	sst s0;
	s0 =	simm.s32 @!p2 $0x0  }
0x16: {  	s3 =	sld [smem:$0x3FDB];
	s0 =	simm.s32 @p2 $0x1  }
0x17: {  	s4 =	simm.s32 $0x1BF5;
	[smem:$0x3FB7] =	sst s0  }
0x18: {  	s0 =	sld [smem:$0x3F9A];
	_ =	swait.ge [sflag:s4], $0x0  }
0x19: {  	s7 =	sld [smem:$0x3F9B]  }
0x1a: {  	s8 =	sadd.s32 $0xFFFFE003, lr  }
0x1b: {  	s9 =	sadd.s32 $0xFFFFFEF7, lr;
	s5 =	simm.s32 $0xFFFFFFFF;
	p2 =	slt.u32 s8, $0xFFFFF086  }
0x1c: {  	p1 =	slt.u32 s9, $0xF7A;
	s5 =	simm.s32 @!p2 $0x0  }
0x1d: {  	s5 =	simm.s32 @p1 $0x1;
	p0 =	seq.s32 s7, s2  }
0x1e: {  	s7 =	smul.u32 @!p0 $0xF7A, s2;
	p2 =	seq.s32 @!p0 s5, $0x0  }
0x1f: {  	s9 =	smul.u32 $0xF7A, s1;
	s8 =	simm.s32 @!p0 $0x1BF5;
	p2 =	por !p2, p0  }
0x20: {  	[sflag:s8] =	ssyncset.s32 @!p0 $0xFFFFF086;
	s6 =	sadd.s32 @!p0 s3, s7;
	s7 =	simm.s32 @!p0 $0x108  }
0x21: {  	s3 =	sadd.s32 s3, s9;
	s6 =	sadd.s32 @!p0 $0x88, s6;
	s7 =	simm.s32 @p2 $0x1082  }
0x22: {  	[simem:s7], [sflag:s8] =	dma.local @!p0 [hbm:s6], $0xF7A  }
0x23: {  	s9 =	sor.u32 $0xD0000000, s2;
	s6 =	simm.s32 $0x108;
	_ =	swait.ge @!p0 [sflag:s8], $0x0  }
0x24: {  	s3 =	sadd.s32 $0x88, s3;
	s6 =	simm.s32 @!p1 $0x1082;
	[sflag:s4] =	ssyncset.s32 $0xFFFFF086  }
0x25: {  	[simem:s6], [sflag:s4] =	dma.local [hbm:s3], $0xF7A  }
0x26: {  	[smem:$0x3F9B] =	sst s1;
	(tag) =	ssettag s2;
	_ =	strace s9  }
0x27: {  	s1 =	sld [smem:$0x3FAB]  }
0x28: {  	s2 =	sld [smem:$0x3FAC]  }
0x29: {  	s4 =	sld [smem:$0x3FAE]  }
0x2a: {  	p0 =	seq.s32 s5, $0x0;
	s5 =	sld [smem:$0x3FAF]  }
0x2b: {  	s6 =	sld [smem:$0x3FB0]  }
0x2c: {  	s7 =	sld [smem:$0x3FB1]  }
0x2d: {  	s3 =	simm.s32 $0x108;
	s8 =	sld [smem:$0x3FB2]  }
0x2e: {  	s3 =	simm.s32 @!p0 $0x1082;
	s9 =	sld [smem:$0x3FB3]  }
0x2f: {  	lr =	sadd.s32 s0, s3;
	s0 =	sld [smem:$0x3FAA]  }
0x30: {  	s3 =	sld [smem:$0x3FAD]  }
0x31: {  	[smem:$0x3FB6] =	sst s10  }
0x32: {  	s10 =	sld [smem:$0x3FB4];
	_ =	sdelay $0x3  }
0x33: {  	p0 =	seq.s32 s10, $0x1;
	s10 =	sld [smem:$0x3FB6];
	_ =	sdelay $0x3  }
0x34: {  	[smem:$0x3FB6] =	sst s10  }
0x35: {  	s10 =	sld [smem:$0x3FB5];
	_ =	sdelay $0x3  }
0x36: {  	p1 =	seq.s32 s10, $0x1;
	s10 =	sld [smem:$0x3FB6];
	_ =	sdelay $0x3  }
0x37: {  	[smem:$0x3FB6] =	sst s10  }
0x38: {  	s10 =	sld [smem:$0x3FB7]  }
0x39: {  	_ = 	snop;
	(pc) =	sbr.ind lr, $3  }
0x3a: {  	_ = 	snop  }
0x3b: {  	_ = 	snop  }
0x3c: {  	p2 =	seq.s32 s10, $0x1;
	s10 =	sld [smem:$0x3FB6]  }
0x3d: {  	_ =	shalt  }
0x3e: {  	_ =	shalt  }
0x3f: {  	_ =	shalt  }
0x40: {  	_ =	shalt  }
0x41: {  	_ =	shalt  }
0x42: {  	_ =	shalt  }
0x43: {  	_ =	shalt  }
0x44: {  	_ =	shalt  }
0x45: {  	_ =	shalt  }
0x46: {  	_ =	shalt  }
0x47: {  	_ =	shalt  }
0x48: {  	_ =	shalt  }
0x49: {  	_ =	shalt  }
0x4a: {  	_ =	shalt  }
0x4b: {  	_ =	shalt  }
0x4c: {  	_ =	shalt  }
0x4d: {  	_ =	shalt  }
0x4e: {  	_ =	shalt  }
0x4f: {  	_ =	shalt  }
0x50: {  	_ =	shalt  }
0x51: {  	_ =	shalt  }
0x52: {  	_ =	shalt  }
0x53: {  	_ =	shalt  }
0x54: {  	_ =	shalt  }
0x55: {  	_ =	shalt  }
0x56: {  	_ =	shalt  }
0x57: {  	_ =	shalt  }
0x58: {  	_ =	shalt  }
0x59: {  	_ =	shalt  }
0x5a: {  	_ =	shalt  }
0x5b: {  	_ =	shalt  }
0x5c: {  	_ =	shalt  }
0x5d: {  	_ =	shalt  }
0x5e: {  	_ =	shalt  }
0x5f: {  	_ =	shalt  }
0x60: {  	_ =	shalt  }
0x61: {  	_ =	shalt  }
0x62: {  	_ =	shalt  }
0x63: {  	_ =	shalt  }
0x64: {  	_ =	shalt  }
0x65: {  	_ =	shalt  }
0x66: {  	_ =	shalt  }
0x67: {  	_ =	shalt  }
0x68: {  	_ =	shalt  }
0x69: {  	_ =	shalt  }
0x6a: {  	_ =	shalt  }
0x6b: {  	_ =	shalt  }
0x6c: {  	_ =	shalt  }
0x6d: {  	_ =	shalt  }
0x6e: {  	_ =	shalt  }
0x6f: {  	_ =	shalt  }
0x70: {  	_ =	shalt  }
0x71: {  	_ =	shalt  }
0x72: {  	_ =	shalt  }
0x73: {  	_ =	shalt  }
0x74: {  	_ =	shalt  }
0x75: {  	_ =	shalt  }
0x76: {  	_ =	shalt  }
0x77: {  	_ =	shalt  }
0x78: {  	_ =	shalt  }
0x79: {  	_ =	shalt  }
0x7a: {  	_ =	shalt  }
0x7b: {  	_ =	shalt  }
0x7c: {  	_ =	shalt  }
0x7d: {  	_ =	shalt  }
0x7e: {  	_ =	shalt  }
0x7f: {  	_ =	shalt  }
0x80: {  	_ =	shalt  }
0x81: {  	_ =	shalt  }
0x82: {  	_ =	shalt  }
0x83: {  	_ =	shalt  }
0x84: {  	_ =	shalt  }
0x85: {  	_ =	shalt  }
0x86: {  	_ =	shalt  }
0x87: {  	_ =	shalt  }
.Lfunc_end0:
.L_simem_size_0:
called_computation.1_lowered:
.L_overlay_start_0:
0x88: {  	s2 =	sld [smem:$0x3FD9]  }
0x89: {  	s3 =	sld [smem:$0x3FFE];
	_ =	sdelay $0x1  }
0x8a: {  	s1 =	srdreg.scid  }
0x8b: {  	s0 =	sand.u32 $0x1, s1  }
0x8c: {  	s17 =	sshll.u32 s0, $0xA;
	s2 =	sadd.s32 s3, s2  }
0x8d: {  	s2 =	sadd.s32 s2, s17  }
0x8e: {  	[smem:$0x3FC2] =	sst s2  }
0x8f: {  	_ = 	snop  }
0x90: {  	s2 =	sld [smem:$0x3FD0];
	(tm) =	ssettm $0x1  }
0x91: {  	s18 =	sld [smem:$0x3FFB];
	_ =	sdelay $0x3  }
0x92: {  	_ =	strace s18  }
0x93: {  	s3 =	sld [smem:$0x3FFC];
	_ =	sdelay $0x3  }
0x94: {  	_ =	strace s3  }
0x95: {  	s3 =	sld [smem:$0x3FFD];
	_ =	sdelay $0x3  }
0x96: {  	_ =	strace s3  }
0x97: {  	_ =	strace $0x8FFFFFFF  }
0x98: {  	s19 =	sld [smem:$0x3FDB];
	_ =	sdelay $0x1  }
0x99: {  	s4 =	simm.s32 $_scs_section_size  }
0x9a: {  	s5 =	simm.s32 $_size__tile_overlayer_lowered;
	s6 =	simm.s32 $_tile_overlayer_lowered  }
0x9b: {  	s22 =	simm.s32 $0x1BFF;
	s21 =	sshll.u32 s6, $0x1;
	s3 =	sadd.s32 s4, s19  }
0x9c: {  	s7 =	simm.s32 $0x0;
	s20 =	sshll.u32 s5, $0x1;
	s5 =	sadd.s32 s21, s3  }
0x9d: {  	[timem:s7], [sflag:s22] =	dma.local [hbm:s5], s20  }
0x9e: {  	_ =	swait.ge [sflag:s22], s20  }
0x9f: {  	s4 =	ssub.s32 $0x0, s20;
	[sflag:s22] =	ssyncset.done $0x0  }
0xa0: {  	[sflag:s22] =	ssyncadd.s32 s4;
	_ =	sdelay $0x1  }
0xa1: {  	s23 =	simm.s32 $0x1B8B  }
0xa2: {  	_ =	swait.ge [sflag:s23], $0x1  }
0xa3: {  	[sflag:s23] =	ssyncset.done $0x0  }
0xa4: {  	s25 =	simm.s32 $0x1B8E;
	s24 =	sld [smem:$0x3FFE];
	[sflag:s23] =	ssyncadd.s32 $0xFFFFFFFF  }
0xa5: {  	s26 =	simm.s32 $execute0_lowered;
	[smem:$0x3FD2] =	sst s25  }
0xa6: {  	s5 =	sshll.u32 s26, $0x1;
	_ =	strace $0x80000049;
	[dreg:$0x1] =	wrdreg $0xFFFFFFFF  }
0xa7: {  	s28 =	simm.s32 $_size_execute0_lowered;
	s3 =	sadd.s32 s3, s5;
	[dreg:$0x0] =	wrdreg $0x0  }
0xa8: {  	s5 =	sshll.u32 s28, $0x1;
	[dreg:$0x2] =	wrdreg s3  }
0xa9: {  	[dreg:$0x3] =	wrdreg s5  }
0xaa: {  	[dreg:$0x4] =	wrdreg $0xC0  }
0xab: {  	_ =	task [dreg:s7], $0x5FFFF  }
0xac: {  	[dreg:$0x1] =	wrdreg $0xFFFFFFFF  }
0xad: {  	[dreg:$0x0] =	wrdreg $0x60  }
0xae: {  	[dreg:$0x2] =	wrdreg s2  }
0xaf: {  	[dreg:$0x3] =	wrdreg s24  }
0xb0: {  	[dreg:$0x4] =	wrdreg $0x92000  }
0xb1: {  	[dreg:$0x5] =	wrdreg $0x9  }
0xb2: {  	_ =	task.clear_ibuf [dreg:s7], $0x6FFFF;
	_ =	strace $0x90000049  }
0xb3: {  	s29 =	simm.s32 $0x9;
	_ =	strace $0x8000004B  }
0xb4: {  	_ =	swait.ge [sflag:s29], $0x1  }
0xb5: {  	[sflag:s29] =	ssyncadd.s32 $0xFFFFFFFF  }
0xb6: {  	_ =	strace $0x9000004B  }
0xb7: {  	_ =	sfence  }
0xb8: {  	s30 =	sld [smem:$0x0];
	_ =	sdelay $0x2  }
0xb9: {  	s31 =	sshll.u32 s1, $0xD;
	s1 =	sshrl.u32 s1, $0x2  }
0xba: {  	s3 =	sand.u32 $0x4000, s31;
	s1 =	sadd.s32 s1, s30  }
0xbb: {  	s0 =	sor.u32 s3, s0;
	s1 =	sshll.u32 s1, $0x11  }
0xbc: {  	s0 =	sor.u32 s1, s0  }
0xbd: {  	s0 =	sadd.s32 $0x8F2B, s0  }
0xbe: {  	[sflag:s0] =	ssyncadd.remote.s32 $0x1  }
0xbf: {  	_ =	sfence.sel $0xFFFF  }
0xc0: {  	[dreg:$0x0] =	wrdreg $0xFFFFFFFF;
	(pc) =	sbr.abs _section_cstart, $3  }
0xc1: {  	[dreg:$0x1] =	wrdreg $0xFFFFFFFF  }
0xc2: {  	_ =	task.clear_ibuf [dreg:s7], $0x2FFFF;
	_ =	strace $0x9FFFFFFF  }
0xc3: {  	(tm) =	ssettm $0x7FFFFFFF  }
tec
execute0_lowered:
.L_overlay_start_1:
0x0: {  	(tag) =	ssettag $0x1  }
0x1: {  	s1 =	rddreg [dreg:$0x0]  }
0x2: {  	s0 =	rddreg [dreg:$0x1]  }
0x3: {  	s3 =	rddreg [dreg:$0x2];
	s4 =	simm.s32 $0x0  }
0x4: {  	s8 =	stileid.u32;
	s2 =	srdreg.scid;
	s19 =	simm.s32 $0x800  }
0x5: {  	s20 =	simm.s32 $0x80;
	[smem:$0x7FF] =	sst s4;
	s6 =	sadd.s32 $0x1800, s0  }
0x6: {  	s14 =	sadd.s32 $0xB800, s0;
	_ =	strace $0x8000004A;
	[dreg:$0x4] =	wrdreg s6  }
0x7: {  	s21 =	simm.s32 $0xC0;
	s23 =	simm.s32 $0x100;
	[dreg:$0x5] =	wrdreg s14  }
0x8: {  	s24 =	simm.s32 $0x140;
	s25 =	simm.s32 $0x180;
	[dreg:$0x6] =	wrdreg s19  }
0x9: {  	s26 =	simm.s32 $0x1C0;
	s10 =	simm.s32 $0x240;
	[dreg:$0x7] =	wrdreg s20  }
0xa: {  	s11 =	simm.s32 $0x280;
	s12 =	simm.s32 $0x2C0;
	[dreg:$0x8] =	wrdreg s21  }
0xb: {  	s28 =	simm.s32 $0x680;
	s29 =	simm.s32 $0x6C0;
	[dreg:$0x9] =	wrdreg s23  }
0xc: {  	s30 =	simm.s32 $0x700;
	s31 =	simm.s32 $0x740;
	[dreg:$0xa] =	wrdreg s24  }
0xd: {  	s5 =	smul.u32 $0x14000, s8;
	s2 =	sand.u32 $0x1, s2;
	[dreg:$0xb] =	wrdreg s25  }
0xe: {  	s18 =	sshll.u32 s8, $0xC;
	s22 =	smul.u32 $0x50000, s8;
	[dreg:$0xc] =	wrdreg s26  }
0xf: {  	s7 =	smul.u32 $0x140000, s2;
	s16 =	ssub.s32 $0x2, s2;
	[dreg:$0xe] =	wrdreg s10  }
0x10: {  	p0 =	seq.s32 s2, $0x0;
	s9 =	sor.u32 $0x40000, s18;
	[dreg:$0xf] =	wrdreg s11  }
0x11: {  	[dreg:$0x10] =	wrdreg s12;
	s14 =	simm.s32 $0x300;
	s12 =	simm.s32 $0x5  }
0x12: {  	s18 =	simm.s32 $0x400;
	s19 =	simm.s32 $0x440;
	[dreg:$0x11] =	wrdreg s14  }
0x13: {  	s20 =	simm.s32 $0x480;
	s21 =	simm.s32 $0x4C0;
	[dreg:$0x15] =	wrdreg s18  }
0x14: {  	s23 =	simm.s32 $0x540;
	s24 =	simm.s32 $0x580;
	[dreg:$0x16] =	wrdreg s19  }
0x15: {  	s25 =	simm.s32 $0x5C0;
	s26 =	simm.s32 $0x600;
	[dreg:$0x17] =	wrdreg s20  }
0x16: {  	s2 =	simm.s32 $0x7C0;
	s17 =	sshrl.u32 s16, $0x1;
	[dreg:$0x18] =	wrdreg s21  }
0x17: {  	s14 =	simm.s32 $0x1200;
	s18 =	simm.s32 $0x1;
	[dreg:$0x1a] =	wrdreg s23  }
0x18: {  	s19 =	simm.s32 $0x1000;
	s20 =	simm.s32 $0x2;
	[dreg:$0x1b] =	wrdreg s24  }
0x19: {  	s21 =	simm.s32 $0x1080;
	[dreg:$0x1c] =	wrdreg s25;
	s23 =	simm.s32 $0x1100  }
0x1a: {  	s24 =	simm.s32 $0x4;
	[dreg:$0x1d] =	wrdreg s26;
	s25 =	simm.s32 $0x1180  }
0x1b: {  	s26 =	simm.s32 $0x640;
	s15 =	sadd.s32 s5, s7;
	s5 =	sshrl.u32 s5, $0x3  }
0x1c: {  	s7 =	sshll.u32 s8, $0xE;
	s6 =	sshrl.u32 s15, $0x3;
	s5 =	sadd.s32 s5, s0  }
0x1d: {  	s9 =	smov.u32 @p0 s7;
	s7 =	sshrl.u32 s22, $0x2;
	s15 =	simm.s32 $0x340  }
0x1e: {  	s22 =	simm.s32 $0x500;
	s0 =	sadd.s32 s6, s0;
	[dreg:$0x1e] =	wrdreg s9  }
0x1f: {  	s6 =	ssub.s32 s16, s17;
	s9 =	simm.s32 $0x8;
	[dreg:$0x12] =	wrdreg s15  }
0x20: {  	s7 =	sadd.s32 s7, s3;
	s5 =	sadd.s32 $0x15800, s5;
	[dreg:$0x19] =	wrdreg s22  }
0x21: {  	s16 =	simm.s32 $0x380;
	s17 =	simm.s32 $0x3C0;
	[smem:$0x7FA] =	sst s5  }
0x22: {  	s15 =	simm.s32 $0x3200;
	s22 =	simm.s32 $0x3;
	[dreg:$0x13] =	wrdreg s16  }
0x23: {  	s9 =	simm.s32 @!p0 $0x2;
	s5 =	simm.s32 $0x200;
	[dreg:$0x14] =	wrdreg s17  }
0x24: {  	s0 =	sadd.s32 $0x8D800, s0;
	s13 =	smax.u32 s6, $0x1;
	[dreg:$0x1f] =	wrdreg s9  }
0x25: {  	s6 =	sshrl.u32 s7, $0x3;
	s16 =	simm.s32 $0x5200;
	[dreg:$0xd] =	wrdreg s5  }
0x26: {  	s17 =	simm.s32 $0x7200;
	s7 =	simm.s32 $0x0;
	[smem:$0x7FB] =	sst s0  }
0x27: {  	s9 =	sshll.u32 s8, $0x6;
	[smem:$0x7FC] =	sst s13;
	s13 =	simm.s32 $0x40  }
0x28: {  	s0 =	simm.s32 $0x780;
	[smem:$0x7FD] =	sst s6;
	s8 =	sor.u32 $0x1C05, s9  }
.LBB2_1:
0x29: {  	s5 =	sld [smem:$0x7FA];
	_ =	sdelay $0x2  }
0x2a: {  	[spmem:s6], [sflag:s8] =	dma.local [hbm:s5], $0x2800  }
0x2b: {  	_ =	swait.ge [sflag:s12], $0x2800  }
0x2c: {  	[sflag:s12] =	ssyncset.done $0x0  }
0x2d: {  	[sflag:s12] =	ssyncadd.s32 $0xFFFFD800  }
0x2e: {  	[bflag:$0x0] =	sbarrier.arrive $0xFFFF  }
0x2f: {  	s6 =	rddreg [dreg:$0x1f]  }
0x30: {  	s11 =	smov.u32 s8;
	s5 =	rddreg [dreg:$0x1e]  }
.LBB2_2:
0x31: {  	s10 =	rddreg [dreg:$0x4];
	s9 =	sshrl.u32 s5, $0x3  }
0x32: {  	s10 =	sadd.s32 s10, s9  }
0x33: {  	[tilespmem:s4], [sflag:$0x5] =	stream.linear.gather [hbm4b:s10+s4], $0x800, $0x38;
	[tilespmem:$0x1D200] =	vst v63  }
0x34: {  	_ =	swait.ge [sflag:s12], $0x800  }
0x35: {  	s10 =	rddreg [dreg:$0x5];
	[sflag:s12] =	ssyncset.done $0x0  }
0x36: {  	s8 =	rddreg [dreg:$0x6];
	s9 =	sadd.s32 s10, s9;
	[sflag:s12] =	ssyncadd.s32 $0xFFFFF800  }
0x37: {  	[tilespmem:s8], [sflag:$0x5] =	stream.linear.gather [hbm4b:s9+s4], $0x800, $0x38;
	[tilespmem:$0x1D200] =	vst v63  }
0x38: {  	_ =	swait.ge [sflag:s12], $0x800  }
0x39: {  	[sflag:s12] =	ssyncset.done $0x0  }
0x3a: {  	[sflag:s12] =	ssyncadd.s32 $0xFFFFF800  }
0x3b: {  	[tilespmem:s14], [sflag:$0x1] =	stream.indirect.gather [hbm4b:s1+s13], $0x80, s4, s13, $0xb8;
	[tilespmem:$0x1D200] =	vst v63  }
0x3c: {  	_ = 	snop  }
0x3d: {  	[tilespmem:s15], [sflag:$0x2] =	stream.indirect.gather [hbm4b:s1+s13], $0x80, s13, s13, $0xb8;
	[tilespmem:$0x1D200] =	vst v63  }
0x3e: {  	s9 =	rddreg [dreg:$0x7]  }
0x3f: {  	[tilespmem:s16], [sflag:$0x3] =	stream.indirect.gather [hbm4b:s1+s13], $0x80, s9, s13, $0xb8;
	[tilespmem:$0x1D200] =	vst v63  }
0x40: {  	s10 =	rddreg [dreg:$0x8]  }
0x41: {  	[tilespmem:s17], [sflag:$0x4] =	stream.indirect.gather [hbm4b:s1+s13], $0x80, s10, s13, $0xb8;
	[tilespmem:$0x1D200] =	vst v63  }
0x42: {  	v0 =	vld [tilespmem:$0x800]  }
0x43: {  	v1 =	vld [tilespmem:$0x810]  }
0x44: {  	v2 =	vld [tilespmem:$0x820]  }
0x45: {  	v3 =	vld [tilespmem:$0x830];
	_ =	sdelay $0x1  }
0x46: {  	[tilespmem:$0x1000] =	vst v0  }
0x47: {  	[tilespmem:$0x1010] =	vst v1  }
0x48: {  	[tilespmem:$0x1020] =	vst v2  }
0x49: {  	[tilespmem:$0x1030] =	vst v3  }
0x4a: {  	_ =	swait.ge [sflag:s18], $0x2000  }
0x4b: {  	[sflag:s18] =	ssyncset.done $0x0  }
0x4c: {  	[sflag:s18] =	ssyncadd.s32 $0xFFFFE000  }
0x4d: {  	[spmem:s3] =	stream.indirect.scatter.add.f32 [tilespmem:s14], [sflag:$0x5], $0x80, s19, s13, $0xb8;
	[tilespmem:$0x1D200] =	vst v63  }
0x4e: {  	_ =	swait.ge [sflag:s12], $0x2000  }
0x4f: {  	[sflag:s12] =	ssyncset.done $0x0  }
0x50: {  	s10 =	rddreg [dreg:$0x9];
	[sflag:s12] =	ssyncadd.s32 $0xFFFFE000  }
0x51: {  	[tilespmem:s14], [sflag:$0x1] =	stream.indirect.gather [hbm4b:s1+s13], $0x80, s10, s13, $0xb8;
	[tilespmem:$0x1D200] =	vst v63  }
0x52: {  	v56 =	vld [tilespmem:$0x840]  }
0x53: {  	v57 =	vld [tilespmem:$0x850]  }
0x54: {  	v58 =	vld [tilespmem:$0x860]  }
0x55: {  	v59 =	vld [tilespmem:$0x870];
	_ =	sdelay $0x1  }
0x56: {  	[tilespmem:$0x1080] =	vst v56  }
0x57: {  	[tilespmem:$0x1090] =	vst v57  }
0x58: {  	[tilespmem:$0x10A0] =	vst v58  }
0x59: {  	[tilespmem:$0x10B0] =	vst v59  }
0x5a: {  	_ =	swait.ge [sflag:s20], $0x2000  }
0x5b: {  	[sflag:s20] =	ssyncset.done $0x0  }
0x5c: {  	[sflag:s20] =	ssyncadd.s32 $0xFFFFE000  }
0x5d: {  	[spmem:s3] =	stream.indirect.scatter.add.f32 [tilespmem:s15], [sflag:$0x5], $0x80, s21, s13, $0xb8;
	[tilespmem:$0x1D200] =	vst v63  }
0x5e: {  	_ =	swait.ge [sflag:s12], $0x2000  }
0x5f: {  	[sflag:s12] =	ssyncset.done $0x0  }
0x60: {  	s9 =	rddreg [dreg:$0xa];
	[sflag:s12] =	ssyncadd.s32 $0xFFFFE000  }
0x61: {  	[tilespmem:s15], [sflag:$0x2] =	stream.indirect.gather [hbm4b:s1+s13], $0x80, s9, s13, $0xb8;
	[tilespmem:$0x1D200] =	vst v63  }
0x62: {  	v60 =	vld [tilespmem:$0x880]  }
0x63: {  	v61 =	vld [tilespmem:$0x890]  }
0x64: {  	v62 =	vld [tilespmem:$0x8A0]  }
0x65: {  	v63 =	vld [tilespmem:$0x8B0];
	_ =	sdelay $0x1  }
0x66: {  	[tilespmem:$0x1100] =	vst v60  }
0x67: {  	[tilespmem:$0x1110] =	vst v61  }
0x68: {  	[tilespmem:$0x1120] =	vst v62  }
0x69: {  	[tilespmem:$0x1130] =	vst v63  }
0x6a: {  	_ =	swait.ge [sflag:s22], $0x2000  }
0x6b: {  	[sflag:s22] =	ssyncset.done $0x0  }
0x6c: {  	[sflag:s22] =	ssyncadd.s32 $0xFFFFE000  }
0x6d: {  	[spmem:s3] =	stream.indirect.scatter.add.f32 [tilespmem:s16], [sflag:$0x5], $0x80, s23, s13, $0xb8;
	[tilespmem:$0x1D200] =	vst v63  }
0x6e: {  	_ =	swait.ge [sflag:s12], $0x2000  }
0x6f: {  	[sflag:s12] =	ssyncset.done $0x0  }
0x70: {  	s10 =	rddreg [dreg:$0xb];
	[sflag:s12] =	ssyncadd.s32 $0xFFFFE000  }
0x71: {  	[tilespmem:s16], [sflag:$0x3] =	stream.indirect.gather [hbm4b:s1+s13], $0x80, s10, s13, $0xb8;
	[tilespmem:$0x1D200] =	vst v63  }
0x72: {  	v6 =	vld [tilespmem:$0x8C0]  }
0x73: {  	v7 =	vld [tilespmem:$0x8D0]  }
0x74: {  	v8 =	vld [tilespmem:$0x8E0]  }
0x75: {  	v9 =	vld [tilespmem:$0x8F0];
	_ =	sdelay $0x1  }
0x76: {  	[tilespmem:$0x1180] =	vst v6  }
0x77: {  	[tilespmem:$0x1190] =	vst v7  }
0x78: {  	[tilespmem:$0x11A0] =	vst v8  }
0x79: {  	[tilespmem:$0x11B0] =	vst v9  }
0x7a: {  	_ =	swait.ge [sflag:s24], $0x2000  }
0x7b: {  	[sflag:s24] =	ssyncset.done $0x0  }
0x7c: {  	[sflag:s24] =	ssyncadd.s32 $0xFFFFE000  }
0x7d: {  	[spmem:s3] =	stream.indirect.scatter.add.f32 [tilespmem:s17], [sflag:$0x5], $0x80, s25, s13, $0xb8;
	[tilespmem:$0x1D200] =	vst v63  }
0x7e: {  	_ =	swait.ge [sflag:s12], $0x2000  }
0x7f: {  	[sflag:s12] =	ssyncset.done $0x0  }
0x80: {  	s9 =	rddreg [dreg:$0xc];
	[sflag:s12] =	ssyncadd.s32 $0xFFFFE000  }
0x81: {  	[tilespmem:s17], [sflag:$0x4] =	stream.indirect.gather [hbm4b:s1+s13], $0x80, s9, s13, $0xb8;
	[tilespmem:$0x1D200] =	vst v63  }
0x82: {  	v10 =	vld [tilespmem:$0x900]  }
0x83: {  	v11 =	vld [tilespmem:$0x910]  }
0x84: {  	v12 =	vld [tilespmem:$0x920]  }
0x85: {  	v13 =	vld [tilespmem:$0x930];
	_ =	sdelay $0x1  }
0x86: {  	[tilespmem:$0x1000] =	vst v10  }
0x87: {  	[tilespmem:$0x1010] =	vst v11  }
0x88: {  	[tilespmem:$0x1020] =	vst v12  }
0x89: {  	[tilespmem:$0x1030] =	vst v13  }
0x8a: {  	_ =	swait.ge [sflag:s18], $0x2000  }
0x8b: {  	[sflag:s18] =	ssyncset.done $0x0  }
0x8c: {  	[sflag:s18] =	ssyncadd.s32 $0xFFFFE000  }
0x8d: {  	[spmem:s3] =	stream.indirect.scatter.add.f32 [tilespmem:s14], [sflag:$0x5], $0x80, s19, s13, $0xb8;
	[tilespmem:$0x1D200] =	vst v63  }
0x8e: {  	_ =	swait.ge [sflag:s12], $0x2000  }
0x8f: {  	[sflag:s12] =	ssyncset.done $0x0  }
0x90: {  	s10 =	rddreg [dreg:$0xd];
	[sflag:s12] =	ssyncadd.s32 $0xFFFFE000  }
0x91: {  	[tilespmem:s14], [sflag:$0x1] =	stream.indirect.gather [hbm4b:s1+s13], $0x80, s10, s13, $0xb8;
	[tilespmem:$0x1D200] =	vst v63  }
0x92: {  	v14 =	vld [tilespmem:$0x940]  }
0x93: {  	v15 =	vld [tilespmem:$0x950]  }
0x94: {  	v16 =	vld [tilespmem:$0x960]  }
0x95: {  	v17 =	vld [tilespmem:$0x970];
	_ =	sdelay $0x1  }
0x96: {  	[tilespmem:$0x1080] =	vst v14  }
0x97: {  	[tilespmem:$0x1090] =	vst v15  }
0x98: {  	[tilespmem:$0x10A0] =	vst v16  }
0x99: {  	[tilespmem:$0x10B0] =	vst v17  }
0x9a: {  	_ =	swait.ge [sflag:s20], $0x2000  }
0x9b: {  	[sflag:s20] =	ssyncset.done $0x0  }
0x9c: {  	[sflag:s20] =	ssyncadd.s32 $0xFFFFE000  }
0x9d: {  	[spmem:s3] =	stream.indirect.scatter.add.f32 [tilespmem:s15], [sflag:$0x5], $0x80, s21, s13, $0xb8;
	[tilespmem:$0x1D200] =	vst v63  }
0x9e: {  	_ =	swait.ge [sflag:s12], $0x2000  }
0x9f: {  	[sflag:s12] =	ssyncset.done $0x0  }
0xa0: {  	s9 =	rddreg [dreg:$0xe];
	[sflag:s12] =	ssyncadd.s32 $0xFFFFE000  }
0xa1: {  	[tilespmem:s15], [sflag:$0x2] =	stream.indirect.gather [hbm4b:s1+s13], $0x80, s9, s13, $0xb8;
	[tilespmem:$0x1D200] =	vst v63  }
0xa2: {  	v18 =	vld [tilespmem:$0x980]  }
0xa3: {  	v19 =	vld [tilespmem:$0x990]  }
0xa4: {  	v20 =	vld [tilespmem:$0x9A0]  }
0xa5: {  	v21 =	vld [tilespmem:$0x9B0];
	_ =	sdelay $0x1  }
0xa6: {  	[tilespmem:$0x1100] =	vst v18  }
0xa7: {  	[tilespmem:$0x1110] =	vst v19  }
0xa8: {  	[tilespmem:$0x1120] =	vst v20  }
0xa9: {  	[tilespmem:$0x1130] =	vst v21  }
0xaa: {  	_ =	swait.ge [sflag:s22], $0x2000  }
0xab: {  	[sflag:s22] =	ssyncset.done $0x0  }
0xac: {  	[sflag:s22] =	ssyncadd.s32 $0xFFFFE000  }
0xad: {  	[spmem:s3] =	stream.indirect.scatter.add.f32 [tilespmem:s16], [sflag:$0x5], $0x80, s23, s13, $0xb8;
	[tilespmem:$0x1D200] =	vst v63  }
0xae: {  	_ =	swait.ge [sflag:s12], $0x2000  }
0xaf: {  	[sflag:s12] =	ssyncset.done $0x0  }
0xb0: {  	s10 =	rddreg [dreg:$0xf];
	[sflag:s12] =	ssyncadd.s32 $0xFFFFE000  }
0xb1: {  	[tilespmem:s16], [sflag:$0x3] =	stream.indirect.gather [hbm4b:s1+s13], $0x80, s10, s13, $0xb8;
	[tilespmem:$0x1D200] =	vst v63  }
0xb2: {  	v22 =	vld [tilespmem:$0x9C0]  }
0xb3: {  	v23 =	vld [tilespmem:$0x9D0]  }
0xb4: {  	v24 =	vld [tilespmem:$0x9E0]  }
0xb5: {  	v25 =	vld [tilespmem:$0x9F0];
	_ =	sdelay $0x1  }
0xb6: {  	[tilespmem:$0x1180] =	vst v22  }
0xb7: {  	[tilespmem:$0x1190] =	vst v23  }
0xb8: {  	[tilespmem:$0x11A0] =	vst v24  }
0xb9: {  	[tilespmem:$0x11B0] =	vst v25  }
0xba: {  	_ =	swait.ge [sflag:s24], $0x2000  }
0xbb: {  	[sflag:s24] =	ssyncset.done $0x0  }
0xbc: {  	[sflag:s24] =	ssyncadd.s32 $0xFFFFE000  }
0xbd: {  	[spmem:s3] =	stream.indirect.scatter.add.f32 [tilespmem:s17], [sflag:$0x5], $0x80, s25, s13, $0xb8;
	[tilespmem:$0x1D200] =	vst v63  }
0xbe: {  	_ =	swait.ge [sflag:s12], $0x2000  }
0xbf: {  	[sflag:s12] =	ssyncset.done $0x0  }
0xc0: {  	s9 =	rddreg [dreg:$0x10];
	[sflag:s12] =	ssyncadd.s32 $0xFFFFE000  }
0xc1: {  	[tilespmem:s17], [sflag:$0x4] =	stream.indirect.gather [hbm4b:s1+s13], $0x80, s9, s13, $0xb8;
	[tilespmem:$0x1D200] =	vst v63  }
0xc2: {  	v26 =	vld [tilespmem:$0xA00]  }
0xc3: {  	v27 =	vld [tilespmem:$0xA10]  }
0xc4: {  	v28 =	vld [tilespmem:$0xA20]  }
0xc5: {  	v29 =	vld [tilespmem:$0xA30];
	_ =	sdelay $0x1  }
0xc6: {  	[tilespmem:$0x1000] =	vst v26  }
0xc7: {  	[tilespmem:$0x1010] =	vst v27  }
0xc8: {  	[tilespmem:$0x1020] =	vst v28  }
0xc9: {  	[tilespmem:$0x1030] =	vst v29  }
0xca: {  	_ =	swait.ge [sflag:s18], $0x2000  }
0xcb: {  	[sflag:s18] =	ssyncset.done $0x0  }
0xcc: {  	[sflag:s18] =	ssyncadd.s32 $0xFFFFE000  }
0xcd: {  	[spmem:s3] =	stream.indirect.scatter.add.f32 [tilespmem:s14], [sflag:$0x5], $0x80, s19, s13, $0xb8;
	[tilespmem:$0x1D200] =	vst v63  }
0xce: {  	_ =	swait.ge [sflag:s12], $0x2000  }
0xcf: {  	[sflag:s12] =	ssyncset.done $0x0  }
0xd0: {  	s10 =	rddreg [dreg:$0x11];
	[sflag:s12] =	ssyncadd.s32 $0xFFFFE000  }
0xd1: {  	[tilespmem:s14], [sflag:$0x1] =	stream.indirect.gather [hbm4b:s1+s13], $0x80, s10, s13, $0xb8;
	[tilespmem:$0x1D200] =	vst v63  }
0xd2: {  	v30 =	vld [tilespmem:$0xA40]  }
0xd3: {  	v31 =	vld [tilespmem:$0xA50]  }
0xd4: {  	v32 =	vld [tilespmem:$0xA60]  }
0xd5: {  	v33 =	vld [tilespmem:$0xA70];
	_ =	sdelay $0x1  }
0xd6: {  	[tilespmem:$0x1080] =	vst v30  }
0xd7: {  	[tilespmem:$0x1090] =	vst v31  }
0xd8: {  	[tilespmem:$0x10A0] =	vst v32  }
0xd9: {  	[tilespmem:$0x10B0] =	vst v33  }
0xda: {  	_ =	swait.ge [sflag:s20], $0x2000  }
0xdb: {  	[sflag:s20] =	ssyncset.done $0x0  }
0xdc: {  	[sflag:s20] =	ssyncadd.s32 $0xFFFFE000  }
0xdd: {  	[spmem:s3] =	stream.indirect.scatter.add.f32 [tilespmem:s15], [sflag:$0x5], $0x80, s21, s13, $0xb8;
	[tilespmem:$0x1D200] =	vst v63  }
0xde: {  	_ =	swait.ge [sflag:s12], $0x2000  }
0xdf: {  	[sflag:s12] =	ssyncset.done $0x0  }
0xe0: {  	s9 =	rddreg [dreg:$0x12];
	[sflag:s12] =	ssyncadd.s32 $0xFFFFE000  }
0xe1: {  	[tilespmem:s15], [sflag:$0x2] =	stream.indirect.gather [hbm4b:s1+s13], $0x80, s9, s13, $0xb8;
	[tilespmem:$0x1D200] =	vst v63  }
0xe2: {  	v34 =	vld [tilespmem:$0xA80]  }
0xe3: {  	v35 =	vld [tilespmem:$0xA90]  }
0xe4: {  	v36 =	vld [tilespmem:$0xAA0]  }
0xe5: {  	v37 =	vld [tilespmem:$0xAB0];
	_ =	sdelay $0x1  }
0xe6: {  	[tilespmem:$0x1100] =	vst v34  }
0xe7: {  	[tilespmem:$0x1110] =	vst v35  }
0xe8: {  	[tilespmem:$0x1120] =	vst v36  }
0xe9: {  	[tilespmem:$0x1130] =	vst v37  }
0xea: {  	_ =	swait.ge [sflag:s22], $0x2000  }
0xeb: {  	[sflag:s22] =	ssyncset.done $0x0  }
0xec: {  	[sflag:s22] =	ssyncadd.s32 $0xFFFFE000  }
0xed: {  	[spmem:s3] =	stream.indirect.scatter.add.f32 [tilespmem:s16], [sflag:$0x5], $0x80, s23, s13, $0xb8;
	[tilespmem:$0x1D200] =	vst v63  }
0xee: {  	_ =	swait.ge [sflag:s12], $0x2000  }
0xef: {  	[sflag:s12] =	ssyncset.done $0x0  }
0xf0: {  	s10 =	rddreg [dreg:$0x13];
	[sflag:s12] =	ssyncadd.s32 $0xFFFFE000  }
0xf1: {  	[tilespmem:s16], [sflag:$0x3] =	stream.indirect.gather [hbm4b:s1+s13], $0x80, s10, s13, $0xb8;
	[tilespmem:$0x1D200] =	vst v63  }
0xf2: {  	v38 =	vld [tilespmem:$0xAC0]  }
0xf3: {  	v39 =	vld [tilespmem:$0xAD0]  }
0xf4: {  	v40 =	vld [tilespmem:$0xAE0]  }
0xf5: {  	v41 =	vld [tilespmem:$0xAF0];
	_ =	sdelay $0x1  }
0xf6: {  	[tilespmem:$0x1180] =	vst v38  }
0xf7: {  	[tilespmem:$0x1190] =	vst v39  }
0xf8: {  	[tilespmem:$0x11A0] =	vst v40  }
0xf9: {  	[tilespmem:$0x11B0] =	vst v41  }
0xfa: {  	_ =	swait.ge [sflag:s24], $0x2000  }
0xfb: {  	[sflag:s24] =	ssyncset.done $0x0  }
0xfc: {  	[sflag:s24] =	ssyncadd.s32 $0xFFFFE000  }
0xfd: {  	[spmem:s3] =	stream.indirect.scatter.add.f32 [tilespmem:s17], [sflag:$0x5], $0x80, s25, s13, $0xb8;
	[tilespmem:$0x1D200] =	vst v63  }
0xfe: {  	_ =	swait.ge [sflag:s12], $0x2000  }
0xff: {  	[sflag:s12] =	ssyncset.done $0x0  }
0x100: {  	s9 =	rddreg [dreg:$0x14];
	[sflag:s12] =	ssyncadd.s32 $0xFFFFE000  }
0x101: {  	[tilespmem:s17], [sflag:$0x4] =	stream.indirect.gather [hbm4b:s1+s13], $0x80, s9, s13, $0xb8;
	[tilespmem:$0x1D200] =	vst v63  }
0x102: {  	v42 =	vld [tilespmem:$0xB00]  }
0x103: {  	v43 =	vld [tilespmem:$0xB10]  }
0x104: {  	v44 =	vld [tilespmem:$0xB20]  }
0x105: {  	v45 =	vld [tilespmem:$0xB30];
	_ =	sdelay $0x1  }
0x106: {  	[tilespmem:$0x1000] =	vst v42  }
0x107: {  	[tilespmem:$0x1010] =	vst v43  }
0x108: {  	[tilespmem:$0x1020] =	vst v44  }
0x109: {  	[tilespmem:$0x1030] =	vst v45  }
0x10a: {  	_ =	swait.ge [sflag:s18], $0x2000  }
0x10b: {  	[sflag:s18] =	ssyncset.done $0x0  }
0x10c: {  	[sflag:s18] =	ssyncadd.s32 $0xFFFFE000  }
0x10d: {  	[spmem:s3] =	stream.indirect.scatter.add.f32 [tilespmem:s14], [sflag:$0x5], $0x80, s19, s13, $0xb8;
	[tilespmem:$0x1D200] =	vst v63  }
0x10e: {  	_ =	swait.ge [sflag:s12], $0x2000  }
0x10f: {  	[sflag:s12] =	ssyncset.done $0x0  }
0x110: {  	s10 =	rddreg [dreg:$0x15];
	[sflag:s12] =	ssyncadd.s32 $0xFFFFE000  }
0x111: {  	[tilespmem:s14], [sflag:$0x1] =	stream.indirect.gather [hbm4b:s1+s13], $0x80, s10, s13, $0xb8;
	[tilespmem:$0x1D200] =	vst v63  }
0x112: {  	v46 =	vld [tilespmem:$0xB40]  }
0x113: {  	v47 =	vld [tilespmem:$0xB50]  }
0x114: {  	v48 =	vld [tilespmem:$0xB60]  }
0x115: {  	v49 =	vld [tilespmem:$0xB70];
	_ =	sdelay $0x1  }
0x116: {  	[tilespmem:$0x1080] =	vst v46  }
0x117: {  	[tilespmem:$0x1090] =	vst v47  }
0x118: {  	[tilespmem:$0x10A0] =	vst v48  }
0x119: {  	[tilespmem:$0x10B0] =	vst v49  }
0x11a: {  	_ =	swait.ge [sflag:s20], $0x2000  }
0x11b: {  	[sflag:s20] =	ssyncset.done $0x0  }
0x11c: {  	[sflag:s20] =	ssyncadd.s32 $0xFFFFE000  }
0x11d: {  	[spmem:s3] =	stream.indirect.scatter.add.f32 [tilespmem:s15], [sflag:$0x5], $0x80, s21, s13, $0xb8;
	[tilespmem:$0x1D200] =	vst v63  }
0x11e: {  	_ =	swait.ge [sflag:s12], $0x2000  }
0x11f: {  	[sflag:s12] =	ssyncset.done $0x0  }
0x120: {  	s9 =	rddreg [dreg:$0x16];
	[sflag:s12] =	ssyncadd.s32 $0xFFFFE000  }
0x121: {  	[tilespmem:s15], [sflag:$0x2] =	stream.indirect.gather [hbm4b:s1+s13], $0x80, s9, s13, $0xb8;
	[tilespmem:$0x1D200] =	vst v63  }
0x122: {  	v50 =	vld [tilespmem:$0xB80]  }
0x123: {  	v51 =	vld [tilespmem:$0xB90]  }
0x124: {  	v52 =	vld [tilespmem:$0xBA0]  }
0x125: {  	v53 =	vld [tilespmem:$0xBB0];
	_ =	sdelay $0x1  }
0x126: {  	[tilespmem:$0x1100] =	vst v50  }
0x127: {  	[tilespmem:$0x1110] =	vst v51  }
0x128: {  	[tilespmem:$0x1120] =	vst v52  }
0x129: {  	[tilespmem:$0x1130] =	vst v53  }
0x12a: {  	_ =	swait.ge [sflag:s22], $0x2000  }
0x12b: {  	[sflag:s22] =	ssyncset.done $0x0  }
0x12c: {  	[sflag:s22] =	ssyncadd.s32 $0xFFFFE000  }
0x12d: {  	[spmem:s3] =	stream.indirect.scatter.add.f32 [tilespmem:s16], [sflag:$0x5], $0x80, s23, s13, $0xb8;
	[tilespmem:$0x1D200] =	vst v63  }
0x12e: {  	_ =	swait.ge [sflag:s12], $0x2000  }
0x12f: {  	[sflag:s12] =	ssyncset.done $0x0  }
0x130: {  	s10 =	rddreg [dreg:$0x17];
	[sflag:s12] =	ssyncadd.s32 $0xFFFFE000  }
0x131: {  	[tilespmem:s16], [sflag:$0x3] =	stream.indirect.gather [hbm4b:s1+s13], $0x80, s10, s13, $0xb8;
	[tilespmem:$0x1D200] =	vst v63  }
0x132: {  	v54 =	vld [tilespmem:$0xBC0]  }
0x133: {  	v55 =	vld [tilespmem:$0xBD0]  }
0x134: {  	v56 =	vld [tilespmem:$0xBE0]  }
0x135: {  	v57 =	vld [tilespmem:$0xBF0];
	_ =	sdelay $0x1  }
0x136: {  	[tilespmem:$0x1180] =	vst v54  }
0x137: {  	[tilespmem:$0x1190] =	vst v55  }
0x138: {  	[tilespmem:$0x11A0] =	vst v56  }
0x139: {  	[tilespmem:$0x11B0] =	vst v57  }
0x13a: {  	_ =	swait.ge [sflag:s24], $0x2000  }
0x13b: {  	[sflag:s24] =	ssyncset.done $0x0  }
0x13c: {  	[sflag:s24] =	ssyncadd.s32 $0xFFFFE000  }
0x13d: {  	[spmem:s3] =	stream.indirect.scatter.add.f32 [tilespmem:s17], [sflag:$0x5], $0x80, s25, s13, $0xb8;
	[tilespmem:$0x1D200] =	vst v63  }
0x13e: {  	_ =	swait.ge [sflag:s12], $0x2000  }
0x13f: {  	[sflag:s12] =	ssyncset.done $0x0  }
0x140: {  	s9 =	rddreg [dreg:$0x18];
	[sflag:s12] =	ssyncadd.s32 $0xFFFFE000  }
0x141: {  	[tilespmem:s17], [sflag:$0x4] =	stream.indirect.gather [hbm4b:s1+s13], $0x80, s9, s13, $0xb8;
	[tilespmem:$0x1D200] =	vst v63  }
0x142: {  	v58 =	vld [tilespmem:$0xC00]  }
0x143: {  	v59 =	vld [tilespmem:$0xC10]  }
0x144: {  	v60 =	vld [tilespmem:$0xC20]  }
0x145: {  	v61 =	vld [tilespmem:$0xC30];
	_ =	sdelay $0x1  }
0x146: {  	[tilespmem:$0x1000] =	vst v58  }
0x147: {  	[tilespmem:$0x1010] =	vst v59  }
0x148: {  	[tilespmem:$0x1020] =	vst v60  }
0x149: {  	[tilespmem:$0x1030] =	vst v61  }
0x14a: {  	_ =	swait.ge [sflag:s18], $0x2000  }
0x14b: {  	[sflag:s18] =	ssyncset.done $0x0  }
0x14c: {  	[sflag:s18] =	ssyncadd.s32 $0xFFFFE000  }
0x14d: {  	[spmem:s3] =	stream.indirect.scatter.add.f32 [tilespmem:s14], [sflag:$0x5], $0x80, s19, s13, $0xb8;
	[tilespmem:$0x1D200] =	vst v63  }
0x14e: {  	_ =	swait.ge [sflag:s12], $0x2000  }
0x14f: {  	[sflag:s12] =	ssyncset.done $0x0  }
0x150: {  	s10 =	rddreg [dreg:$0x19];
	[sflag:s12] =	ssyncadd.s32 $0xFFFFE000  }
0x151: {  	[tilespmem:s14], [sflag:$0x1] =	stream.indirect.gather [hbm4b:s1+s13], $0x80, s10, s13, $0xb8;
	[tilespmem:$0x1D200] =	vst v63  }
0x152: {  	v62 =	vld [tilespmem:$0xC40]  }
0x153: {  	v63 =	vld [tilespmem:$0xC50]  }
0x154: {  	v6 =	vld [tilespmem:$0xC60]  }
0x155: {  	v7 =	vld [tilespmem:$0xC70];
	_ =	sdelay $0x1  }
0x156: {  	[tilespmem:$0x1080] =	vst v62  }
0x157: {  	[tilespmem:$0x1090] =	vst v63  }
0x158: {  	[tilespmem:$0x10A0] =	vst v6  }
0x159: {  	[tilespmem:$0x10B0] =	vst v7  }
0x15a: {  	_ =	swait.ge [sflag:s20], $0x2000  }
0x15b: {  	[sflag:s20] =	ssyncset.done $0x0  }
0x15c: {  	[sflag:s20] =	ssyncadd.s32 $0xFFFFE000  }
0x15d: {  	[spmem:s3] =	stream.indirect.scatter.add.f32 [tilespmem:s15], [sflag:$0x5], $0x80, s21, s13, $0xb8;
	[tilespmem:$0x1D200] =	vst v63  }
0x15e: {  	_ =	swait.ge [sflag:s12], $0x2000  }
0x15f: {  	[sflag:s12] =	ssyncset.done $0x0  }
0x160: {  	s9 =	rddreg [dreg:$0x1a];
	[sflag:s12] =	ssyncadd.s32 $0xFFFFE000  }
0x161: {  	[tilespmem:s15], [sflag:$0x2] =	stream.indirect.gather [hbm4b:s1+s13], $0x80, s9, s13, $0xb8;
	[tilespmem:$0x1D200] =	vst v63  }
0x162: {  	v8 =	vld [tilespmem:$0xC80]  }
0x163: {  	v9 =	vld [tilespmem:$0xC90]  }
0x164: {  	v10 =	vld [tilespmem:$0xCA0]  }
0x165: {  	v11 =	vld [tilespmem:$0xCB0];
	_ =	sdelay $0x1  }
0x166: {  	[tilespmem:$0x1100] =	vst v8  }
0x167: {  	[tilespmem:$0x1110] =	vst v9  }
0x168: {  	[tilespmem:$0x1120] =	vst v10  }
0x169: {  	[tilespmem:$0x1130] =	vst v11  }
0x16a: {  	_ =	swait.ge [sflag:s22], $0x2000  }
0x16b: {  	[sflag:s22] =	ssyncset.done $0x0  }
0x16c: {  	[sflag:s22] =	ssyncadd.s32 $0xFFFFE000  }
0x16d: {  	[spmem:s3] =	stream.indirect.scatter.add.f32 [tilespmem:s16], [sflag:$0x5], $0x80, s23, s13, $0xb8;
	[tilespmem:$0x1D200] =	vst v63  }
0x16e: {  	_ =	swait.ge [sflag:s12], $0x2000  }
0x16f: {  	[sflag:s12] =	ssyncset.done $0x0  }
0x170: {  	s10 =	rddreg [dreg:$0x1b];
	[sflag:s12] =	ssyncadd.s32 $0xFFFFE000  }
0x171: {  	[tilespmem:s16], [sflag:$0x3] =	stream.indirect.gather [hbm4b:s1+s13], $0x80, s10, s13, $0xb8;
	[tilespmem:$0x1D200] =	vst v63  }
0x172: {  	v12 =	vld [tilespmem:$0xCC0]  }
0x173: {  	v13 =	vld [tilespmem:$0xCD0]  }
0x174: {  	v14 =	vld [tilespmem:$0xCE0]  }
0x175: {  	v15 =	vld [tilespmem:$0xCF0];
	_ =	sdelay $0x1  }
0x176: {  	[tilespmem:$0x1180] =	vst v12  }
0x177: {  	[tilespmem:$0x1190] =	vst v13  }
0x178: {  	[tilespmem:$0x11A0] =	vst v14  }
0x179: {  	[tilespmem:$0x11B0] =	vst v15  }
0x17a: {  	_ =	swait.ge [sflag:s24], $0x2000  }
0x17b: {  	[sflag:s24] =	ssyncset.done $0x0  }
0x17c: {  	[sflag:s24] =	ssyncadd.s32 $0xFFFFE000  }
0x17d: {  	[spmem:s3] =	stream.indirect.scatter.add.f32 [tilespmem:s17], [sflag:$0x5], $0x80, s25, s13, $0xb8;
	[tilespmem:$0x1D200] =	vst v63  }
0x17e: {  	_ =	swait.ge [sflag:s12], $0x2000  }
0x17f: {  	[sflag:s12] =	ssyncset.done $0x0  }
0x180: {  	s9 =	rddreg [dreg:$0x1c];
	[sflag:s12] =	ssyncadd.s32 $0xFFFFE000  }
0x181: {  	[tilespmem:s17], [sflag:$0x4] =	stream.indirect.gather [hbm4b:s1+s13], $0x80, s9, s13, $0xb8;
	[tilespmem:$0x1D200] =	vst v63  }
0x182: {  	v16 =	vld [tilespmem:$0xD00]  }
0x183: {  	v17 =	vld [tilespmem:$0xD10]  }
0x184: {  	v18 =	vld [tilespmem:$0xD20]  }
0x185: {  	v19 =	vld [tilespmem:$0xD30];
	_ =	sdelay $0x1  }
0x186: {  	[tilespmem:$0x1000] =	vst v16  }
0x187: {  	[tilespmem:$0x1010] =	vst v17  }
0x188: {  	[tilespmem:$0x1020] =	vst v18  }
0x189: {  	[tilespmem:$0x1030] =	vst v19  }
0x18a: {  	_ =	swait.ge [sflag:s18], $0x2000  }
0x18b: {  	[sflag:s18] =	ssyncset.done $0x0  }
0x18c: {  	[sflag:s18] =	ssyncadd.s32 $0xFFFFE000  }
0x18d: {  	[spmem:s3] =	stream.indirect.scatter.add.f32 [tilespmem:s14], [sflag:$0x5], $0x80, s19, s13, $0xb8;
	[tilespmem:$0x1D200] =	vst v63  }
0x18e: {  	_ =	swait.ge [sflag:s12], $0x2000  }
0x18f: {  	[sflag:s12] =	ssyncset.done $0x0  }
0x190: {  	s10 =	rddreg [dreg:$0x1d];
	[sflag:s12] =	ssyncadd.s32 $0xFFFFE000  }
0x191: {  	[tilespmem:s14], [sflag:$0x1] =	stream.indirect.gather [hbm4b:s1+s13], $0x80, s10, s13, $0xb8;
	[tilespmem:$0x1D200] =	vst v63  }
0x192: {  	v20 =	vld [tilespmem:$0xD40]  }
0x193: {  	v21 =	vld [tilespmem:$0xD50]  }
0x194: {  	v22 =	vld [tilespmem:$0xD60]  }
0x195: {  	v23 =	vld [tilespmem:$0xD70];
	_ =	sdelay $0x1  }
0x196: {  	[tilespmem:$0x1080] =	vst v20  }
0x197: {  	[tilespmem:$0x1090] =	vst v21  }
0x198: {  	[tilespmem:$0x10A0] =	vst v22  }
0x199: {  	[tilespmem:$0x10B0] =	vst v23  }
0x19a: {  	_ =	swait.ge [sflag:s20], $0x2000  }
0x19b: {  	[sflag:s20] =	ssyncset.done $0x0  }
0x19c: {  	[sflag:s20] =	ssyncadd.s32 $0xFFFFE000  }
0x19d: {  	[spmem:s3] =	stream.indirect.scatter.add.f32 [tilespmem:s15], [sflag:$0x5], $0x80, s21, s13, $0xb8;
	[tilespmem:$0x1D200] =	vst v63  }
0x19e: {  	_ =	swait.ge [sflag:s12], $0x2000  }
0x19f: {  	[sflag:s12] =	ssyncset.done $0x0  }
0x1a0: {  	[sflag:s12] =	ssyncadd.s32 $0xFFFFE000  }
0x1a1: {  	[tilespmem:s15], [sflag:$0x2] =	stream.indirect.gather [hbm4b:s1+s13], $0x80, s26, s13, $0xb8;
	[tilespmem:$0x1D200] =	vst v63  }
0x1a2: {  	v24 =	vld [tilespmem:$0xD80]  }
0x1a3: {  	v25 =	vld [tilespmem:$0xD90]  }
0x1a4: {  	v26 =	vld [tilespmem:$0xDA0]  }
0x1a5: {  	v27 =	vld [tilespmem:$0xDB0];
	_ =	sdelay $0x1  }
0x1a6: {  	[tilespmem:$0x1100] =	vst v24  }
0x1a7: {  	[tilespmem:$0x1110] =	vst v25  }
0x1a8: {  	[tilespmem:$0x1120] =	vst v26  }
0x1a9: {  	[tilespmem:$0x1130] =	vst v27  }
0x1aa: {  	_ =	swait.ge [sflag:s22], $0x2000  }
0x1ab: {  	[sflag:s22] =	ssyncset.done $0x0  }
0x1ac: {  	[sflag:s22] =	ssyncadd.s32 $0xFFFFE000  }
0x1ad: {  	[spmem:s3] =	stream.indirect.scatter.add.f32 [tilespmem:s16], [sflag:$0x5], $0x80, s23, s13, $0xb8;
	[tilespmem:$0x1D200] =	vst v63  }
0x1ae: {  	_ =	swait.ge [sflag:s12], $0x2000  }
0x1af: {  	[sflag:s12] =	ssyncset.done $0x0  }
0x1b0: {  	[sflag:s12] =	ssyncadd.s32 $0xFFFFE000  }
0x1b1: {  	[tilespmem:s16], [sflag:$0x3] =	stream.indirect.gather [hbm4b:s1+s13], $0x80, s28, s13, $0xb8;
	[tilespmem:$0x1D200] =	vst v63  }
0x1b2: {  	v28 =	vld [tilespmem:$0xDC0]  }
0x1b3: {  	v29 =	vld [tilespmem:$0xDD0]  }
0x1b4: {  	v30 =	vld [tilespmem:$0xDE0]  }
0x1b5: {  	v31 =	vld [tilespmem:$0xDF0];
	_ =	sdelay $0x1  }
0x1b6: {  	[tilespmem:$0x1180] =	vst v28  }
0x1b7: {  	[tilespmem:$0x1190] =	vst v29  }
0x1b8: {  	[tilespmem:$0x11A0] =	vst v30  }
0x1b9: {  	[tilespmem:$0x11B0] =	vst v31  }
0x1ba: {  	_ =	swait.ge [sflag:s24], $0x2000  }
0x1bb: {  	[sflag:s24] =	ssyncset.done $0x0  }
0x1bc: {  	[sflag:s24] =	ssyncadd.s32 $0xFFFFE000  }
0x1bd: {  	[spmem:s3] =	stream.indirect.scatter.add.f32 [tilespmem:s17], [sflag:$0x5], $0x80, s25, s13, $0xb8;
	[tilespmem:$0x1D200] =	vst v63  }
0x1be: {  	_ =	swait.ge [sflag:s12], $0x2000  }
0x1bf: {  	[sflag:s12] =	ssyncset.done $0x0  }
0x1c0: {  	[sflag:s12] =	ssyncadd.s32 $0xFFFFE000  }
0x1c1: {  	[tilespmem:s17], [sflag:$0x4] =	stream.indirect.gather [hbm4b:s1+s13], $0x80, s29, s13, $0xb8;
	[tilespmem:$0x1D200] =	vst v63  }
0x1c2: {  	v32 =	vld [tilespmem:$0xE00]  }
0x1c3: {  	v33 =	vld [tilespmem:$0xE10]  }
0x1c4: {  	v34 =	vld [tilespmem:$0xE20]  }
0x1c5: {  	v35 =	vld [tilespmem:$0xE30];
	_ =	sdelay $0x1  }
0x1c6: {  	[tilespmem:$0x1000] =	vst v32  }
0x1c7: {  	[tilespmem:$0x1010] =	vst v33  }
0x1c8: {  	[tilespmem:$0x1020] =	vst v34  }
0x1c9: {  	[tilespmem:$0x1030] =	vst v35  }
0x1ca: {  	_ =	swait.ge [sflag:s18], $0x2000  }
0x1cb: {  	[sflag:s18] =	ssyncset.done $0x0  }
0x1cc: {  	[sflag:s18] =	ssyncadd.s32 $0xFFFFE000  }
0x1cd: {  	[spmem:s3] =	stream.indirect.scatter.add.f32 [tilespmem:s14], [sflag:$0x5], $0x80, s19, s13, $0xb8;
	[tilespmem:$0x1D200] =	vst v63  }
0x1ce: {  	_ =	swait.ge [sflag:s12], $0x2000  }
0x1cf: {  	[sflag:s12] =	ssyncset.done $0x0  }
0x1d0: {  	[sflag:s12] =	ssyncadd.s32 $0xFFFFE000  }
0x1d1: {  	[tilespmem:s14], [sflag:$0x1] =	stream.indirect.gather [hbm4b:s1+s13], $0x80, s30, s13, $0xb8;
	[tilespmem:$0x1D200] =	vst v63  }
0x1d2: {  	v36 =	vld [tilespmem:$0xE40]  }
0x1d3: {  	v37 =	vld [tilespmem:$0xE50]  }
0x1d4: {  	v38 =	vld [tilespmem:$0xE60]  }
0x1d5: {  	v39 =	vld [tilespmem:$0xE70];
	_ =	sdelay $0x1  }
0x1d6: {  	[tilespmem:$0x1080] =	vst v36  }
0x1d7: {  	[tilespmem:$0x1090] =	vst v37  }
0x1d8: {  	[tilespmem:$0x10A0] =	vst v38  }
0x1d9: {  	[tilespmem:$0x10B0] =	vst v39  }
0x1da: {  	_ =	swait.ge [sflag:s20], $0x2000  }
0x1db: {  	[sflag:s20] =	ssyncset.done $0x0  }
0x1dc: {  	[sflag:s20] =	ssyncadd.s32 $0xFFFFE000  }
0x1dd: {  	[spmem:s3] =	stream.indirect.scatter.add.f32 [tilespmem:s15], [sflag:$0x5], $0x80, s21, s13, $0xb8;
	[tilespmem:$0x1D200] =	vst v63  }
0x1de: {  	_ =	swait.ge [sflag:s12], $0x2000  }
0x1df: {  	[sflag:s12] =	ssyncset.done $0x0  }
0x1e0: {  	[sflag:s12] =	ssyncadd.s32 $0xFFFFE000  }
0x1e1: {  	[tilespmem:s15], [sflag:$0x2] =	stream.indirect.gather [hbm4b:s1+s13], $0x80, s31, s13, $0xb8;
	[tilespmem:$0x1D200] =	vst v63  }
0x1e2: {  	v40 =	vld [tilespmem:$0xE80]  }
0x1e3: {  	v41 =	vld [tilespmem:$0xE90]  }
0x1e4: {  	v42 =	vld [tilespmem:$0xEA0]  }
0x1e5: {  	v43 =	vld [tilespmem:$0xEB0];
	_ =	sdelay $0x1  }
0x1e6: {  	[tilespmem:$0x1100] =	vst v40  }
0x1e7: {  	[tilespmem:$0x1110] =	vst v41  }
0x1e8: {  	[tilespmem:$0x1120] =	vst v42  }
0x1e9: {  	[tilespmem:$0x1130] =	vst v43  }
0x1ea: {  	_ =	swait.ge [sflag:s22], $0x2000  }
0x1eb: {  	[sflag:s22] =	ssyncset.done $0x0  }
0x1ec: {  	[sflag:s22] =	ssyncadd.s32 $0xFFFFE000  }
0x1ed: {  	[spmem:s3] =	stream.indirect.scatter.add.f32 [tilespmem:s16], [sflag:$0x5], $0x80, s23, s13, $0xb8;
	[tilespmem:$0x1D200] =	vst v63  }
0x1ee: {  	_ =	swait.ge [sflag:s12], $0x2000  }
0x1ef: {  	[sflag:s12] =	ssyncset.done $0x0  }
0x1f0: {  	[sflag:s12] =	ssyncadd.s32 $0xFFFFE000  }
0x1f1: {  	[tilespmem:s16], [sflag:$0x3] =	stream.indirect.gather [hbm4b:s1+s13], $0x80, s0, s13, $0xb8;
	[tilespmem:$0x1D200] =	vst v63  }
0x1f2: {  	v44 =	vld [tilespmem:$0xEC0]  }
0x1f3: {  	v45 =	vld [tilespmem:$0xED0]  }
0x1f4: {  	v46 =	vld [tilespmem:$0xEE0]  }
0x1f5: {  	v47 =	vld [tilespmem:$0xEF0];
	_ =	sdelay $0x1  }
0x1f6: {  	[tilespmem:$0x1180] =	vst v44  }
0x1f7: {  	[tilespmem:$0x1190] =	vst v45  }
0x1f8: {  	[tilespmem:$0x11A0] =	vst v46  }
0x1f9: {  	[tilespmem:$0x11B0] =	vst v47  }
0x1fa: {  	_ =	swait.ge [sflag:s24], $0x2000  }
0x1fb: {  	[sflag:s24] =	ssyncset.done $0x0  }
0x1fc: {  	[sflag:s24] =	ssyncadd.s32 $0xFFFFE000  }
0x1fd: {  	[spmem:s3] =	stream.indirect.scatter.add.f32 [tilespmem:s17], [sflag:$0x5], $0x80, s25, s13, $0xb8;
	[tilespmem:$0x1D200] =	vst v63  }
0x1fe: {  	_ =	swait.ge [sflag:s12], $0x2000  }
0x1ff: {  	[sflag:s12] =	ssyncset.done $0x0  }
0x200: {  	[sflag:s12] =	ssyncadd.s32 $0xFFFFE000  }
0x201: {  	[tilespmem:s17], [sflag:$0x4] =	stream.indirect.gather [hbm4b:s1+s13], $0x80, s2, s13, $0xb8;
	[tilespmem:$0x1D200] =	vst v63  }
0x202: {  	v48 =	vld [tilespmem:$0xF00]  }
0x203: {  	v49 =	vld [tilespmem:$0xF10]  }
0x204: {  	v50 =	vld [tilespmem:$0xF20]  }
0x205: {  	v51 =	vld [tilespmem:$0xF30];
	_ =	sdelay $0x1  }
0x206: {  	[tilespmem:$0x1000] =	vst v48  }
0x207: {  	[tilespmem:$0x1010] =	vst v49  }
0x208: {  	[tilespmem:$0x1020] =	vst v50  }
0x209: {  	[tilespmem:$0x1030] =	vst v51  }
0x20a: {  	_ =	swait.ge [sflag:s18], $0x2000  }
0x20b: {  	[sflag:s18] =	ssyncset.done $0x0  }
0x20c: {  	[sflag:s18] =	ssyncadd.s32 $0xFFFFE000  }
0x20d: {  	[spmem:s3] =	stream.indirect.scatter.add.f32 [tilespmem:s14], [sflag:$0x5], $0x80, s19, s13, $0xb8;
	[tilespmem:$0x1D200] =	vst v63  }
0x20e: {  	_ =	swait.ge [sflag:s12], $0x2000  }
0x20f: {  	[sflag:s12] =	ssyncset.done $0x0  }
0x210: {  	[sflag:s12] =	ssyncadd.s32 $0xFFFFE000  }
0x211: {  	v52 =	vld [tilespmem:$0xF40]  }
0x212: {  	v53 =	vld [tilespmem:$0xF50]  }
0x213: {  	v54 =	vld [tilespmem:$0xF60]  }
0x214: {  	v55 =	vld [tilespmem:$0xF70];
	_ =	sdelay $0x1  }
0x215: {  	[tilespmem:$0x1080] =	vst v52  }
0x216: {  	[tilespmem:$0x1090] =	vst v53  }
0x217: {  	[tilespmem:$0x10A0] =	vst v54  }
0x218: {  	[tilespmem:$0x10B0] =	vst v55  }
0x219: {  	_ =	swait.ge [sflag:s20], $0x2000  }
0x21a: {  	[sflag:s20] =	ssyncset.done $0x0  }
0x21b: {  	[sflag:s20] =	ssyncadd.s32 $0xFFFFE000  }
0x21c: {  	[spmem:s3] =	stream.indirect.scatter.add.f32 [tilespmem:s15], [sflag:$0x5], $0x80, s21, s13, $0xb8;
	[tilespmem:$0x1D200] =	vst v63  }
0x21d: {  	_ =	swait.ge [sflag:s12], $0x2000  }
0x21e: {  	[sflag:s12] =	ssyncset.done $0x0  }
0x21f: {  	[sflag:s12] =	ssyncadd.s32 $0xFFFFE000  }
0x220: {  	v56 =	vld [tilespmem:$0xF80]  }
0x221: {  	v57 =	vld [tilespmem:$0xF90]  }
0x222: {  	v58 =	vld [tilespmem:$0xFA0]  }
0x223: {  	v59 =	vld [tilespmem:$0xFB0];
	_ =	sdelay $0x1  }
0x224: {  	[tilespmem:$0x1100] =	vst v56  }
0x225: {  	[tilespmem:$0x1110] =	vst v57  }
0x226: {  	[tilespmem:$0x1120] =	vst v58  }
0x227: {  	[tilespmem:$0x1130] =	vst v59  }
0x228: {  	_ =	swait.ge [sflag:s22], $0x2000  }
0x229: {  	[sflag:s22] =	ssyncset.done $0x0  }
0x22a: {  	[sflag:s22] =	ssyncadd.s32 $0xFFFFE000  }
0x22b: {  	[spmem:s3] =	stream.indirect.scatter.add.f32 [tilespmem:s16], [sflag:$0x5], $0x80, s23, s13, $0xb8;
	[tilespmem:$0x1D200] =	vst v63  }
0x22c: {  	_ =	swait.ge [sflag:s12], $0x2000  }
0x22d: {  	[sflag:s12] =	ssyncset.done $0x0  }
0x22e: {  	[sflag:s12] =	ssyncadd.s32 $0xFFFFE000  }
0x22f: {  	v60 =	vld [tilespmem:$0xFC0]  }
0x230: {  	v61 =	vld [tilespmem:$0xFD0]  }
0x231: {  	v62 =	vld [tilespmem:$0xFE0]  }
0x232: {  	v63 =	vld [tilespmem:$0xFF0];
	_ =	sdelay $0x1  }
0x233: {  	[tilespmem:$0x1180] =	vst v60  }
0x234: {  	[tilespmem:$0x1190] =	vst v61  }
0x235: {  	[tilespmem:$0x11A0] =	vst v62  }
0x236: {  	[tilespmem:$0x11B0] =	vst v63  }
0x237: {  	_ =	swait.ge [sflag:s24], $0x2000  }
0x238: {  	p0 =	sne.s32 s6, $0x1;
	[sflag:s24] =	ssyncset.done $0x0  }
.Ltmp0:
0x239: {  	[sflag:s24] =	ssyncadd.s32 $0xFFFFE000;
	(pc) =	sbr.rel @p0 .LBB2_2-.Ltmp0, $4  }
0x23a: {  	[spmem:s3] =	stream.indirect.scatter.add.f32 [tilespmem:s17], [sflag:$0x5], $0x80, s25, s13, $0xb8;
	[tilespmem:$0x1D200] =	vst v63  }
0x23b: {  	_ =	swait.ge [sflag:s12], $0x2000  }
0x23c: {  	[sflag:s12] =	ssyncset.done $0x0  }
0x23d: {  	s5 =	sadd.s32 $0x800, s5;
	s6 =	sadd.s32 $0xFFFFFFFF, s6;
	[sflag:s12] =	ssyncadd.s32 $0xFFFFE000  }
0x23e: {  	[bflag:$0x0] =	sbarrier.arrive $0xFFFF  }
0x23f: {  	s5 =	sld [smem:$0x7FB]  }
0x240: {  	s6 =	sld [smem:$0x7FD];
	_ =	sdelay $0x2  }
0x241: {  	[hbm:s5], [sflag:s11] =	dma.local [spmem:s6], $0x2800  }
0x242: {  	_ =	swait.ge [sflag:s12], $0x2800  }
0x243: {  	s8 =	smov.u32 s11;
	s11 =	sld [smem:$0x7FC];
	_ =	sdelay $0x1  }
0x244: {  	s7 =	sadd.s32 $0x1, s7  }
0x245: {  	p0 =	sne.s32 s7, s11  }
.Ltmp1:
0x246: {  	_ = 	snop;
	(pc) =	sbr.rel @p0 .LBB2_1-.Ltmp1, $3  }
0x247: {  	_ =	sdelay $0x1  }
0x248: {  	[sflag:s12] =	ssyncset.done $0x0  }
0x249: {  	[sflag:s12] =	ssyncadd.s32 $0xFFFFD800  }
0x24a: {  	_ =	sfence.sel $0x180000  }
0x24b: {  	[bflag:$0x0] =	sbarrier.arrive $0xFFFF  }
0x24c: {  	_ =	strace $0x9000004A  }
0x24d: {  	s0 =	stileid.u32;
	[bflag:$0x2] =	sbarrier.arrive $0xFFFF  }
0x24e: {  	p0 =	sne.s32 s0, $0x0;
	s0 =	rddreg [dreg:$0x3]  }
0x24f: {  	s0 =	sadd.s32 @!p0 $0x100000, s0  }
0x250: {  	[sflag:s0] =	ssyncadd.tile.s32 @!p0 $0x1;
	_ =	shalt  }
.Lfunc_end2:
_tile_overlayer_lowered:
.L_overlay_start_2:
0x251: {  	(tag) =	ssettag $0x2  }
0x252: {  	s0 =	rddreg [dreg:$0x0];
	s2 =	stileid.u32  }
0x253: {  	s1 =	rddreg [dreg:$0x1];
	p0 =	sne.s32 s2, $0x0  }
0x254: {  	s3 =	rddreg [dreg:$0x2];
	[bflag:$0x3] =	sbarrier.arrive $0xFFFF;
	s2 =	simm.s32 @!p0 $0x1C05  }
0x255: {  	[timem:s3], [sflag:s2] =	dma.local @!p0 [hbm:s0], s1  }
0x256: {  	s0 =	simm.s32 @!p0 $0x5  }
0x257: {  	_ =	swait.ge @!p0 [sflag:s0], s1  }
0x258: {  	s1 =	ssub.s32 @!p0 $0x0, s1;
	[sflag:s0] =	ssyncset.done @!p0 $0x0  }
0x259: {  	[sflag:s0] =	ssyncadd.s32 @!p0 s1  }
0x25a: {  	[bflag:$0x3] =	sbarrier.arrive $0xFFFF  }
0x25b: {  	_ =	shalt  }

</sc_bundles>
